<compile_context>
chip_gen: v7x
topology: tpu7x:2x2x1
jax: 0.10.2.dev20260603
libtpu: 0.0.44.dev20260713+nightly
codegen_flags: <defaults>
</compile_context>

<pallas_src>
import functools

import jax
import jax.numpy as jnp
from jax import lax
from jax.experimental import pallas as pl
from jax.experimental.pallas import tpu as pltpu
from jax.experimental.pallas import tpu_sc as plsc

N = 10000
E = 160000
CHUNK = 128
NT = 16
NC = 2
EPAD = 163840
NCH = EPAD // (NT * CHUNK)
NCH_D = EPAD // (NT * NC * CHUNK)
NACC = 10112
RPT = NACC // NT
DR = 632
DR_LAST = N - (NT - 1) * DR
MB = 2000


def _make_deg_kernel():
    mesh = plsc.VectorSubcoreMesh(core_axis_name="c", subcore_axis_name="s")

    @functools.partial(
        pl.kernel,
        mesh=mesh,
        out_type=jax.ShapeDtypeStruct((NC * NACC, CHUNK), jnp.float32),
        scratch_types=[
            pltpu.VMEM((NCH_D, CHUNK), jnp.int32),
            pltpu.VMEM((CHUNK, CHUNK), jnp.float32),
            pltpu.VMEM_SHARED((NACC, CHUNK), jnp.float32),
            pltpu.SemaphoreType.DMA,
        ],
    )
    def deg_kernel(dst_hbm, ones_hbm, zeros_hbm, out_hbm, dst_v, ones_v,
                   acc_sh, sem):
        cid = lax.axis_index("c")
        sid = lax.axis_index("s")
        wid = sid * NC + cid
        pltpu.sync_copy(dst_hbm.at[pl.ds(wid * NCH_D, NCH_D)], dst_v)
        pltpu.sync_copy(ones_hbm, ones_v)
        pltpu.sync_copy(zeros_hbm.at[pl.ds(sid * RPT, RPT)],
                        acc_sh.at[pl.ds(sid * RPT, RPT)])
        plsc.subcore_barrier()

        def body(j, carry):
            pltpu.async_copy(ones_v, acc_sh.at[dst_v.at[j]], sem, add=True)
            return carry

        lax.fori_loop(0, NCH_D, body, 0)

        def drain(j, carry):
            pltpu.make_async_copy(ones_v, acc_sh.at[dst_v.at[j]], sem).wait()
            return carry

        lax.fori_loop(0, NCH_D, drain, 0)
        plsc.subcore_barrier()
        pltpu.sync_copy(acc_sh.at[pl.ds(sid * RPT, RPT)],
                        out_hbm.at[pl.ds(cid * NACC + sid * RPT, RPT)])

    return deg_kernel


def _make_prop_kernel(n_slices):
    half = NCH // 2
    mesh = plsc.VectorSubcoreMesh(core_axis_name="c", subcore_axis_name="s")

    @functools.partial(
        pl.kernel,
        mesh=mesh,
        out_type=[jax.ShapeDtypeStruct((N, CHUNK), jnp.float32)] * n_slices,
        scratch_types=[
            pltpu.VMEM((half, CHUNK), jnp.int32),
            pltpu.VMEM((half, CHUNK), jnp.int32),
            pltpu.VMEM((CHUNK, CHUNK), jnp.float32),
            pltpu.VMEM((CHUNK, CHUNK), jnp.float32),
            pltpu.VMEM_SHARED((NACC, CHUNK), jnp.float32),
            pltpu.SemaphoreType.DMA,
            pltpu.SemaphoreType.DMA,
            pltpu.SemaphoreType.DMA,
            pltpu.SemaphoreType.DMA,
        ],
    )
    def prop(*refs):
        y_refs = refs[:n_slices]
        src_hbm, dst_hbm = refs[n_slices:n_slices + 2]
        out_refs = refs[n_slices + 2:2 * n_slices + 2]
        (src_v, dst_v, gbuf0, gbuf1, acc_sh,
         gsem0, gsem1, ssem0, ssem1) = refs[2 * n_slices + 2:]
        cid = lax.axis_index("c")
        sid = lax.axis_index("s")
        for si in range(n_slices):

            @pl.when(cid == si % 2)
            def _(si=si):
                y_hbm = y_refs[si]
                out_hbm = out_refs[si]

                @pl.when(sid < NT - 1)
                def _():
                    pltpu.sync_copy(y_hbm.at[pl.ds(sid * DR, DR)],
                                    acc_sh.at[pl.ds(sid * DR, DR)])

                @pl.when(sid == NT - 1)
                def _():
                    pltpu.sync_copy(
                        y_hbm.at[pl.ds((NT - 1) * DR, DR_LAST)],
                        acc_sh.at[pl.ds((NT - 1) * DR, DR_LAST)])

                plsc.subcore_barrier()

                for h in range(2):
                    pltpu.sync_copy(
                        src_hbm.at[pl.ds(sid * NCH + h * half, half)], src_v)
                    pltpu.sync_copy(
                        dst_hbm.at[pl.ds(sid * NCH + h * half, half)], dst_v)

                    pltpu.async_copy(y_hbm.at[src_v.at[0]], gbuf0, gsem0)

                    def body(i, carry):
                        j0 = 2 * i
                        pltpu.async_copy(
                            y_hbm.at[src_v.at[j0 + 1]], gbuf1, gsem1)
                        pltpu.make_async_copy(
                            y_hbm.at[src_v.at[j0]], gbuf0, gsem0).wait()
                        pltpu.sync_copy(
                            gbuf0, acc_sh.at[dst_v.at[j0]], add=True)

                        j2 = jnp.minimum(j0 + 2, half - 2)
                        pltpu.async_copy(y_hbm.at[src_v.at[j2]], gbuf0, gsem0)

                        pltpu.make_async_copy(
                            y_hbm.at[src_v.at[j0 + 1]], gbuf1, gsem1).wait()
                        pltpu.sync_copy(
                            gbuf1, acc_sh.at[dst_v.at[j0 + 1]], add=True)
                        return carry

                    lax.fori_loop(0, half // 2, body, 0)
                    pltpu.make_async_copy(
                        y_hbm.at[src_v.at[half - 2]], gbuf0, gsem0).wait()

                plsc.subcore_barrier()

                @pl.when(sid < NT - 1)
                def _():
                    pltpu.sync_copy(acc_sh.at[pl.ds(sid * DR, DR)],
                                    out_hbm.at[pl.ds(sid * DR, DR)])

                @pl.when(sid == NT - 1)
                def _():
                    pltpu.sync_copy(
                        acc_sh.at[pl.ds((NT - 1) * DR, DR_LAST)],
                        out_hbm.at[pl.ds((NT - 1) * DR, DR_LAST)])

                plsc.subcore_barrier()

    return prop


def _scale(x, d0, d1):

    def body(x_ref, d0_ref, d1_ref, o0_ref, o1_ref):
        deg = d0_ref[...][:, 0:1] + d1_ref[...][:, 0:1] + 1.0
        dinv = lax.rsqrt(deg)
        o0_ref[...] = x_ref[...][:, :CHUNK] * dinv
        o1_ref[...] = x_ref[...][:, CHUNK:] * dinv

    return pl.pallas_call(
        body,
        grid=(N // MB,),
        in_specs=[
            pl.BlockSpec((MB, 2 * CHUNK), lambda i: (i, 0)),
            pl.BlockSpec((MB, 16), lambda i: (i, 0)),
            pl.BlockSpec((MB, 16), lambda i: (i, 0)),
        ],
        out_specs=[pl.BlockSpec((MB, CHUNK), lambda i: (i, 0))] * 2,
        out_shape=[jax.ShapeDtypeStruct((N, CHUNK), jnp.float32)] * 2,
    )(x, d0, d1)


def _layer1(s0, s1, d0, d1, W1, b1):

    def body(s0_ref, s1_ref, d0_ref, d1_ref, w_ref, b_ref,
             o0_ref, o1_ref, o2_ref, o3_ref):
        deg = d0_ref[...][:, 0:1] + d1_ref[...][:, 0:1] + 1.0
        dinv = lax.rsqrt(deg)
        p = jnp.concatenate(
            [s0_ref[...], s1_ref[...]], axis=1) * dinv
        h = jnp.dot(p, w_ref[...], preferred_element_type=jnp.float32)
        h = jnp.maximum(h + b_ref[...], 0.0) * dinv
        o0_ref[...] = h[:, 0 * CHUNK:1 * CHUNK]
        o1_ref[...] = h[:, 1 * CHUNK:2 * CHUNK]
        o2_ref[...] = h[:, 2 * CHUNK:3 * CHUNK]
        o3_ref[...] = h[:, 3 * CHUNK:4 * CHUNK]

    blk = pl.BlockSpec((MB, CHUNK), lambda i: (i, 0))
    return pl.pallas_call(
        body,
        grid=(N // MB,),
        in_specs=[
            blk, blk,
            pl.BlockSpec((MB, 16), lambda i: (i, 0)),
            pl.BlockSpec((MB, 16), lambda i: (i, 0)),
            pl.BlockSpec((256, 512), lambda i: (0, 0)),
            pl.BlockSpec((1, 512), lambda i: (0, 0)),
        ],
        out_specs=[blk] * 4,
        out_shape=[jax.ShapeDtypeStruct((N, CHUNK), jnp.float32)] * 4,
    )(s0, s1, d0, d1, W1, b1)


def _final(s, d0, d1, Wc, bc):

    def body(s0, s1, s2, s3, d0_ref, d1_ref, w_ref, b_ref,
             mu_ref, ls_ref):
        deg = d0_ref[...][:, 0:1] + d1_ref[...][:, 0:1] + 1.0
        dinv = lax.rsqrt(deg)
        srefs = (s0, s1, s2, s3)
        p = jnp.concatenate(
            [srefs[k][...] for k in range(4)], axis=1) * dinv
        o = jnp.dot(p, w_ref[...], preferred_element_type=jnp.float32)
        o = o + b_ref[...]
        mu_ref[...] = o[:, :256]
        ls_ref[...] = o[:, 256:]

    blk = pl.BlockSpec((MB, CHUNK), lambda i: (i, 0))
    return pl.pallas_call(
        body,
        grid=(N // MB,),
        in_specs=[blk] * 4 + [
            pl.BlockSpec((MB, 16), lambda i: (i, 0)),
            pl.BlockSpec((MB, 16), lambda i: (i, 0)),
            pl.BlockSpec((512, 512), lambda i: (0, 0)),
            pl.BlockSpec((1, 512), lambda i: (0, 0)),
        ],
        out_specs=[pl.BlockSpec((MB, 256), lambda i: (i, 0))] * 2,
        out_shape=[jax.ShapeDtypeStruct((N, 256), jnp.float32)] * 2,
    )(*s, d0, d1, Wc, bc)


def kernel(x, edge_index, W1, b1, W_mu, b_mu, W_ls, b_ls):
    src = edge_index[0].astype(jnp.int32)
    dst = edge_index[1].astype(jnp.int32)
    pad = EPAD - E
    padi = jnp.arange(pad, dtype=jnp.int32) % 16
    src_p = jnp.concatenate([src, padi])
    dst_p = jnp.concatenate([dst, N + padi])
    src_flat = src_p.reshape(EPAD // CHUNK, CHUNK)
    dst_flat = dst_p.reshape(EPAD // CHUNK, CHUNK)
    ones128 = jnp.ones((CHUNK, CHUNK), jnp.float32)
    zeros128 = jnp.zeros((NACC, CHUNK), jnp.float32)

    degP = _make_deg_kernel()(dst_flat, ones128, zeros128)
    d0 = degP[:N, :16]
    d1 = degP[NACC:NACC + N, :16]

    y1 = _scale(x, d0, d1)

    S1 = _make_prop_kernel(2)(*y1, src_flat, dst_flat)

    y2 = _layer1(*S1, d0, d1, W1, b1.reshape(1, 512))

    S2 = _make_prop_kernel(4)(*y2, src_flat, dst_flat)

    Wc = jnp.concatenate([W_mu, W_ls], axis=1)
    bc = jnp.concatenate([b_mu, b_ls]).reshape(1, 512)
    mu, ls = _final(S2, d0, d1, Wc, bc)
    return mu, ls

# --- scband reference (transcript-rebuilt; emitter-appended) ---
"""Pipeline reference for scband-encoder-27049704030765 (READ-ONLY COPY).

The authoritative reference and input builder live on the scoring server;
editing this copy changes nothing except your own understanding.
"""

import jax, jax.numpy as jnp
import numpy as np

N_NODES = 10000
IN_CH = 256
HID_CH = 512
OUT_CH = 256
N_EDGES = 160000


def _gcn_conv(x, src, dst, W, b, n_nodes):
    # PyG GCNConv: out = D^{-1/2} (A + I) D^{-1/2} X W + b
    loop = jnp.arange(n_nodes, dtype=src.dtype)
    src_l = jnp.concatenate([src, loop])
    dst_l = jnp.concatenate([dst, loop])
    ones = jnp.ones(src_l.shape[0], dtype=x.dtype)
    deg = jnp.zeros((n_nodes,), dtype=x.dtype).at[dst_l].add(ones)
    dinv = jnp.where(deg > 0, jax.lax.rsqrt(deg), 0.0)
    norm = dinv[src_l] * dinv[dst_l]
    xw = x @ W
    msg = xw[src_l] * norm[:, None]
    out = jnp.zeros((n_nodes, W.shape[1]), dtype=x.dtype).at[dst_l].add(msg)
    return out + b


def setup_inputs(seed: int = 0) -> dict:
    key = jax.random.key(seed)
    ks = jax.random.split(key, 8)
    x = jax.random.normal(ks[0], (N_NODES, IN_CH), dtype=jnp.float32)
    edge_index = jax.random.randint(ks[1], (2, N_EDGES), 0, N_NODES, dtype=jnp.int64)
    s1 = 1.0 / np.sqrt(IN_CH)
    s2 = 1.0 / np.sqrt(HID_CH)
    W1 = jax.random.uniform(ks[2], (IN_CH, HID_CH), jnp.float32, -s1, s1)
    b1 = jnp.zeros((HID_CH,), jnp.float32)
    W_mu = jax.random.uniform(ks[3], (HID_CH, OUT_CH), jnp.float32, -s2, s2)
    b_mu = jnp.zeros((OUT_CH,), jnp.float32)
    W_ls = jax.random.uniform(ks[4], (HID_CH, OUT_CH), jnp.float32, -s2, s2)
    b_ls = jnp.zeros((OUT_CH,), jnp.float32)
    return {"x": x, "edge_index": edge_index, "W1": W1, "b1": b1,
            "W_mu": W_mu, "b_mu": b_mu, "W_ls": W_ls, "b_ls": b_ls}


def reference(x, edge_index, W1, b1, W_mu, b_mu, W_ls, b_ls):
    src, dst = edge_index[0], edge_index[1]
    h = _gcn_conv(x, src, dst, W1, b1, N_NODES)
    h = jax.nn.relu(h)
    mu = _gcn_conv(h, src, dst, W_mu, b_mu, N_NODES)
    logstd = _gcn_conv(h, src, dst, W_ls, b_ls, N_NODES)
    return (mu, logstd)

if __name__ == "__main__":
    import jax
    _d = setup_inputs()
    print(jax.jit(kernel)(*tuple(_d.values())))

</pallas_src>

<mosaic_0001>
#map = affine_map<(d0, d1) -> (0, 0)>
module attributes {stable_mosaic.version = 14 : i64} {
  func.func @prop(%arg0: i32, %arg1: i32, %arg2: memref<10000x128xf32, #tpu.memory_space<hbm>>, %arg3: memref<10000x128xf32, #tpu.memory_space<hbm>>, %arg4: memref<1280x128xi32, #tpu.memory_space<hbm>>, %arg5: memref<1280x128xi32, #tpu.memory_space<hbm>>, %arg6: memref<10000x128xf32, #tpu.memory_space<hbm>>, %arg7: memref<10000x128xf32, #tpu.memory_space<hbm>>, %arg8: memref<40x128xi32, #tpu.memory_space<vmem>>, %arg9: memref<40x128xi32, #tpu.memory_space<vmem>>, %arg10: memref<128x128xf32, #tpu.memory_space<vmem>>, %arg11: memref<128x128xf32, #tpu.memory_space<vmem>>, %arg12: memref<10112x128xf32, #tpu.memory_space<vmem_shared>>, %arg13: memref<!tpu.dma_semaphore, #tpu.memory_space<semaphore_mem>>, %arg14: memref<!tpu.dma_semaphore, #tpu.memory_space<semaphore_mem>>, %arg15: memref<!tpu.dma_semaphore, #tpu.memory_space<semaphore_mem>>, %arg16: memref<!tpu.dma_semaphore, #tpu.memory_space<semaphore_mem>>) attributes {dimension_semantics = [#tpu.dimension_semantics<core_parallel>, #tpu.dimension_semantics<subcore_parallel>], iteration_bounds = array<i64: 2, 16>, scalar_prefetch = 0 : i64, scratch_operands = 9 : i64, tpu.core_type = #tpu.core_type<sc_vector_subcore>, window_params = [{transform_indices = #map}, {transform_indices = #map}, {transform_indices = #map}, {transform_indices = #map}, {transform_indices = #map}, {transform_indices = #map}]} {
    %eq3A = arith.constant 0 : i32
    %eq3A_0 = arith.cmpi eq, %arg0, %eq3A : i32
    %convert_element_type3A = arith.extui %eq3A_0 : i1 to i32
    %cond3A = arith.constant 0 : i32
    %cond3A_1 = arith.cmpi ne, %convert_element_type3A, %cond3A : i32
    scf.if %cond3A_1 {
      %lt3A = arith.constant 15 : i32
      %lt3A_7 = arith.cmpi slt, %arg1, %lt3A : i32
      %convert_element_type3A_8 = arith.extui %lt3A_7 : i1 to i32
      %cond3A_9 = arith.constant 0 : i32
      %cond3A_10 = arith.cmpi ne, %convert_element_type3A_8, %cond3A_9 : i32
      scf.if %cond3A_10 {
        %mul3A_79 = arith.constant 632 : i32
        %mul3A_80 = arith.muli %arg1, %mul3A_79 : i32
        %mul3A_81 = arith.constant 632 : i32
        %mul3A_82 = arith.muli %arg1, %mul3A_81 : i32
        "tpu.region"() ({
          %run_scoped3A = tpu.sem_alloc : memref<!tpu.dma_semaphore, #tpu.memory_space<semaphore_mem>>
          %dma_start3A_83 = arith.constant 0 : i32
          %dma_start3A_84 = tpu.memref_slice %arg12[%mul3A_82, %dma_start3A_83] : memref<10112x128xf32, #tpu.memory_space<vmem_shared>> -> memref<632x128xf32, #tpu.memory_space<vmem_shared>>
          %dma_start3A_85 = arith.constant 0 : i32
          %dma_start3A_86 = tpu.memref_slice %arg2[%mul3A_80, %dma_start3A_85] : memref<10000x128xf32, #tpu.memory_space<hbm>> -> memref<632x128xf32, #tpu.memory_space<hbm>>
          tpu.enqueue_dma source(%dma_start3A_86 : memref<632x128xf32, #tpu.memory_space<hbm>>) target(%dma_start3A_84 : memref<632x128xf32, #tpu.memory_space<vmem_shared>>) target_semaphore(%run_scoped3A : memref<!tpu.dma_semaphore, #tpu.memory_space<semaphore_mem>>)
          %dma_wait3A_87 = arith.constant 0 : i32
          %dma_wait3A_88 = tpu.memref_slice %arg12[%mul3A_82, %dma_wait3A_87] : memref<10112x128xf32, #tpu.memory_space<vmem_shared>> -> memref<632x128xf32, #tpu.memory_space<vmem_shared>>
          %dma_wait3A_89 = arith.constant 0 : i32
          %dma_wait3A_90 = tpu.memref_slice %arg2[%mul3A_80, %dma_wait3A_89] : memref<10000x128xf32, #tpu.memory_space<hbm>> -> memref<632x128xf32, #tpu.memory_space<hbm>>
          tpu.wait_dma2 semaphore(%run_scoped3A : memref<!tpu.dma_semaphore, #tpu.memory_space<semaphore_mem>>) src(%dma_wait3A_90 : memref<632x128xf32, #tpu.memory_space<hbm>>) dst(%dma_wait3A_88 : memref<632x128xf32, #tpu.memory_space<vmem_shared>>)
          tpu.yield
        }) : () -> ()
      } else {
      }
      %eq3A_11 = arith.constant 15 : i32
      %eq3A_12 = arith.cmpi eq, %arg1, %eq3A_11 : i32
      %convert_element_type3A_13 = arith.extui %eq3A_12 : i1 to i32
      %cond3A_14 = arith.constant 0 : i32
      %cond3A_15 = arith.cmpi ne, %convert_element_type3A_13, %cond3A_14 : i32
      scf.if %cond3A_15 {
        "tpu.region"() ({
          %run_scoped3A = tpu.sem_alloc : memref<!tpu.dma_semaphore, #tpu.memory_space<semaphore_mem>>
          %dma_start3A_79 = arith.constant 9480 : i32
          %dma_start3A_80 = arith.constant 0 : i32
          %dma_start3A_81 = tpu.memref_slice %arg12[%dma_start3A_79, %dma_start3A_80] : memref<10112x128xf32, #tpu.memory_space<vmem_shared>> -> memref<520x128xf32, #tpu.memory_space<vmem_shared>>
          %dma_start3A_82 = arith.constant 9480 : i32
          %dma_start3A_83 = arith.constant 0 : i32
          %dma_start3A_84 = tpu.memref_slice %arg2[%dma_start3A_82, %dma_start3A_83] : memref<10000x128xf32, #tpu.memory_space<hbm>> -> memref<520x128xf32, #tpu.memory_space<hbm>>
          tpu.enqueue_dma source(%dma_start3A_84 : memref<520x128xf32, #tpu.memory_space<hbm>>) target(%dma_start3A_81 : memref<520x128xf32, #tpu.memory_space<vmem_shared>>) target_semaphore(%run_scoped3A : memref<!tpu.dma_semaphore, #tpu.memory_space<semaphore_mem>>)
          %dma_wait3A_85 = arith.constant 9480 : i32
          %dma_wait3A_86 = arith.constant 0 : i32
          %dma_wait3A_87 = tpu.memref_slice %arg12[%dma_wait3A_85, %dma_wait3A_86] : memref<10112x128xf32, #tpu.memory_space<vmem_shared>> -> memref<520x128xf32, #tpu.memory_space<vmem_shared>>
          %dma_wait3A_88 = arith.constant 9480 : i32
          %dma_wait3A_89 = arith.constant 0 : i32
          %dma_wait3A_90 = tpu.memref_slice %arg2[%dma_wait3A_88, %dma_wait3A_89] : memref<10000x128xf32, #tpu.memory_space<hbm>> -> memref<520x128xf32, #tpu.memory_space<hbm>>
          tpu.wait_dma2 semaphore(%run_scoped3A : memref<!tpu.dma_semaphore, #tpu.memory_space<semaphore_mem>>) src(%dma_wait3A_90 : memref<520x128xf32, #tpu.memory_space<hbm>>) dst(%dma_wait3A_87 : memref<520x128xf32, #tpu.memory_space<vmem_shared>>)
          tpu.yield
        }) : () -> ()
      } else {
      }
      %barrier3A = arith.constant 0 : index
      tpu.barrier barrier_id(%barrier3A)
      %mul3A = arith.constant 80 : i32
      %mul3A_16 = arith.muli %arg1, %mul3A : i32
      %add3A = arith.constant 0 : i32
      %add3A_17 = arith.addi %mul3A_16, %add3A : i32
      "tpu.region"() ({
        %run_scoped3A = tpu.sem_alloc : memref<!tpu.dma_semaphore, #tpu.memory_space<semaphore_mem>>
        %dma_start3A_79 = arith.constant 0 : i32
        %dma_start3A_80 = tpu.memref_slice %arg4[%add3A_17, %dma_start3A_79] : memref<1280x128xi32, #tpu.memory_space<hbm>> -> memref<40x128xi32, #tpu.memory_space<hbm>>
        %dma_start3A_81 = arith.constant 0 : i32
        %dma_start3A_82 = tpu.memref_slice %arg4[%add3A_17, %dma_start3A_81] : memref<1280x128xi32, #tpu.memory_space<hbm>> -> memref<40x128xi32, #tpu.memory_space<hbm>>
        tpu.enqueue_dma source(%dma_start3A_82 : memref<40x128xi32, #tpu.memory_space<hbm>>) target(%arg8 : memref<40x128xi32, #tpu.memory_space<vmem>>) target_semaphore(%run_scoped3A : memref<!tpu.dma_semaphore, #tpu.memory_space<semaphore_mem>>)
        %dma_wait3A_83 = arith.constant 0 : i32
        %dma_wait3A_84 = tpu.memref_slice %arg4[%add3A_17, %dma_wait3A_83] : memref<1280x128xi32, #tpu.memory_space<hbm>> -> memref<40x128xi32, #tpu.memory_space<hbm>>
        %dma_wait3A_85 = arith.constant 0 : i32
        %dma_wait3A_86 = tpu.memref_slice %arg4[%add3A_17, %dma_wait3A_85] : memref<1280x128xi32, #tpu.memory_space<hbm>> -> memref<40x128xi32, #tpu.memory_space<hbm>>
        tpu.wait_dma2 semaphore(%run_scoped3A : memref<!tpu.dma_semaphore, #tpu.memory_space<semaphore_mem>>) src(%dma_wait3A_86 : memref<40x128xi32, #tpu.memory_space<hbm>>) dst(%arg8 : memref<40x128xi32, #tpu.memory_space<vmem>>)
        tpu.yield
      }) : () -> ()
      %mul3A_18 = arith.constant 80 : i32
      %mul3A_19 = arith.muli %arg1, %mul3A_18 : i32
      %add3A_20 = arith.constant 0 : i32
      %add3A_21 = arith.addi %mul3A_19, %add3A_20 : i32
      "tpu.region"() ({
        %run_scoped3A = tpu.sem_alloc : memref<!tpu.dma_semaphore, #tpu.memory_space<semaphore_mem>>
        %dma_start3A_79 = arith.constant 0 : i32
        %dma_start3A_80 = tpu.memref_slice %arg5[%add3A_21, %dma_start3A_79] : memref<1280x128xi32, #tpu.memory_space<hbm>> -> memref<40x128xi32, #tpu.memory_space<hbm>>
        %dma_start3A_81 = arith.constant 0 : i32
        %dma_start3A_82 = tpu.memref_slice %arg5[%add3A_21, %dma_start3A_81] : memref<1280x128xi32, #tpu.memory_space<hbm>> -> memref<40x128xi32, #tpu.memory_space<hbm>>
        tpu.enqueue_dma source(%dma_start3A_82 : memref<40x128xi32, #tpu.memory_space<hbm>>) target(%arg9 : memref<40x128xi32, #tpu.memory_space<vmem>>) target_semaphore(%run_scoped3A : memref<!tpu.dma_semaphore, #tpu.memory_space<semaphore_mem>>)
        %dma_wait3A_83 = arith.constant 0 : i32
        %dma_wait3A_84 = tpu.memref_slice %arg5[%add3A_21, %dma_wait3A_83] : memref<1280x128xi32, #tpu.memory_space<hbm>> -> memref<40x128xi32, #tpu.memory_space<hbm>>
        %dma_wait3A_85 = arith.constant 0 : i32
        %dma_wait3A_86 = tpu.memref_slice %arg5[%add3A_21, %dma_wait3A_85] : memref<1280x128xi32, #tpu.memory_space<hbm>> -> memref<40x128xi32, #tpu.memory_space<hbm>>
        tpu.wait_dma2 semaphore(%run_scoped3A : memref<!tpu.dma_semaphore, #tpu.memory_space<semaphore_mem>>) src(%dma_wait3A_86 : memref<40x128xi32, #tpu.memory_space<hbm>>) dst(%arg9 : memref<40x128xi32, #tpu.memory_space<vmem>>)
        tpu.yield
      }) : () -> ()
      %dma_start3A = arith.constant 0 : i32
      %dma_start3A_22 = arith.constant 0 : i32
      %dma_start3A_23 = tpu.memref_slice %arg8[%dma_start3A, %dma_start3A_22] : memref<40x128xi32, #tpu.memory_space<vmem>> -> memref<1x128xi32, #tpu.memory_space<vmem>>
      %dma_start3A_24 = tpu.memref_squeeze %dma_start3A_23 : memref<1x128xi32, #tpu.memory_space<vmem>> -> memref<128xi32, #tpu.memory_space<vmem>>
      %dma_start3A_25 = arith.constant 0 : i32
      %dma_start3A_26 = arith.constant 0 : i32
      %dma_start3A_27 = tpu.memref_slice %arg2[%dma_start3A_25, %dma_start3A_26] : memref<10000x128xf32, #tpu.memory_space<hbm>> -> memref<10000x128xf32, #tpu.memory_space<hbm>>
      tpu.enqueue_indirect_dma source(%dma_start3A_27 : memref<10000x128xf32, #tpu.memory_space<hbm>>) target(%arg10 : memref<128x128xf32, #tpu.memory_space<vmem>>) offsets(%dma_start3A_24 : memref<128xi32, #tpu.memory_space<vmem>>) semaphore(%arg13 : memref<!tpu.dma_semaphore, #tpu.memory_space<semaphore_mem>>)
      %scan3A = arith.constant 0 : i32
      %scan3A_28 = arith.constant 0 : i32
      %scan3A_29 = arith.constant 20 : i32
      %scan3A_30 = arith.addi %scan3A_28, %scan3A_29 : i32
      %scan3A_31 = arith.constant 1 : i32
      scf.for %scan3A_79 = %scan3A_28 to %scan3A_30 step %scan3A_31  : i32 {
        %mul3A_80 = arith.constant 2 : i32
        %mul3A_81 = arith.muli %mul3A_80, %scan3A_79 : i32
        %add3A_82 = arith.constant 1 : i32
        %add3A_83 = arith.addi %mul3A_81, %add3A_82 : i32
        %dma_start3A_84 = arith.constant 0 : i32
        %dma_start3A_85 = tpu.memref_slice %arg8[%add3A_83, %dma_start3A_84] : memref<40x128xi32, #tpu.memory_space<vmem>> -> memref<1x128xi32, #tpu.memory_space<vmem>>
        %dma_start3A_86 = tpu.memref_squeeze %dma_start3A_85 : memref<1x128xi32, #tpu.memory_space<vmem>> -> memref<128xi32, #tpu.memory_space<vmem>>
        %dma_start3A_87 = arith.constant 0 : i32
        %dma_start3A_88 = arith.constant 0 : i32
        %dma_start3A_89 = tpu.memref_slice %arg2[%dma_start3A_87, %dma_start3A_88] : memref<10000x128xf32, #tpu.memory_space<hbm>> -> memref<10000x128xf32, #tpu.memory_space<hbm>>
        tpu.enqueue_indirect_dma source(%dma_start3A_89 : memref<10000x128xf32, #tpu.memory_space<hbm>>) target(%arg11 : memref<128x128xf32, #tpu.memory_space<vmem>>) offsets(%dma_start3A_86 : memref<128xi32, #tpu.memory_space<vmem>>) semaphore(%arg14 : memref<!tpu.dma_semaphore, #tpu.memory_space<semaphore_mem>>)
        %dma_wait3A_90 = arith.constant 0 : i32
        %dma_wait3A_91 = tpu.memref_slice %arg8[%mul3A_81, %dma_wait3A_90] : memref<40x128xi32, #tpu.memory_space<vmem>> -> memref<1x128xi32, #tpu.memory_space<vmem>>
        %dma_wait3A_92 = tpu.memref_squeeze %dma_wait3A_91 : memref<1x128xi32, #tpu.memory_space<vmem>> -> memref<128xi32, #tpu.memory_space<vmem>>
        %dma_wait3A_93 = arith.constant 0 : i32
        %dma_wait3A_94 = arith.constant 0 : i32
        %dma_wait3A_95 = tpu.memref_slice %arg2[%dma_wait3A_93, %dma_wait3A_94] : memref<10000x128xf32, #tpu.memory_space<hbm>> -> memref<10000x128xf32, #tpu.memory_space<hbm>>
        tpu.wait_indirect_dma semaphore(%arg13 : memref<!tpu.dma_semaphore, #tpu.memory_space<semaphore_mem>>) src(%dma_wait3A_95 : memref<10000x128xf32, #tpu.memory_space<hbm>>) dst(%arg10 : memref<128x128xf32, #tpu.memory_space<vmem>>)
        "tpu.region"() ({
          %run_scoped3A = tpu.sem_alloc : memref<!tpu.dma_semaphore, #tpu.memory_space<semaphore_mem>>
          %dma_start3A_115 = arith.constant 0 : i32
          %dma_start3A_116 = tpu.memref_slice %arg9[%mul3A_81, %dma_start3A_115] : memref<40x128xi32, #tpu.memory_space<vmem>> -> memref<1x128xi32, #tpu.memory_space<vmem>>
          %dma_start3A_117 = tpu.memref_squeeze %dma_start3A_116 : memref<1x128xi32, #tpu.memory_space<vmem>> -> memref<128xi32, #tpu.memory_space<vmem>>
          %dma_start3A_118 = arith.constant 0 : i32
          %dma_start3A_119 = arith.constant 0 : i32
          %dma_start3A_120 = tpu.memref_slice %arg12[%dma_start3A_118, %dma_start3A_119] : memref<10112x128xf32, #tpu.memory_space<vmem_shared>> -> memref<10112x128xf32, #tpu.memory_space<vmem_shared>>
          tpu.enqueue_indirect_dma source(%arg10 : memref<128x128xf32, #tpu.memory_space<vmem>>) target(%dma_start3A_120 : memref<10112x128xf32, #tpu.memory_space<vmem_shared>>) offsets(%dma_start3A_117 : memref<128xi32, #tpu.memory_space<vmem>>) semaphore(%run_scoped3A : memref<!tpu.dma_semaphore, #tpu.memory_space<semaphore_mem>>) {add = true}
          %dma_wait3A_121 = arith.constant 0 : i32
          %dma_wait3A_122 = tpu.memref_slice %arg9[%mul3A_81, %dma_wait3A_121] : memref<40x128xi32, #tpu.memory_space<vmem>> -> memref<1x128xi32, #tpu.memory_space<vmem>>
          %dma_wait3A_123 = tpu.memref_squeeze %dma_wait3A_122 : memref<1x128xi32, #tpu.memory_space<vmem>> -> memref<128xi32, #tpu.memory_space<vmem>>
          %dma_wait3A_124 = arith.constant 0 : i32
          %dma_wait3A_125 = arith.constant 0 : i32
          %dma_wait3A_126 = tpu.memref_slice %arg12[%dma_wait3A_124, %dma_wait3A_125] : memref<10112x128xf32, #tpu.memory_space<vmem_shared>> -> memref<10112x128xf32, #tpu.memory_space<vmem_shared>>
          tpu.wait_indirect_dma semaphore(%run_scoped3A : memref<!tpu.dma_semaphore, #tpu.memory_space<semaphore_mem>>) src(%arg10 : memref<128x128xf32, #tpu.memory_space<vmem>>) dst(%dma_wait3A_126 : memref<10112x128xf32, #tpu.memory_space<vmem_shared>>)
          tpu.yield
        }) : () -> ()
        %add3A_96 = arith.constant 2 : i32
        %add3A_97 = arith.addi %mul3A_81, %add3A_96 : i32
        %min3A = arith.constant 38 : i32
        %min3A_98 = arith.minsi %add3A_97, %min3A : i32
        %dma_start3A_99 = arith.constant 0 : i32
        %dma_start3A_100 = tpu.memref_slice %arg8[%min3A_98, %dma_start3A_99] : memref<40x128xi32, #tpu.memory_space<vmem>> -> memref<1x128xi32, #tpu.memory_space<vmem>>
        %dma_start3A_101 = tpu.memref_squeeze %dma_start3A_100 : memref<1x128xi32, #tpu.memory_space<vmem>> -> memref<128xi32, #tpu.memory_space<vmem>>
        %dma_start3A_102 = arith.constant 0 : i32
        %dma_start3A_103 = arith.constant 0 : i32
        %dma_start3A_104 = tpu.memref_slice %arg2[%dma_start3A_102, %dma_start3A_103] : memref<10000x128xf32, #tpu.memory_space<hbm>> -> memref<10000x128xf32, #tpu.memory_space<hbm>>
        tpu.enqueue_indirect_dma source(%dma_start3A_104 : memref<10000x128xf32, #tpu.memory_space<hbm>>) target(%arg10 : memref<128x128xf32, #tpu.memory_space<vmem>>) offsets(%dma_start3A_101 : memref<128xi32, #tpu.memory_space<vmem>>) semaphore(%arg13 : memref<!tpu.dma_semaphore, #tpu.memory_space<semaphore_mem>>)
        %add3A_105 = arith.constant 1 : i32
        %add3A_106 = arith.addi %mul3A_81, %add3A_105 : i32
        %dma_wait3A_107 = arith.constant 0 : i32
        %dma_wait3A_108 = tpu.memref_slice %arg8[%add3A_106, %dma_wait3A_107] : memref<40x128xi32, #tpu.memory_space<vmem>> -> memref<1x128xi32, #tpu.memory_space<vmem>>
        %dma_wait3A_109 = tpu.memref_squeeze %dma_wait3A_108 : memref<1x128xi32, #tpu.memory_space<vmem>> -> memref<128xi32, #tpu.memory_space<vmem>>
        %dma_wait3A_110 = arith.constant 0 : i32
        %dma_wait3A_111 = arith.constant 0 : i32
        %dma_wait3A_112 = tpu.memref_slice %arg2[%dma_wait3A_110, %dma_wait3A_111] : memref<10000x128xf32, #tpu.memory_space<hbm>> -> memref<10000x128xf32, #tpu.memory_space<hbm>>
        tpu.wait_indirect_dma semaphore(%arg14 : memref<!tpu.dma_semaphore, #tpu.memory_space<semaphore_mem>>) src(%dma_wait3A_112 : memref<10000x128xf32, #tpu.memory_space<hbm>>) dst(%arg11 : memref<128x128xf32, #tpu.memory_space<vmem>>)
        %add3A_113 = arith.constant 1 : i32
        %add3A_114 = arith.addi %mul3A_81, %add3A_113 : i32
        "tpu.region"() ({
          %run_scoped3A = tpu.sem_alloc : memref<!tpu.dma_semaphore, #tpu.memory_space<semaphore_mem>>
          %dma_start3A_115 = arith.constant 0 : i32
          %dma_start3A_116 = tpu.memref_slice %arg9[%add3A_114, %dma_start3A_115] : memref<40x128xi32, #tpu.memory_space<vmem>> -> memref<1x128xi32, #tpu.memory_space<vmem>>
          %dma_start3A_117 = tpu.memref_squeeze %dma_start3A_116 : memref<1x128xi32, #tpu.memory_space<vmem>> -> memref<128xi32, #tpu.memory_space<vmem>>
          %dma_start3A_118 = arith.constant 0 : i32
          %dma_start3A_119 = arith.constant 0 : i32
          %dma_start3A_120 = tpu.memref_slice %arg12[%dma_start3A_118, %dma_start3A_119] : memref<10112x128xf32, #tpu.memory_space<vmem_shared>> -> memref<10112x128xf32, #tpu.memory_space<vmem_shared>>
          tpu.enqueue_indirect_dma source(%arg11 : memref<128x128xf32, #tpu.memory_space<vmem>>) target(%dma_start3A_120 : memref<10112x128xf32, #tpu.memory_space<vmem_shared>>) offsets(%dma_start3A_117 : memref<128xi32, #tpu.memory_space<vmem>>) semaphore(%run_scoped3A : memref<!tpu.dma_semaphore, #tpu.memory_space<semaphore_mem>>) {add = true}
          %dma_wait3A_121 = arith.constant 0 : i32
          %dma_wait3A_122 = tpu.memref_slice %arg9[%add3A_114, %dma_wait3A_121] : memref<40x128xi32, #tpu.memory_space<vmem>> -> memref<1x128xi32, #tpu.memory_space<vmem>>
          %dma_wait3A_123 = tpu.memref_squeeze %dma_wait3A_122 : memref<1x128xi32, #tpu.memory_space<vmem>> -> memref<128xi32, #tpu.memory_space<vmem>>
          %dma_wait3A_124 = arith.constant 0 : i32
          %dma_wait3A_125 = arith.constant 0 : i32
          %dma_wait3A_126 = tpu.memref_slice %arg12[%dma_wait3A_124, %dma_wait3A_125] : memref<10112x128xf32, #tpu.memory_space<vmem_shared>> -> memref<10112x128xf32, #tpu.memory_space<vmem_shared>>
          tpu.wait_indirect_dma semaphore(%run_scoped3A : memref<!tpu.dma_semaphore, #tpu.memory_space<semaphore_mem>>) src(%arg11 : memref<128x128xf32, #tpu.memory_space<vmem>>) dst(%dma_wait3A_126 : memref<10112x128xf32, #tpu.memory_space<vmem_shared>>)
          tpu.yield
        }) : () -> ()
      }
      %scan3A_32 = arith.constant 20 : i32
      %dma_wait3A = arith.constant 38 : i32
      %dma_wait3A_33 = arith.constant 0 : i32
      %dma_wait3A_34 = tpu.memref_slice %arg8[%dma_wait3A, %dma_wait3A_33] : memref<40x128xi32, #tpu.memory_space<vmem>> -> memref<1x128xi32, #tpu.memory_space<vmem>>
      %dma_wait3A_35 = tpu.memref_squeeze %dma_wait3A_34 : memref<1x128xi32, #tpu.memory_space<vmem>> -> memref<128xi32, #tpu.memory_space<vmem>>
      %dma_wait3A_36 = arith.constant 0 : i32
      %dma_wait3A_37 = arith.constant 0 : i32
      %dma_wait3A_38 = tpu.memref_slice %arg2[%dma_wait3A_36, %dma_wait3A_37] : memref<10000x128xf32, #tpu.memory_space<hbm>> -> memref<10000x128xf32, #tpu.memory_space<hbm>>
      tpu.wait_indirect_dma semaphore(%arg13 : memref<!tpu.dma_semaphore, #tpu.memory_space<semaphore_mem>>) src(%dma_wait3A_38 : memref<10000x128xf32, #tpu.memory_space<hbm>>) dst(%arg10 : memref<128x128xf32, #tpu.memory_space<vmem>>)
      %mul3A_39 = arith.constant 80 : i32
      %mul3A_40 = arith.muli %arg1, %mul3A_39 : i32
      %add3A_41 = arith.constant 40 : i32
      %add3A_42 = arith.addi %mul3A_40, %add3A_41 : i32
      "tpu.region"() ({
        %run_scoped3A = tpu.sem_alloc : memref<!tpu.dma_semaphore, #tpu.memory_space<semaphore_mem>>
        %dma_start3A_79 = arith.constant 0 : i32
        %dma_start3A_80 = tpu.memref_slice %arg4[%add3A_42, %dma_start3A_79] : memref<1280x128xi32, #tpu.memory_space<hbm>> -> memref<40x128xi32, #tpu.memory_space<hbm>>
        %dma_start3A_81 = arith.constant 0 : i32
        %dma_start3A_82 = tpu.memref_slice %arg4[%add3A_42, %dma_start3A_81] : memref<1280x128xi32, #tpu.memory_space<hbm>> -> memref<40x128xi32, #tpu.memory_space<hbm>>
        tpu.enqueue_dma source(%dma_start3A_82 : memref<40x128xi32, #tpu.memory_space<hbm>>) target(%arg8 : memref<40x128xi32, #tpu.memory_space<vmem>>) target_semaphore(%run_scoped3A : memref<!tpu.dma_semaphore, #tpu.memory_space<semaphore_mem>>)
        %dma_wait3A_83 = arith.constant 0 : i32
        %dma_wait3A_84 = tpu.memref_slice %arg4[%add3A_42, %dma_wait3A_83] : memref<1280x128xi32, #tpu.memory_space<hbm>> -> memref<40x128xi32, #tpu.memory_space<hbm>>
        %dma_wait3A_85 = arith.constant 0 : i32
        %dma_wait3A_86 = tpu.memref_slice %arg4[%add3A_42, %dma_wait3A_85] : memref<1280x128xi32, #tpu.memory_space<hbm>> -> memref<40x128xi32, #tpu.memory_space<hbm>>
        tpu.wait_dma2 semaphore(%run_scoped3A : memref<!tpu.dma_semaphore, #tpu.memory_space<semaphore_mem>>) src(%dma_wait3A_86 : memref<40x128xi32, #tpu.memory_space<hbm>>) dst(%arg8 : memref<40x128xi32, #tpu.memory_space<vmem>>)
        tpu.yield
      }) : () -> ()
      %mul3A_43 = arith.constant 80 : i32
      %mul3A_44 = arith.muli %arg1, %mul3A_43 : i32
      %add3A_45 = arith.constant 40 : i32
      %add3A_46 = arith.addi %mul3A_44, %add3A_45 : i32
      "tpu.region"() ({
        %run_scoped3A = tpu.sem_alloc : memref<!tpu.dma_semaphore, #tpu.memory_space<semaphore_mem>>
        %dma_start3A_79 = arith.constant 0 : i32
        %dma_start3A_80 = tpu.memref_slice %arg5[%add3A_46, %dma_start3A_79] : memref<1280x128xi32, #tpu.memory_space<hbm>> -> memref<40x128xi32, #tpu.memory_space<hbm>>
        %dma_start3A_81 = arith.constant 0 : i32
        %dma_start3A_82 = tpu.memref_slice %arg5[%add3A_46, %dma_start3A_81] : memref<1280x128xi32, #tpu.memory_space<hbm>> -> memref<40x128xi32, #tpu.memory_space<hbm>>
        tpu.enqueue_dma source(%dma_start3A_82 : memref<40x128xi32, #tpu.memory_space<hbm>>) target(%arg9 : memref<40x128xi32, #tpu.memory_space<vmem>>) target_semaphore(%run_scoped3A : memref<!tpu.dma_semaphore, #tpu.memory_space<semaphore_mem>>)
        %dma_wait3A_83 = arith.constant 0 : i32
        %dma_wait3A_84 = tpu.memref_slice %arg5[%add3A_46, %dma_wait3A_83] : memref<1280x128xi32, #tpu.memory_space<hbm>> -> memref<40x128xi32, #tpu.memory_space<hbm>>
        %dma_wait3A_85 = arith.constant 0 : i32
        %dma_wait3A_86 = tpu.memref_slice %arg5[%add3A_46, %dma_wait3A_85] : memref<1280x128xi32, #tpu.memory_space<hbm>> -> memref<40x128xi32, #tpu.memory_space<hbm>>
        tpu.wait_dma2 semaphore(%run_scoped3A : memref<!tpu.dma_semaphore, #tpu.memory_space<semaphore_mem>>) src(%dma_wait3A_86 : memref<40x128xi32, #tpu.memory_space<hbm>>) dst(%arg9 : memref<40x128xi32, #tpu.memory_space<vmem>>)
        tpu.yield
      }) : () -> ()
      %dma_start3A_47 = arith.constant 0 : i32
      %dma_start3A_48 = arith.constant 0 : i32
      %dma_start3A_49 = tpu.memref_slice %arg8[%dma_start3A_47, %dma_start3A_48] : memref<40x128xi32, #tpu.memory_space<vmem>> -> memref<1x128xi32, #tpu.memory_space<vmem>>
      %dma_start3A_50 = tpu.memref_squeeze %dma_start3A_49 : memref<1x128xi32, #tpu.memory_space<vmem>> -> memref<128xi32, #tpu.memory_space<vmem>>
      %dma_start3A_51 = arith.constant 0 : i32
      %dma_start3A_52 = arith.constant 0 : i32
      %dma_start3A_53 = tpu.memref_slice %arg2[%dma_start3A_51, %dma_start3A_52] : memref<10000x128xf32, #tpu.memory_space<hbm>> -> memref<10000x128xf32, #tpu.memory_space<hbm>>
      tpu.enqueue_indirect_dma source(%dma_start3A_53 : memref<10000x128xf32, #tpu.memory_space<hbm>>) target(%arg10 : memref<128x128xf32, #tpu.memory_space<vmem>>) offsets(%dma_start3A_50 : memref<128xi32, #tpu.memory_space<vmem>>) semaphore(%arg13 : memref<!tpu.dma_semaphore, #tpu.memory_space<semaphore_mem>>)
      %scan3A_54 = arith.constant 0 : i32
      %scan3A_55 = arith.constant 0 : i32
      %scan3A_56 = arith.constant 20 : i32
      %scan3A_57 = arith.addi %scan3A_55, %scan3A_56 : i32
      %scan3A_58 = arith.constant 1 : i32
      scf.for %scan3A_79 = %scan3A_55 to %scan3A_57 step %scan3A_58  : i32 {
        %mul3A_80 = arith.constant 2 : i32
        %mul3A_81 = arith.muli %mul3A_80, %scan3A_79 : i32
        %add3A_82 = arith.constant 1 : i32
        %add3A_83 = arith.addi %mul3A_81, %add3A_82 : i32
        %dma_start3A_84 = arith.constant 0 : i32
        %dma_start3A_85 = tpu.memref_slice %arg8[%add3A_83, %dma_start3A_84] : memref<40x128xi32, #tpu.memory_space<vmem>> -> memref<1x128xi32, #tpu.memory_space<vmem>>
        %dma_start3A_86 = tpu.memref_squeeze %dma_start3A_85 : memref<1x128xi32, #tpu.memory_space<vmem>> -> memref<128xi32, #tpu.memory_space<vmem>>
        %dma_start3A_87 = arith.constant 0 : i32
        %dma_start3A_88 = arith.constant 0 : i32
        %dma_start3A_89 = tpu.memref_slice %arg2[%dma_start3A_87, %dma_start3A_88] : memref<10000x128xf32, #tpu.memory_space<hbm>> -> memref<10000x128xf32, #tpu.memory_space<hbm>>
        tpu.enqueue_indirect_dma source(%dma_start3A_89 : memref<10000x128xf32, #tpu.memory_space<hbm>>) target(%arg11 : memref<128x128xf32, #tpu.memory_space<vmem>>) offsets(%dma_start3A_86 : memref<128xi32, #tpu.memory_space<vmem>>) semaphore(%arg14 : memref<!tpu.dma_semaphore, #tpu.memory_space<semaphore_mem>>)
        %dma_wait3A_90 = arith.constant 0 : i32
        %dma_wait3A_91 = tpu.memref_slice %arg8[%mul3A_81, %dma_wait3A_90] : memref<40x128xi32, #tpu.memory_space<vmem>> -> memref<1x128xi32, #tpu.memory_space<vmem>>
        %dma_wait3A_92 = tpu.memref_squeeze %dma_wait3A_91 : memref<1x128xi32, #tpu.memory_space<vmem>> -> memref<128xi32, #tpu.memory_space<vmem>>
        %dma_wait3A_93 = arith.constant 0 : i32
        %dma_wait3A_94 = arith.constant 0 : i32
        %dma_wait3A_95 = tpu.memref_slice %arg2[%dma_wait3A_93, %dma_wait3A_94] : memref<10000x128xf32, #tpu.memory_space<hbm>> -> memref<10000x128xf32, #tpu.memory_space<hbm>>
        tpu.wait_indirect_dma semaphore(%arg13 : memref<!tpu.dma_semaphore, #tpu.memory_space<semaphore_mem>>) src(%dma_wait3A_95 : memref<10000x128xf32, #tpu.memory_space<hbm>>) dst(%arg10 : memref<128x128xf32, #tpu.memory_space<vmem>>)
        "tpu.region"() ({
          %run_scoped3A = tpu.sem_alloc : memref<!tpu.dma_semaphore, #tpu.memory_space<semaphore_mem>>
          %dma_start3A_115 = arith.constant 0 : i32
          %dma_start3A_116 = tpu.memref_slice %arg9[%mul3A_81, %dma_start3A_115] : memref<40x128xi32, #tpu.memory_space<vmem>> -> memref<1x128xi32, #tpu.memory_space<vmem>>
          %dma_start3A_117 = tpu.memref_squeeze %dma_start3A_116 : memref<1x128xi32, #tpu.memory_space<vmem>> -> memref<128xi32, #tpu.memory_space<vmem>>
          %dma_start3A_118 = arith.constant 0 : i32
          %dma_start3A_119 = arith.constant 0 : i32
          %dma_start3A_120 = tpu.memref_slice %arg12[%dma_start3A_118, %dma_start3A_119] : memref<10112x128xf32, #tpu.memory_space<vmem_shared>> -> memref<10112x128xf32, #tpu.memory_space<vmem_shared>>
          tpu.enqueue_indirect_dma source(%arg10 : memref<128x128xf32, #tpu.memory_space<vmem>>) target(%dma_start3A_120 : memref<10112x128xf32, #tpu.memory_space<vmem_shared>>) offsets(%dma_start3A_117 : memref<128xi32, #tpu.memory_space<vmem>>) semaphore(%run_scoped3A : memref<!tpu.dma_semaphore, #tpu.memory_space<semaphore_mem>>) {add = true}
          %dma_wait3A_121 = arith.constant 0 : i32
          %dma_wait3A_122 = tpu.memref_slice %arg9[%mul3A_81, %dma_wait3A_121] : memref<40x128xi32, #tpu.memory_space<vmem>> -> memref<1x128xi32, #tpu.memory_space<vmem>>
          %dma_wait3A_123 = tpu.memref_squeeze %dma_wait3A_122 : memref<1x128xi32, #tpu.memory_space<vmem>> -> memref<128xi32, #tpu.memory_space<vmem>>
          %dma_wait3A_124 = arith.constant 0 : i32
          %dma_wait3A_125 = arith.constant 0 : i32
          %dma_wait3A_126 = tpu.memref_slice %arg12[%dma_wait3A_124, %dma_wait3A_125] : memref<10112x128xf32, #tpu.memory_space<vmem_shared>> -> memref<10112x128xf32, #tpu.memory_space<vmem_shared>>
          tpu.wait_indirect_dma semaphore(%run_scoped3A : memref<!tpu.dma_semaphore, #tpu.memory_space<semaphore_mem>>) src(%arg10 : memref<128x128xf32, #tpu.memory_space<vmem>>) dst(%dma_wait3A_126 : memref<10112x128xf32, #tpu.memory_space<vmem_shared>>)
          tpu.yield
        }) : () -> ()
        %add3A_96 = arith.constant 2 : i32
        %add3A_97 = arith.addi %mul3A_81, %add3A_96 : i32
        %min3A = arith.constant 38 : i32
        %min3A_98 = arith.minsi %add3A_97, %min3A : i32
        %dma_start3A_99 = arith.constant 0 : i32
        %dma_start3A_100 = tpu.memref_slice %arg8[%min3A_98, %dma_start3A_99] : memref<40x128xi32, #tpu.memory_space<vmem>> -> memref<1x128xi32, #tpu.memory_space<vmem>>
        %dma_start3A_101 = tpu.memref_squeeze %dma_start3A_100 : memref<1x128xi32, #tpu.memory_space<vmem>> -> memref<128xi32, #tpu.memory_space<vmem>>
        %dma_start3A_102 = arith.constant 0 : i32
        %dma_start3A_103 = arith.constant 0 : i32
        %dma_start3A_104 = tpu.memref_slice %arg2[%dma_start3A_102, %dma_start3A_103] : memref<10000x128xf32, #tpu.memory_space<hbm>> -> memref<10000x128xf32, #tpu.memory_space<hbm>>
        tpu.enqueue_indirect_dma source(%dma_start3A_104 : memref<10000x128xf32, #tpu.memory_space<hbm>>) target(%arg10 : memref<128x128xf32, #tpu.memory_space<vmem>>) offsets(%dma_start3A_101 : memref<128xi32, #tpu.memory_space<vmem>>) semaphore(%arg13 : memref<!tpu.dma_semaphore, #tpu.memory_space<semaphore_mem>>)
        %add3A_105 = arith.constant 1 : i32
        %add3A_106 = arith.addi %mul3A_81, %add3A_105 : i32
        %dma_wait3A_107 = arith.constant 0 : i32
        %dma_wait3A_108 = tpu.memref_slice %arg8[%add3A_106, %dma_wait3A_107] : memref<40x128xi32, #tpu.memory_space<vmem>> -> memref<1x128xi32, #tpu.memory_space<vmem>>
        %dma_wait3A_109 = tpu.memref_squeeze %dma_wait3A_108 : memref<1x128xi32, #tpu.memory_space<vmem>> -> memref<128xi32, #tpu.memory_space<vmem>>
        %dma_wait3A_110 = arith.constant 0 : i32
        %dma_wait3A_111 = arith.constant 0 : i32
        %dma_wait3A_112 = tpu.memref_slice %arg2[%dma_wait3A_110, %dma_wait3A_111] : memref<10000x128xf32, #tpu.memory_space<hbm>> -> memref<10000x128xf32, #tpu.memory_space<hbm>>
        tpu.wait_indirect_dma semaphore(%arg14 : memref<!tpu.dma_semaphore, #tpu.memory_space<semaphore_mem>>) src(%dma_wait3A_112 : memref<10000x128xf32, #tpu.memory_space<hbm>>) dst(%arg11 : memref<128x128xf32, #tpu.memory_space<vmem>>)
        %add3A_113 = arith.constant 1 : i32
        %add3A_114 = arith.addi %mul3A_81, %add3A_113 : i32
        "tpu.region"() ({
          %run_scoped3A = tpu.sem_alloc : memref<!tpu.dma_semaphore, #tpu.memory_space<semaphore_mem>>
          %dma_start3A_115 = arith.constant 0 : i32
          %dma_start3A_116 = tpu.memref_slice %arg9[%add3A_114, %dma_start3A_115] : memref<40x128xi32, #tpu.memory_space<vmem>> -> memref<1x128xi32, #tpu.memory_space<vmem>>
          %dma_start3A_117 = tpu.memref_squeeze %dma_start3A_116 : memref<1x128xi32, #tpu.memory_space<vmem>> -> memref<128xi32, #tpu.memory_space<vmem>>
          %dma_start3A_118 = arith.constant 0 : i32
          %dma_start3A_119 = arith.constant 0 : i32
          %dma_start3A_120 = tpu.memref_slice %arg12[%dma_start3A_118, %dma_start3A_119] : memref<10112x128xf32, #tpu.memory_space<vmem_shared>> -> memref<10112x128xf32, #tpu.memory_space<vmem_shared>>
          tpu.enqueue_indirect_dma source(%arg11 : memref<128x128xf32, #tpu.memory_space<vmem>>) target(%dma_start3A_120 : memref<10112x128xf32, #tpu.memory_space<vmem_shared>>) offsets(%dma_start3A_117 : memref<128xi32, #tpu.memory_space<vmem>>) semaphore(%run_scoped3A : memref<!tpu.dma_semaphore, #tpu.memory_space<semaphore_mem>>) {add = true}
          %dma_wait3A_121 = arith.constant 0 : i32
          %dma_wait3A_122 = tpu.memref_slice %arg9[%add3A_114, %dma_wait3A_121] : memref<40x128xi32, #tpu.memory_space<vmem>> -> memref<1x128xi32, #tpu.memory_space<vmem>>
          %dma_wait3A_123 = tpu.memref_squeeze %dma_wait3A_122 : memref<1x128xi32, #tpu.memory_space<vmem>> -> memref<128xi32, #tpu.memory_space<vmem>>
          %dma_wait3A_124 = arith.constant 0 : i32
          %dma_wait3A_125 = arith.constant 0 : i32
          %dma_wait3A_126 = tpu.memref_slice %arg12[%dma_wait3A_124, %dma_wait3A_125] : memref<10112x128xf32, #tpu.memory_space<vmem_shared>> -> memref<10112x128xf32, #tpu.memory_space<vmem_shared>>
          tpu.wait_indirect_dma semaphore(%run_scoped3A : memref<!tpu.dma_semaphore, #tpu.memory_space<semaphore_mem>>) src(%arg11 : memref<128x128xf32, #tpu.memory_space<vmem>>) dst(%dma_wait3A_126 : memref<10112x128xf32, #tpu.memory_space<vmem_shared>>)
          tpu.yield
        }) : () -> ()
      }
      %scan3A_59 = arith.constant 20 : i32
      %dma_wait3A_60 = arith.constant 38 : i32
      %dma_wait3A_61 = arith.constant 0 : i32
      %dma_wait3A_62 = tpu.memref_slice %arg8[%dma_wait3A_60, %dma_wait3A_61] : memref<40x128xi32, #tpu.memory_space<vmem>> -> memref<1x128xi32, #tpu.memory_space<vmem>>
      %dma_wait3A_63 = tpu.memref_squeeze %dma_wait3A_62 : memref<1x128xi32, #tpu.memory_space<vmem>> -> memref<128xi32, #tpu.memory_space<vmem>>
      %dma_wait3A_64 = arith.constant 0 : i32
      %dma_wait3A_65 = arith.constant 0 : i32
      %dma_wait3A_66 = tpu.memref_slice %arg2[%dma_wait3A_64, %dma_wait3A_65] : memref<10000x128xf32, #tpu.memory_space<hbm>> -> memref<10000x128xf32, #tpu.memory_space<hbm>>
      tpu.wait_indirect_dma semaphore(%arg13 : memref<!tpu.dma_semaphore, #tpu.memory_space<semaphore_mem>>) src(%dma_wait3A_66 : memref<10000x128xf32, #tpu.memory_space<hbm>>) dst(%arg10 : memref<128x128xf32, #tpu.memory_space<vmem>>)
      %barrier3A_67 = arith.constant 0 : index
      tpu.barrier barrier_id(%barrier3A_67)
      %lt3A_68 = arith.constant 15 : i32
      %lt3A_69 = arith.cmpi slt, %arg1, %lt3A_68 : i32
      %convert_element_type3A_70 = arith.extui %lt3A_69 : i1 to i32
      %cond3A_71 = arith.constant 0 : i32
      %cond3A_72 = arith.cmpi ne, %convert_element_type3A_70, %cond3A_71 : i32
      scf.if %cond3A_72 {
        %mul3A_79 = arith.constant 632 : i32
        %mul3A_80 = arith.muli %arg1, %mul3A_79 : i32
        %mul3A_81 = arith.constant 632 : i32
        %mul3A_82 = arith.muli %arg1, %mul3A_81 : i32
        "tpu.region"() ({
          %run_scoped3A = tpu.sem_alloc : memref<!tpu.dma_semaphore, #tpu.memory_space<semaphore_mem>>
          %dma_start3A_83 = arith.constant 0 : i32
          %dma_start3A_84 = tpu.memref_slice %arg6[%mul3A_82, %dma_start3A_83] : memref<10000x128xf32, #tpu.memory_space<hbm>> -> memref<632x128xf32, #tpu.memory_space<hbm>>
          %dma_start3A_85 = arith.constant 0 : i32
          %dma_start3A_86 = tpu.memref_slice %arg12[%mul3A_80, %dma_start3A_85] : memref<10112x128xf32, #tpu.memory_space<vmem_shared>> -> memref<632x128xf32, #tpu.memory_space<vmem_shared>>
          tpu.enqueue_dma source(%dma_start3A_86 : memref<632x128xf32, #tpu.memory_space<vmem_shared>>) target(%dma_start3A_84 : memref<632x128xf32, #tpu.memory_space<hbm>>) target_semaphore(%run_scoped3A : memref<!tpu.dma_semaphore, #tpu.memory_space<semaphore_mem>>)
          %dma_wait3A_87 = arith.constant 0 : i32
          %dma_wait3A_88 = tpu.memref_slice %arg6[%mul3A_82, %dma_wait3A_87] : memref<10000x128xf32, #tpu.memory_space<hbm>> -> memref<632x128xf32, #tpu.memory_space<hbm>>
          %dma_wait3A_89 = arith.constant 0 : i32
          %dma_wait3A_90 = tpu.memref_slice %arg12[%mul3A_80, %dma_wait3A_89] : memref<10112x128xf32, #tpu.memory_space<vmem_shared>> -> memref<632x128xf32, #tpu.memory_space<vmem_shared>>
          tpu.wait_dma2 semaphore(%run_scoped3A : memref<!tpu.dma_semaphore, #tpu.memory_space<semaphore_mem>>) src(%dma_wait3A_90 : memref<632x128xf32, #tpu.memory_space<vmem_shared>>) dst(%dma_wait3A_88 : memref<632x128xf32, #tpu.memory_space<hbm>>)
          tpu.yield
        }) : () -> ()
      } else {
      }
      %eq3A_73 = arith.constant 15 : i32
      %eq3A_74 = arith.cmpi eq, %arg1, %eq3A_73 : i32
      %convert_element_type3A_75 = arith.extui %eq3A_74 : i1 to i32
      %cond3A_76 = arith.constant 0 : i32
      %cond3A_77 = arith.cmpi ne, %convert_element_type3A_75, %cond3A_76 : i32
      scf.if %cond3A_77 {
        "tpu.region"() ({
          %run_scoped3A = tpu.sem_alloc : memref<!tpu.dma_semaphore, #tpu.memory_space<semaphore_mem>>
          %dma_start3A_79 = arith.constant 9480 : i32
          %dma_start3A_80 = arith.constant 0 : i32
          %dma_start3A_81 = tpu.memref_slice %arg6[%dma_start3A_79, %dma_start3A_80] : memref<10000x128xf32, #tpu.memory_space<hbm>> -> memref<520x128xf32, #tpu.memory_space<hbm>>
          %dma_start3A_82 = arith.constant 9480 : i32
          %dma_start3A_83 = arith.constant 0 : i32
          %dma_start3A_84 = tpu.memref_slice %arg12[%dma_start3A_82, %dma_start3A_83] : memref<10112x128xf32, #tpu.memory_space<vmem_shared>> -> memref<520x128xf32, #tpu.memory_space<vmem_shared>>
          tpu.enqueue_dma source(%dma_start3A_84 : memref<520x128xf32, #tpu.memory_space<vmem_shared>>) target(%dma_start3A_81 : memref<520x128xf32, #tpu.memory_space<hbm>>) target_semaphore(%run_scoped3A : memref<!tpu.dma_semaphore, #tpu.memory_space<semaphore_mem>>)
          %dma_wait3A_85 = arith.constant 9480 : i32
          %dma_wait3A_86 = arith.constant 0 : i32
          %dma_wait3A_87 = tpu.memref_slice %arg6[%dma_wait3A_85, %dma_wait3A_86] : memref<10000x128xf32, #tpu.memory_space<hbm>> -> memref<520x128xf32, #tpu.memory_space<hbm>>
          %dma_wait3A_88 = arith.constant 9480 : i32
          %dma_wait3A_89 = arith.constant 0 : i32
          %dma_wait3A_90 = tpu.memref_slice %arg12[%dma_wait3A_88, %dma_wait3A_89] : memref<10112x128xf32, #tpu.memory_space<vmem_shared>> -> memref<520x128xf32, #tpu.memory_space<vmem_shared>>
          tpu.wait_dma2 semaphore(%run_scoped3A : memref<!tpu.dma_semaphore, #tpu.memory_space<semaphore_mem>>) src(%dma_wait3A_90 : memref<520x128xf32, #tpu.memory_space<vmem_shared>>) dst(%dma_wait3A_87 : memref<520x128xf32, #tpu.memory_space<hbm>>)
          tpu.yield
        }) : () -> ()
      } else {
      }
      %barrier3A_78 = arith.constant 0 : index
      tpu.barrier barrier_id(%barrier3A_78)
    } else {
    }
    %eq3A_2 = arith.constant 1 : i32
    %eq3A_3 = arith.cmpi eq, %arg0, %eq3A_2 : i32
    %convert_element_type3A_4 = arith.extui %eq3A_3 : i1 to i32
    %cond3A_5 = arith.constant 0 : i32
    %cond3A_6 = arith.cmpi ne, %convert_element_type3A_4, %cond3A_5 : i32
    scf.if %cond3A_6 {
      %lt3A = arith.constant 15 : i32
      %lt3A_7 = arith.cmpi slt, %arg1, %lt3A : i32
      %convert_element_type3A_8 = arith.extui %lt3A_7 : i1 to i32
      %cond3A_9 = arith.constant 0 : i32
      %cond3A_10 = arith.cmpi ne, %convert_element_type3A_8, %cond3A_9 : i32
      scf.if %cond3A_10 {
        %mul3A_79 = arith.constant 632 : i32
        %mul3A_80 = arith.muli %arg1, %mul3A_79 : i32
        %mul3A_81 = arith.constant 632 : i32
        %mul3A_82 = arith.muli %arg1, %mul3A_81 : i32
        "tpu.region"() ({
          %run_scoped3A = tpu.sem_alloc : memref<!tpu.dma_semaphore, #tpu.memory_space<semaphore_mem>>
          %dma_start3A_83 = arith.constant 0 : i32
          %dma_start3A_84 = tpu.memref_slice %arg12[%mul3A_82, %dma_start3A_83] : memref<10112x128xf32, #tpu.memory_space<vmem_shared>> -> memref<632x128xf32, #tpu.memory_space<vmem_shared>>
          %dma_start3A_85 = arith.constant 0 : i32
          %dma_start3A_86 = tpu.memref_slice %arg3[%mul3A_80, %dma_start3A_85] : memref<10000x128xf32, #tpu.memory_space<hbm>> -> memref<632x128xf32, #tpu.memory_space<hbm>>
          tpu.enqueue_dma source(%dma_start3A_86 : memref<632x128xf32, #tpu.memory_space<hbm>>) target(%dma_start3A_84 : memref<632x128xf32, #tpu.memory_space<vmem_shared>>) target_semaphore(%run_scoped3A : memref<!tpu.dma_semaphore, #tpu.memory_space<semaphore_mem>>)
          %dma_wait3A_87 = arith.constant 0 : i32
          %dma_wait3A_88 = tpu.memref_slice %arg12[%mul3A_82, %dma_wait3A_87] : memref<10112x128xf32, #tpu.memory_space<vmem_shared>> -> memref<632x128xf32, #tpu.memory_space<vmem_shared>>
          %dma_wait3A_89 = arith.constant 0 : i32
          %dma_wait3A_90 = tpu.memref_slice %arg3[%mul3A_80, %dma_wait3A_89] : memref<10000x128xf32, #tpu.memory_space<hbm>> -> memref<632x128xf32, #tpu.memory_space<hbm>>
          tpu.wait_dma2 semaphore(%run_scoped3A : memref<!tpu.dma_semaphore, #tpu.memory_space<semaphore_mem>>) src(%dma_wait3A_90 : memref<632x128xf32, #tpu.memory_space<hbm>>) dst(%dma_wait3A_88 : memref<632x128xf32, #tpu.memory_space<vmem_shared>>)
          tpu.yield
        }) : () -> ()
      } else {
      }
      %eq3A_11 = arith.constant 15 : i32
      %eq3A_12 = arith.cmpi eq, %arg1, %eq3A_11 : i32
      %convert_element_type3A_13 = arith.extui %eq3A_12 : i1 to i32
      %cond3A_14 = arith.constant 0 : i32
      %cond3A_15 = arith.cmpi ne, %convert_element_type3A_13, %cond3A_14 : i32
      scf.if %cond3A_15 {
        "tpu.region"() ({
          %run_scoped3A = tpu.sem_alloc : memref<!tpu.dma_semaphore, #tpu.memory_space<semaphore_mem>>
          %dma_start3A_79 = arith.constant 9480 : i32
          %dma_start3A_80 = arith.constant 0 : i32
          %dma_start3A_81 = tpu.memref_slice %arg12[%dma_start3A_79, %dma_start3A_80] : memref<10112x128xf32, #tpu.memory_space<vmem_shared>> -> memref<520x128xf32, #tpu.memory_space<vmem_shared>>
          %dma_start3A_82 = arith.constant 9480 : i32
          %dma_start3A_83 = arith.constant 0 : i32
          %dma_start3A_84 = tpu.memref_slice %arg3[%dma_start3A_82, %dma_start3A_83] : memref<10000x128xf32, #tpu.memory_space<hbm>> -> memref<520x128xf32, #tpu.memory_space<hbm>>
          tpu.enqueue_dma source(%dma_start3A_84 : memref<520x128xf32, #tpu.memory_space<hbm>>) target(%dma_start3A_81 : memref<520x128xf32, #tpu.memory_space<vmem_shared>>) target_semaphore(%run_scoped3A : memref<!tpu.dma_semaphore, #tpu.memory_space<semaphore_mem>>)
          %dma_wait3A_85 = arith.constant 9480 : i32
          %dma_wait3A_86 = arith.constant 0 : i32
          %dma_wait3A_87 = tpu.memref_slice %arg12[%dma_wait3A_85, %dma_wait3A_86] : memref<10112x128xf32, #tpu.memory_space<vmem_shared>> -> memref<520x128xf32, #tpu.memory_space<vmem_shared>>
          %dma_wait3A_88 = arith.constant 9480 : i32
          %dma_wait3A_89 = arith.constant 0 : i32
          %dma_wait3A_90 = tpu.memref_slice %arg3[%dma_wait3A_88, %dma_wait3A_89] : memref<10000x128xf32, #tpu.memory_space<hbm>> -> memref<520x128xf32, #tpu.memory_space<hbm>>
          tpu.wait_dma2 semaphore(%run_scoped3A : memref<!tpu.dma_semaphore, #tpu.memory_space<semaphore_mem>>) src(%dma_wait3A_90 : memref<520x128xf32, #tpu.memory_space<hbm>>) dst(%dma_wait3A_87 : memref<520x128xf32, #tpu.memory_space<vmem_shared>>)
          tpu.yield
        }) : () -> ()
      } else {
      }
      %barrier3A = arith.constant 0 : index
      tpu.barrier barrier_id(%barrier3A)
      %mul3A = arith.constant 80 : i32
      %mul3A_16 = arith.muli %arg1, %mul3A : i32
      %add3A = arith.constant 0 : i32
      %add3A_17 = arith.addi %mul3A_16, %add3A : i32
      "tpu.region"() ({
        %run_scoped3A = tpu.sem_alloc : memref<!tpu.dma_semaphore, #tpu.memory_space<semaphore_mem>>
        %dma_start3A_79 = arith.constant 0 : i32
        %dma_start3A_80 = tpu.memref_slice %arg4[%add3A_17, %dma_start3A_79] : memref<1280x128xi32, #tpu.memory_space<hbm>> -> memref<40x128xi32, #tpu.memory_space<hbm>>
        %dma_start3A_81 = arith.constant 0 : i32
        %dma_start3A_82 = tpu.memref_slice %arg4[%add3A_17, %dma_start3A_81] : memref<1280x128xi32, #tpu.memory_space<hbm>> -> memref<40x128xi32, #tpu.memory_space<hbm>>
        tpu.enqueue_dma source(%dma_start3A_82 : memref<40x128xi32, #tpu.memory_space<hbm>>) target(%arg8 : memref<40x128xi32, #tpu.memory_space<vmem>>) target_semaphore(%run_scoped3A : memref<!tpu.dma_semaphore, #tpu.memory_space<semaphore_mem>>)
        %dma_wait3A_83 = arith.constant 0 : i32
        %dma_wait3A_84 = tpu.memref_slice %arg4[%add3A_17, %dma_wait3A_83] : memref<1280x128xi32, #tpu.memory_space<hbm>> -> memref<40x128xi32, #tpu.memory_space<hbm>>
        %dma_wait3A_85 = arith.constant 0 : i32
        %dma_wait3A_86 = tpu.memref_slice %arg4[%add3A_17, %dma_wait3A_85] : memref<1280x128xi32, #tpu.memory_space<hbm>> -> memref<40x128xi32, #tpu.memory_space<hbm>>
        tpu.wait_dma2 semaphore(%run_scoped3A : memref<!tpu.dma_semaphore, #tpu.memory_space<semaphore_mem>>) src(%dma_wait3A_86 : memref<40x128xi32, #tpu.memory_space<hbm>>) dst(%arg8 : memref<40x128xi32, #tpu.memory_space<vmem>>)
        tpu.yield
      }) : () -> ()
      %mul3A_18 = arith.constant 80 : i32
      %mul3A_19 = arith.muli %arg1, %mul3A_18 : i32
      %add3A_20 = arith.constant 0 : i32
      %add3A_21 = arith.addi %mul3A_19, %add3A_20 : i32
      "tpu.region"() ({
        %run_scoped3A = tpu.sem_alloc : memref<!tpu.dma_semaphore, #tpu.memory_space<semaphore_mem>>
        %dma_start3A_79 = arith.constant 0 : i32
        %dma_start3A_80 = tpu.memref_slice %arg5[%add3A_21, %dma_start3A_79] : memref<1280x128xi32, #tpu.memory_space<hbm>> -> memref<40x128xi32, #tpu.memory_space<hbm>>
        %dma_start3A_81 = arith.constant 0 : i32
        %dma_start3A_82 = tpu.memref_slice %arg5[%add3A_21, %dma_start3A_81] : memref<1280x128xi32, #tpu.memory_space<hbm>> -> memref<40x128xi32, #tpu.memory_space<hbm>>
        tpu.enqueue_dma source(%dma_start3A_82 : memref<40x128xi32, #tpu.memory_space<hbm>>) target(%arg9 : memref<40x128xi32, #tpu.memory_space<vmem>>) target_semaphore(%run_scoped3A : memref<!tpu.dma_semaphore, #tpu.memory_space<semaphore_mem>>)
        %dma_wait3A_83 = arith.constant 0 : i32
        %dma_wait3A_84 = tpu.memref_slice %arg5[%add3A_21, %dma_wait3A_83] : memref<1280x128xi32, #tpu.memory_space<hbm>> -> memref<40x128xi32, #tpu.memory_space<hbm>>
        %dma_wait3A_85 = arith.constant 0 : i32
        %dma_wait3A_86 = tpu.memref_slice %arg5[%add3A_21, %dma_wait3A_85] : memref<1280x128xi32, #tpu.memory_space<hbm>> -> memref<40x128xi32, #tpu.memory_space<hbm>>
        tpu.wait_dma2 semaphore(%run_scoped3A : memref<!tpu.dma_semaphore, #tpu.memory_space<semaphore_mem>>) src(%dma_wait3A_86 : memref<40x128xi32, #tpu.memory_space<hbm>>) dst(%arg9 : memref<40x128xi32, #tpu.memory_space<vmem>>)
        tpu.yield
      }) : () -> ()
      %dma_start3A = arith.constant 0 : i32
      %dma_start3A_22 = arith.constant 0 : i32
      %dma_start3A_23 = tpu.memref_slice %arg8[%dma_start3A, %dma_start3A_22] : memref<40x128xi32, #tpu.memory_space<vmem>> -> memref<1x128xi32, #tpu.memory_space<vmem>>
      %dma_start3A_24 = tpu.memref_squeeze %dma_start3A_23 : memref<1x128xi32, #tpu.memory_space<vmem>> -> memref<128xi32, #tpu.memory_space<vmem>>
      %dma_start3A_25 = arith.constant 0 : i32
      %dma_start3A_26 = arith.constant 0 : i32
      %dma_start3A_27 = tpu.memref_slice %arg3[%dma_start3A_25, %dma_start3A_26] : memref<10000x128xf32, #tpu.memory_space<hbm>> -> memref<10000x128xf32, #tpu.memory_space<hbm>>
      tpu.enqueue_indirect_dma source(%dma_start3A_27 : memref<10000x128xf32, #tpu.memory_space<hbm>>) target(%arg10 : memref<128x128xf32, #tpu.memory_space<vmem>>) offsets(%dma_start3A_24 : memref<128xi32, #tpu.memory_space<vmem>>) semaphore(%arg13 : memref<!tpu.dma_semaphore, #tpu.memory_space<semaphore_mem>>)
      %scan3A = arith.constant 0 : i32
      %scan3A_28 = arith.constant 0 : i32
      %scan3A_29 = arith.constant 20 : i32
      %scan3A_30 = arith.addi %scan3A_28, %scan3A_29 : i32
      %scan3A_31 = arith.constant 1 : i32
      scf.for %scan3A_79 = %scan3A_28 to %scan3A_30 step %scan3A_31  : i32 {
        %mul3A_80 = arith.constant 2 : i32
        %mul3A_81 = arith.muli %mul3A_80, %scan3A_79 : i32
        %add3A_82 = arith.constant 1 : i32
        %add3A_83 = arith.addi %mul3A_81, %add3A_82 : i32
        %dma_start3A_84 = arith.constant 0 : i32
        %dma_start3A_85 = tpu.memref_slice %arg8[%add3A_83, %dma_start3A_84] : memref<40x128xi32, #tpu.memory_space<vmem>> -> memref<1x128xi32, #tpu.memory_space<vmem>>
        %dma_start3A_86 = tpu.memref_squeeze %dma_start3A_85 : memref<1x128xi32, #tpu.memory_space<vmem>> -> memref<128xi32, #tpu.memory_space<vmem>>
        %dma_start3A_87 = arith.constant 0 : i32
        %dma_start3A_88 = arith.constant 0 : i32
        %dma_start3A_89 = tpu.memref_slice %arg3[%dma_start3A_87, %dma_start3A_88] : memref<10000x128xf32, #tpu.memory_space<hbm>> -> memref<10000x128xf32, #tpu.memory_space<hbm>>
        tpu.enqueue_indirect_dma source(%dma_start3A_89 : memref<10000x128xf32, #tpu.memory_space<hbm>>) target(%arg11 : memref<128x128xf32, #tpu.memory_space<vmem>>) offsets(%dma_start3A_86 : memref<128xi32, #tpu.memory_space<vmem>>) semaphore(%arg14 : memref<!tpu.dma_semaphore, #tpu.memory_space<semaphore_mem>>)
        %dma_wait3A_90 = arith.constant 0 : i32
        %dma_wait3A_91 = tpu.memref_slice %arg8[%mul3A_81, %dma_wait3A_90] : memref<40x128xi32, #tpu.memory_space<vmem>> -> memref<1x128xi32, #tpu.memory_space<vmem>>
        %dma_wait3A_92 = tpu.memref_squeeze %dma_wait3A_91 : memref<1x128xi32, #tpu.memory_space<vmem>> -> memref<128xi32, #tpu.memory_space<vmem>>
        %dma_wait3A_93 = arith.constant 0 : i32
        %dma_wait3A_94 = arith.constant 0 : i32
        %dma_wait3A_95 = tpu.memref_slice %arg3[%dma_wait3A_93, %dma_wait3A_94] : memref<10000x128xf32, #tpu.memory_space<hbm>> -> memref<10000x128xf32, #tpu.memory_space<hbm>>
        tpu.wait_indirect_dma semaphore(%arg13 : memref<!tpu.dma_semaphore, #tpu.memory_space<semaphore_mem>>) src(%dma_wait3A_95 : memref<10000x128xf32, #tpu.memory_space<hbm>>) dst(%arg10 : memref<128x128xf32, #tpu.memory_space<vmem>>)
        "tpu.region"() ({
          %run_scoped3A = tpu.sem_alloc : memref<!tpu.dma_semaphore, #tpu.memory_space<semaphore_mem>>
          %dma_start3A_115 = arith.constant 0 : i32
          %dma_start3A_116 = tpu.memref_slice %arg9[%mul3A_81, %dma_start3A_115] : memref<40x128xi32, #tpu.memory_space<vmem>> -> memref<1x128xi32, #tpu.memory_space<vmem>>
          %dma_start3A_117 = tpu.memref_squeeze %dma_start3A_116 : memref<1x128xi32, #tpu.memory_space<vmem>> -> memref<128xi32, #tpu.memory_space<vmem>>
          %dma_start3A_118 = arith.constant 0 : i32
          %dma_start3A_119 = arith.constant 0 : i32
          %dma_start3A_120 = tpu.memref_slice %arg12[%dma_start3A_118, %dma_start3A_119] : memref<10112x128xf32, #tpu.memory_space<vmem_shared>> -> memref<10112x128xf32, #tpu.memory_space<vmem_shared>>
          tpu.enqueue_indirect_dma source(%arg10 : memref<128x128xf32, #tpu.memory_space<vmem>>) target(%dma_start3A_120 : memref<10112x128xf32, #tpu.memory_space<vmem_shared>>) offsets(%dma_start3A_117 : memref<128xi32, #tpu.memory_space<vmem>>) semaphore(%run_scoped3A : memref<!tpu.dma_semaphore, #tpu.memory_space<semaphore_mem>>) {add = true}
          %dma_wait3A_121 = arith.constant 0 : i32
          %dma_wait3A_122 = tpu.memref_slice %arg9[%mul3A_81, %dma_wait3A_121] : memref<40x128xi32, #tpu.memory_space<vmem>> -> memref<1x128xi32, #tpu.memory_space<vmem>>
          %dma_wait3A_123 = tpu.memref_squeeze %dma_wait3A_122 : memref<1x128xi32, #tpu.memory_space<vmem>> -> memref<128xi32, #tpu.memory_space<vmem>>
          %dma_wait3A_124 = arith.constant 0 : i32
          %dma_wait3A_125 = arith.constant 0 : i32
          %dma_wait3A_126 = tpu.memref_slice %arg12[%dma_wait3A_124, %dma_wait3A_125] : memref<10112x128xf32, #tpu.memory_space<vmem_shared>> -> memref<10112x128xf32, #tpu.memory_space<vmem_shared>>
          tpu.wait_indirect_dma semaphore(%run_scoped3A : memref<!tpu.dma_semaphore, #tpu.memory_space<semaphore_mem>>) src(%arg10 : memref<128x128xf32, #tpu.memory_space<vmem>>) dst(%dma_wait3A_126 : memref<10112x128xf32, #tpu.memory_space<vmem_shared>>)
          tpu.yield
        }) : () -> ()
        %add3A_96 = arith.constant 2 : i32
        %add3A_97 = arith.addi %mul3A_81, %add3A_96 : i32
        %min3A = arith.constant 38 : i32
        %min3A_98 = arith.minsi %add3A_97, %min3A : i32
        %dma_start3A_99 = arith.constant 0 : i32
        %dma_start3A_100 = tpu.memref_slice %arg8[%min3A_98, %dma_start3A_99] : memref<40x128xi32, #tpu.memory_space<vmem>> -> memref<1x128xi32, #tpu.memory_space<vmem>>
        %dma_start3A_101 = tpu.memref_squeeze %dma_start3A_100 : memref<1x128xi32, #tpu.memory_space<vmem>> -> memref<128xi32, #tpu.memory_space<vmem>>
        %dma_start3A_102 = arith.constant 0 : i32
        %dma_start3A_103 = arith.constant 0 : i32
        %dma_start3A_104 = tpu.memref_slice %arg3[%dma_start3A_102, %dma_start3A_103] : memref<10000x128xf32, #tpu.memory_space<hbm>> -> memref<10000x128xf32, #tpu.memory_space<hbm>>
        tpu.enqueue_indirect_dma source(%dma_start3A_104 : memref<10000x128xf32, #tpu.memory_space<hbm>>) target(%arg10 : memref<128x128xf32, #tpu.memory_space<vmem>>) offsets(%dma_start3A_101 : memref<128xi32, #tpu.memory_space<vmem>>) semaphore(%arg13 : memref<!tpu.dma_semaphore, #tpu.memory_space<semaphore_mem>>)
        %add3A_105 = arith.constant 1 : i32
        %add3A_106 = arith.addi %mul3A_81, %add3A_105 : i32
        %dma_wait3A_107 = arith.constant 0 : i32
        %dma_wait3A_108 = tpu.memref_slice %arg8[%add3A_106, %dma_wait3A_107] : memref<40x128xi32, #tpu.memory_space<vmem>> -> memref<1x128xi32, #tpu.memory_space<vmem>>
        %dma_wait3A_109 = tpu.memref_squeeze %dma_wait3A_108 : memref<1x128xi32, #tpu.memory_space<vmem>> -> memref<128xi32, #tpu.memory_space<vmem>>
        %dma_wait3A_110 = arith.constant 0 : i32
        %dma_wait3A_111 = arith.constant 0 : i32
        %dma_wait3A_112 = tpu.memref_slice %arg3[%dma_wait3A_110, %dma_wait3A_111] : memref<10000x128xf32, #tpu.memory_space<hbm>> -> memref<10000x128xf32, #tpu.memory_space<hbm>>
        tpu.wait_indirect_dma semaphore(%arg14 : memref<!tpu.dma_semaphore, #tpu.memory_space<semaphore_mem>>) src(%dma_wait3A_112 : memref<10000x128xf32, #tpu.memory_space<hbm>>) dst(%arg11 : memref<128x128xf32, #tpu.memory_space<vmem>>)
        %add3A_113 = arith.constant 1 : i32
        %add3A_114 = arith.addi %mul3A_81, %add3A_113 : i32
        "tpu.region"() ({
          %run_scoped3A = tpu.sem_alloc : memref<!tpu.dma_semaphore, #tpu.memory_space<semaphore_mem>>
          %dma_start3A_115 = arith.constant 0 : i32
          %dma_start3A_116 = tpu.memref_slice %arg9[%add3A_114, %dma_start3A_115] : memref<40x128xi32, #tpu.memory_space<vmem>> -> memref<1x128xi32, #tpu.memory_space<vmem>>
          %dma_start3A_117 = tpu.memref_squeeze %dma_start3A_116 : memref<1x128xi32, #tpu.memory_space<vmem>> -> memref<128xi32, #tpu.memory_space<vmem>>
          %dma_start3A_118 = arith.constant 0 : i32
          %dma_start3A_119 = arith.constant 0 : i32
          %dma_start3A_120 = tpu.memref_slice %arg12[%dma_start3A_118, %dma_start3A_119] : memref<10112x128xf32, #tpu.memory_space<vmem_shared>> -> memref<10112x128xf32, #tpu.memory_space<vmem_shared>>
          tpu.enqueue_indirect_dma source(%arg11 : memref<128x128xf32, #tpu.memory_space<vmem>>) target(%dma_start3A_120 : memref<10112x128xf32, #tpu.memory_space<vmem_shared>>) offsets(%dma_start3A_117 : memref<128xi32, #tpu.memory_space<vmem>>) semaphore(%run_scoped3A : memref<!tpu.dma_semaphore, #tpu.memory_space<semaphore_mem>>) {add = true}
          %dma_wait3A_121 = arith.constant 0 : i32
          %dma_wait3A_122 = tpu.memref_slice %arg9[%add3A_114, %dma_wait3A_121] : memref<40x128xi32, #tpu.memory_space<vmem>> -> memref<1x128xi32, #tpu.memory_space<vmem>>
          %dma_wait3A_123 = tpu.memref_squeeze %dma_wait3A_122 : memref<1x128xi32, #tpu.memory_space<vmem>> -> memref<128xi32, #tpu.memory_space<vmem>>
          %dma_wait3A_124 = arith.constant 0 : i32
          %dma_wait3A_125 = arith.constant 0 : i32
          %dma_wait3A_126 = tpu.memref_slice %arg12[%dma_wait3A_124, %dma_wait3A_125] : memref<10112x128xf32, #tpu.memory_space<vmem_shared>> -> memref<10112x128xf32, #tpu.memory_space<vmem_shared>>
          tpu.wait_indirect_dma semaphore(%run_scoped3A : memref<!tpu.dma_semaphore, #tpu.memory_space<semaphore_mem>>) src(%arg11 : memref<128x128xf32, #tpu.memory_space<vmem>>) dst(%dma_wait3A_126 : memref<10112x128xf32, #tpu.memory_space<vmem_shared>>)
          tpu.yield
        }) : () -> ()
      }
      %scan3A_32 = arith.constant 20 : i32
      %dma_wait3A = arith.constant 38 : i32
      %dma_wait3A_33 = arith.constant 0 : i32
      %dma_wait3A_34 = tpu.memref_slice %arg8[%dma_wait3A, %dma_wait3A_33] : memref<40x128xi32, #tpu.memory_space<vmem>> -> memref<1x128xi32, #tpu.memory_space<vmem>>
      %dma_wait3A_35 = tpu.memref_squeeze %dma_wait3A_34 : memref<1x128xi32, #tpu.memory_space<vmem>> -> memref<128xi32, #tpu.memory_space<vmem>>
      %dma_wait3A_36 = arith.constant 0 : i32
      %dma_wait3A_37 = arith.constant 0 : i32
      %dma_wait3A_38 = tpu.memref_slice %arg3[%dma_wait3A_36, %dma_wait3A_37] : memref<10000x128xf32, #tpu.memory_space<hbm>> -> memref<10000x128xf32, #tpu.memory_space<hbm>>
      tpu.wait_indirect_dma semaphore(%arg13 : memref<!tpu.dma_semaphore, #tpu.memory_space<semaphore_mem>>) src(%dma_wait3A_38 : memref<10000x128xf32, #tpu.memory_space<hbm>>) dst(%arg10 : memref<128x128xf32, #tpu.memory_space<vmem>>)
      %mul3A_39 = arith.constant 80 : i32
      %mul3A_40 = arith.muli %arg1, %mul3A_39 : i32
      %add3A_41 = arith.constant 40 : i32
      %add3A_42 = arith.addi %mul3A_40, %add3A_41 : i32
      "tpu.region"() ({
        %run_scoped3A = tpu.sem_alloc : memref<!tpu.dma_semaphore, #tpu.memory_space<semaphore_mem>>
        %dma_start3A_79 = arith.constant 0 : i32
        %dma_start3A_80 = tpu.memref_slice %arg4[%add3A_42, %dma_start3A_79] : memref<1280x128xi32, #tpu.memory_space<hbm>> -> memref<40x128xi32, #tpu.memory_space<hbm>>
        %dma_start3A_81 = arith.constant 0 : i32
        %dma_start3A_82 = tpu.memref_slice %arg4[%add3A_42, %dma_start3A_81] : memref<1280x128xi32, #tpu.memory_space<hbm>> -> memref<40x128xi32, #tpu.memory_space<hbm>>
        tpu.enqueue_dma source(%dma_start3A_82 : memref<40x128xi32, #tpu.memory_space<hbm>>) target(%arg8 : memref<40x128xi32, #tpu.memory_space<vmem>>) target_semaphore(%run_scoped3A : memref<!tpu.dma_semaphore, #tpu.memory_space<semaphore_mem>>)
        %dma_wait3A_83 = arith.constant 0 : i32
        %dma_wait3A_84 = tpu.memref_slice %arg4[%add3A_42, %dma_wait3A_83] : memref<1280x128xi32, #tpu.memory_space<hbm>> -> memref<40x128xi32, #tpu.memory_space<hbm>>
        %dma_wait3A_85 = arith.constant 0 : i32
        %dma_wait3A_86 = tpu.memref_slice %arg4[%add3A_42, %dma_wait3A_85] : memref<1280x128xi32, #tpu.memory_space<hbm>> -> memref<40x128xi32, #tpu.memory_space<hbm>>
        tpu.wait_dma2 semaphore(%run_scoped3A : memref<!tpu.dma_semaphore, #tpu.memory_space<semaphore_mem>>) src(%dma_wait3A_86 : memref<40x128xi32, #tpu.memory_space<hbm>>) dst(%arg8 : memref<40x128xi32, #tpu.memory_space<vmem>>)
        tpu.yield
      }) : () -> ()
      %mul3A_43 = arith.constant 80 : i32
      %mul3A_44 = arith.muli %arg1, %mul3A_43 : i32
      %add3A_45 = arith.constant 40 : i32
      %add3A_46 = arith.addi %mul3A_44, %add3A_45 : i32
      "tpu.region"() ({
        %run_scoped3A = tpu.sem_alloc : memref<!tpu.dma_semaphore, #tpu.memory_space<semaphore_mem>>
        %dma_start3A_79 = arith.constant 0 : i32
        %dma_start3A_80 = tpu.memref_slice %arg5[%add3A_46, %dma_start3A_79] : memref<1280x128xi32, #tpu.memory_space<hbm>> -> memref<40x128xi32, #tpu.memory_space<hbm>>
        %dma_start3A_81 = arith.constant 0 : i32
        %dma_start3A_82 = tpu.memref_slice %arg5[%add3A_46, %dma_start3A_81] : memref<1280x128xi32, #tpu.memory_space<hbm>> -> memref<40x128xi32, #tpu.memory_space<hbm>>
        tpu.enqueue_dma source(%dma_start3A_82 : memref<40x128xi32, #tpu.memory_space<hbm>>) target(%arg9 : memref<40x128xi32, #tpu.memory_space<vmem>>) target_semaphore(%run_scoped3A : memref<!tpu.dma_semaphore, #tpu.memory_space<semaphore_mem>>)
        %dma_wait3A_83 = arith.constant 0 : i32
        %dma_wait3A_84 = tpu.memref_slice %arg5[%add3A_46, %dma_wait3A_83] : memref<1280x128xi32, #tpu.memory_space<hbm>> -> memref<40x128xi32, #tpu.memory_space<hbm>>
        %dma_wait3A_85 = arith.constant 0 : i32
        %dma_wait3A_86 = tpu.memref_slice %arg5[%add3A_46, %dma_wait3A_85] : memref<1280x128xi32, #tpu.memory_space<hbm>> -> memref<40x128xi32, #tpu.memory_space<hbm>>
        tpu.wait_dma2 semaphore(%run_scoped3A : memref<!tpu.dma_semaphore, #tpu.memory_space<semaphore_mem>>) src(%dma_wait3A_86 : memref<40x128xi32, #tpu.memory_space<hbm>>) dst(%arg9 : memref<40x128xi32, #tpu.memory_space<vmem>>)
        tpu.yield
      }) : () -> ()
      %dma_start3A_47 = arith.constant 0 : i32
      %dma_start3A_48 = arith.constant 0 : i32
      %dma_start3A_49 = tpu.memref_slice %arg8[%dma_start3A_47, %dma_start3A_48] : memref<40x128xi32, #tpu.memory_space<vmem>> -> memref<1x128xi32, #tpu.memory_space<vmem>>
      %dma_start3A_50 = tpu.memref_squeeze %dma_start3A_49 : memref<1x128xi32, #tpu.memory_space<vmem>> -> memref<128xi32, #tpu.memory_space<vmem>>
      %dma_start3A_51 = arith.constant 0 : i32
      %dma_start3A_52 = arith.constant 0 : i32
      %dma_start3A_53 = tpu.memref_slice %arg3[%dma_start3A_51, %dma_start3A_52] : memref<10000x128xf32, #tpu.memory_space<hbm>> -> memref<10000x128xf32, #tpu.memory_space<hbm>>
      tpu.enqueue_indirect_dma source(%dma_start3A_53 : memref<10000x128xf32, #tpu.memory_space<hbm>>) target(%arg10 : memref<128x128xf32, #tpu.memory_space<vmem>>) offsets(%dma_start3A_50 : memref<128xi32, #tpu.memory_space<vmem>>) semaphore(%arg13 : memref<!tpu.dma_semaphore, #tpu.memory_space<semaphore_mem>>)
      %scan3A_54 = arith.constant 0 : i32
      %scan3A_55 = arith.constant 0 : i32
      %scan3A_56 = arith.constant 20 : i32
      %scan3A_57 = arith.addi %scan3A_55, %scan3A_56 : i32
      %scan3A_58 = arith.constant 1 : i32
      scf.for %scan3A_79 = %scan3A_55 to %scan3A_57 step %scan3A_58  : i32 {
        %mul3A_80 = arith.constant 2 : i32
        %mul3A_81 = arith.muli %mul3A_80, %scan3A_79 : i32
        %add3A_82 = arith.constant 1 : i32
        %add3A_83 = arith.addi %mul3A_81, %add3A_82 : i32
        %dma_start3A_84 = arith.constant 0 : i32
        %dma_start3A_85 = tpu.memref_slice %arg8[%add3A_83, %dma_start3A_84] : memref<40x128xi32, #tpu.memory_space<vmem>> -> memref<1x128xi32, #tpu.memory_space<vmem>>
        %dma_start3A_86 = tpu.memref_squeeze %dma_start3A_85 : memref<1x128xi32, #tpu.memory_space<vmem>> -> memref<128xi32, #tpu.memory_space<vmem>>
        %dma_start3A_87 = arith.constant 0 : i32
        %dma_start3A_88 = arith.constant 0 : i32
        %dma_start3A_89 = tpu.memref_slice %arg3[%dma_start3A_87, %dma_start3A_88] : memref<10000x128xf32, #tpu.memory_space<hbm>> -> memref<10000x128xf32, #tpu.memory_space<hbm>>
        tpu.enqueue_indirect_dma source(%dma_start3A_89 : memref<10000x128xf32, #tpu.memory_space<hbm>>) target(%arg11 : memref<128x128xf32, #tpu.memory_space<vmem>>) offsets(%dma_start3A_86 : memref<128xi32, #tpu.memory_space<vmem>>) semaphore(%arg14 : memref<!tpu.dma_semaphore, #tpu.memory_space<semaphore_mem>>)
        %dma_wait3A_90 = arith.constant 0 : i32
        %dma_wait3A_91 = tpu.memref_slice %arg8[%mul3A_81, %dma_wait3A_90] : memref<40x128xi32, #tpu.memory_space<vmem>> -> memref<1x128xi32, #tpu.memory_space<vmem>>
        %dma_wait3A_92 = tpu.memref_squeeze %dma_wait3A_91 : memref<1x128xi32, #tpu.memory_space<vmem>> -> memref<128xi32, #tpu.memory_space<vmem>>
        %dma_wait3A_93 = arith.constant 0 : i32
        %dma_wait3A_94 = arith.constant 0 : i32
        %dma_wait3A_95 = tpu.memref_slice %arg3[%dma_wait3A_93, %dma_wait3A_94] : memref<10000x128xf32, #tpu.memory_space<hbm>> -> memref<10000x128xf32, #tpu.memory_space<hbm>>
        tpu.wait_indirect_dma semaphore(%arg13 : memref<!tpu.dma_semaphore, #tpu.memory_space<semaphore_mem>>) src(%dma_wait3A_95 : memref<10000x128xf32, #tpu.memory_space<hbm>>) dst(%arg10 : memref<128x128xf32, #tpu.memory_space<vmem>>)
        "tpu.region"() ({
          %run_scoped3A = tpu.sem_alloc : memref<!tpu.dma_semaphore, #tpu.memory_space<semaphore_mem>>
          %dma_start3A_115 = arith.constant 0 : i32
          %dma_start3A_116 = tpu.memref_slice %arg9[%mul3A_81, %dma_start3A_115] : memref<40x128xi32, #tpu.memory_space<vmem>> -> memref<1x128xi32, #tpu.memory_space<vmem>>
          %dma_start3A_117 = tpu.memref_squeeze %dma_start3A_116 : memref<1x128xi32, #tpu.memory_space<vmem>> -> memref<128xi32, #tpu.memory_space<vmem>>
          %dma_start3A_118 = arith.constant 0 : i32
          %dma_start3A_119 = arith.constant 0 : i32
          %dma_start3A_120 = tpu.memref_slice %arg12[%dma_start3A_118, %dma_start3A_119] : memref<10112x128xf32, #tpu.memory_space<vmem_shared>> -> memref<10112x128xf32, #tpu.memory_space<vmem_shared>>
          tpu.enqueue_indirect_dma source(%arg10 : memref<128x128xf32, #tpu.memory_space<vmem>>) target(%dma_start3A_120 : memref<10112x128xf32, #tpu.memory_space<vmem_shared>>) offsets(%dma_start3A_117 : memref<128xi32, #tpu.memory_space<vmem>>) semaphore(%run_scoped3A : memref<!tpu.dma_semaphore, #tpu.memory_space<semaphore_mem>>) {add = true}
          %dma_wait3A_121 = arith.constant 0 : i32
          %dma_wait3A_122 = tpu.memref_slice %arg9[%mul3A_81, %dma_wait3A_121] : memref<40x128xi32, #tpu.memory_space<vmem>> -> memref<1x128xi32, #tpu.memory_space<vmem>>
          %dma_wait3A_123 = tpu.memref_squeeze %dma_wait3A_122 : memref<1x128xi32, #tpu.memory_space<vmem>> -> memref<128xi32, #tpu.memory_space<vmem>>
          %dma_wait3A_124 = arith.constant 0 : i32
          %dma_wait3A_125 = arith.constant 0 : i32
          %dma_wait3A_126 = tpu.memref_slice %arg12[%dma_wait3A_124, %dma_wait3A_125] : memref<10112x128xf32, #tpu.memory_space<vmem_shared>> -> memref<10112x128xf32, #tpu.memory_space<vmem_shared>>
          tpu.wait_indirect_dma semaphore(%run_scoped3A : memref<!tpu.dma_semaphore, #tpu.memory_space<semaphore_mem>>) src(%arg10 : memref<128x128xf32, #tpu.memory_space<vmem>>) dst(%dma_wait3A_126 : memref<10112x128xf32, #tpu.memory_space<vmem_shared>>)
          tpu.yield
        }) : () -> ()
        %add3A_96 = arith.constant 2 : i32
        %add3A_97 = arith.addi %mul3A_81, %add3A_96 : i32
        %min3A = arith.constant 38 : i32
        %min3A_98 = arith.minsi %add3A_97, %min3A : i32
        %dma_start3A_99 = arith.constant 0 : i32
        %dma_start3A_100 = tpu.memref_slice %arg8[%min3A_98, %dma_start3A_99] : memref<40x128xi32, #tpu.memory_space<vmem>> -> memref<1x128xi32, #tpu.memory_space<vmem>>
        %dma_start3A_101 = tpu.memref_squeeze %dma_start3A_100 : memref<1x128xi32, #tpu.memory_space<vmem>> -> memref<128xi32, #tpu.memory_space<vmem>>
        %dma_start3A_102 = arith.constant 0 : i32
        %dma_start3A_103 = arith.constant 0 : i32
        %dma_start3A_104 = tpu.memref_slice %arg3[%dma_start3A_102, %dma_start3A_103] : memref<10000x128xf32, #tpu.memory_space<hbm>> -> memref<10000x128xf32, #tpu.memory_space<hbm>>
        tpu.enqueue_indirect_dma source(%dma_start3A_104 : memref<10000x128xf32, #tpu.memory_space<hbm>>) target(%arg10 : memref<128x128xf32, #tpu.memory_space<vmem>>) offsets(%dma_start3A_101 : memref<128xi32, #tpu.memory_space<vmem>>) semaphore(%arg13 : memref<!tpu.dma_semaphore, #tpu.memory_space<semaphore_mem>>)
        %add3A_105 = arith.constant 1 : i32
        %add3A_106 = arith.addi %mul3A_81, %add3A_105 : i32
        %dma_wait3A_107 = arith.constant 0 : i32
        %dma_wait3A_108 = tpu.memref_slice %arg8[%add3A_106, %dma_wait3A_107] : memref<40x128xi32, #tpu.memory_space<vmem>> -> memref<1x128xi32, #tpu.memory_space<vmem>>
        %dma_wait3A_109 = tpu.memref_squeeze %dma_wait3A_108 : memref<1x128xi32, #tpu.memory_space<vmem>> -> memref<128xi32, #tpu.memory_space<vmem>>
        %dma_wait3A_110 = arith.constant 0 : i32
        %dma_wait3A_111 = arith.constant 0 : i32
        %dma_wait3A_112 = tpu.memref_slice %arg3[%dma_wait3A_110, %dma_wait3A_111] : memref<10000x128xf32, #tpu.memory_space<hbm>> -> memref<10000x128xf32, #tpu.memory_space<hbm>>
        tpu.wait_indirect_dma semaphore(%arg14 : memref<!tpu.dma_semaphore, #tpu.memory_space<semaphore_mem>>) src(%dma_wait3A_112 : memref<10000x128xf32, #tpu.memory_space<hbm>>) dst(%arg11 : memref<128x128xf32, #tpu.memory_space<vmem>>)
        %add3A_113 = arith.constant 1 : i32
        %add3A_114 = arith.addi %mul3A_81, %add3A_113 : i32
        "tpu.region"() ({
          %run_scoped3A = tpu.sem_alloc : memref<!tpu.dma_semaphore, #tpu.memory_space<semaphore_mem>>
          %dma_start3A_115 = arith.constant 0 : i32
          %dma_start3A_116 = tpu.memref_slice %arg9[%add3A_114, %dma_start3A_115] : memref<40x128xi32, #tpu.memory_space<vmem>> -> memref<1x128xi32, #tpu.memory_space<vmem>>
          %dma_start3A_117 = tpu.memref_squeeze %dma_start3A_116 : memref<1x128xi32, #tpu.memory_space<vmem>> -> memref<128xi32, #tpu.memory_space<vmem>>
          %dma_start3A_118 = arith.constant 0 : i32
          %dma_start3A_119 = arith.constant 0 : i32
          %dma_start3A_120 = tpu.memref_slice %arg12[%dma_start3A_118, %dma_start3A_119] : memref<10112x128xf32, #tpu.memory_space<vmem_shared>> -> memref<10112x128xf32, #tpu.memory_space<vmem_shared>>
          tpu.enqueue_indirect_dma source(%arg11 : memref<128x128xf32, #tpu.memory_space<vmem>>) target(%dma_start3A_120 : memref<10112x128xf32, #tpu.memory_space<vmem_shared>>) offsets(%dma_start3A_117 : memref<128xi32, #tpu.memory_space<vmem>>) semaphore(%run_scoped3A : memref<!tpu.dma_semaphore, #tpu.memory_space<semaphore_mem>>) {add = true}
          %dma_wait3A_121 = arith.constant 0 : i32
          %dma_wait3A_122 = tpu.memref_slice %arg9[%add3A_114, %dma_wait3A_121] : memref<40x128xi32, #tpu.memory_space<vmem>> -> memref<1x128xi32, #tpu.memory_space<vmem>>
          %dma_wait3A_123 = tpu.memref_squeeze %dma_wait3A_122 : memref<1x128xi32, #tpu.memory_space<vmem>> -> memref<128xi32, #tpu.memory_space<vmem>>
          %dma_wait3A_124 = arith.constant 0 : i32
          %dma_wait3A_125 = arith.constant 0 : i32
          %dma_wait3A_126 = tpu.memref_slice %arg12[%dma_wait3A_124, %dma_wait3A_125] : memref<10112x128xf32, #tpu.memory_space<vmem_shared>> -> memref<10112x128xf32, #tpu.memory_space<vmem_shared>>
          tpu.wait_indirect_dma semaphore(%run_scoped3A : memref<!tpu.dma_semaphore, #tpu.memory_space<semaphore_mem>>) src(%arg11 : memref<128x128xf32, #tpu.memory_space<vmem>>) dst(%dma_wait3A_126 : memref<10112x128xf32, #tpu.memory_space<vmem_shared>>)
          tpu.yield
        }) : () -> ()
      }
      %scan3A_59 = arith.constant 20 : i32
      %dma_wait3A_60 = arith.constant 38 : i32
      %dma_wait3A_61 = arith.constant 0 : i32
      %dma_wait3A_62 = tpu.memref_slice %arg8[%dma_wait3A_60, %dma_wait3A_61] : memref<40x128xi32, #tpu.memory_space<vmem>> -> memref<1x128xi32, #tpu.memory_space<vmem>>
      %dma_wait3A_63 = tpu.memref_squeeze %dma_wait3A_62 : memref<1x128xi32, #tpu.memory_space<vmem>> -> memref<128xi32, #tpu.memory_space<vmem>>
      %dma_wait3A_64 = arith.constant 0 : i32
      %dma_wait3A_65 = arith.constant 0 : i32
      %dma_wait3A_66 = tpu.memref_slice %arg3[%dma_wait3A_64, %dma_wait3A_65] : memref<10000x128xf32, #tpu.memory_space<hbm>> -> memref<10000x128xf32, #tpu.memory_space<hbm>>
      tpu.wait_indirect_dma semaphore(%arg13 : memref<!tpu.dma_semaphore, #tpu.memory_space<semaphore_mem>>) src(%dma_wait3A_66 : memref<10000x128xf32, #tpu.memory_space<hbm>>) dst(%arg10 : memref<128x128xf32, #tpu.memory_space<vmem>>)
      %barrier3A_67 = arith.constant 0 : index
      tpu.barrier barrier_id(%barrier3A_67)
      %lt3A_68 = arith.constant 15 : i32
      %lt3A_69 = arith.cmpi slt, %arg1, %lt3A_68 : i32
      %convert_element_type3A_70 = arith.extui %lt3A_69 : i1 to i32
      %cond3A_71 = arith.constant 0 : i32
      %cond3A_72 = arith.cmpi ne, %convert_element_type3A_70, %cond3A_71 : i32
      scf.if %cond3A_72 {
        %mul3A_79 = arith.constant 632 : i32
        %mul3A_80 = arith.muli %arg1, %mul3A_79 : i32
        %mul3A_81 = arith.constant 632 : i32
        %mul3A_82 = arith.muli %arg1, %mul3A_81 : i32
        "tpu.region"() ({
          %run_scoped3A = tpu.sem_alloc : memref<!tpu.dma_semaphore, #tpu.memory_space<semaphore_mem>>
          %dma_start3A_83 = arith.constant 0 : i32
          %dma_start3A_84 = tpu.memref_slice %arg7[%mul3A_82, %dma_start3A_83] : memref<10000x128xf32, #tpu.memory_space<hbm>> -> memref<632x128xf32, #tpu.memory_space<hbm>>
          %dma_start3A_85 = arith.constant 0 : i32
          %dma_start3A_86 = tpu.memref_slice %arg12[%mul3A_80, %dma_start3A_85] : memref<10112x128xf32, #tpu.memory_space<vmem_shared>> -> memref<632x128xf32, #tpu.memory_space<vmem_shared>>
          tpu.enqueue_dma source(%dma_start3A_86 : memref<632x128xf32, #tpu.memory_space<vmem_shared>>) target(%dma_start3A_84 : memref<632x128xf32, #tpu.memory_space<hbm>>) target_semaphore(%run_scoped3A : memref<!tpu.dma_semaphore, #tpu.memory_space<semaphore_mem>>)
          %dma_wait3A_87 = arith.constant 0 : i32
          %dma_wait3A_88 = tpu.memref_slice %arg7[%mul3A_82, %dma_wait3A_87] : memref<10000x128xf32, #tpu.memory_space<hbm>> -> memref<632x128xf32, #tpu.memory_space<hbm>>
          %dma_wait3A_89 = arith.constant 0 : i32
          %dma_wait3A_90 = tpu.memref_slice %arg12[%mul3A_80, %dma_wait3A_89] : memref<10112x128xf32, #tpu.memory_space<vmem_shared>> -> memref<632x128xf32, #tpu.memory_space<vmem_shared>>
          tpu.wait_dma2 semaphore(%run_scoped3A : memref<!tpu.dma_semaphore, #tpu.memory_space<semaphore_mem>>) src(%dma_wait3A_90 : memref<632x128xf32, #tpu.memory_space<vmem_shared>>) dst(%dma_wait3A_88 : memref<632x128xf32, #tpu.memory_space<hbm>>)
          tpu.yield
        }) : () -> ()
      } else {
      }
      %eq3A_73 = arith.constant 15 : i32
      %eq3A_74 = arith.cmpi eq, %arg1, %eq3A_73 : i32
      %convert_element_type3A_75 = arith.extui %eq3A_74 : i1 to i32
      %cond3A_76 = arith.constant 0 : i32
      %cond3A_77 = arith.cmpi ne, %convert_element_type3A_75, %cond3A_76 : i32
      scf.if %cond3A_77 {
        "tpu.region"() ({
          %run_scoped3A = tpu.sem_alloc : memref<!tpu.dma_semaphore, #tpu.memory_space<semaphore_mem>>
          %dma_start3A_79 = arith.constant 9480 : i32
          %dma_start3A_80 = arith.constant 0 : i32
          %dma_start3A_81 = tpu.memref_slice %arg7[%dma_start3A_79, %dma_start3A_80] : memref<10000x128xf32, #tpu.memory_space<hbm>> -> memref<520x128xf32, #tpu.memory_space<hbm>>
          %dma_start3A_82 = arith.constant 9480 : i32
          %dma_start3A_83 = arith.constant 0 : i32
          %dma_start3A_84 = tpu.memref_slice %arg12[%dma_start3A_82, %dma_start3A_83] : memref<10112x128xf32, #tpu.memory_space<vmem_shared>> -> memref<520x128xf32, #tpu.memory_space<vmem_shared>>
          tpu.enqueue_dma source(%dma_start3A_84 : memref<520x128xf32, #tpu.memory_space<vmem_shared>>) target(%dma_start3A_81 : memref<520x128xf32, #tpu.memory_space<hbm>>) target_semaphore(%run_scoped3A : memref<!tpu.dma_semaphore, #tpu.memory_space<semaphore_mem>>)
          %dma_wait3A_85 = arith.constant 9480 : i32
          %dma_wait3A_86 = arith.constant 0 : i32
          %dma_wait3A_87 = tpu.memref_slice %arg7[%dma_wait3A_85, %dma_wait3A_86] : memref<10000x128xf32, #tpu.memory_space<hbm>> -> memref<520x128xf32, #tpu.memory_space<hbm>>
          %dma_wait3A_88 = arith.constant 9480 : i32
          %dma_wait3A_89 = arith.constant 0 : i32
          %dma_wait3A_90 = tpu.memref_slice %arg12[%dma_wait3A_88, %dma_wait3A_89] : memref<10112x128xf32, #tpu.memory_space<vmem_shared>> -> memref<520x128xf32, #tpu.memory_space<vmem_shared>>
          tpu.wait_dma2 semaphore(%run_scoped3A : memref<!tpu.dma_semaphore, #tpu.memory_space<semaphore_mem>>) src(%dma_wait3A_90 : memref<520x128xf32, #tpu.memory_space<vmem_shared>>) dst(%dma_wait3A_87 : memref<520x128xf32, #tpu.memory_space<hbm>>)
          tpu.yield
        }) : () -> ()
      } else {
      }
      %barrier3A_78 = arith.constant 0 : index
      tpu.barrier barrier_id(%barrier3A_78)
    } else {
    }
    return
  }
}

#map = affine_map<(d0, d1) -> (0, 0)>
module attributes {stable_mosaic.version = 14 : i64} {
  func.func @deg_kernel(%arg0: i32, %arg1: i32, %arg2: memref<1280x128xi32, #tpu.memory_space<hbm>>, %arg3: memref<128x128xf32, #tpu.memory_space<hbm>>, %arg4: memref<10112x128xf32, #tpu.memory_space<hbm>>, %arg5: memref<20224x128xf32, #tpu.memory_space<hbm>>, %arg6: memref<40x128xi32, #tpu.memory_space<vmem>>, %arg7: memref<128x128xf32, #tpu.memory_space<vmem>>, %arg8: memref<10112x128xf32, #tpu.memory_space<vmem_shared>>, %arg9: memref<!tpu.dma_semaphore, #tpu.memory_space<semaphore_mem>>) attributes {dimension_semantics = [#tpu.dimension_semantics<core_parallel>, #tpu.dimension_semantics<subcore_parallel>], iteration_bounds = array<i64: 2, 16>, scalar_prefetch = 0 : i64, scratch_operands = 4 : i64, tpu.core_type = #tpu.core_type<sc_vector_subcore>, window_params = [{transform_indices = #map}, {transform_indices = #map}, {transform_indices = #map}, {transform_indices = #map}]} {
    %mul3A = arith.constant 2 : i32
    %mul3A_0 = arith.muli %arg1, %mul3A : i32
    %add3A = arith.addi %mul3A_0, %arg0 : i32
    %mul3A_1 = arith.constant 40 : i32
    %mul3A_2 = arith.muli %add3A, %mul3A_1 : i32
    "tpu.region"() ({
      %run_scoped3A = tpu.sem_alloc : memref<!tpu.dma_semaphore, #tpu.memory_space<semaphore_mem>>
      %dma_start3A = arith.constant 0 : i32
      %dma_start3A_26 = tpu.memref_slice %arg2[%mul3A_2, %dma_start3A] : memref<1280x128xi32, #tpu.memory_space<hbm>> -> memref<40x128xi32, #tpu.memory_space<hbm>>
      %dma_start3A_27 = arith.constant 0 : i32
      %dma_start3A_28 = tpu.memref_slice %arg2[%mul3A_2, %dma_start3A_27] : memref<1280x128xi32, #tpu.memory_space<hbm>> -> memref<40x128xi32, #tpu.memory_space<hbm>>
      tpu.enqueue_dma source(%dma_start3A_28 : memref<40x128xi32, #tpu.memory_space<hbm>>) target(%arg6 : memref<40x128xi32, #tpu.memory_space<vmem>>) target_semaphore(%run_scoped3A : memref<!tpu.dma_semaphore, #tpu.memory_space<semaphore_mem>>)
      %dma_wait3A = arith.constant 0 : i32
      %dma_wait3A_29 = tpu.memref_slice %arg2[%mul3A_2, %dma_wait3A] : memref<1280x128xi32, #tpu.memory_space<hbm>> -> memref<40x128xi32, #tpu.memory_space<hbm>>
      %dma_wait3A_30 = arith.constant 0 : i32
      %dma_wait3A_31 = tpu.memref_slice %arg2[%mul3A_2, %dma_wait3A_30] : memref<1280x128xi32, #tpu.memory_space<hbm>> -> memref<40x128xi32, #tpu.memory_space<hbm>>
      tpu.wait_dma2 semaphore(%run_scoped3A : memref<!tpu.dma_semaphore, #tpu.memory_space<semaphore_mem>>) src(%dma_wait3A_31 : memref<40x128xi32, #tpu.memory_space<hbm>>) dst(%arg6 : memref<40x128xi32, #tpu.memory_space<vmem>>)
      tpu.yield
    }) : () -> ()
    "tpu.region"() ({
      %run_scoped3A = tpu.sem_alloc : memref<!tpu.dma_semaphore, #tpu.memory_space<semaphore_mem>>
      tpu.enqueue_dma source(%arg3 : memref<128x128xf32, #tpu.memory_space<hbm>>) target(%arg7 : memref<128x128xf32, #tpu.memory_space<vmem>>) target_semaphore(%run_scoped3A : memref<!tpu.dma_semaphore, #tpu.memory_space<semaphore_mem>>)
      tpu.wait_dma2 semaphore(%run_scoped3A : memref<!tpu.dma_semaphore, #tpu.memory_space<semaphore_mem>>) src(%arg3 : memref<128x128xf32, #tpu.memory_space<hbm>>) dst(%arg7 : memref<128x128xf32, #tpu.memory_space<vmem>>)
      tpu.yield
    }) : () -> ()
    %mul3A_3 = arith.constant 632 : i32
    %mul3A_4 = arith.muli %arg1, %mul3A_3 : i32
    %mul3A_5 = arith.constant 632 : i32
    %mul3A_6 = arith.muli %arg1, %mul3A_5 : i32
    "tpu.region"() ({
      %run_scoped3A = tpu.sem_alloc : memref<!tpu.dma_semaphore, #tpu.memory_space<semaphore_mem>>
      %dma_start3A = arith.constant 0 : i32
      %dma_start3A_26 = tpu.memref_slice %arg8[%mul3A_6, %dma_start3A] : memref<10112x128xf32, #tpu.memory_space<vmem_shared>> -> memref<632x128xf32, #tpu.memory_space<vmem_shared>>
      %dma_start3A_27 = arith.constant 0 : i32
      %dma_start3A_28 = tpu.memref_slice %arg4[%mul3A_4, %dma_start3A_27] : memref<10112x128xf32, #tpu.memory_space<hbm>> -> memref<632x128xf32, #tpu.memory_space<hbm>>
      tpu.enqueue_dma source(%dma_start3A_28 : memref<632x128xf32, #tpu.memory_space<hbm>>) target(%dma_start3A_26 : memref<632x128xf32, #tpu.memory_space<vmem_shared>>) target_semaphore(%run_scoped3A : memref<!tpu.dma_semaphore, #tpu.memory_space<semaphore_mem>>)
      %dma_wait3A = arith.constant 0 : i32
      %dma_wait3A_29 = tpu.memref_slice %arg8[%mul3A_6, %dma_wait3A] : memref<10112x128xf32, #tpu.memory_space<vmem_shared>> -> memref<632x128xf32, #tpu.memory_space<vmem_shared>>
      %dma_wait3A_30 = arith.constant 0 : i32
      %dma_wait3A_31 = tpu.memref_slice %arg4[%mul3A_4, %dma_wait3A_30] : memref<10112x128xf32, #tpu.memory_space<hbm>> -> memref<632x128xf32, #tpu.memory_space<hbm>>
      tpu.wait_dma2 semaphore(%run_scoped3A : memref<!tpu.dma_semaphore, #tpu.memory_space<semaphore_mem>>) src(%dma_wait3A_31 : memref<632x128xf32, #tpu.memory_space<hbm>>) dst(%dma_wait3A_29 : memref<632x128xf32, #tpu.memory_space<vmem_shared>>)
      tpu.yield
    }) : () -> ()
    %barrier3A = arith.constant 0 : index
    tpu.barrier barrier_id(%barrier3A)
    %scan3A = arith.constant 0 : i32
    %scan3A_7 = arith.constant 0 : i32
    %scan3A_8 = arith.constant 40 : i32
    %scan3A_9 = arith.addi %scan3A_7, %scan3A_8 : i32
    %scan3A_10 = arith.constant 1 : i32
    scf.for %scan3A_26 = %scan3A_7 to %scan3A_9 step %scan3A_10  : i32 {
      %dma_start3A = arith.constant 0 : i32
      %dma_start3A_27 = tpu.memref_slice %arg6[%scan3A_26, %dma_start3A] : memref<40x128xi32, #tpu.memory_space<vmem>> -> memref<1x128xi32, #tpu.memory_space<vmem>>
      %dma_start3A_28 = tpu.memref_squeeze %dma_start3A_27 : memref<1x128xi32, #tpu.memory_space<vmem>> -> memref<128xi32, #tpu.memory_space<vmem>>
      %dma_start3A_29 = arith.constant 0 : i32
      %dma_start3A_30 = arith.constant 0 : i32
      %dma_start3A_31 = tpu.memref_slice %arg8[%dma_start3A_29, %dma_start3A_30] : memref<10112x128xf32, #tpu.memory_space<vmem_shared>> -> memref<10112x128xf32, #tpu.memory_space<vmem_shared>>
      tpu.enqueue_indirect_dma source(%arg7 : memref<128x128xf32, #tpu.memory_space<vmem>>) target(%dma_start3A_31 : memref<10112x128xf32, #tpu.memory_space<vmem_shared>>) offsets(%dma_start3A_28 : memref<128xi32, #tpu.memory_space<vmem>>) semaphore(%arg9 : memref<!tpu.dma_semaphore, #tpu.memory_space<semaphore_mem>>) {add = true}
    }
    %scan3A_11 = arith.constant 40 : i32
    %scan3A_12 = arith.constant 0 : i32
    %scan3A_13 = arith.constant 0 : i32
    %scan3A_14 = arith.constant 40 : i32
    %scan3A_15 = arith.addi %scan3A_13, %scan3A_14 : i32
    %scan3A_16 = arith.constant 1 : i32
    scf.for %scan3A_26 = %scan3A_13 to %scan3A_15 step %scan3A_16  : i32 {
      %dma_wait3A = arith.constant 0 : i32
      %dma_wait3A_27 = tpu.memref_slice %arg6[%scan3A_26, %dma_wait3A] : memref<40x128xi32, #tpu.memory_space<vmem>> -> memref<1x128xi32, #tpu.memory_space<vmem>>
      %dma_wait3A_28 = tpu.memref_squeeze %dma_wait3A_27 : memref<1x128xi32, #tpu.memory_space<vmem>> -> memref<128xi32, #tpu.memory_space<vmem>>
      %dma_wait3A_29 = arith.constant 0 : i32
      %dma_wait3A_30 = arith.constant 0 : i32
      %dma_wait3A_31 = tpu.memref_slice %arg8[%dma_wait3A_29, %dma_wait3A_30] : memref<10112x128xf32, #tpu.memory_space<vmem_shared>> -> memref<10112x128xf32, #tpu.memory_space<vmem_shared>>
      tpu.wait_indirect_dma semaphore(%arg9 : memref<!tpu.dma_semaphore, #tpu.memory_space<semaphore_mem>>) src(%arg7 : memref<128x128xf32, #tpu.memory_space<vmem>>) dst(%dma_wait3A_31 : memref<10112x128xf32, #tpu.memory_space<vmem_shared>>)
    }
    %scan3A_17 = arith.constant 40 : i32
    %barrier3A_18 = arith.constant 0 : index
    tpu.barrier barrier_id(%barrier3A_18)
    %mul3A_19 = arith.constant 632 : i32
    %mul3A_20 = arith.muli %arg1, %mul3A_19 : i32
    %mul3A_21 = arith.constant 10112 : i32
    %mul3A_22 = arith.muli %arg0, %mul3A_21 : i32
    %mul3A_23 = arith.constant 632 : i32
    %mul3A_24 = arith.muli %arg1, %mul3A_23 : i32
    %add3A_25 = arith.addi %mul3A_22, %mul3A_24 : i32
    "tpu.region"() ({
      %run_scoped3A = tpu.sem_alloc : memref<!tpu.dma_semaphore, #tpu.memory_space<semaphore_mem>>
      %dma_start3A = arith.constant 0 : i32
      %dma_start3A_26 = tpu.memref_slice %arg5[%add3A_25, %dma_start3A] : memref<20224x128xf32, #tpu.memory_space<hbm>> -> memref<632x128xf32, #tpu.memory_space<hbm>>
      %dma_start3A_27 = arith.constant 0 : i32
      %dma_start3A_28 = tpu.memref_slice %arg8[%mul3A_20, %dma_start3A_27] : memref<10112x128xf32, #tpu.memory_space<vmem_shared>> -> memref<632x128xf32, #tpu.memory_space<vmem_shared>>
      tpu.enqueue_dma source(%dma_start3A_28 : memref<632x128xf32, #tpu.memory_space<vmem_shared>>) target(%dma_start3A_26 : memref<632x128xf32, #tpu.memory_space<hbm>>) target_semaphore(%run_scoped3A : memref<!tpu.dma_semaphore, #tpu.memory_space<semaphore_mem>>)
      %dma_wait3A = arith.constant 0 : i32
      %dma_wait3A_29 = tpu.memref_slice %arg5[%add3A_25, %dma_wait3A] : memref<20224x128xf32, #tpu.memory_space<hbm>> -> memref<632x128xf32, #tpu.memory_space<hbm>>
      %dma_wait3A_30 = arith.constant 0 : i32
      %dma_wait3A_31 = tpu.memref_slice %arg8[%mul3A_20, %dma_wait3A_30] : memref<10112x128xf32, #tpu.memory_space<vmem_shared>> -> memref<632x128xf32, #tpu.memory_space<vmem_shared>>
      tpu.wait_dma2 semaphore(%run_scoped3A : memref<!tpu.dma_semaphore, #tpu.memory_space<semaphore_mem>>) src(%dma_wait3A_31 : memref<632x128xf32, #tpu.memory_space<vmem_shared>>) dst(%dma_wait3A_29 : memref<632x128xf32, #tpu.memory_space<hbm>>)
      tpu.yield
    }) : () -> ()
    return
  }
}

#map = affine_map<(d0, d1) -> (0, 0)>
module attributes {stable_mosaic.version = 14 : i64} {
  func.func @prop(%arg0: i32, %arg1: i32, %arg2: memref<10000x128xf32, #tpu.memory_space<hbm>>, %arg3: memref<10000x128xf32, #tpu.memory_space<hbm>>, %arg4: memref<10000x128xf32, #tpu.memory_space<hbm>>, %arg5: memref<10000x128xf32, #tpu.memory_space<hbm>>, %arg6: memref<1280x128xi32, #tpu.memory_space<hbm>>, %arg7: memref<1280x128xi32, #tpu.memory_space<hbm>>, %arg8: memref<10000x128xf32, #tpu.memory_space<hbm>>, %arg9: memref<10000x128xf32, #tpu.memory_space<hbm>>, %arg10: memref<10000x128xf32, #tpu.memory_space<hbm>>, %arg11: memref<10000x128xf32, #tpu.memory_space<hbm>>, %arg12: memref<40x128xi32, #tpu.memory_space<vmem>>, %arg13: memref<40x128xi32, #tpu.memory_space<vmem>>, %arg14: memref<128x128xf32, #tpu.memory_space<vmem>>, %arg15: memref<128x128xf32, #tpu.memory_space<vmem>>, %arg16: memref<10112x128xf32, #tpu.memory_space<vmem_shared>>, %arg17: memref<!tpu.dma_semaphore, #tpu.memory_space<semaphore_mem>>, %arg18: memref<!tpu.dma_semaphore, #tpu.memory_space<semaphore_mem>>, %arg19: memref<!tpu.dma_semaphore, #tpu.memory_space<semaphore_mem>>, %arg20: memref<!tpu.dma_semaphore, #tpu.memory_space<semaphore_mem>>) attributes {dimension_semantics = [#tpu.dimension_semantics<core_parallel>, #tpu.dimension_semantics<subcore_parallel>], iteration_bounds = array<i64: 2, 16>, scalar_prefetch = 0 : i64, scratch_operands = 9 : i64, tpu.core_type = #tpu.core_type<sc_vector_subcore>, window_params = [{transform_indices = #map}, {transform_indices = #map}, {transform_indices = #map}, {transform_indices = #map}, {transform_indices = #map}, {transform_indices = #map}, {transform_indices = #map}, {transform_indices = #map}, {transform_indices = #map}, {transform_indices = #map}]} {
    %eq3A = arith.constant 0 : i32
    %eq3A_0 = arith.cmpi eq, %arg0, %eq3A : i32
    %convert_element_type3A = arith.extui %eq3A_0 : i1 to i32
    %cond3A = arith.constant 0 : i32
    %cond3A_1 = arith.cmpi ne, %convert_element_type3A, %cond3A : i32
    scf.if %cond3A_1 {
      %lt3A = arith.constant 15 : i32
      %lt3A_17 = arith.cmpi slt, %arg1, %lt3A : i32
      %convert_element_type3A_18 = arith.extui %lt3A_17 : i1 to i32
      %cond3A_19 = arith.constant 0 : i32
      %cond3A_20 = arith.cmpi ne, %convert_element_type3A_18, %cond3A_19 : i32
      scf.if %cond3A_20 {
        %mul3A_89 = arith.constant 632 : i32
        %mul3A_90 = arith.muli %arg1, %mul3A_89 : i32
        %mul3A_91 = arith.constant 632 : i32
        %mul3A_92 = arith.muli %arg1, %mul3A_91 : i32
        "tpu.region"() ({
          %run_scoped3A = tpu.sem_alloc : memref<!tpu.dma_semaphore, #tpu.memory_space<semaphore_mem>>
          %dma_start3A_93 = arith.constant 0 : i32
          %dma_start3A_94 = tpu.memref_slice %arg16[%mul3A_92, %dma_start3A_93] : memref<10112x128xf32, #tpu.memory_space<vmem_shared>> -> memref<632x128xf32, #tpu.memory_space<vmem_shared>>
          %dma_start3A_95 = arith.constant 0 : i32
          %dma_start3A_96 = tpu.memref_slice %arg2[%mul3A_90, %dma_start3A_95] : memref<10000x128xf32, #tpu.memory_space<hbm>> -> memref<632x128xf32, #tpu.memory_space<hbm>>
          tpu.enqueue_dma source(%dma_start3A_96 : memref<632x128xf32, #tpu.memory_space<hbm>>) target(%dma_start3A_94 : memref<632x128xf32, #tpu.memory_space<vmem_shared>>) target_semaphore(%run_scoped3A : memref<!tpu.dma_semaphore, #tpu.memory_space<semaphore_mem>>)
          %dma_wait3A_97 = arith.constant 0 : i32
          %dma_wait3A_98 = tpu.memref_slice %arg16[%mul3A_92, %dma_wait3A_97] : memref<10112x128xf32, #tpu.memory_space<vmem_shared>> -> memref<632x128xf32, #tpu.memory_space<vmem_shared>>
          %dma_wait3A_99 = arith.constant 0 : i32
          %dma_wait3A_100 = tpu.memref_slice %arg2[%mul3A_90, %dma_wait3A_99] : memref<10000x128xf32, #tpu.memory_space<hbm>> -> memref<632x128xf32, #tpu.memory_space<hbm>>
          tpu.wait_dma2 semaphore(%run_scoped3A : memref<!tpu.dma_semaphore, #tpu.memory_space<semaphore_mem>>) src(%dma_wait3A_100 : memref<632x128xf32, #tpu.memory_space<hbm>>) dst(%dma_wait3A_98 : memref<632x128xf32, #tpu.memory_space<vmem_shared>>)
          tpu.yield
        }) : () -> ()
      } else {
      }
      %eq3A_21 = arith.constant 15 : i32
      %eq3A_22 = arith.cmpi eq, %arg1, %eq3A_21 : i32
      %convert_element_type3A_23 = arith.extui %eq3A_22 : i1 to i32
      %cond3A_24 = arith.constant 0 : i32
      %cond3A_25 = arith.cmpi ne, %convert_element_type3A_23, %cond3A_24 : i32
      scf.if %cond3A_25 {
        "tpu.region"() ({
          %run_scoped3A = tpu.sem_alloc : memref<!tpu.dma_semaphore, #tpu.memory_space<semaphore_mem>>
          %dma_start3A_89 = arith.constant 9480 : i32
          %dma_start3A_90 = arith.constant 0 : i32
          %dma_start3A_91 = tpu.memref_slice %arg16[%dma_start3A_89, %dma_start3A_90] : memref<10112x128xf32, #tpu.memory_space<vmem_shared>> -> memref<520x128xf32, #tpu.memory_space<vmem_shared>>
          %dma_start3A_92 = arith.constant 9480 : i32
          %dma_start3A_93 = arith.constant 0 : i32
          %dma_start3A_94 = tpu.memref_slice %arg2[%dma_start3A_92, %dma_start3A_93] : memref<10000x128xf32, #tpu.memory_space<hbm>> -> memref<520x128xf32, #tpu.memory_space<hbm>>
          tpu.enqueue_dma source(%dma_start3A_94 : memref<520x128xf32, #tpu.memory_space<hbm>>) target(%dma_start3A_91 : memref<520x128xf32, #tpu.memory_space<vmem_shared>>) target_semaphore(%run_scoped3A : memref<!tpu.dma_semaphore, #tpu.memory_space<semaphore_mem>>)
          %dma_wait3A_95 = arith.constant 9480 : i32
          %dma_wait3A_96 = arith.constant 0 : i32
          %dma_wait3A_97 = tpu.memref_slice %arg16[%dma_wait3A_95, %dma_wait3A_96] : memref<10112x128xf32, #tpu.memory_space<vmem_shared>> -> memref<520x128xf32, #tpu.memory_space<vmem_shared>>
          %dma_wait3A_98 = arith.constant 9480 : i32
          %dma_wait3A_99 = arith.constant 0 : i32
          %dma_wait3A_100 = tpu.memref_slice %arg2[%dma_wait3A_98, %dma_wait3A_99] : memref<10000x128xf32, #tpu.memory_space<hbm>> -> memref<520x128xf32, #tpu.memory_space<hbm>>
          tpu.wait_dma2 semaphore(%run_scoped3A : memref<!tpu.dma_semaphore, #tpu.memory_space<semaphore_mem>>) src(%dma_wait3A_100 : memref<520x128xf32, #tpu.memory_space<hbm>>) dst(%dma_wait3A_97 : memref<520x128xf32, #tpu.memory_space<vmem_shared>>)
          tpu.yield
        }) : () -> ()
      } else {
      }
      %barrier3A = arith.constant 0 : index
      tpu.barrier barrier_id(%barrier3A)
      %mul3A = arith.constant 80 : i32
      %mul3A_26 = arith.muli %arg1, %mul3A : i32
      %add3A = arith.constant 0 : i32
      %add3A_27 = arith.addi %mul3A_26, %add3A : i32
      "tpu.region"() ({
        %run_scoped3A = tpu.sem_alloc : memref<!tpu.dma_semaphore, #tpu.memory_space<semaphore_mem>>
        %dma_start3A_89 = arith.constant 0 : i32
        %dma_start3A_90 = tpu.memref_slice %arg6[%add3A_27, %dma_start3A_89] : memref<1280x128xi32, #tpu.memory_space<hbm>> -> memref<40x128xi32, #tpu.memory_space<hbm>>
        %dma_start3A_91 = arith.constant 0 : i32
        %dma_start3A_92 = tpu.memref_slice %arg6[%add3A_27, %dma_start3A_91] : memref<1280x128xi32, #tpu.memory_space<hbm>> -> memref<40x128xi32, #tpu.memory_space<hbm>>
        tpu.enqueue_dma source(%dma_start3A_92 : memref<40x128xi32, #tpu.memory_space<hbm>>) target(%arg12 : memref<40x128xi32, #tpu.memory_space<vmem>>) target_semaphore(%run_scoped3A : memref<!tpu.dma_semaphore, #tpu.memory_space<semaphore_mem>>)
        %dma_wait3A_93 = arith.constant 0 : i32
        %dma_wait3A_94 = tpu.memref_slice %arg6[%add3A_27, %dma_wait3A_93] : memref<1280x128xi32, #tpu.memory_space<hbm>> -> memref<40x128xi32, #tpu.memory_space<hbm>>
        %dma_wait3A_95 = arith.constant 0 : i32
        %dma_wait3A_96 = tpu.memref_slice %arg6[%add3A_27, %dma_wait3A_95] : memref<1280x128xi32, #tpu.memory_space<hbm>> -> memref<40x128xi32, #tpu.memory_space<hbm>>
        tpu.wait_dma2 semaphore(%run_scoped3A : memref<!tpu.dma_semaphore, #tpu.memory_space<semaphore_mem>>) src(%dma_wait3A_96 : memref<40x128xi32, #tpu.memory_space<hbm>>) dst(%arg12 : memref<40x128xi32, #tpu.memory_space<vmem>>)
        tpu.yield
      }) : () -> ()
      %mul3A_28 = arith.constant 80 : i32
      %mul3A_29 = arith.muli %arg1, %mul3A_28 : i32
      %add3A_30 = arith.constant 0 : i32
      %add3A_31 = arith.addi %mul3A_29, %add3A_30 : i32
      "tpu.region"() ({
        %run_scoped3A = tpu.sem_alloc : memref<!tpu.dma_semaphore, #tpu.memory_space<semaphore_mem>>
        %dma_start3A_89 = arith.constant 0 : i32
        %dma_start3A_90 = tpu.memref_slice %arg7[%add3A_31, %dma_start3A_89] : memref<1280x128xi32, #tpu.memory_space<hbm>> -> memref<40x128xi32, #tpu.memory_space<hbm>>
        %dma_start3A_91 = arith.constant 0 : i32
        %dma_start3A_92 = tpu.memref_slice %arg7[%add3A_31, %dma_start3A_91] : memref<1280x128xi32, #tpu.memory_space<hbm>> -> memref<40x128xi32, #tpu.memory_space<hbm>>
        tpu.enqueue_dma source(%dma_start3A_92 : memref<40x128xi32, #tpu.memory_space<hbm>>) target(%arg13 : memref<40x128xi32, #tpu.memory_space<vmem>>) target_semaphore(%run_scoped3A : memref<!tpu.dma_semaphore, #tpu.memory_space<semaphore_mem>>)
        %dma_wait3A_93 = arith.constant 0 : i32
        %dma_wait3A_94 = tpu.memref_slice %arg7[%add3A_31, %dma_wait3A_93] : memref<1280x128xi32, #tpu.memory_space<hbm>> -> memref<40x128xi32, #tpu.memory_space<hbm>>
        %dma_wait3A_95 = arith.constant 0 : i32
        %dma_wait3A_96 = tpu.memref_slice %arg7[%add3A_31, %dma_wait3A_95] : memref<1280x128xi32, #tpu.memory_space<hbm>> -> memref<40x128xi32, #tpu.memory_space<hbm>>
        tpu.wait_dma2 semaphore(%run_scoped3A : memref<!tpu.dma_semaphore, #tpu.memory_space<semaphore_mem>>) src(%dma_wait3A_96 : memref<40x128xi32, #tpu.memory_space<hbm>>) dst(%arg13 : memref<40x128xi32, #tpu.memory_space<vmem>>)
        tpu.yield
      }) : () -> ()
      %dma_start3A = arith.constant 0 : i32
      %dma_start3A_32 = arith.constant 0 : i32
      %dma_start3A_33 = tpu.memref_slice %arg12[%dma_start3A, %dma_start3A_32] : memref<40x128xi32, #tpu.memory_space<vmem>> -> memref<1x128xi32, #tpu.memory_space<vmem>>
      %dma_start3A_34 = tpu.memref_squeeze %dma_start3A_33 : memref<1x128xi32, #tpu.memory_space<vmem>> -> memref<128xi32, #tpu.memory_space<vmem>>
      %dma_start3A_35 = arith.constant 0 : i32
      %dma_start3A_36 = arith.constant 0 : i32
      %dma_start3A_37 = tpu.memref_slice %arg2[%dma_start3A_35, %dma_start3A_36] : memref<10000x128xf32, #tpu.memory_space<hbm>> -> memref<10000x128xf32, #tpu.memory_space<hbm>>
      tpu.enqueue_indirect_dma source(%dma_start3A_37 : memref<10000x128xf32, #tpu.memory_space<hbm>>) target(%arg14 : memref<128x128xf32, #tpu.memory_space<vmem>>) offsets(%dma_start3A_34 : memref<128xi32, #tpu.memory_space<vmem>>) semaphore(%arg17 : memref<!tpu.dma_semaphore, #tpu.memory_space<semaphore_mem>>)
      %scan3A = arith.constant 0 : i32
      %scan3A_38 = arith.constant 0 : i32
      %scan3A_39 = arith.constant 20 : i32
      %scan3A_40 = arith.addi %scan3A_38, %scan3A_39 : i32
      %scan3A_41 = arith.constant 1 : i32
      scf.for %scan3A_89 = %scan3A_38 to %scan3A_40 step %scan3A_41  : i32 {
        %mul3A_90 = arith.constant 2 : i32
        %mul3A_91 = arith.muli %mul3A_90, %scan3A_89 : i32
        %add3A_92 = arith.constant 1 : i32
        %add3A_93 = arith.addi %mul3A_91, %add3A_92 : i32
        %dma_start3A_94 = arith.constant 0 : i32
        %dma_start3A_95 = tpu.memref_slice %arg12[%add3A_93, %dma_start3A_94] : memref<40x128xi32, #tpu.memory_space<vmem>> -> memref<1x128xi32, #tpu.memory_space<vmem>>
        %dma_start3A_96 = tpu.memref_squeeze %dma_start3A_95 : memref<1x128xi32, #tpu.memory_space<vmem>> -> memref<128xi32, #tpu.memory_space<vmem>>
        %dma_start3A_97 = arith.constant 0 : i32
        %dma_start3A_98 = arith.constant 0 : i32
        %dma_start3A_99 = tpu.memref_slice %arg2[%dma_start3A_97, %dma_start3A_98] : memref<10000x128xf32, #tpu.memory_space<hbm>> -> memref<10000x128xf32, #tpu.memory_space<hbm>>
        tpu.enqueue_indirect_dma source(%dma_start3A_99 : memref<10000x128xf32, #tpu.memory_space<hbm>>) target(%arg15 : memref<128x128xf32, #tpu.memory_space<vmem>>) offsets(%dma_start3A_96 : memref<128xi32, #tpu.memory_space<vmem>>) semaphore(%arg18 : memref<!tpu.dma_semaphore, #tpu.memory_space<semaphore_mem>>)
        %dma_wait3A_100 = arith.constant 0 : i32
        %dma_wait3A_101 = tpu.memref_slice %arg12[%mul3A_91, %dma_wait3A_100] : memref<40x128xi32, #tpu.memory_space<vmem>> -> memref<1x128xi32, #tpu.memory_space<vmem>>
        %dma_wait3A_102 = tpu.memref_squeeze %dma_wait3A_101 : memref<1x128xi32, #tpu.memory_space<vmem>> -> memref<128xi32, #tpu.memory_space<vmem>>
        %dma_wait3A_103 = arith.constant 0 : i32
        %dma_wait3A_104 = arith.constant 0 : i32
        %dma_wait3A_105 = tpu.memref_slice %arg2[%dma_wait3A_103, %dma_wait3A_104] : memref<10000x128xf32, #tpu.memory_space<hbm>> -> memref<10000x128xf32, #tpu.memory_space<hbm>>
        tpu.wait_indirect_dma semaphore(%arg17 : memref<!tpu.dma_semaphore, #tpu.memory_space<semaphore_mem>>) src(%dma_wait3A_105 : memref<10000x128xf32, #tpu.memory_space<hbm>>) dst(%arg14 : memref<128x128xf32, #tpu.memory_space<vmem>>)
        "tpu.region"() ({
          %run_scoped3A = tpu.sem_alloc : memref<!tpu.dma_semaphore, #tpu.memory_space<semaphore_mem>>
          %dma_start3A_125 = arith.constant 0 : i32
          %dma_start3A_126 = tpu.memref_slice %arg13[%mul3A_91, %dma_start3A_125] : memref<40x128xi32, #tpu.memory_space<vmem>> -> memref<1x128xi32, #tpu.memory_space<vmem>>
          %dma_start3A_127 = tpu.memref_squeeze %dma_start3A_126 : memref<1x128xi32, #tpu.memory_space<vmem>> -> memref<128xi32, #tpu.memory_space<vmem>>
          %dma_start3A_128 = arith.constant 0 : i32
          %dma_start3A_129 = arith.constant 0 : i32
          %dma_start3A_130 = tpu.memref_slice %arg16[%dma_start3A_128, %dma_start3A_129] : memref<10112x128xf32, #tpu.memory_space<vmem_shared>> -> memref<10112x128xf32, #tpu.memory_space<vmem_shared>>
          tpu.enqueue_indirect_dma source(%arg14 : memref<128x128xf32, #tpu.memory_space<vmem>>) target(%dma_start3A_130 : memref<10112x128xf32, #tpu.memory_space<vmem_shared>>) offsets(%dma_start3A_127 : memref<128xi32, #tpu.memory_space<vmem>>) semaphore(%run_scoped3A : memref<!tpu.dma_semaphore, #tpu.memory_space<semaphore_mem>>) {add = true}
          %dma_wait3A_131 = arith.constant 0 : i32
          %dma_wait3A_132 = tpu.memref_slice %arg13[%mul3A_91, %dma_wait3A_131] : memref<40x128xi32, #tpu.memory_space<vmem>> -> memref<1x128xi32, #tpu.memory_space<vmem>>
          %dma_wait3A_133 = tpu.memref_squeeze %dma_wait3A_132 : memref<1x128xi32, #tpu.memory_space<vmem>> -> memref<128xi32, #tpu.memory_space<vmem>>
          %dma_wait3A_134 = arith.constant 0 : i32
          %dma_wait3A_135 = arith.constant 0 : i32
          %dma_wait3A_136 = tpu.memref_slice %arg16[%dma_wait3A_134, %dma_wait3A_135] : memref<10112x128xf32, #tpu.memory_space<vmem_shared>> -> memref<10112x128xf32, #tpu.memory_space<vmem_shared>>
          tpu.wait_indirect_dma semaphore(%run_scoped3A : memref<!tpu.dma_semaphore, #tpu.memory_space<semaphore_mem>>) src(%arg14 : memref<128x128xf32, #tpu.memory_space<vmem>>) dst(%dma_wait3A_136 : memref<10112x128xf32, #tpu.memory_space<vmem_shared>>)
          tpu.yield
        }) : () -> ()
        %add3A_106 = arith.constant 2 : i32
        %add3A_107 = arith.addi %mul3A_91, %add3A_106 : i32
        %min3A = arith.constant 38 : i32
        %min3A_108 = arith.minsi %add3A_107, %min3A : i32
        %dma_start3A_109 = arith.constant 0 : i32
        %dma_start3A_110 = tpu.memref_slice %arg12[%min3A_108, %dma_start3A_109] : memref<40x128xi32, #tpu.memory_space<vmem>> -> memref<1x128xi32, #tpu.memory_space<vmem>>
        %dma_start3A_111 = tpu.memref_squeeze %dma_start3A_110 : memref<1x128xi32, #tpu.memory_space<vmem>> -> memref<128xi32, #tpu.memory_space<vmem>>
        %dma_start3A_112 = arith.constant 0 : i32
        %dma_start3A_113 = arith.constant 0 : i32
        %dma_start3A_114 = tpu.memref_slice %arg2[%dma_start3A_112, %dma_start3A_113] : memref<10000x128xf32, #tpu.memory_space<hbm>> -> memref<10000x128xf32, #tpu.memory_space<hbm>>
        tpu.enqueue_indirect_dma source(%dma_start3A_114 : memref<10000x128xf32, #tpu.memory_space<hbm>>) target(%arg14 : memref<128x128xf32, #tpu.memory_space<vmem>>) offsets(%dma_start3A_111 : memref<128xi32, #tpu.memory_space<vmem>>) semaphore(%arg17 : memref<!tpu.dma_semaphore, #tpu.memory_space<semaphore_mem>>)
        %add3A_115 = arith.constant 1 : i32
        %add3A_116 = arith.addi %mul3A_91, %add3A_115 : i32
        %dma_wait3A_117 = arith.constant 0 : i32
        %dma_wait3A_118 = tpu.memref_slice %arg12[%add3A_116, %dma_wait3A_117] : memref<40x128xi32, #tpu.memory_space<vmem>> -> memref<1x128xi32, #tpu.memory_space<vmem>>
        %dma_wait3A_119 = tpu.memref_squeeze %dma_wait3A_118 : memref<1x128xi32, #tpu.memory_space<vmem>> -> memref<128xi32, #tpu.memory_space<vmem>>
        %dma_wait3A_120 = arith.constant 0 : i32
        %dma_wait3A_121 = arith.constant 0 : i32
        %dma_wait3A_122 = tpu.memref_slice %arg2[%dma_wait3A_120, %dma_wait3A_121] : memref<10000x128xf32, #tpu.memory_space<hbm>> -> memref<10000x128xf32, #tpu.memory_space<hbm>>
        tpu.wait_indirect_dma semaphore(%arg18 : memref<!tpu.dma_semaphore, #tpu.memory_space<semaphore_mem>>) src(%dma_wait3A_122 : memref<10000x128xf32, #tpu.memory_space<hbm>>) dst(%arg15 : memref<128x128xf32, #tpu.memory_space<vmem>>)
        %add3A_123 = arith.constant 1 : i32
        %add3A_124 = arith.addi %mul3A_91, %add3A_123 : i32
        "tpu.region"() ({
          %run_scoped3A = tpu.sem_alloc : memref<!tpu.dma_semaphore, #tpu.memory_space<semaphore_mem>>
          %dma_start3A_125 = arith.constant 0 : i32
          %dma_start3A_126 = tpu.memref_slice %arg13[%add3A_124, %dma_start3A_125] : memref<40x128xi32, #tpu.memory_space<vmem>> -> memref<1x128xi32, #tpu.memory_space<vmem>>
          %dma_start3A_127 = tpu.memref_squeeze %dma_start3A_126 : memref<1x128xi32, #tpu.memory_space<vmem>> -> memref<128xi32, #tpu.memory_space<vmem>>
          %dma_start3A_128 = arith.constant 0 : i32
          %dma_start3A_129 = arith.constant 0 : i32
          %dma_start3A_130 = tpu.memref_slice %arg16[%dma_start3A_128, %dma_start3A_129] : memref<10112x128xf32, #tpu.memory_space<vmem_shared>> -> memref<10112x128xf32, #tpu.memory_space<vmem_shared>>
          tpu.enqueue_indirect_dma source(%arg15 : memref<128x128xf32, #tpu.memory_space<vmem>>) target(%dma_start3A_130 : memref<10112x128xf32, #tpu.memory_space<vmem_shared>>) offsets(%dma_start3A_127 : memref<128xi32, #tpu.memory_space<vmem>>) semaphore(%run_scoped3A : memref<!tpu.dma_semaphore, #tpu.memory_space<semaphore_mem>>) {add = true}
          %dma_wait3A_131 = arith.constant 0 : i32
          %dma_wait3A_132 = tpu.memref_slice %arg13[%add3A_124, %dma_wait3A_131] : memref<40x128xi32, #tpu.memory_space<vmem>> -> memref<1x128xi32, #tpu.memory_space<vmem>>
          %dma_wait3A_133 = tpu.memref_squeeze %dma_wait3A_132 : memref<1x128xi32, #tpu.memory_space<vmem>> -> memref<128xi32, #tpu.memory_space<vmem>>
          %dma_wait3A_134 = arith.constant 0 : i32
          %dma_wait3A_135 = arith.constant 0 : i32
          %dma_wait3A_136 = tpu.memref_slice %arg16[%dma_wait3A_134, %dma_wait3A_135] : memref<10112x128xf32, #tpu.memory_space<vmem_shared>> -> memref<10112x128xf32, #tpu.memory_space<vmem_shared>>
          tpu.wait_indirect_dma semaphore(%run_scoped3A : memref<!tpu.dma_semaphore, #tpu.memory_space<semaphore_mem>>) src(%arg15 : memref<128x128xf32, #tpu.memory_space<vmem>>) dst(%dma_wait3A_136 : memref<10112x128xf32, #tpu.memory_space<vmem_shared>>)
          tpu.yield
        }) : () -> ()
      }
      %scan3A_42 = arith.constant 20 : i32
      %dma_wait3A = arith.constant 38 : i32
      %dma_wait3A_43 = arith.constant 0 : i32
      %dma_wait3A_44 = tpu.memref_slice %arg12[%dma_wait3A, %dma_wait3A_43] : memref<40x128xi32, #tpu.memory_space<vmem>> -> memref<1x128xi32, #tpu.memory_space<vmem>>
      %dma_wait3A_45 = tpu.memref_squeeze %dma_wait3A_44 : memref<1x128xi32, #tpu.memory_space<vmem>> -> memref<128xi32, #tpu.memory_space<vmem>>
      %dma_wait3A_46 = arith.constant 0 : i32
      %dma_wait3A_47 = arith.constant 0 : i32
      %dma_wait3A_48 = tpu.memref_slice %arg2[%dma_wait3A_46, %dma_wait3A_47] : memref<10000x128xf32, #tpu.memory_space<hbm>> -> memref<10000x128xf32, #tpu.memory_space<hbm>>
      tpu.wait_indirect_dma semaphore(%arg17 : memref<!tpu.dma_semaphore, #tpu.memory_space<semaphore_mem>>) src(%dma_wait3A_48 : memref<10000x128xf32, #tpu.memory_space<hbm>>) dst(%arg14 : memref<128x128xf32, #tpu.memory_space<vmem>>)
      %mul3A_49 = arith.constant 80 : i32
      %mul3A_50 = arith.muli %arg1, %mul3A_49 : i32
      %add3A_51 = arith.constant 40 : i32
      %add3A_52 = arith.addi %mul3A_50, %add3A_51 : i32
      "tpu.region"() ({
        %run_scoped3A = tpu.sem_alloc : memref<!tpu.dma_semaphore, #tpu.memory_space<semaphore_mem>>
        %dma_start3A_89 = arith.constant 0 : i32
        %dma_start3A_90 = tpu.memref_slice %arg6[%add3A_52, %dma_start3A_89] : memref<1280x128xi32, #tpu.memory_space<hbm>> -> memref<40x128xi32, #tpu.memory_space<hbm>>
        %dma_start3A_91 = arith.constant 0 : i32
        %dma_start3A_92 = tpu.memref_slice %arg6[%add3A_52, %dma_start3A_91] : memref<1280x128xi32, #tpu.memory_space<hbm>> -> memref<40x128xi32, #tpu.memory_space<hbm>>
        tpu.enqueue_dma source(%dma_start3A_92 : memref<40x128xi32, #tpu.memory_space<hbm>>) target(%arg12 : memref<40x128xi32, #tpu.memory_space<vmem>>) target_semaphore(%run_scoped3A : memref<!tpu.dma_semaphore, #tpu.memory_space<semaphore_mem>>)
        %dma_wait3A_93 = arith.constant 0 : i32
        %dma_wait3A_94 = tpu.memref_slice %arg6[%add3A_52, %dma_wait3A_93] : memref<1280x128xi32, #tpu.memory_space<hbm>> -> memref<40x128xi32, #tpu.memory_space<hbm>>
        %dma_wait3A_95 = arith.constant 0 : i32
        %dma_wait3A_96 = tpu.memref_slice %arg6[%add3A_52, %dma_wait3A_95] : memref<1280x128xi32, #tpu.memory_space<hbm>> -> memref<40x128xi32, #tpu.memory_space<hbm>>
        tpu.wait_dma2 semaphore(%run_scoped3A : memref<!tpu.dma_semaphore, #tpu.memory_space<semaphore_mem>>) src(%dma_wait3A_96 : memref<40x128xi32, #tpu.memory_space<hbm>>) dst(%arg12 : memref<40x128xi32, #tpu.memory_space<vmem>>)
        tpu.yield
      }) : () -> ()
      %mul3A_53 = arith.constant 80 : i32
      %mul3A_54 = arith.muli %arg1, %mul3A_53 : i32
      %add3A_55 = arith.constant 40 : i32
      %add3A_56 = arith.addi %mul3A_54, %add3A_55 : i32
      "tpu.region"() ({
        %run_scoped3A = tpu.sem_alloc : memref<!tpu.dma_semaphore, #tpu.memory_space<semaphore_mem>>
        %dma_start3A_89 = arith.constant 0 : i32
        %dma_start3A_90 = tpu.memref_slice %arg7[%add3A_56, %dma_start3A_89] : memref<1280x128xi32, #tpu.memory_space<hbm>> -> memref<40x128xi32, #tpu.memory_space<hbm>>
        %dma_start3A_91 = arith.constant 0 : i32
        %dma_start3A_92 = tpu.memref_slice %arg7[%add3A_56, %dma_start3A_91] : memref<1280x128xi32, #tpu.memory_space<hbm>> -> memref<40x128xi32, #tpu.memory_space<hbm>>
        tpu.enqueue_dma source(%dma_start3A_92 : memref<40x128xi32, #tpu.memory_space<hbm>>) target(%arg13 : memref<40x128xi32, #tpu.memory_space<vmem>>) target_semaphore(%run_scoped3A : memref<!tpu.dma_semaphore, #tpu.memory_space<semaphore_mem>>)
        %dma_wait3A_93 = arith.constant 0 : i32
        %dma_wait3A_94 = tpu.memref_slice %arg7[%add3A_56, %dma_wait3A_93] : memref<1280x128xi32, #tpu.memory_space<hbm>> -> memref<40x128xi32, #tpu.memory_space<hbm>>
        %dma_wait3A_95 = arith.constant 0 : i32
        %dma_wait3A_96 = tpu.memref_slice %arg7[%add3A_56, %dma_wait3A_95] : memref<1280x128xi32, #tpu.memory_space<hbm>> -> memref<40x128xi32, #tpu.memory_space<hbm>>
        tpu.wait_dma2 semaphore(%run_scoped3A : memref<!tpu.dma_semaphore, #tpu.memory_space<semaphore_mem>>) src(%dma_wait3A_96 : memref<40x128xi32, #tpu.memory_space<hbm>>) dst(%arg13 : memref<40x128xi32, #tpu.memory_space<vmem>>)
        tpu.yield
      }) : () -> ()
      %dma_start3A_57 = arith.constant 0 : i32
      %dma_start3A_58 = arith.constant 0 : i32
      %dma_start3A_59 = tpu.memref_slice %arg12[%dma_start3A_57, %dma_start3A_58] : memref<40x128xi32, #tpu.memory_space<vmem>> -> memref<1x128xi32, #tpu.memory_space<vmem>>
      %dma_start3A_60 = tpu.memref_squeeze %dma_start3A_59 : memref<1x128xi32, #tpu.memory_space<vmem>> -> memref<128xi32, #tpu.memory_space<vmem>>
      %dma_start3A_61 = arith.constant 0 : i32
      %dma_start3A_62 = arith.constant 0 : i32
      %dma_start3A_63 = tpu.memref_slice %arg2[%dma_start3A_61, %dma_start3A_62] : memref<10000x128xf32, #tpu.memory_space<hbm>> -> memref<10000x128xf32, #tpu.memory_space<hbm>>
      tpu.enqueue_indirect_dma source(%dma_start3A_63 : memref<10000x128xf32, #tpu.memory_space<hbm>>) target(%arg14 : memref<128x128xf32, #tpu.memory_space<vmem>>) offsets(%dma_start3A_60 : memref<128xi32, #tpu.memory_space<vmem>>) semaphore(%arg17 : memref<!tpu.dma_semaphore, #tpu.memory_space<semaphore_mem>>)
      %scan3A_64 = arith.constant 0 : i32
      %scan3A_65 = arith.constant 0 : i32
      %scan3A_66 = arith.constant 20 : i32
      %scan3A_67 = arith.addi %scan3A_65, %scan3A_66 : i32
      %scan3A_68 = arith.constant 1 : i32
      scf.for %scan3A_89 = %scan3A_65 to %scan3A_67 step %scan3A_68  : i32 {
        %mul3A_90 = arith.constant 2 : i32
        %mul3A_91 = arith.muli %mul3A_90, %scan3A_89 : i32
        %add3A_92 = arith.constant 1 : i32
        %add3A_93 = arith.addi %mul3A_91, %add3A_92 : i32
        %dma_start3A_94 = arith.constant 0 : i32
        %dma_start3A_95 = tpu.memref_slice %arg12[%add3A_93, %dma_start3A_94] : memref<40x128xi32, #tpu.memory_space<vmem>> -> memref<1x128xi32, #tpu.memory_space<vmem>>
        %dma_start3A_96 = tpu.memref_squeeze %dma_start3A_95 : memref<1x128xi32, #tpu.memory_space<vmem>> -> memref<128xi32, #tpu.memory_space<vmem>>
        %dma_start3A_97 = arith.constant 0 : i32
        %dma_start3A_98 = arith.constant 0 : i32
        %dma_start3A_99 = tpu.memref_slice %arg2[%dma_start3A_97, %dma_start3A_98] : memref<10000x128xf32, #tpu.memory_space<hbm>> -> memref<10000x128xf32, #tpu.memory_space<hbm>>
        tpu.enqueue_indirect_dma source(%dma_start3A_99 : memref<10000x128xf32, #tpu.memory_space<hbm>>) target(%arg15 : memref<128x128xf32, #tpu.memory_space<vmem>>) offsets(%dma_start3A_96 : memref<128xi32, #tpu.memory_space<vmem>>) semaphore(%arg18 : memref<!tpu.dma_semaphore, #tpu.memory_space<semaphore_mem>>)
        %dma_wait3A_100 = arith.constant 0 : i32
        %dma_wait3A_101 = tpu.memref_slice %arg12[%mul3A_91, %dma_wait3A_100] : memref<40x128xi32, #tpu.memory_space<vmem>> -> memref<1x128xi32, #tpu.memory_space<vmem>>
        %dma_wait3A_102 = tpu.memref_squeeze %dma_wait3A_101 : memref<1x128xi32, #tpu.memory_space<vmem>> -> memref<128xi32, #tpu.memory_space<vmem>>
        %dma_wait3A_103 = arith.constant 0 : i32
        %dma_wait3A_104 = arith.constant 0 : i32
        %dma_wait3A_105 = tpu.memref_slice %arg2[%dma_wait3A_103, %dma_wait3A_104] : memref<10000x128xf32, #tpu.memory_space<hbm>> -> memref<10000x128xf32, #tpu.memory_space<hbm>>
        tpu.wait_indirect_dma semaphore(%arg17 : memref<!tpu.dma_semaphore, #tpu.memory_space<semaphore_mem>>) src(%dma_wait3A_105 : memref<10000x128xf32, #tpu.memory_space<hbm>>) dst(%arg14 : memref<128x128xf32, #tpu.memory_space<vmem>>)
        "tpu.region"() ({
          %run_scoped3A = tpu.sem_alloc : memref<!tpu.dma_semaphore, #tpu.memory_space<semaphore_mem>>
          %dma_start3A_125 = arith.constant 0 : i32
          %dma_start3A_126 = tpu.memref_slice %arg13[%mul3A_91, %dma_start3A_125] : memref<40x128xi32, #tpu.memory_space<vmem>> -> memref<1x128xi32, #tpu.memory_space<vmem>>
          %dma_start3A_127 = tpu.memref_squeeze %dma_start3A_126 : memref<1x128xi32, #tpu.memory_space<vmem>> -> memref<128xi32, #tpu.memory_space<vmem>>
          %dma_start3A_128 = arith.constant 0 : i32
          %dma_start3A_129 = arith.constant 0 : i32
          %dma_start3A_130 = tpu.memref_slice %arg16[%dma_start3A_128, %dma_start3A_129] : memref<10112x128xf32, #tpu.memory_space<vmem_shared>> -> memref<10112x128xf32, #tpu.memory_space<vmem_shared>>
          tpu.enqueue_indirect_dma source(%arg14 : memref<128x128xf32, #tpu.memory_space<vmem>>) target(%dma_start3A_130 : memref<10112x128xf32, #tpu.memory_space<vmem_shared>>) offsets(%dma_start3A_127 : memref<128xi32, #tpu.memory_space<vmem>>) semaphore(%run_scoped3A : memref<!tpu.dma_semaphore, #tpu.memory_space<semaphore_mem>>) {add = true}
          %dma_wait3A_131 = arith.constant 0 : i32
          %dma_wait3A_132 = tpu.memref_slice %arg13[%mul3A_91, %dma_wait3A_131] : memref<40x128xi32, #tpu.memory_space<vmem>> -> memref<1x128xi32, #tpu.memory_space<vmem>>
          %dma_wait3A_133 = tpu.memref_squeeze %dma_wait3A_132 : memref<1x128xi32, #tpu.memory_space<vmem>> -> memref<128xi32, #tpu.memory_space<vmem>>
          %dma_wait3A_134 = arith.constant 0 : i32
          %dma_wait3A_135 = arith.constant 0 : i32
          %dma_wait3A_136 = tpu.memref_slice %arg16[%dma_wait3A_134, %dma_wait3A_135] : memref<10112x128xf32, #tpu.memory_space<vmem_shared>> -> memref<10112x128xf32, #tpu.memory_space<vmem_shared>>
          tpu.wait_indirect_dma semaphore(%run_scoped3A : memref<!tpu.dma_semaphore, #tpu.memory_space<semaphore_mem>>) src(%arg14 : memref<128x128xf32, #tpu.memory_space<vmem>>) dst(%dma_wait3A_136 : memref<10112x128xf32, #tpu.memory_space<vmem_shared>>)
          tpu.yield
        }) : () -> ()
        %add3A_106 = arith.constant 2 : i32
        %add3A_107 = arith.addi %mul3A_91, %add3A_106 : i32
        %min3A = arith.constant 38 : i32
        %min3A_108 = arith.minsi %add3A_107, %min3A : i32
        %dma_start3A_109 = arith.constant 0 : i32
        %dma_start3A_110 = tpu.memref_slice %arg12[%min3A_108, %dma_start3A_109] : memref<40x128xi32, #tpu.memory_space<vmem>> -> memref<1x128xi32, #tpu.memory_space<vmem>>
        %dma_start3A_111 = tpu.memref_squeeze %dma_start3A_110 : memref<1x128xi32, #tpu.memory_space<vmem>> -> memref<128xi32, #tpu.memory_space<vmem>>
        %dma_start3A_112 = arith.constant 0 : i32
        %dma_start3A_113 = arith.constant 0 : i32
        %dma_start3A_114 = tpu.memref_slice %arg2[%dma_start3A_112, %dma_start3A_113] : memref<10000x128xf32, #tpu.memory_space<hbm>> -> memref<10000x128xf32, #tpu.memory_space<hbm>>
        tpu.enqueue_indirect_dma source(%dma_start3A_114 : memref<10000x128xf32, #tpu.memory_space<hbm>>) target(%arg14 : memref<128x128xf32, #tpu.memory_space<vmem>>) offsets(%dma_start3A_111 : memref<128xi32, #tpu.memory_space<vmem>>) semaphore(%arg17 : memref<!tpu.dma_semaphore, #tpu.memory_space<semaphore_mem>>)
        %add3A_115 = arith.constant 1 : i32
        %add3A_116 = arith.addi %mul3A_91, %add3A_115 : i32
        %dma_wait3A_117 = arith.constant 0 : i32
        %dma_wait3A_118 = tpu.memref_slice %arg12[%add3A_116, %dma_wait3A_117] : memref<40x128xi32, #tpu.memory_space<vmem>> -> memref<1x128xi32, #tpu.memory_space<vmem>>
        %dma_wait3A_119 = tpu.memref_squeeze %dma_wait3A_118 : memref<1x128xi32, #tpu.memory_space<vmem>> -> memref<128xi32, #tpu.memory_space<vmem>>
        %dma_wait3A_120 = arith.constant 0 : i32
        %dma_wait3A_121 = arith.constant 0 : i32
        %dma_wait3A_122 = tpu.memref_slice %arg2[%dma_wait3A_120, %dma_wait3A_121] : memref<10000x128xf32, #tpu.memory_space<hbm>> -> memref<10000x128xf32, #tpu.memory_space<hbm>>
        tpu.wait_indirect_dma semaphore(%arg18 : memref<!tpu.dma_semaphore, #tpu.memory_space<semaphore_mem>>) src(%dma_wait3A_122 : memref<10000x128xf32, #tpu.memory_space<hbm>>) dst(%arg15 : memref<128x128xf32, #tpu.memory_space<vmem>>)
        %add3A_123 = arith.constant 1 : i32
        %add3A_124 = arith.addi %mul3A_91, %add3A_123 : i32
        "tpu.region"() ({
          %run_scoped3A = tpu.sem_alloc : memref<!tpu.dma_semaphore, #tpu.memory_space<semaphore_mem>>
          %dma_start3A_125 = arith.constant 0 : i32
          %dma_start3A_126 = tpu.memref_slice %arg13[%add3A_124, %dma_start3A_125] : memref<40x128xi32, #tpu.memory_space<vmem>> -> memref<1x128xi32, #tpu.memory_space<vmem>>
          %dma_start3A_127 = tpu.memref_squeeze %dma_start3A_126 : memref<1x128xi32, #tpu.memory_space<vmem>> -> memref<128xi32, #tpu.memory_space<vmem>>
          %dma_start3A_128 = arith.constant 0 : i32
          %dma_start3A_129 = arith.constant 0 : i32
          %dma_start3A_130 = tpu.memref_slice %arg16[%dma_start3A_128, %dma_start3A_129] : memref<10112x128xf32, #tpu.memory_space<vmem_shared>> -> memref<10112x128xf32, #tpu.memory_space<vmem_shared>>
          tpu.enqueue_indirect_dma source(%arg15 : memref<128x128xf32, #tpu.memory_space<vmem>>) target(%dma_start3A_130 : memref<10112x128xf32, #tpu.memory_space<vmem_shared>>) offsets(%dma_start3A_127 : memref<128xi32, #tpu.memory_space<vmem>>) semaphore(%run_scoped3A : memref<!tpu.dma_semaphore, #tpu.memory_space<semaphore_mem>>) {add = true}
          %dma_wait3A_131 = arith.constant 0 : i32
          %dma_wait3A_132 = tpu.memref_slice %arg13[%add3A_124, %dma_wait3A_131] : memref<40x128xi32, #tpu.memory_space<vmem>> -> memref<1x128xi32, #tpu.memory_space<vmem>>
          %dma_wait3A_133 = tpu.memref_squeeze %dma_wait3A_132 : memref<1x128xi32, #tpu.memory_space<vmem>> -> memref<128xi32, #tpu.memory_space<vmem>>
          %dma_wait3A_134 = arith.constant 0 : i32
          %dma_wait3A_135 = arith.constant 0 : i32
          %dma_wait3A_136 = tpu.memref_slice %arg16[%dma_wait3A_134, %dma_wait3A_135] : memref<10112x128xf32, #tpu.memory_space<vmem_shared>> -> memref<10112x128xf32, #tpu.memory_space<vmem_shared>>
          tpu.wait_indirect_dma semaphore(%run_scoped3A : memref<!tpu.dma_semaphore, #tpu.memory_space<semaphore_mem>>) src(%arg15 : memref<128x128xf32, #tpu.memory_space<vmem>>) dst(%dma_wait3A_136 : memref<10112x128xf32, #tpu.memory_space<vmem_shared>>)
          tpu.yield
        }) : () -> ()
      }
      %scan3A_69 = arith.constant 20 : i32
      %dma_wait3A_70 = arith.constant 38 : i32
      %dma_wait3A_71 = arith.constant 0 : i32
      %dma_wait3A_72 = tpu.memref_slice %arg12[%dma_wait3A_70, %dma_wait3A_71] : memref<40x128xi32, #tpu.memory_space<vmem>> -> memref<1x128xi32, #tpu.memory_space<vmem>>
      %dma_wait3A_73 = tpu.memref_squeeze %dma_wait3A_72 : memref<1x128xi32, #tpu.memory_space<vmem>> -> memref<128xi32, #tpu.memory_space<vmem>>
      %dma_wait3A_74 = arith.constant 0 : i32
      %dma_wait3A_75 = arith.constant 0 : i32
      %dma_wait3A_76 = tpu.memref_slice %arg2[%dma_wait3A_74, %dma_wait3A_75] : memref<10000x128xf32, #tpu.memory_space<hbm>> -> memref<10000x128xf32, #tpu.memory_space<hbm>>
      tpu.wait_indirect_dma semaphore(%arg17 : memref<!tpu.dma_semaphore, #tpu.memory_space<semaphore_mem>>) src(%dma_wait3A_76 : memref<10000x128xf32, #tpu.memory_space<hbm>>) dst(%arg14 : memref<128x128xf32, #tpu.memory_space<vmem>>)
      %barrier3A_77 = arith.constant 0 : index
      tpu.barrier barrier_id(%barrier3A_77)
      %lt3A_78 = arith.constant 15 : i32
      %lt3A_79 = arith.cmpi slt, %arg1, %lt3A_78 : i32
      %convert_element_type3A_80 = arith.extui %lt3A_79 : i1 to i32
      %cond3A_81 = arith.constant 0 : i32
      %cond3A_82 = arith.cmpi ne, %convert_element_type3A_80, %cond3A_81 : i32
      scf.if %cond3A_82 {
        %mul3A_89 = arith.constant 632 : i32
        %mul3A_90 = arith.muli %arg1, %mul3A_89 : i32
        %mul3A_91 = arith.constant 632 : i32
        %mul3A_92 = arith.muli %arg1, %mul3A_91 : i32
        "tpu.region"() ({
          %run_scoped3A = tpu.sem_alloc : memref<!tpu.dma_semaphore, #tpu.memory_space<semaphore_mem>>
          %dma_start3A_93 = arith.constant 0 : i32
          %dma_start3A_94 = tpu.memref_slice %arg8[%mul3A_92, %dma_start3A_93] : memref<10000x128xf32, #tpu.memory_space<hbm>> -> memref<632x128xf32, #tpu.memory_space<hbm>>
          %dma_start3A_95 = arith.constant 0 : i32
          %dma_start3A_96 = tpu.memref_slice %arg16[%mul3A_90, %dma_start3A_95] : memref<10112x128xf32, #tpu.memory_space<vmem_shared>> -> memref<632x128xf32, #tpu.memory_space<vmem_shared>>
          tpu.enqueue_dma source(%dma_start3A_96 : memref<632x128xf32, #tpu.memory_space<vmem_shared>>) target(%dma_start3A_94 : memref<632x128xf32, #tpu.memory_space<hbm>>) target_semaphore(%run_scoped3A : memref<!tpu.dma_semaphore, #tpu.memory_space<semaphore_mem>>)
          %dma_wait3A_97 = arith.constant 0 : i32
          %dma_wait3A_98 = tpu.memref_slice %arg8[%mul3A_92, %dma_wait3A_97] : memref<10000x128xf32, #tpu.memory_space<hbm>> -> memref<632x128xf32, #tpu.memory_space<hbm>>
          %dma_wait3A_99 = arith.constant 0 : i32
          %dma_wait3A_100 = tpu.memref_slice %arg16[%mul3A_90, %dma_wait3A_99] : memref<10112x128xf32, #tpu.memory_space<vmem_shared>> -> memref<632x128xf32, #tpu.memory_space<vmem_shared>>
          tpu.wait_dma2 semaphore(%run_scoped3A : memref<!tpu.dma_semaphore, #tpu.memory_space<semaphore_mem>>) src(%dma_wait3A_100 : memref<632x128xf32, #tpu.memory_space<vmem_shared>>) dst(%dma_wait3A_98 : memref<632x128xf32, #tpu.memory_space<hbm>>)
          tpu.yield
        }) : () -> ()
      } else {
      }
      %eq3A_83 = arith.constant 15 : i32
      %eq3A_84 = arith.cmpi eq, %arg1, %eq3A_83 : i32
      %convert_element_type3A_85 = arith.extui %eq3A_84 : i1 to i32
      %cond3A_86 = arith.constant 0 : i32
      %cond3A_87 = arith.cmpi ne, %convert_element_type3A_85, %cond3A_86 : i32
      scf.if %cond3A_87 {
        "tpu.region"() ({
          %run_scoped3A = tpu.sem_alloc : memref<!tpu.dma_semaphore, #tpu.memory_space<semaphore_mem>>
          %dma_start3A_89 = arith.constant 9480 : i32
          %dma_start3A_90 = arith.constant 0 : i32
          %dma_start3A_91 = tpu.memref_slice %arg8[%dma_start3A_89, %dma_start3A_90] : memref<10000x128xf32, #tpu.memory_space<hbm>> -> memref<520x128xf32, #tpu.memory_space<hbm>>
          %dma_start3A_92 = arith.constant 9480 : i32
          %dma_start3A_93 = arith.constant 0 : i32
          %dma_start3A_94 = tpu.memref_slice %arg16[%dma_start3A_92, %dma_start3A_93] : memref<10112x128xf32, #tpu.memory_space<vmem_shared>> -> memref<520x128xf32, #tpu.memory_space<vmem_shared>>
          tpu.enqueue_dma source(%dma_start3A_94 : memref<520x128xf32, #tpu.memory_space<vmem_shared>>) target(%dma_start3A_91 : memref<520x128xf32, #tpu.memory_space<hbm>>) target_semaphore(%run_scoped3A : memref<!tpu.dma_semaphore, #tpu.memory_space<semaphore_mem>>)
          %dma_wait3A_95 = arith.constant 9480 : i32
          %dma_wait3A_96 = arith.constant 0 : i32
          %dma_wait3A_97 = tpu.memref_slice %arg8[%dma_wait3A_95, %dma_wait3A_96] : memref<10000x128xf32, #tpu.memory_space<hbm>> -> memref<520x128xf32, #tpu.memory_space<hbm>>
          %dma_wait3A_98 = arith.constant 9480 : i32
          %dma_wait3A_99 = arith.constant 0 : i32
          %dma_wait3A_100 = tpu.memref_slice %arg16[%dma_wait3A_98, %dma_wait3A_99] : memref<10112x128xf32, #tpu.memory_space<vmem_shared>> -> memref<520x128xf32, #tpu.memory_space<vmem_shared>>
          tpu.wait_dma2 semaphore(%run_scoped3A : memref<!tpu.dma_semaphore, #tpu.memory_space<semaphore_mem>>) src(%dma_wait3A_100 : memref<520x128xf32, #tpu.memory_space<vmem_shared>>) dst(%dma_wait3A_97 : memref<520x128xf32, #tpu.memory_space<hbm>>)
          tpu.yield
        }) : () -> ()
      } else {
      }
      %barrier3A_88 = arith.constant 0 : index
      tpu.barrier barrier_id(%barrier3A_88)
    } else {
    }
    %eq3A_2 = arith.constant 1 : i32
    %eq3A_3 = arith.cmpi eq, %arg0, %eq3A_2 : i32
    %convert_element_type3A_4 = arith.extui %eq3A_3 : i1 to i32
    %cond3A_5 = arith.constant 0 : i32
    %cond3A_6 = arith.cmpi ne, %convert_element_type3A_4, %cond3A_5 : i32
    scf.if %cond3A_6 {
      %lt3A = arith.constant 15 : i32
      %lt3A_17 = arith.cmpi slt, %arg1, %lt3A : i32
      %convert_element_type3A_18 = arith.extui %lt3A_17 : i1 to i32
      %cond3A_19 = arith.constant 0 : i32
      %cond3A_20 = arith.cmpi ne, %convert_element_type3A_18, %cond3A_19 : i32
      scf.if %cond3A_20 {
        %mul3A_89 = arith.constant 632 : i32
        %mul3A_90 = arith.muli %arg1, %mul3A_89 : i32
        %mul3A_91 = arith.constant 632 : i32
        %mul3A_92 = arith.muli %arg1, %mul3A_91 : i32
        "tpu.region"() ({
          %run_scoped3A = tpu.sem_alloc : memref<!tpu.dma_semaphore, #tpu.memory_space<semaphore_mem>>
          %dma_start3A_93 = arith.constant 0 : i32
          %dma_start3A_94 = tpu.memref_slice %arg16[%mul3A_92, %dma_start3A_93] : memref<10112x128xf32, #tpu.memory_space<vmem_shared>> -> memref<632x128xf32, #tpu.memory_space<vmem_shared>>
          %dma_start3A_95 = arith.constant 0 : i32
          %dma_start3A_96 = tpu.memref_slice %arg3[%mul3A_90, %dma_start3A_95] : memref<10000x128xf32, #tpu.memory_space<hbm>> -> memref<632x128xf32, #tpu.memory_space<hbm>>
          tpu.enqueue_dma source(%dma_start3A_96 : memref<632x128xf32, #tpu.memory_space<hbm>>) target(%dma_start3A_94 : memref<632x128xf32, #tpu.memory_space<vmem_shared>>) target_semaphore(%run_scoped3A : memref<!tpu.dma_semaphore, #tpu.memory_space<semaphore_mem>>)
          %dma_wait3A_97 = arith.constant 0 : i32
          %dma_wait3A_98 = tpu.memref_slice %arg16[%mul3A_92, %dma_wait3A_97] : memref<10112x128xf32, #tpu.memory_space<vmem_shared>> -> memref<632x128xf32, #tpu.memory_space<vmem_shared>>
          %dma_wait3A_99 = arith.constant 0 : i32
          %dma_wait3A_100 = tpu.memref_slice %arg3[%mul3A_90, %dma_wait3A_99] : memref<10000x128xf32, #tpu.memory_space<hbm>> -> memref<632x128xf32, #tpu.memory_space<hbm>>
          tpu.wait_dma2 semaphore(%run_scoped3A : memref<!tpu.dma_semaphore, #tpu.memory_space<semaphore_mem>>) src(%dma_wait3A_100 : memref<632x128xf32, #tpu.memory_space<hbm>>) dst(%dma_wait3A_98 : memref<632x128xf32, #tpu.memory_space<vmem_shared>>)
          tpu.yield
        }) : () -> ()
      } else {
      }
      %eq3A_21 = arith.constant 15 : i32
      %eq3A_22 = arith.cmpi eq, %arg1, %eq3A_21 : i32
      %convert_element_type3A_23 = arith.extui %eq3A_22 : i1 to i32
      %cond3A_24 = arith.constant 0 : i32
      %cond3A_25 = arith.cmpi ne, %convert_element_type3A_23, %cond3A_24 : i32
      scf.if %cond3A_25 {
        "tpu.region"() ({
          %run_scoped3A = tpu.sem_alloc : memref<!tpu.dma_semaphore, #tpu.memory_space<semaphore_mem>>
          %dma_start3A_89 = arith.constant 9480 : i32
          %dma_start3A_90 = arith.constant 0 : i32
          %dma_start3A_91 = tpu.memref_slice %arg16[%dma_start3A_89, %dma_start3A_90] : memref<10112x128xf32, #tpu.memory_space<vmem_shared>> -> memref<520x128xf32, #tpu.memory_space<vmem_shared>>
          %dma_start3A_92 = arith.constant 9480 : i32
          %dma_start3A_93 = arith.constant 0 : i32
          %dma_start3A_94 = tpu.memref_slice %arg3[%dma_start3A_92, %dma_start3A_93] : memref<10000x128xf32, #tpu.memory_space<hbm>> -> memref<520x128xf32, #tpu.memory_space<hbm>>
          tpu.enqueue_dma source(%dma_start3A_94 : memref<520x128xf32, #tpu.memory_space<hbm>>) target(%dma_start3A_91 : memref<520x128xf32, #tpu.memory_space<vmem_shared>>) target_semaphore(%run_scoped3A : memref<!tpu.dma_semaphore, #tpu.memory_space<semaphore_mem>>)
          %dma_wait3A_95 = arith.constant 9480 : i32
          %dma_wait3A_96 = arith.constant 0 : i32
          %dma_wait3A_97 = tpu.memref_slice %arg16[%dma_wait3A_95, %dma_wait3A_96] : memref<10112x128xf32, #tpu.memory_space<vmem_shared>> -> memref<520x128xf32, #tpu.memory_space<vmem_shared>>
          %dma_wait3A_98 = arith.constant 9480 : i32
          %dma_wait3A_99 = arith.constant 0 : i32
          %dma_wait3A_100 = tpu.memref_slice %arg3[%dma_wait3A_98, %dma_wait3A_99] : memref<10000x128xf32, #tpu.memory_space<hbm>> -> memref<520x128xf32, #tpu.memory_space<hbm>>
          tpu.wait_dma2 semaphore(%run_scoped3A : memref<!tpu.dma_semaphore, #tpu.memory_space<semaphore_mem>>) src(%dma_wait3A_100 : memref<520x128xf32, #tpu.memory_space<hbm>>) dst(%dma_wait3A_97 : memref<520x128xf32, #tpu.memory_space<vmem_shared>>)
          tpu.yield
        }) : () -> ()
      } else {
      }
      %barrier3A = arith.constant 0 : index
      tpu.barrier barrier_id(%barrier3A)
      %mul3A = arith.constant 80 : i32
      %mul3A_26 = arith.muli %arg1, %mul3A : i32
      %add3A = arith.constant 0 : i32
      %add3A_27 = arith.addi %mul3A_26, %add3A : i32
      "tpu.region"() ({
        %run_scoped3A = tpu.sem_alloc : memref<!tpu.dma_semaphore, #tpu.memory_space<semaphore_mem>>
        %dma_start3A_89 = arith.constant 0 : i32
        %dma_start3A_90 = tpu.memref_slice %arg6[%add3A_27, %dma_start3A_89] : memref<1280x128xi32, #tpu.memory_space<hbm>> -> memref<40x128xi32, #tpu.memory_space<hbm>>
        %dma_start3A_91 = arith.constant 0 : i32
        %dma_start3A_92 = tpu.memref_slice %arg6[%add3A_27, %dma_start3A_91] : memref<1280x128xi32, #tpu.memory_space<hbm>> -> memref<40x128xi32, #tpu.memory_space<hbm>>
        tpu.enqueue_dma source(%dma_start3A_92 : memref<40x128xi32, #tpu.memory_space<hbm>>) target(%arg12 : memref<40x128xi32, #tpu.memory_space<vmem>>) target_semaphore(%run_scoped3A : memref<!tpu.dma_semaphore, #tpu.memory_space<semaphore_mem>>)
        %dma_wait3A_93 = arith.constant 0 : i32
        %dma_wait3A_94 = tpu.memref_slice %arg6[%add3A_27, %dma_wait3A_93] : memref<1280x128xi32, #tpu.memory_space<hbm>> -> memref<40x128xi32, #tpu.memory_space<hbm>>
        %dma_wait3A_95 = arith.constant 0 : i32
        %dma_wait3A_96 = tpu.memref_slice %arg6[%add3A_27, %dma_wait3A_95] : memref<1280x128xi32, #tpu.memory_space<hbm>> -> memref<40x128xi32, #tpu.memory_space<hbm>>
        tpu.wait_dma2 semaphore(%run_scoped3A : memref<!tpu.dma_semaphore, #tpu.memory_space<semaphore_mem>>) src(%dma_wait3A_96 : memref<40x128xi32, #tpu.memory_space<hbm>>) dst(%arg12 : memref<40x128xi32, #tpu.memory_space<vmem>>)
        tpu.yield
      }) : () -> ()
      %mul3A_28 = arith.constant 80 : i32
      %mul3A_29 = arith.muli %arg1, %mul3A_28 : i32
      %add3A_30 = arith.constant 0 : i32
      %add3A_31 = arith.addi %mul3A_29, %add3A_30 : i32
      "tpu.region"() ({
        %run_scoped3A = tpu.sem_alloc : memref<!tpu.dma_semaphore, #tpu.memory_space<semaphore_mem>>
        %dma_start3A_89 = arith.constant 0 : i32
        %dma_start3A_90 = tpu.memref_slice %arg7[%add3A_31, %dma_start3A_89] : memref<1280x128xi32, #tpu.memory_space<hbm>> -> memref<40x128xi32, #tpu.memory_space<hbm>>
        %dma_start3A_91 = arith.constant 0 : i32
        %dma_start3A_92 = tpu.memref_slice %arg7[%add3A_31, %dma_start3A_91] : memref<1280x128xi32, #tpu.memory_space<hbm>> -> memref<40x128xi32, #tpu.memory_space<hbm>>
        tpu.enqueue_dma source(%dma_start3A_92 : memref<40x128xi32, #tpu.memory_space<hbm>>) target(%arg13 : memref<40x128xi32, #tpu.memory_space<vmem>>) target_semaphore(%run_scoped3A : memref<!tpu.dma_semaphore, #tpu.memory_space<semaphore_mem>>)
        %dma_wait3A_93 = arith.constant 0 : i32
        %dma_wait3A_94 = tpu.memref_slice %arg7[%add3A_31, %dma_wait3A_93] : memref<1280x128xi32, #tpu.memory_space<hbm>> -> memref<40x128xi32, #tpu.memory_space<hbm>>
        %dma_wait3A_95 = arith.constant 0 : i32
        %dma_wait3A_96 = tpu.memref_slice %arg7[%add3A_31, %dma_wait3A_95] : memref<1280x128xi32, #tpu.memory_space<hbm>> -> memref<40x128xi32, #tpu.memory_space<hbm>>
        tpu.wait_dma2 semaphore(%run_scoped3A : memref<!tpu.dma_semaphore, #tpu.memory_space<semaphore_mem>>) src(%dma_wait3A_96 : memref<40x128xi32, #tpu.memory_space<hbm>>) dst(%arg13 : memref<40x128xi32, #tpu.memory_space<vmem>>)
        tpu.yield
      }) : () -> ()
      %dma_start3A = arith.constant 0 : i32
      %dma_start3A_32 = arith.constant 0 : i32
      %dma_start3A_33 = tpu.memref_slice %arg12[%dma_start3A, %dma_start3A_32] : memref<40x128xi32, #tpu.memory_space<vmem>> -> memref<1x128xi32, #tpu.memory_space<vmem>>
      %dma_start3A_34 = tpu.memref_squeeze %dma_start3A_33 : memref<1x128xi32, #tpu.memory_space<vmem>> -> memref<128xi32, #tpu.memory_space<vmem>>
      %dma_start3A_35 = arith.constant 0 : i32
      %dma_start3A_36 = arith.constant 0 : i32
      %dma_start3A_37 = tpu.memref_slice %arg3[%dma_start3A_35, %dma_start3A_36] : memref<10000x128xf32, #tpu.memory_space<hbm>> -> memref<10000x128xf32, #tpu.memory_space<hbm>>
      tpu.enqueue_indirect_dma source(%dma_start3A_37 : memref<10000x128xf32, #tpu.memory_space<hbm>>) target(%arg14 : memref<128x128xf32, #tpu.memory_space<vmem>>) offsets(%dma_start3A_34 : memref<128xi32, #tpu.memory_space<vmem>>) semaphore(%arg17 : memref<!tpu.dma_semaphore, #tpu.memory_space<semaphore_mem>>)
      %scan3A = arith.constant 0 : i32
      %scan3A_38 = arith.constant 0 : i32
      %scan3A_39 = arith.constant 20 : i32
      %scan3A_40 = arith.addi %scan3A_38, %scan3A_39 : i32
      %scan3A_41 = arith.constant 1 : i32
      scf.for %scan3A_89 = %scan3A_38 to %scan3A_40 step %scan3A_41  : i32 {
        %mul3A_90 = arith.constant 2 : i32
        %mul3A_91 = arith.muli %mul3A_90, %scan3A_89 : i32
        %add3A_92 = arith.constant 1 : i32
        %add3A_93 = arith.addi %mul3A_91, %add3A_92 : i32
        %dma_start3A_94 = arith.constant 0 : i32
        %dma_start3A_95 = tpu.memref_slice %arg12[%add3A_93, %dma_start3A_94] : memref<40x128xi32, #tpu.memory_space<vmem>> -> memref<1x128xi32, #tpu.memory_space<vmem>>
        %dma_start3A_96 = tpu.memref_squeeze %dma_start3A_95 : memref<1x128xi32, #tpu.memory_space<vmem>> -> memref<128xi32, #tpu.memory_space<vmem>>
        %dma_start3A_97 = arith.constant 0 : i32
        %dma_start3A_98 = arith.constant 0 : i32
        %dma_start3A_99 = tpu.memref_slice %arg3[%dma_start3A_97, %dma_start3A_98] : memref<10000x128xf32, #tpu.memory_space<hbm>> -> memref<10000x128xf32, #tpu.memory_space<hbm>>
        tpu.enqueue_indirect_dma source(%dma_start3A_99 : memref<10000x128xf32, #tpu.memory_space<hbm>>) target(%arg15 : memref<128x128xf32, #tpu.memory_space<vmem>>) offsets(%dma_start3A_96 : memref<128xi32, #tpu.memory_space<vmem>>) semaphore(%arg18 : memref<!tpu.dma_semaphore, #tpu.memory_space<semaphore_mem>>)
        %dma_wait3A_100 = arith.constant 0 : i32
        %dma_wait3A_101 = tpu.memref_slice %arg12[%mul3A_91, %dma_wait3A_100] : memref<40x128xi32, #tpu.memory_space<vmem>> -> memref<1x128xi32, #tpu.memory_space<vmem>>
        %dma_wait3A_102 = tpu.memref_squeeze %dma_wait3A_101 : memref<1x128xi32, #tpu.memory_space<vmem>> -> memref<128xi32, #tpu.memory_space<vmem>>
        %dma_wait3A_103 = arith.constant 0 : i32
        %dma_wait3A_104 = arith.constant 0 : i32
        %dma_wait3A_105 = tpu.memref_slice %arg3[%dma_wait3A_103, %dma_wait3A_104] : memref<10000x128xf32, #tpu.memory_space<hbm>> -> memref<10000x128xf32, #tpu.memory_space<hbm>>
        tpu.wait_indirect_dma semaphore(%arg17 : memref<!tpu.dma_semaphore, #tpu.memory_space<semaphore_mem>>) src(%dma_wait3A_105 : memref<10000x128xf32, #tpu.memory_space<hbm>>) dst(%arg14 : memref<128x128xf32, #tpu.memory_space<vmem>>)
        "tpu.region"() ({
          %run_scoped3A = tpu.sem_alloc : memref<!tpu.dma_semaphore, #tpu.memory_space<semaphore_mem>>
          %dma_start3A_125 = arith.constant 0 : i32
          %dma_start3A_126 = tpu.memref_slice %arg13[%mul3A_91, %dma_start3A_125] : memref<40x128xi32, #tpu.memory_space<vmem>> -> memref<1x128xi32, #tpu.memory_space<vmem>>
          %dma_start3A_127 = tpu.memref_squeeze %dma_start3A_126 : memref<1x128xi32, #tpu.memory_space<vmem>> -> memref<128xi32, #tpu.memory_space<vmem>>
          %dma_start3A_128 = arith.constant 0 : i32
          %dma_start3A_129 = arith.constant 0 : i32
          %dma_start3A_130 = tpu.memref_slice %arg16[%dma_start3A_128, %dma_start3A_129] : memref<10112x128xf32, #tpu.memory_space<vmem_shared>> -> memref<10112x128xf32, #tpu.memory_space<vmem_shared>>
          tpu.enqueue_indirect_dma source(%arg14 : memref<128x128xf32, #tpu.memory_space<vmem>>) target(%dma_start3A_130 : memref<10112x128xf32, #tpu.memory_space<vmem_shared>>) offsets(%dma_start3A_127 : memref<128xi32, #tpu.memory_space<vmem>>) semaphore(%run_scoped3A : memref<!tpu.dma_semaphore, #tpu.memory_space<semaphore_mem>>) {add = true}
          %dma_wait3A_131 = arith.constant 0 : i32
          %dma_wait3A_132 = tpu.memref_slice %arg13[%mul3A_91, %dma_wait3A_131] : memref<40x128xi32, #tpu.memory_space<vmem>> -> memref<1x128xi32, #tpu.memory_space<vmem>>
          %dma_wait3A_133 = tpu.memref_squeeze %dma_wait3A_132 : memref<1x128xi32, #tpu.memory_space<vmem>> -> memref<128xi32, #tpu.memory_space<vmem>>
          %dma_wait3A_134 = arith.constant 0 : i32
          %dma_wait3A_135 = arith.constant 0 : i32
          %dma_wait3A_136 = tpu.memref_slice %arg16[%dma_wait3A_134, %dma_wait3A_135] : memref<10112x128xf32, #tpu.memory_space<vmem_shared>> -> memref<10112x128xf32, #tpu.memory_space<vmem_shared>>
          tpu.wait_indirect_dma semaphore(%run_scoped3A : memref<!tpu.dma_semaphore, #tpu.memory_space<semaphore_mem>>) src(%arg14 : memref<128x128xf32, #tpu.memory_space<vmem>>) dst(%dma_wait3A_136 : memref<10112x128xf32, #tpu.memory_space<vmem_shared>>)
          tpu.yield
        }) : () -> ()
        %add3A_106 = arith.constant 2 : i32
        %add3A_107 = arith.addi %mul3A_91, %add3A_106 : i32
        %min3A = arith.constant 38 : i32
        %min3A_108 = arith.minsi %add3A_107, %min3A : i32
        %dma_start3A_109 = arith.constant 0 : i32
        %dma_start3A_110 = tpu.memref_slice %arg12[%min3A_108, %dma_start3A_109] : memref<40x128xi32, #tpu.memory_space<vmem>> -> memref<1x128xi32, #tpu.memory_space<vmem>>
        %dma_start3A_111 = tpu.memref_squeeze %dma_start3A_110 : memref<1x128xi32, #tpu.memory_space<vmem>> -> memref<128xi32, #tpu.memory_space<vmem>>
        %dma_start3A_112 = arith.constant 0 : i32
        %dma_start3A_113 = arith.constant 0 : i32
        %dma_start3A_114 = tpu.memref_slice %arg3[%dma_start3A_112, %dma_start3A_113] : memref<10000x128xf32, #tpu.memory_space<hbm>> -> memref<10000x128xf32, #tpu.memory_space<hbm>>
        tpu.enqueue_indirect_dma source(%dma_start3A_114 : memref<10000x128xf32, #tpu.memory_space<hbm>>) target(%arg14 : memref<128x128xf32, #tpu.memory_space<vmem>>) offsets(%dma_start3A_111 : memref<128xi32, #tpu.memory_space<vmem>>) semaphore(%arg17 : memref<!tpu.dma_semaphore, #tpu.memory_space<semaphore_mem>>)
        %add3A_115 = arith.constant 1 : i32
        %add3A_116 = arith.addi %mul3A_91, %add3A_115 : i32
        %dma_wait3A_117 = arith.constant 0 : i32
        %dma_wait3A_118 = tpu.memref_slice %arg12[%add3A_116, %dma_wait3A_117] : memref<40x128xi32, #tpu.memory_space<vmem>> -> memref<1x128xi32, #tpu.memory_space<vmem>>
        %dma_wait3A_119 = tpu.memref_squeeze %dma_wait3A_118 : memref<1x128xi32, #tpu.memory_space<vmem>> -> memref<128xi32, #tpu.memory_space<vmem>>
        %dma_wait3A_120 = arith.constant 0 : i32
        %dma_wait3A_121 = arith.constant 0 : i32
        %dma_wait3A_122 = tpu.memref_slice %arg3[%dma_wait3A_120, %dma_wait3A_121] : memref<10000x128xf32, #tpu.memory_space<hbm>> -> memref<10000x128xf32, #tpu.memory_space<hbm>>
        tpu.wait_indirect_dma semaphore(%arg18 : memref<!tpu.dma_semaphore, #tpu.memory_space<semaphore_mem>>) src(%dma_wait3A_122 : memref<10000x128xf32, #tpu.memory_space<hbm>>) dst(%arg15 : memref<128x128xf32, #tpu.memory_space<vmem>>)
        %add3A_123 = arith.constant 1 : i32
        %add3A_124 = arith.addi %mul3A_91, %add3A_123 : i32
        "tpu.region"() ({
          %run_scoped3A = tpu.sem_alloc : memref<!tpu.dma_semaphore, #tpu.memory_space<semaphore_mem>>
          %dma_start3A_125 = arith.constant 0 : i32
          %dma_start3A_126 = tpu.memref_slice %arg13[%add3A_124, %dma_start3A_125] : memref<40x128xi32, #tpu.memory_space<vmem>> -> memref<1x128xi32, #tpu.memory_space<vmem>>
          %dma_start3A_127 = tpu.memref_squeeze %dma_start3A_126 : memref<1x128xi32, #tpu.memory_space<vmem>> -> memref<128xi32, #tpu.memory_space<vmem>>
          %dma_start3A_128 = arith.constant 0 : i32
          %dma_start3A_129 = arith.constant 0 : i32
          %dma_start3A_130 = tpu.memref_slice %arg16[%dma_start3A_128, %dma_start3A_129] : memref<10112x128xf32, #tpu.memory_space<vmem_shared>> -> memref<10112x128xf32, #tpu.memory_space<vmem_shared>>
          tpu.enqueue_indirect_dma source(%arg15 : memref<128x128xf32, #tpu.memory_space<vmem>>) target(%dma_start3A_130 : memref<10112x128xf32, #tpu.memory_space<vmem_shared>>) offsets(%dma_start3A_127 : memref<128xi32, #tpu.memory_space<vmem>>) semaphore(%run_scoped3A : memref<!tpu.dma_semaphore, #tpu.memory_space<semaphore_mem>>) {add = true}
          %dma_wait3A_131 = arith.constant 0 : i32
          %dma_wait3A_132 = tpu.memref_slice %arg13[%add3A_124, %dma_wait3A_131] : memref<40x128xi32, #tpu.memory_space<vmem>> -> memref<1x128xi32, #tpu.memory_space<vmem>>
          %dma_wait3A_133 = tpu.memref_squeeze %dma_wait3A_132 : memref<1x128xi32, #tpu.memory_space<vmem>> -> memref<128xi32, #tpu.memory_space<vmem>>
          %dma_wait3A_134 = arith.constant 0 : i32
          %dma_wait3A_135 = arith.constant 0 : i32
          %dma_wait3A_136 = tpu.memref_slice %arg16[%dma_wait3A_134, %dma_wait3A_135] : memref<10112x128xf32, #tpu.memory_space<vmem_shared>> -> memref<10112x128xf32, #tpu.memory_space<vmem_shared>>
          tpu.wait_indirect_dma semaphore(%run_scoped3A : memref<!tpu.dma_semaphore, #tpu.memory_space<semaphore_mem>>) src(%arg15 : memref<128x128xf32, #tpu.memory_space<vmem>>) dst(%dma_wait3A_136 : memref<10112x128xf32, #tpu.memory_space<vmem_shared>>)
          tpu.yield
        }) : () -> ()
      }
      %scan3A_42 = arith.constant 20 : i32
      %dma_wait3A = arith.constant 38 : i32
      %dma_wait3A_43 = arith.constant 0 : i32
      %dma_wait3A_44 = tpu.memref_slice %arg12[%dma_wait3A, %dma_wait3A_43] : memref<40x128xi32, #tpu.memory_space<vmem>> -> memref<1x128xi32, #tpu.memory_space<vmem>>
      %dma_wait3A_45 = tpu.memref_squeeze %dma_wait3A_44 : memref<1x128xi32, #tpu.memory_space<vmem>> -> memref<128xi32, #tpu.memory_space<vmem>>
      %dma_wait3A_46 = arith.constant 0 : i32
      %dma_wait3A_47 = arith.constant 0 : i32
      %dma_wait3A_48 = tpu.memref_slice %arg3[%dma_wait3A_46, %dma_wait3A_47] : memref<10000x128xf32, #tpu.memory_space<hbm>> -> memref<10000x128xf32, #tpu.memory_space<hbm>>
      tpu.wait_indirect_dma semaphore(%arg17 : memref<!tpu.dma_semaphore, #tpu.memory_space<semaphore_mem>>) src(%dma_wait3A_48 : memref<10000x128xf32, #tpu.memory_space<hbm>>) dst(%arg14 : memref<128x128xf32, #tpu.memory_space<vmem>>)
      %mul3A_49 = arith.constant 80 : i32
      %mul3A_50 = arith.muli %arg1, %mul3A_49 : i32
      %add3A_51 = arith.constant 40 : i32
      %add3A_52 = arith.addi %mul3A_50, %add3A_51 : i32
      "tpu.region"() ({
        %run_scoped3A = tpu.sem_alloc : memref<!tpu.dma_semaphore, #tpu.memory_space<semaphore_mem>>
        %dma_start3A_89 = arith.constant 0 : i32
        %dma_start3A_90 = tpu.memref_slice %arg6[%add3A_52, %dma_start3A_89] : memref<1280x128xi32, #tpu.memory_space<hbm>> -> memref<40x128xi32, #tpu.memory_space<hbm>>
        %dma_start3A_91 = arith.constant 0 : i32
        %dma_start3A_92 = tpu.memref_slice %arg6[%add3A_52, %dma_start3A_91] : memref<1280x128xi32, #tpu.memory_space<hbm>> -> memref<40x128xi32, #tpu.memory_space<hbm>>
        tpu.enqueue_dma source(%dma_start3A_92 : memref<40x128xi32, #tpu.memory_space<hbm>>) target(%arg12 : memref<40x128xi32, #tpu.memory_space<vmem>>) target_semaphore(%run_scoped3A : memref<!tpu.dma_semaphore, #tpu.memory_space<semaphore_mem>>)
        %dma_wait3A_93 = arith.constant 0 : i32
        %dma_wait3A_94 = tpu.memref_slice %arg6[%add3A_52, %dma_wait3A_93] : memref<1280x128xi32, #tpu.memory_space<hbm>> -> memref<40x128xi32, #tpu.memory_space<hbm>>
        %dma_wait3A_95 = arith.constant 0 : i32
        %dma_wait3A_96 = tpu.memref_slice %arg6[%add3A_52, %dma_wait3A_95] : memref<1280x128xi32, #tpu.memory_space<hbm>> -> memref<40x128xi32, #tpu.memory_space<hbm>>
        tpu.wait_dma2 semaphore(%run_scoped3A : memref<!tpu.dma_semaphore, #tpu.memory_space<semaphore_mem>>) src(%dma_wait3A_96 : memref<40x128xi32, #tpu.memory_space<hbm>>) dst(%arg12 : memref<40x128xi32, #tpu.memory_space<vmem>>)
        tpu.yield
      }) : () -> ()
      %mul3A_53 = arith.constant 80 : i32
      %mul3A_54 = arith.muli %arg1, %mul3A_53 : i32
      %add3A_55 = arith.constant 40 : i32
      %add3A_56 = arith.addi %mul3A_54, %add3A_55 : i32
      "tpu.region"() ({
        %run_scoped3A = tpu.sem_alloc : memref<!tpu.dma_semaphore, #tpu.memory_space<semaphore_mem>>
        %dma_start3A_89 = arith.constant 0 : i32
        %dma_start3A_90 = tpu.memref_slice %arg7[%add3A_56, %dma_start3A_89] : memref<1280x128xi32, #tpu.memory_space<hbm>> -> memref<40x128xi32, #tpu.memory_space<hbm>>
        %dma_start3A_91 = arith.constant 0 : i32
        %dma_start3A_92 = tpu.memref_slice %arg7[%add3A_56, %dma_start3A_91] : memref<1280x128xi32, #tpu.memory_space<hbm>> -> memref<40x128xi32, #tpu.memory_space<hbm>>
        tpu.enqueue_dma source(%dma_start3A_92 : memref<40x128xi32, #tpu.memory_space<hbm>>) target(%arg13 : memref<40x128xi32, #tpu.memory_space<vmem>>) target_semaphore(%run_scoped3A : memref<!tpu.dma_semaphore, #tpu.memory_space<semaphore_mem>>)
        %dma_wait3A_93 = arith.constant 0 : i32
        %dma_wait3A_94 = tpu.memref_slice %arg7[%add3A_56, %dma_wait3A_93] : memref<1280x128xi32, #tpu.memory_space<hbm>> -> memref<40x128xi32, #tpu.memory_space<hbm>>
        %dma_wait3A_95 = arith.constant 0 : i32
        %dma_wait3A_96 = tpu.memref_slice %arg7[%add3A_56, %dma_wait3A_95] : memref<1280x128xi32, #tpu.memory_space<hbm>> -> memref<40x128xi32, #tpu.memory_space<hbm>>
        tpu.wait_dma2 semaphore(%run_scoped3A : memref<!tpu.dma_semaphore, #tpu.memory_space<semaphore_mem>>) src(%dma_wait3A_96 : memref<40x128xi32, #tpu.memory_space<hbm>>) dst(%arg13 : memref<40x128xi32, #tpu.memory_space<vmem>>)
        tpu.yield
      }) : () -> ()
      %dma_start3A_57 = arith.constant 0 : i32
      %dma_start3A_58 = arith.constant 0 : i32
      %dma_start3A_59 = tpu.memref_slice %arg12[%dma_start3A_57, %dma_start3A_58] : memref<40x128xi32, #tpu.memory_space<vmem>> -> memref<1x128xi32, #tpu.memory_space<vmem>>
      %dma_start3A_60 = tpu.memref_squeeze %dma_start3A_59 : memref<1x128xi32, #tpu.memory_space<vmem>> -> memref<128xi32, #tpu.memory_space<vmem>>
      %dma_start3A_61 = arith.constant 0 : i32
      %dma_start3A_62 = arith.constant 0 : i32
      %dma_start3A_63 = tpu.memref_slice %arg3[%dma_start3A_61, %dma_start3A_62] : memref<10000x128xf32, #tpu.memory_space<hbm>> -> memref<10000x128xf32, #tpu.memory_space<hbm>>
      tpu.enqueue_indirect_dma source(%dma_start3A_63 : memref<10000x128xf32, #tpu.memory_space<hbm>>) target(%arg14 : memref<128x128xf32, #tpu.memory_space<vmem>>) offsets(%dma_start3A_60 : memref<128xi32, #tpu.memory_space<vmem>>) semaphore(%arg17 : memref<!tpu.dma_semaphore, #tpu.memory_space<semaphore_mem>>)
      %scan3A_64 = arith.constant 0 : i32
      %scan3A_65 = arith.constant 0 : i32
      %scan3A_66 = arith.constant 20 : i32
      %scan3A_67 = arith.addi %scan3A_65, %scan3A_66 : i32
      %scan3A_68 = arith.constant 1 : i32
      scf.for %scan3A_89 = %scan3A_65 to %scan3A_67 step %scan3A_68  : i32 {
        %mul3A_90 = arith.constant 2 : i32
        %mul3A_91 = arith.muli %mul3A_90, %scan3A_89 : i32
        %add3A_92 = arith.constant 1 : i32
        %add3A_93 = arith.addi %mul3A_91, %add3A_92 : i32
        %dma_start3A_94 = arith.constant 0 : i32
        %dma_start3A_95 = tpu.memref_slice %arg12[%add3A_93, %dma_start3A_94] : memref<40x128xi32, #tpu.memory_space<vmem>> -> memref<1x128xi32, #tpu.memory_space<vmem>>
        %dma_start3A_96 = tpu.memref_squeeze %dma_start3A_95 : memref<1x128xi32, #tpu.memory_space<vmem>> -> memref<128xi32, #tpu.memory_space<vmem>>
        %dma_start3A_97 = arith.constant 0 : i32
        %dma_start3A_98 = arith.constant 0 : i32
        %dma_start3A_99 = tpu.memref_slice %arg3[%dma_start3A_97, %dma_start3A_98] : memref<10000x128xf32, #tpu.memory_space<hbm>> -> memref<10000x128xf32, #tpu.memory_space<hbm>>
        tpu.enqueue_indirect_dma source(%dma_start3A_99 : memref<10000x128xf32, #tpu.memory_space<hbm>>) target(%arg15 : memref<128x128xf32, #tpu.memory_space<vmem>>) offsets(%dma_start3A_96 : memref<128xi32, #tpu.memory_space<vmem>>) semaphore(%arg18 : memref<!tpu.dma_semaphore, #tpu.memory_space<semaphore_mem>>)
        %dma_wait3A_100 = arith.constant 0 : i32
        %dma_wait3A_101 = tpu.memref_slice %arg12[%mul3A_91, %dma_wait3A_100] : memref<40x128xi32, #tpu.memory_space<vmem>> -> memref<1x128xi32, #tpu.memory_space<vmem>>
        %dma_wait3A_102 = tpu.memref_squeeze %dma_wait3A_101 : memref<1x128xi32, #tpu.memory_space<vmem>> -> memref<128xi32, #tpu.memory_space<vmem>>
        %dma_wait3A_103 = arith.constant 0 : i32
        %dma_wait3A_104 = arith.constant 0 : i32
        %dma_wait3A_105 = tpu.memref_slice %arg3[%dma_wait3A_103, %dma_wait3A_104] : memref<10000x128xf32, #tpu.memory_space<hbm>> -> memref<10000x128xf32, #tpu.memory_space<hbm>>
        tpu.wait_indirect_dma semaphore(%arg17 : memref<!tpu.dma_semaphore, #tpu.memory_space<semaphore_mem>>) src(%dma_wait3A_105 : memref<10000x128xf32, #tpu.memory_space<hbm>>) dst(%arg14 : memref<128x128xf32, #tpu.memory_space<vmem>>)
        "tpu.region"() ({
          %run_scoped3A = tpu.sem_alloc : memref<!tpu.dma_semaphore, #tpu.memory_space<semaphore_mem>>
          %dma_start3A_125 = arith.constant 0 : i32
          %dma_start3A_126 = tpu.memref_slice %arg13[%mul3A_91, %dma_start3A_125] : memref<40x128xi32, #tpu.memory_space<vmem>> -> memref<1x128xi32, #tpu.memory_space<vmem>>
          %dma_start3A_127 = tpu.memref_squeeze %dma_start3A_126 : memref<1x128xi32, #tpu.memory_space<vmem>> -> memref<128xi32, #tpu.memory_space<vmem>>
          %dma_start3A_128 = arith.constant 0 : i32
          %dma_start3A_129 = arith.constant 0 : i32
          %dma_start3A_130 = tpu.memref_slice %arg16[%dma_start3A_128, %dma_start3A_129] : memref<10112x128xf32, #tpu.memory_space<vmem_shared>> -> memref<10112x128xf32, #tpu.memory_space<vmem_shared>>
          tpu.enqueue_indirect_dma source(%arg14 : memref<128x128xf32, #tpu.memory_space<vmem>>) target(%dma_start3A_130 : memref<10112x128xf32, #tpu.memory_space<vmem_shared>>) offsets(%dma_start3A_127 : memref<128xi32, #tpu.memory_space<vmem>>) semaphore(%run_scoped3A : memref<!tpu.dma_semaphore, #tpu.memory_space<semaphore_mem>>) {add = true}
          %dma_wait3A_131 = arith.constant 0 : i32
          %dma_wait3A_132 = tpu.memref_slice %arg13[%mul3A_91, %dma_wait3A_131] : memref<40x128xi32, #tpu.memory_space<vmem>> -> memref<1x128xi32, #tpu.memory_space<vmem>>
          %dma_wait3A_133 = tpu.memref_squeeze %dma_wait3A_132 : memref<1x128xi32, #tpu.memory_space<vmem>> -> memref<128xi32, #tpu.memory_space<vmem>>
          %dma_wait3A_134 = arith.constant 0 : i32
          %dma_wait3A_135 = arith.constant 0 : i32
          %dma_wait3A_136 = tpu.memref_slice %arg16[%dma_wait3A_134, %dma_wait3A_135] : memref<10112x128xf32, #tpu.memory_space<vmem_shared>> -> memref<10112x128xf32, #tpu.memory_space<vmem_shared>>
          tpu.wait_indirect_dma semaphore(%run_scoped3A : memref<!tpu.dma_semaphore, #tpu.memory_space<semaphore_mem>>) src(%arg14 : memref<128x128xf32, #tpu.memory_space<vmem>>) dst(%dma_wait3A_136 : memref<10112x128xf32, #tpu.memory_space<vmem_shared>>)
          tpu.yield
        }) : () -> ()
        %add3A_106 = arith.constant 2 : i32
        %add3A_107 = arith.addi %mul3A_91, %add3A_106 : i32
        %min3A = arith.constant 38 : i32
        %min3A_108 = arith.minsi %add3A_107, %min3A : i32
        %dma_start3A_109 = arith.constant 0 : i32
        %dma_start3A_110 = tpu.memref_slice %arg12[%min3A_108, %dma_start3A_109] : memref<40x128xi32, #tpu.memory_space<vmem>> -> memref<1x128xi32, #tpu.memory_space<vmem>>
        %dma_start3A_111 = tpu.memref_squeeze %dma_start3A_110 : memref<1x128xi32, #tpu.memory_space<vmem>> -> memref<128xi32, #tpu.memory_space<vmem>>
        %dma_start3A_112 = arith.constant 0 : i32
        %dma_start3A_113 = arith.constant 0 : i32
        %dma_start3A_114 = tpu.memref_slice %arg3[%dma_start3A_112, %dma_start3A_113] : memref<10000x128xf32, #tpu.memory_space<hbm>> -> memref<10000x128xf32, #tpu.memory_space<hbm>>
        tpu.enqueue_indirect_dma source(%dma_start3A_114 : memref<10000x128xf32, #tpu.memory_space<hbm>>) target(%arg14 : memref<128x128xf32, #tpu.memory_space<vmem>>) offsets(%dma_start3A_111 : memref<128xi32, #tpu.memory_space<vmem>>) semaphore(%arg17 : memref<!tpu.dma_semaphore, #tpu.memory_space<semaphore_mem>>)
        %add3A_115 = arith.constant 1 : i32
        %add3A_116 = arith.addi %mul3A_91, %add3A_115 : i32
        %dma_wait3A_117 = arith.constant 0 : i32
        %dma_wait3A_118 = tpu.memref_slice %arg12[%add3A_116, %dma_wait3A_117] : memref<40x128xi32, #tpu.memory_space<vmem>> -> memref<1x128xi32, #tpu.memory_space<vmem>>
        %dma_wait3A_119 = tpu.memref_squeeze %dma_wait3A_118 : memref<1x128xi32, #tpu.memory_space<vmem>> -> memref<128xi32, #tpu.memory_space<vmem>>
        %dma_wait3A_120 = arith.constant 0 : i32
        %dma_wait3A_121 = arith.constant 0 : i32
        %dma_wait3A_122 = tpu.memref_slice %arg3[%dma_wait3A_120, %dma_wait3A_121] : memref<10000x128xf32, #tpu.memory_space<hbm>> -> memref<10000x128xf32, #tpu.memory_space<hbm>>
        tpu.wait_indirect_dma semaphore(%arg18 : memref<!tpu.dma_semaphore, #tpu.memory_space<semaphore_mem>>) src(%dma_wait3A_122 : memref<10000x128xf32, #tpu.memory_space<hbm>>) dst(%arg15 : memref<128x128xf32, #tpu.memory_space<vmem>>)
        %add3A_123 = arith.constant 1 : i32
        %add3A_124 = arith.addi %mul3A_91, %add3A_123 : i32
        "tpu.region"() ({
          %run_scoped3A = tpu.sem_alloc : memref<!tpu.dma_semaphore, #tpu.memory_space<semaphore_mem>>
          %dma_start3A_125 = arith.constant 0 : i32
          %dma_start3A_126 = tpu.memref_slice %arg13[%add3A_124, %dma_start3A_125] : memref<40x128xi32, #tpu.memory_space<vmem>> -> memref<1x128xi32, #tpu.memory_space<vmem>>
          %dma_start3A_127 = tpu.memref_squeeze %dma_start3A_126 : memref<1x128xi32, #tpu.memory_space<vmem>> -> memref<128xi32, #tpu.memory_space<vmem>>
          %dma_start3A_128 = arith.constant 0 : i32
          %dma_start3A_129 = arith.constant 0 : i32
          %dma_start3A_130 = tpu.memref_slice %arg16[%dma_start3A_128, %dma_start3A_129] : memref<10112x128xf32, #tpu.memory_space<vmem_shared>> -> memref<10112x128xf32, #tpu.memory_space<vmem_shared>>
          tpu.enqueue_indirect_dma source(%arg15 : memref<128x128xf32, #tpu.memory_space<vmem>>) target(%dma_start3A_130 : memref<10112x128xf32, #tpu.memory_space<vmem_shared>>) offsets(%dma_start3A_127 : memref<128xi32, #tpu.memory_space<vmem>>) semaphore(%run_scoped3A : memref<!tpu.dma_semaphore, #tpu.memory_space<semaphore_mem>>) {add = true}
          %dma_wait3A_131 = arith.constant 0 : i32
          %dma_wait3A_132 = tpu.memref_slice %arg13[%add3A_124, %dma_wait3A_131] : memref<40x128xi32, #tpu.memory_space<vmem>> -> memref<1x128xi32, #tpu.memory_space<vmem>>
          %dma_wait3A_133 = tpu.memref_squeeze %dma_wait3A_132 : memref<1x128xi32, #tpu.memory_space<vmem>> -> memref<128xi32, #tpu.memory_space<vmem>>
          %dma_wait3A_134 = arith.constant 0 : i32
          %dma_wait3A_135 = arith.constant 0 : i32
          %dma_wait3A_136 = tpu.memref_slice %arg16[%dma_wait3A_134, %dma_wait3A_135] : memref<10112x128xf32, #tpu.memory_space<vmem_shared>> -> memref<10112x128xf32, #tpu.memory_space<vmem_shared>>
          tpu.wait_indirect_dma semaphore(%run_scoped3A : memref<!tpu.dma_semaphore, #tpu.memory_space<semaphore_mem>>) src(%arg15 : memref<128x128xf32, #tpu.memory_space<vmem>>) dst(%dma_wait3A_136 : memref<10112x128xf32, #tpu.memory_space<vmem_shared>>)
          tpu.yield
        }) : () -> ()
      }
      %scan3A_69 = arith.constant 20 : i32
      %dma_wait3A_70 = arith.constant 38 : i32
      %dma_wait3A_71 = arith.constant 0 : i32
      %dma_wait3A_72 = tpu.memref_slice %arg12[%dma_wait3A_70, %dma_wait3A_71] : memref<40x128xi32, #tpu.memory_space<vmem>> -> memref<1x128xi32, #tpu.memory_space<vmem>>
      %dma_wait3A_73 = tpu.memref_squeeze %dma_wait3A_72 : memref<1x128xi32, #tpu.memory_space<vmem>> -> memref<128xi32, #tpu.memory_space<vmem>>
      %dma_wait3A_74 = arith.constant 0 : i32
      %dma_wait3A_75 = arith.constant 0 : i32
      %dma_wait3A_76 = tpu.memref_slice %arg3[%dma_wait3A_74, %dma_wait3A_75] : memref<10000x128xf32, #tpu.memory_space<hbm>> -> memref<10000x128xf32, #tpu.memory_space<hbm>>
      tpu.wait_indirect_dma semaphore(%arg17 : memref<!tpu.dma_semaphore, #tpu.memory_space<semaphore_mem>>) src(%dma_wait3A_76 : memref<10000x128xf32, #tpu.memory_space<hbm>>) dst(%arg14 : memref<128x128xf32, #tpu.memory_space<vmem>>)
      %barrier3A_77 = arith.constant 0 : index
      tpu.barrier barrier_id(%barrier3A_77)
      %lt3A_78 = arith.constant 15 : i32
      %lt3A_79 = arith.cmpi slt, %arg1, %lt3A_78 : i32
      %convert_element_type3A_80 = arith.extui %lt3A_79 : i1 to i32
      %cond3A_81 = arith.constant 0 : i32
      %cond3A_82 = arith.cmpi ne, %convert_element_type3A_80, %cond3A_81 : i32
      scf.if %cond3A_82 {
        %mul3A_89 = arith.constant 632 : i32
        %mul3A_90 = arith.muli %arg1, %mul3A_89 : i32
        %mul3A_91 = arith.constant 632 : i32
        %mul3A_92 = arith.muli %arg1, %mul3A_91 : i32
        "tpu.region"() ({
          %run_scoped3A = tpu.sem_alloc : memref<!tpu.dma_semaphore, #tpu.memory_space<semaphore_mem>>
          %dma_start3A_93 = arith.constant 0 : i32
          %dma_start3A_94 = tpu.memref_slice %arg9[%mul3A_92, %dma_start3A_93] : memref<10000x128xf32, #tpu.memory_space<hbm>> -> memref<632x128xf32, #tpu.memory_space<hbm>>
          %dma_start3A_95 = arith.constant 0 : i32
          %dma_start3A_96 = tpu.memref_slice %arg16[%mul3A_90, %dma_start3A_95] : memref<10112x128xf32, #tpu.memory_space<vmem_shared>> -> memref<632x128xf32, #tpu.memory_space<vmem_shared>>
          tpu.enqueue_dma source(%dma_start3A_96 : memref<632x128xf32, #tpu.memory_space<vmem_shared>>) target(%dma_start3A_94 : memref<632x128xf32, #tpu.memory_space<hbm>>) target_semaphore(%run_scoped3A : memref<!tpu.dma_semaphore, #tpu.memory_space<semaphore_mem>>)
          %dma_wait3A_97 = arith.constant 0 : i32
          %dma_wait3A_98 = tpu.memref_slice %arg9[%mul3A_92, %dma_wait3A_97] : memref<10000x128xf32, #tpu.memory_space<hbm>> -> memref<632x128xf32, #tpu.memory_space<hbm>>
          %dma_wait3A_99 = arith.constant 0 : i32
          %dma_wait3A_100 = tpu.memref_slice %arg16[%mul3A_90, %dma_wait3A_99] : memref<10112x128xf32, #tpu.memory_space<vmem_shared>> -> memref<632x128xf32, #tpu.memory_space<vmem_shared>>
          tpu.wait_dma2 semaphore(%run_scoped3A : memref<!tpu.dma_semaphore, #tpu.memory_space<semaphore_mem>>) src(%dma_wait3A_100 : memref<632x128xf32, #tpu.memory_space<vmem_shared>>) dst(%dma_wait3A_98 : memref<632x128xf32, #tpu.memory_space<hbm>>)
          tpu.yield
        }) : () -> ()
      } else {
      }
      %eq3A_83 = arith.constant 15 : i32
      %eq3A_84 = arith.cmpi eq, %arg1, %eq3A_83 : i32
      %convert_element_type3A_85 = arith.extui %eq3A_84 : i1 to i32
      %cond3A_86 = arith.constant 0 : i32
      %cond3A_87 = arith.cmpi ne, %convert_element_type3A_85, %cond3A_86 : i32
      scf.if %cond3A_87 {
        "tpu.region"() ({
          %run_scoped3A = tpu.sem_alloc : memref<!tpu.dma_semaphore, #tpu.memory_space<semaphore_mem>>
          %dma_start3A_89 = arith.constant 9480 : i32
          %dma_start3A_90 = arith.constant 0 : i32
          %dma_start3A_91 = tpu.memref_slice %arg9[%dma_start3A_89, %dma_start3A_90] : memref<10000x128xf32, #tpu.memory_space<hbm>> -> memref<520x128xf32, #tpu.memory_space<hbm>>
          %dma_start3A_92 = arith.constant 9480 : i32
          %dma_start3A_93 = arith.constant 0 : i32
          %dma_start3A_94 = tpu.memref_slice %arg16[%dma_start3A_92, %dma_start3A_93] : memref<10112x128xf32, #tpu.memory_space<vmem_shared>> -> memref<520x128xf32, #tpu.memory_space<vmem_shared>>
          tpu.enqueue_dma source(%dma_start3A_94 : memref<520x128xf32, #tpu.memory_space<vmem_shared>>) target(%dma_start3A_91 : memref<520x128xf32, #tpu.memory_space<hbm>>) target_semaphore(%run_scoped3A : memref<!tpu.dma_semaphore, #tpu.memory_space<semaphore_mem>>)
          %dma_wait3A_95 = arith.constant 9480 : i32
          %dma_wait3A_96 = arith.constant 0 : i32
          %dma_wait3A_97 = tpu.memref_slice %arg9[%dma_wait3A_95, %dma_wait3A_96] : memref<10000x128xf32, #tpu.memory_space<hbm>> -> memref<520x128xf32, #tpu.memory_space<hbm>>
          %dma_wait3A_98 = arith.constant 9480 : i32
          %dma_wait3A_99 = arith.constant 0 : i32
          %dma_wait3A_100 = tpu.memref_slice %arg16[%dma_wait3A_98, %dma_wait3A_99] : memref<10112x128xf32, #tpu.memory_space<vmem_shared>> -> memref<520x128xf32, #tpu.memory_space<vmem_shared>>
          tpu.wait_dma2 semaphore(%run_scoped3A : memref<!tpu.dma_semaphore, #tpu.memory_space<semaphore_mem>>) src(%dma_wait3A_100 : memref<520x128xf32, #tpu.memory_space<vmem_shared>>) dst(%dma_wait3A_97 : memref<520x128xf32, #tpu.memory_space<hbm>>)
          tpu.yield
        }) : () -> ()
      } else {
      }
      %barrier3A_88 = arith.constant 0 : index
      tpu.barrier barrier_id(%barrier3A_88)
    } else {
    }
    %eq3A_7 = arith.constant 0 : i32
    %eq3A_8 = arith.cmpi eq, %arg0, %eq3A_7 : i32
    %convert_element_type3A_9 = arith.extui %eq3A_8 : i1 to i32
    %cond3A_10 = arith.constant 0 : i32
    %cond3A_11 = arith.cmpi ne, %convert_element_type3A_9, %cond3A_10 : i32
    scf.if %cond3A_11 {
      %lt3A = arith.constant 15 : i32
      %lt3A_17 = arith.cmpi slt, %arg1, %lt3A : i32
      %convert_element_type3A_18 = arith.extui %lt3A_17 : i1 to i32
      %cond3A_19 = arith.constant 0 : i32
      %cond3A_20 = arith.cmpi ne, %convert_element_type3A_18, %cond3A_19 : i32
      scf.if %cond3A_20 {
        %mul3A_89 = arith.constant 632 : i32
        %mul3A_90 = arith.muli %arg1, %mul3A_89 : i32
        %mul3A_91 = arith.constant 632 : i32
        %mul3A_92 = arith.muli %arg1, %mul3A_91 : i32
        "tpu.region"() ({
          %run_scoped3A = tpu.sem_alloc : memref<!tpu.dma_semaphore, #tpu.memory_space<semaphore_mem>>
          %dma_start3A_93 = arith.constant 0 : i32
          %dma_start3A_94 = tpu.memref_slice %arg16[%mul3A_92, %dma_start3A_93] : memref<10112x128xf32, #tpu.memory_space<vmem_shared>> -> memref<632x128xf32, #tpu.memory_space<vmem_shared>>
          %dma_start3A_95 = arith.constant 0 : i32
          %dma_start3A_96 = tpu.memref_slice %arg4[%mul3A_90, %dma_start3A_95] : memref<10000x128xf32, #tpu.memory_space<hbm>> -> memref<632x128xf32, #tpu.memory_space<hbm>>
          tpu.enqueue_dma source(%dma_start3A_96 : memref<632x128xf32, #tpu.memory_space<hbm>>) target(%dma_start3A_94 : memref<632x128xf32, #tpu.memory_space<vmem_shared>>) target_semaphore(%run_scoped3A : memref<!tpu.dma_semaphore, #tpu.memory_space<semaphore_mem>>)
          %dma_wait3A_97 = arith.constant 0 : i32
          %dma_wait3A_98 = tpu.memref_slice %arg16[%mul3A_92, %dma_wait3A_97] : memref<10112x128xf32, #tpu.memory_space<vmem_shared>> -> memref<632x128xf32, #tpu.memory_space<vmem_shared>>
          %dma_wait3A_99 = arith.constant 0 : i32
          %dma_wait3A_100 = tpu.memref_slice %arg4[%mul3A_90, %dma_wait3A_99] : memref<10000x128xf32, #tpu.memory_space<hbm>> -> memref<632x128xf32, #tpu.memory_space<hbm>>
          tpu.wait_dma2 semaphore(%run_scoped3A : memref<!tpu.dma_semaphore, #tpu.memory_space<semaphore_mem>>) src(%dma_wait3A_100 : memref<632x128xf32, #tpu.memory_space<hbm>>) dst(%dma_wait3A_98 : memref<632x128xf32, #tpu.memory_space<vmem_shared>>)
          tpu.yield
        }) : () -> ()
      } else {
      }
      %eq3A_21 = arith.constant 15 : i32
      %eq3A_22 = arith.cmpi eq, %arg1, %eq3A_21 : i32
      %convert_element_type3A_23 = arith.extui %eq3A_22 : i1 to i32
      %cond3A_24 = arith.constant 0 : i32
      %cond3A_25 = arith.cmpi ne, %convert_element_type3A_23, %cond3A_24 : i32
      scf.if %cond3A_25 {
        "tpu.region"() ({
          %run_scoped3A = tpu.sem_alloc : memref<!tpu.dma_semaphore, #tpu.memory_space<semaphore_mem>>
          %dma_start3A_89 = arith.constant 9480 : i32
          %dma_start3A_90 = arith.constant 0 : i32
          %dma_start3A_91 = tpu.memref_slice %arg16[%dma_start3A_89, %dma_start3A_90] : memref<10112x128xf32, #tpu.memory_space<vmem_shared>> -> memref<520x128xf32, #tpu.memory_space<vmem_shared>>
          %dma_start3A_92 = arith.constant 9480 : i32
          %dma_start3A_93 = arith.constant 0 : i32
          %dma_start3A_94 = tpu.memref_slice %arg4[%dma_start3A_92, %dma_start3A_93] : memref<10000x128xf32, #tpu.memory_space<hbm>> -> memref<520x128xf32, #tpu.memory_space<hbm>>
          tpu.enqueue_dma source(%dma_start3A_94 : memref<520x128xf32, #tpu.memory_space<hbm>>) target(%dma_start3A_91 : memref<520x128xf32, #tpu.memory_space<vmem_shared>>) target_semaphore(%run_scoped3A : memref<!tpu.dma_semaphore, #tpu.memory_space<semaphore_mem>>)
          %dma_wait3A_95 = arith.constant 9480 : i32
          %dma_wait3A_96 = arith.constant 0 : i32
          %dma_wait3A_97 = tpu.memref_slice %arg16[%dma_wait3A_95, %dma_wait3A_96] : memref<10112x128xf32, #tpu.memory_space<vmem_shared>> -> memref<520x128xf32, #tpu.memory_space<vmem_shared>>
          %dma_wait3A_98 = arith.constant 9480 : i32
          %dma_wait3A_99 = arith.constant 0 : i32
          %dma_wait3A_100 = tpu.memref_slice %arg4[%dma_wait3A_98, %dma_wait3A_99] : memref<10000x128xf32, #tpu.memory_space<hbm>> -> memref<520x128xf32, #tpu.memory_space<hbm>>
          tpu.wait_dma2 semaphore(%run_scoped3A : memref<!tpu.dma_semaphore, #tpu.memory_space<semaphore_mem>>) src(%dma_wait3A_100 : memref<520x128xf32, #tpu.memory_space<hbm>>) dst(%dma_wait3A_97 : memref<520x128xf32, #tpu.memory_space<vmem_shared>>)
          tpu.yield
        }) : () -> ()
      } else {
      }
      %barrier3A = arith.constant 0 : index
      tpu.barrier barrier_id(%barrier3A)
      %mul3A = arith.constant 80 : i32
      %mul3A_26 = arith.muli %arg1, %mul3A : i32
      %add3A = arith.constant 0 : i32
      %add3A_27 = arith.addi %mul3A_26, %add3A : i32
      "tpu.region"() ({
        %run_scoped3A = tpu.sem_alloc : memref<!tpu.dma_semaphore, #tpu.memory_space<semaphore_mem>>
        %dma_start3A_89 = arith.constant 0 : i32
        %dma_start3A_90 = tpu.memref_slice %arg6[%add3A_27, %dma_start3A_89] : memref<1280x128xi32, #tpu.memory_space<hbm>> -> memref<40x128xi32, #tpu.memory_space<hbm>>
        %dma_start3A_91 = arith.constant 0 : i32
        %dma_start3A_92 = tpu.memref_slice %arg6[%add3A_27, %dma_start3A_91] : memref<1280x128xi32, #tpu.memory_space<hbm>> -> memref<40x128xi32, #tpu.memory_space<hbm>>
        tpu.enqueue_dma source(%dma_start3A_92 : memref<40x128xi32, #tpu.memory_space<hbm>>) target(%arg12 : memref<40x128xi32, #tpu.memory_space<vmem>>) target_semaphore(%run_scoped3A : memref<!tpu.dma_semaphore, #tpu.memory_space<semaphore_mem>>)
        %dma_wait3A_93 = arith.constant 0 : i32
        %dma_wait3A_94 = tpu.memref_slice %arg6[%add3A_27, %dma_wait3A_93] : memref<1280x128xi32, #tpu.memory_space<hbm>> -> memref<40x128xi32, #tpu.memory_space<hbm>>
        %dma_wait3A_95 = arith.constant 0 : i32
        %dma_wait3A_96 = tpu.memref_slice %arg6[%add3A_27, %dma_wait3A_95] : memref<1280x128xi32, #tpu.memory_space<hbm>> -> memref<40x128xi32, #tpu.memory_space<hbm>>
        tpu.wait_dma2 semaphore(%run_scoped3A : memref<!tpu.dma_semaphore, #tpu.memory_space<semaphore_mem>>) src(%dma_wait3A_96 : memref<40x128xi32, #tpu.memory_space<hbm>>) dst(%arg12 : memref<40x128xi32, #tpu.memory_space<vmem>>)
        tpu.yield
      }) : () -> ()
      %mul3A_28 = arith.constant 80 : i32
      %mul3A_29 = arith.muli %arg1, %mul3A_28 : i32
      %add3A_30 = arith.constant 0 : i32
      %add3A_31 = arith.addi %mul3A_29, %add3A_30 : i32
      "tpu.region"() ({
        %run_scoped3A = tpu.sem_alloc : memref<!tpu.dma_semaphore, #tpu.memory_space<semaphore_mem>>
        %dma_start3A_89 = arith.constant 0 : i32
        %dma_start3A_90 = tpu.memref_slice %arg7[%add3A_31, %dma_start3A_89] : memref<1280x128xi32, #tpu.memory_space<hbm>> -> memref<40x128xi32, #tpu.memory_space<hbm>>
        %dma_start3A_91 = arith.constant 0 : i32
        %dma_start3A_92 = tpu.memref_slice %arg7[%add3A_31, %dma_start3A_91] : memref<1280x128xi32, #tpu.memory_space<hbm>> -> memref<40x128xi32, #tpu.memory_space<hbm>>
        tpu.enqueue_dma source(%dma_start3A_92 : memref<40x128xi32, #tpu.memory_space<hbm>>) target(%arg13 : memref<40x128xi32, #tpu.memory_space<vmem>>) target_semaphore(%run_scoped3A : memref<!tpu.dma_semaphore, #tpu.memory_space<semaphore_mem>>)
        %dma_wait3A_93 = arith.constant 0 : i32
        %dma_wait3A_94 = tpu.memref_slice %arg7[%add3A_31, %dma_wait3A_93] : memref<1280x128xi32, #tpu.memory_space<hbm>> -> memref<40x128xi32, #tpu.memory_space<hbm>>
        %dma_wait3A_95 = arith.constant 0 : i32
        %dma_wait3A_96 = tpu.memref_slice %arg7[%add3A_31, %dma_wait3A_95] : memref<1280x128xi32, #tpu.memory_space<hbm>> -> memref<40x128xi32, #tpu.memory_space<hbm>>
        tpu.wait_dma2 semaphore(%run_scoped3A : memref<!tpu.dma_semaphore, #tpu.memory_space<semaphore_mem>>) src(%dma_wait3A_96 : memref<40x128xi32, #tpu.memory_space<hbm>>) dst(%arg13 : memref<40x128xi32, #tpu.memory_space<vmem>>)
        tpu.yield
      }) : () -> ()
      %dma_start3A = arith.constant 0 : i32
      %dma_start3A_32 = arith.constant 0 : i32
      %dma_start3A_33 = tpu.memref_slice %arg12[%dma_start3A, %dma_start3A_32] : memref<40x128xi32, #tpu.memory_space<vmem>> -> memref<1x128xi32, #tpu.memory_space<vmem>>
      %dma_start3A_34 = tpu.memref_squeeze %dma_start3A_33 : memref<1x128xi32, #tpu.memory_space<vmem>> -> memref<128xi32, #tpu.memory_space<vmem>>
      %dma_start3A_35 = arith.constant 0 : i32
      %dma_start3A_36 = arith.constant 0 : i32
      %dma_start3A_37 = tpu.memref_slice %arg4[%dma_start3A_35, %dma_start3A_36] : memref<10000x128xf32, #tpu.memory_space<hbm>> -> memref<10000x128xf32, #tpu.memory_space<hbm>>
      tpu.enqueue_indirect_dma source(%dma_start3A_37 : memref<10000x128xf32, #tpu.memory_space<hbm>>) target(%arg14 : memref<128x128xf32, #tpu.memory_space<vmem>>) offsets(%dma_start3A_34 : memref<128xi32, #tpu.memory_space<vmem>>) semaphore(%arg17 : memref<!tpu.dma_semaphore, #tpu.memory_space<semaphore_mem>>)
      %scan3A = arith.constant 0 : i32
      %scan3A_38 = arith.constant 0 : i32
      %scan3A_39 = arith.constant 20 : i32
      %scan3A_40 = arith.addi %scan3A_38, %scan3A_39 : i32
      %scan3A_41 = arith.constant 1 : i32
      scf.for %scan3A_89 = %scan3A_38 to %scan3A_40 step %scan3A_41  : i32 {
        %mul3A_90 = arith.constant 2 : i32
        %mul3A_91 = arith.muli %mul3A_90, %scan3A_89 : i32
        %add3A_92 = arith.constant 1 : i32
        %add3A_93 = arith.addi %mul3A_91, %add3A_92 : i32
        %dma_start3A_94 = arith.constant 0 : i32
        %dma_start3A_95 = tpu.memref_slice %arg12[%add3A_93, %dma_start3A_94] : memref<40x128xi32, #tpu.memory_space<vmem>> -> memref<1x128xi32, #tpu.memory_space<vmem>>
        %dma_start3A_96 = tpu.memref_squeeze %dma_start3A_95 : memref<1x128xi32, #tpu.memory_space<vmem>> -> memref<128xi32, #tpu.memory_space<vmem>>
        %dma_start3A_97 = arith.constant 0 : i32
        %dma_start3A_98 = arith.constant 0 : i32
        %dma_start3A_99 = tpu.memref_slice %arg4[%dma_start3A_97, %dma_start3A_98] : memref<10000x128xf32, #tpu.memory_space<hbm>> -> memref<10000x128xf32, #tpu.memory_space<hbm>>
        tpu.enqueue_indirect_dma source(%dma_start3A_99 : memref<10000x128xf32, #tpu.memory_space<hbm>>) target(%arg15 : memref<128x128xf32, #tpu.memory_space<vmem>>) offsets(%dma_start3A_96 : memref<128xi32, #tpu.memory_space<vmem>>) semaphore(%arg18 : memref<!tpu.dma_semaphore, #tpu.memory_space<semaphore_mem>>)
        %dma_wait3A_100 = arith.constant 0 : i32
        %dma_wait3A_101 = tpu.memref_slice %arg12[%mul3A_91, %dma_wait3A_100] : memref<40x128xi32, #tpu.memory_space<vmem>> -> memref<1x128xi32, #tpu.memory_space<vmem>>
        %dma_wait3A_102 = tpu.memref_squeeze %dma_wait3A_101 : memref<1x128xi32, #tpu.memory_space<vmem>> -> memref<128xi32, #tpu.memory_space<vmem>>
        %dma_wait3A_103 = arith.constant 0 : i32
        %dma_wait3A_104 = arith.constant 0 : i32
        %dma_wait3A_105 = tpu.memref_slice %arg4[%dma_wait3A_103, %dma_wait3A_104] : memref<10000x128xf32, #tpu.memory_space<hbm>> -> memref<10000x128xf32, #tpu.memory_space<hbm>>
        tpu.wait_indirect_dma semaphore(%arg17 : memref<!tpu.dma_semaphore, #tpu.memory_space<semaphore_mem>>) src(%dma_wait3A_105 : memref<10000x128xf32, #tpu.memory_space<hbm>>) dst(%arg14 : memref<128x128xf32, #tpu.memory_space<vmem>>)
        "tpu.region"() ({
          %run_scoped3A = tpu.sem_alloc : memref<!tpu.dma_semaphore, #tpu.memory_space<semaphore_mem>>
          %dma_start3A_125 = arith.constant 0 : i32
          %dma_start3A_126 = tpu.memref_slice %arg13[%mul3A_91, %dma_start3A_125] : memref<40x128xi32, #tpu.memory_space<vmem>> -> memref<1x128xi32, #tpu.memory_space<vmem>>
          %dma_start3A_127 = tpu.memref_squeeze %dma_start3A_126 : memref<1x128xi32, #tpu.memory_space<vmem>> -> memref<128xi32, #tpu.memory_space<vmem>>
          %dma_start3A_128 = arith.constant 0 : i32
          %dma_start3A_129 = arith.constant 0 : i32
          %dma_start3A_130 = tpu.memref_slice %arg16[%dma_start3A_128, %dma_start3A_129] : memref<10112x128xf32, #tpu.memory_space<vmem_shared>> -> memref<10112x128xf32, #tpu.memory_space<vmem_shared>>
          tpu.enqueue_indirect_dma source(%arg14 : memref<128x128xf32, #tpu.memory_space<vmem>>) target(%dma_start3A_130 : memref<10112x128xf32, #tpu.memory_space<vmem_shared>>) offsets(%dma_start3A_127 : memref<128xi32, #tpu.memory_space<vmem>>) semaphore(%run_scoped3A : memref<!tpu.dma_semaphore, #tpu.memory_space<semaphore_mem>>) {add = true}
          %dma_wait3A_131 = arith.constant 0 : i32
          %dma_wait3A_132 = tpu.memref_slice %arg13[%mul3A_91, %dma_wait3A_131] : memref<40x128xi32, #tpu.memory_space<vmem>> -> memref<1x128xi32, #tpu.memory_space<vmem>>
          %dma_wait3A_133 = tpu.memref_squeeze %dma_wait3A_132 : memref<1x128xi32, #tpu.memory_space<vmem>> -> memref<128xi32, #tpu.memory_space<vmem>>
          %dma_wait3A_134 = arith.constant 0 : i32
          %dma_wait3A_135 = arith.constant 0 : i32
          %dma_wait3A_136 = tpu.memref_slice %arg16[%dma_wait3A_134, %dma_wait3A_135] : memref<10112x128xf32, #tpu.memory_space<vmem_shared>> -> memref<10112x128xf32, #tpu.memory_space<vmem_shared>>
          tpu.wait_indirect_dma semaphore(%run_scoped3A : memref<!tpu.dma_semaphore, #tpu.memory_space<semaphore_mem>>) src(%arg14 : memref<128x128xf32, #tpu.memory_space<vmem>>) dst(%dma_wait3A_136 : memref<10112x128xf32, #tpu.memory_space<vmem_shared>>)
          tpu.yield
        }) : () -> ()
        %add3A_106 = arith.constant 2 : i32
        %add3A_107 = arith.addi %mul3A_91, %add3A_106 : i32
        %min3A = arith.constant 38 : i32
        %min3A_108 = arith.minsi %add3A_107, %min3A : i32
        %dma_start3A_109 = arith.constant 0 : i32
        %dma_start3A_110 = tpu.memref_slice %arg12[%min3A_108, %dma_start3A_109] : memref<40x128xi32, #tpu.memory_space<vmem>> -> memref<1x128xi32, #tpu.memory_space<vmem>>
        %dma_start3A_111 = tpu.memref_squeeze %dma_start3A_110 : memref<1x128xi32, #tpu.memory_space<vmem>> -> memref<128xi32, #tpu.memory_space<vmem>>
        %dma_start3A_112 = arith.constant 0 : i32
        %dma_start3A_113 = arith.constant 0 : i32
        %dma_start3A_114 = tpu.memref_slice %arg4[%dma_start3A_112, %dma_start3A_113] : memref<10000x128xf32, #tpu.memory_space<hbm>> -> memref<10000x128xf32, #tpu.memory_space<hbm>>
        tpu.enqueue_indirect_dma source(%dma_start3A_114 : memref<10000x128xf32, #tpu.memory_space<hbm>>) target(%arg14 : memref<128x128xf32, #tpu.memory_space<vmem>>) offsets(%dma_start3A_111 : memref<128xi32, #tpu.memory_space<vmem>>) semaphore(%arg17 : memref<!tpu.dma_semaphore, #tpu.memory_space<semaphore_mem>>)
        %add3A_115 = arith.constant 1 : i32
        %add3A_116 = arith.addi %mul3A_91, %add3A_115 : i32
        %dma_wait3A_117 = arith.constant 0 : i32
        %dma_wait3A_118 = tpu.memref_slice %arg12[%add3A_116, %dma_wait3A_117] : memref<40x128xi32, #tpu.memory_space<vmem>> -> memref<1x128xi32, #tpu.memory_space<vmem>>
        %dma_wait3A_119 = tpu.memref_squeeze %dma_wait3A_118 : memref<1x128xi32, #tpu.memory_space<vmem>> -> memref<128xi32, #tpu.memory_space<vmem>>
        %dma_wait3A_120 = arith.constant 0 : i32
        %dma_wait3A_121 = arith.constant 0 : i32
        %dma_wait3A_122 = tpu.memref_slice %arg4[%dma_wait3A_120, %dma_wait3A_121] : memref<10000x128xf32, #tpu.memory_space<hbm>> -> memref<10000x128xf32, #tpu.memory_space<hbm>>
        tpu.wait_indirect_dma semaphore(%arg18 : memref<!tpu.dma_semaphore, #tpu.memory_space<semaphore_mem>>) src(%dma_wait3A_122 : memref<10000x128xf32, #tpu.memory_space<hbm>>) dst(%arg15 : memref<128x128xf32, #tpu.memory_space<vmem>>)
        %add3A_123 = arith.constant 1 : i32
        %add3A_124 = arith.addi %mul3A_91, %add3A_123 : i32
        "tpu.region"() ({
          %run_scoped3A = tpu.sem_alloc : memref<!tpu.dma_semaphore, #tpu.memory_space<semaphore_mem>>
          %dma_start3A_125 = arith.constant 0 : i32
          %dma_start3A_126 = tpu.memref_slice %arg13[%add3A_124, %dma_start3A_125] : memref<40x128xi32, #tpu.memory_space<vmem>> -> memref<1x128xi32, #tpu.memory_space<vmem>>
          %dma_start3A_127 = tpu.memref_squeeze %dma_start3A_126 : memref<1x128xi32, #tpu.memory_space<vmem>> -> memref<128xi32, #tpu.memory_space<vmem>>
          %dma_start3A_128 = arith.constant 0 : i32
          %dma_start3A_129 = arith.constant 0 : i32
          %dma_start3A_130 = tpu.memref_slice %arg16[%dma_start3A_128, %dma_start3A_129] : memref<10112x128xf32, #tpu.memory_space<vmem_shared>> -> memref<10112x128xf32, #tpu.memory_space<vmem_shared>>
          tpu.enqueue_indirect_dma source(%arg15 : memref<128x128xf32, #tpu.memory_space<vmem>>) target(%dma_start3A_130 : memref<10112x128xf32, #tpu.memory_space<vmem_shared>>) offsets(%dma_start3A_127 : memref<128xi32, #tpu.memory_space<vmem>>) semaphore(%run_scoped3A : memref<!tpu.dma_semaphore, #tpu.memory_space<semaphore_mem>>) {add = true}
          %dma_wait3A_131 = arith.constant 0 : i32
          %dma_wait3A_132 = tpu.memref_slice %arg13[%add3A_124, %dma_wait3A_131] : memref<40x128xi32, #tpu.memory_space<vmem>> -> memref<1x128xi32, #tpu.memory_space<vmem>>
          %dma_wait3A_133 = tpu.memref_squeeze %dma_wait3A_132 : memref<1x128xi32, #tpu.memory_space<vmem>> -> memref<128xi32, #tpu.memory_space<vmem>>
          %dma_wait3A_134 = arith.constant 0 : i32
          %dma_wait3A_135 = arith.constant 0 : i32
          %dma_wait3A_136 = tpu.memref_slice %arg16[%dma_wait3A_134, %dma_wait3A_135] : memref<10112x128xf32, #tpu.memory_space<vmem_shared>> -> memref<10112x128xf32, #tpu.memory_space<vmem_shared>>
          tpu.wait_indirect_dma semaphore(%run_scoped3A : memref<!tpu.dma_semaphore, #tpu.memory_space<semaphore_mem>>) src(%arg15 : memref<128x128xf32, #tpu.memory_space<vmem>>) dst(%dma_wait3A_136 : memref<10112x128xf32, #tpu.memory_space<vmem_shared>>)
          tpu.yield
        }) : () -> ()
      }
      %scan3A_42 = arith.constant 20 : i32
      %dma_wait3A = arith.constant 38 : i32
      %dma_wait3A_43 = arith.constant 0 : i32
      %dma_wait3A_44 = tpu.memref_slice %arg12[%dma_wait3A, %dma_wait3A_43] : memref<40x128xi32, #tpu.memory_space<vmem>> -> memref<1x128xi32, #tpu.memory_space<vmem>>
      %dma_wait3A_45 = tpu.memref_squeeze %dma_wait3A_44 : memref<1x128xi32, #tpu.memory_space<vmem>> -> memref<128xi32, #tpu.memory_space<vmem>>
      %dma_wait3A_46 = arith.constant 0 : i32
      %dma_wait3A_47 = arith.constant 0 : i32
      %dma_wait3A_48 = tpu.memref_slice %arg4[%dma_wait3A_46, %dma_wait3A_47] : memref<10000x128xf32, #tpu.memory_space<hbm>> -> memref<10000x128xf32, #tpu.memory_space<hbm>>
      tpu.wait_indirect_dma semaphore(%arg17 : memref<!tpu.dma_semaphore, #tpu.memory_space<semaphore_mem>>) src(%dma_wait3A_48 : memref<10000x128xf32, #tpu.memory_space<hbm>>) dst(%arg14 : memref<128x128xf32, #tpu.memory_space<vmem>>)
      %mul3A_49 = arith.constant 80 : i32
      %mul3A_50 = arith.muli %arg1, %mul3A_49 : i32
      %add3A_51 = arith.constant 40 : i32
      %add3A_52 = arith.addi %mul3A_50, %add3A_51 : i32
      "tpu.region"() ({
        %run_scoped3A = tpu.sem_alloc : memref<!tpu.dma_semaphore, #tpu.memory_space<semaphore_mem>>
        %dma_start3A_89 = arith.constant 0 : i32
        %dma_start3A_90 = tpu.memref_slice %arg6[%add3A_52, %dma_start3A_89] : memref<1280x128xi32, #tpu.memory_space<hbm>> -> memref<40x128xi32, #tpu.memory_space<hbm>>
        %dma_start3A_91 = arith.constant 0 : i32
        %dma_start3A_92 = tpu.memref_slice %arg6[%add3A_52, %dma_start3A_91] : memref<1280x128xi32, #tpu.memory_space<hbm>> -> memref<40x128xi32, #tpu.memory_space<hbm>>
        tpu.enqueue_dma source(%dma_start3A_92 : memref<40x128xi32, #tpu.memory_space<hbm>>) target(%arg12 : memref<40x128xi32, #tpu.memory_space<vmem>>) target_semaphore(%run_scoped3A : memref<!tpu.dma_semaphore, #tpu.memory_space<semaphore_mem>>)
        %dma_wait3A_93 = arith.constant 0 : i32
        %dma_wait3A_94 = tpu.memref_slice %arg6[%add3A_52, %dma_wait3A_93] : memref<1280x128xi32, #tpu.memory_space<hbm>> -> memref<40x128xi32, #tpu.memory_space<hbm>>
        %dma_wait3A_95 = arith.constant 0 : i32
        %dma_wait3A_96 = tpu.memref_slice %arg6[%add3A_52, %dma_wait3A_95] : memref<1280x128xi32, #tpu.memory_space<hbm>> -> memref<40x128xi32, #tpu.memory_space<hbm>>
        tpu.wait_dma2 semaphore(%run_scoped3A : memref<!tpu.dma_semaphore, #tpu.memory_space<semaphore_mem>>) src(%dma_wait3A_96 : memref<40x128xi32, #tpu.memory_space<hbm>>) dst(%arg12 : memref<40x128xi32, #tpu.memory_space<vmem>>)
        tpu.yield
      }) : () -> ()
      %mul3A_53 = arith.constant 80 : i32
      %mul3A_54 = arith.muli %arg1, %mul3A_53 : i32
      %add3A_55 = arith.constant 40 : i32
      %add3A_56 = arith.addi %mul3A_54, %add3A_55 : i32
      "tpu.region"() ({
        %run_scoped3A = tpu.sem_alloc : memref<!tpu.dma_semaphore, #tpu.memory_space<semaphore_mem>>
        %dma_start3A_89 = arith.constant 0 : i32
        %dma_start3A_90 = tpu.memref_slice %arg7[%add3A_56, %dma_start3A_89] : memref<1280x128xi32, #tpu.memory_space<hbm>> -> memref<40x128xi32, #tpu.memory_space<hbm>>
        %dma_start3A_91 = arith.constant 0 : i32
        %dma_start3A_92 = tpu.memref_slice %arg7[%add3A_56, %dma_start3A_91] : memref<1280x128xi32, #tpu.memory_space<hbm>> -> memref<40x128xi32, #tpu.memory_space<hbm>>
        tpu.enqueue_dma source(%dma_start3A_92 : memref<40x128xi32, #tpu.memory_space<hbm>>) target(%arg13 : memref<40x128xi32, #tpu.memory_space<vmem>>) target_semaphore(%run_scoped3A : memref<!tpu.dma_semaphore, #tpu.memory_space<semaphore_mem>>)
        %dma_wait3A_93 = arith.constant 0 : i32
        %dma_wait3A_94 = tpu.memref_slice %arg7[%add3A_56, %dma_wait3A_93] : memref<1280x128xi32, #tpu.memory_space<hbm>> -> memref<40x128xi32, #tpu.memory_space<hbm>>
        %dma_wait3A_95 = arith.constant 0 : i32
        %dma_wait3A_96 = tpu.memref_slice %arg7[%add3A_56, %dma_wait3A_95] : memref<1280x128xi32, #tpu.memory_space<hbm>> -> memref<40x128xi32, #tpu.memory_space<hbm>>
        tpu.wait_dma2 semaphore(%run_scoped3A : memref<!tpu.dma_semaphore, #tpu.memory_space<semaphore_mem>>) src(%dma_wait3A_96 : memref<40x128xi32, #tpu.memory_space<hbm>>) dst(%arg13 : memref<40x128xi32, #tpu.memory_space<vmem>>)
        tpu.yield
      }) : () -> ()
      %dma_start3A_57 = arith.constant 0 : i32
      %dma_start3A_58 = arith.constant 0 : i32
      %dma_start3A_59 = tpu.memref_slice %arg12[%dma_start3A_57, %dma_start3A_58] : memref<40x128xi32, #tpu.memory_space<vmem>> -> memref<1x128xi32, #tpu.memory_space<vmem>>
      %dma_start3A_60 = tpu.memref_squeeze %dma_start3A_59 : memref<1x128xi32, #tpu.memory_space<vmem>> -> memref<128xi32, #tpu.memory_space<vmem>>
      %dma_start3A_61 = arith.constant 0 : i32
      %dma_start3A_62 = arith.constant 0 : i32
      %dma_start3A_63 = tpu.memref_slice %arg4[%dma_start3A_61, %dma_start3A_62] : memref<10000x128xf32, #tpu.memory_space<hbm>> -> memref<10000x128xf32, #tpu.memory_space<hbm>>
      tpu.enqueue_indirect_dma source(%dma_start3A_63 : memref<10000x128xf32, #tpu.memory_space<hbm>>) target(%arg14 : memref<128x128xf32, #tpu.memory_space<vmem>>) offsets(%dma_start3A_60 : memref<128xi32, #tpu.memory_space<vmem>>) semaphore(%arg17 : memref<!tpu.dma_semaphore, #tpu.memory_space<semaphore_mem>>)
      %scan3A_64 = arith.constant 0 : i32
      %scan3A_65 = arith.constant 0 : i32
      %scan3A_66 = arith.constant 20 : i32
      %scan3A_67 = arith.addi %scan3A_65, %scan3A_66 : i32
      %scan3A_68 = arith.constant 1 : i32
      scf.for %scan3A_89 = %scan3A_65 to %scan3A_67 step %scan3A_68  : i32 {
        %mul3A_90 = arith.constant 2 : i32
        %mul3A_91 = arith.muli %mul3A_90, %scan3A_89 : i32
        %add3A_92 = arith.constant 1 : i32
        %add3A_93 = arith.addi %mul3A_91, %add3A_92 : i32
        %dma_start3A_94 = arith.constant 0 : i32
        %dma_start3A_95 = tpu.memref_slice %arg12[%add3A_93, %dma_start3A_94] : memref<40x128xi32, #tpu.memory_space<vmem>> -> memref<1x128xi32, #tpu.memory_space<vmem>>
        %dma_start3A_96 = tpu.memref_squeeze %dma_start3A_95 : memref<1x128xi32, #tpu.memory_space<vmem>> -> memref<128xi32, #tpu.memory_space<vmem>>
        %dma_start3A_97 = arith.constant 0 : i32
        %dma_start3A_98 = arith.constant 0 : i32
        %dma_start3A_99 = tpu.memref_slice %arg4[%dma_start3A_97, %dma_start3A_98] : memref<10000x128xf32, #tpu.memory_space<hbm>> -> memref<10000x128xf32, #tpu.memory_space<hbm>>
        tpu.enqueue_indirect_dma source(%dma_start3A_99 : memref<10000x128xf32, #tpu.memory_space<hbm>>) target(%arg15 : memref<128x128xf32, #tpu.memory_space<vmem>>) offsets(%dma_start3A_96 : memref<128xi32, #tpu.memory_space<vmem>>) semaphore(%arg18 : memref<!tpu.dma_semaphore, #tpu.memory_space<semaphore_mem>>)
        %dma_wait3A_100 = arith.constant 0 : i32
        %dma_wait3A_101 = tpu.memref_slice %arg12[%mul3A_91, %dma_wait3A_100] : memref<40x128xi32, #tpu.memory_space<vmem>> -> memref<1x128xi32, #tpu.memory_space<vmem>>
        %dma_wait3A_102 = tpu.memref_squeeze %dma_wait3A_101 : memref<1x128xi32, #tpu.memory_space<vmem>> -> memref<128xi32, #tpu.memory_space<vmem>>
        %dma_wait3A_103 = arith.constant 0 : i32
        %dma_wait3A_104 = arith.constant 0 : i32
        %dma_wait3A_105 = tpu.memref_slice %arg4[%dma_wait3A_103, %dma_wait3A_104] : memref<10000x128xf32, #tpu.memory_space<hbm>> -> memref<10000x128xf32, #tpu.memory_space<hbm>>
        tpu.wait_indirect_dma semaphore(%arg17 : memref<!tpu.dma_semaphore, #tpu.memory_space<semaphore_mem>>) src(%dma_wait3A_105 : memref<10000x128xf32, #tpu.memory_space<hbm>>) dst(%arg14 : memref<128x128xf32, #tpu.memory_space<vmem>>)
        "tpu.region"() ({
          %run_scoped3A = tpu.sem_alloc : memref<!tpu.dma_semaphore, #tpu.memory_space<semaphore_mem>>
          %dma_start3A_125 = arith.constant 0 : i32
          %dma_start3A_126 = tpu.memref_slice %arg13[%mul3A_91, %dma_start3A_125] : memref<40x128xi32, #tpu.memory_space<vmem>> -> memref<1x128xi32, #tpu.memory_space<vmem>>
          %dma_start3A_127 = tpu.memref_squeeze %dma_start3A_126 : memref<1x128xi32, #tpu.memory_space<vmem>> -> memref<128xi32, #tpu.memory_space<vmem>>
          %dma_start3A_128 = arith.constant 0 : i32
          %dma_start3A_129 = arith.constant 0 : i32
          %dma_start3A_130 = tpu.memref_slice %arg16[%dma_start3A_128, %dma_start3A_129] : memref<10112x128xf32, #tpu.memory_space<vmem_shared>> -> memref<10112x128xf32, #tpu.memory_space<vmem_shared>>
          tpu.enqueue_indirect_dma source(%arg14 : memref<128x128xf32, #tpu.memory_space<vmem>>) target(%dma_start3A_130 : memref<10112x128xf32, #tpu.memory_space<vmem_shared>>) offsets(%dma_start3A_127 : memref<128xi32, #tpu.memory_space<vmem>>) semaphore(%run_scoped3A : memref<!tpu.dma_semaphore, #tpu.memory_space<semaphore_mem>>) {add = true}
          %dma_wait3A_131 = arith.constant 0 : i32
          %dma_wait3A_132 = tpu.memref_slice %arg13[%mul3A_91, %dma_wait3A_131] : memref<40x128xi32, #tpu.memory_space<vmem>> -> memref<1x128xi32, #tpu.memory_space<vmem>>
          %dma_wait3A_133 = tpu.memref_squeeze %dma_wait3A_132 : memref<1x128xi32, #tpu.memory_space<vmem>> -> memref<128xi32, #tpu.memory_space<vmem>>
          %dma_wait3A_134 = arith.constant 0 : i32
          %dma_wait3A_135 = arith.constant 0 : i32
          %dma_wait3A_136 = tpu.memref_slice %arg16[%dma_wait3A_134, %dma_wait3A_135] : memref<10112x128xf32, #tpu.memory_space<vmem_shared>> -> memref<10112x128xf32, #tpu.memory_space<vmem_shared>>
          tpu.wait_indirect_dma semaphore(%run_scoped3A : memref<!tpu.dma_semaphore, #tpu.memory_space<semaphore_mem>>) src(%arg14 : memref<128x128xf32, #tpu.memory_space<vmem>>) dst(%dma_wait3A_136 : memref<10112x128xf32, #tpu.memory_space<vmem_shared>>)
          tpu.yield
        }) : () -> ()
        %add3A_106 = arith.constant 2 : i32
        %add3A_107 = arith.addi %mul3A_91, %add3A_106 : i32
        %min3A = arith.constant 38 : i32
        %min3A_108 = arith.minsi %add3A_107, %min3A : i32
        %dma_start3A_109 = arith.constant 0 : i32
        %dma_start3A_110 = tpu.memref_slice %arg12[%min3A_108, %dma_start3A_109] : memref<40x128xi32, #tpu.memory_space<vmem>> -> memref<1x128xi32, #tpu.memory_space<vmem>>
        %dma_start3A_111 = tpu.memref_squeeze %dma_start3A_110 : memref<1x128xi32, #tpu.memory_space<vmem>> -> memref<128xi32, #tpu.memory_space<vmem>>
        %dma_start3A_112 = arith.constant 0 : i32
        %dma_start3A_113 = arith.constant 0 : i32
        %dma_start3A_114 = tpu.memref_slice %arg4[%dma_start3A_112, %dma_start3A_113] : memref<10000x128xf32, #tpu.memory_space<hbm>> -> memref<10000x128xf32, #tpu.memory_space<hbm>>
        tpu.enqueue_indirect_dma source(%dma_start3A_114 : memref<10000x128xf32, #tpu.memory_space<hbm>>) target(%arg14 : memref<128x128xf32, #tpu.memory_space<vmem>>) offsets(%dma_start3A_111 : memref<128xi32, #tpu.memory_space<vmem>>) semaphore(%arg17 : memref<!tpu.dma_semaphore, #tpu.memory_space<semaphore_mem>>)
        %add3A_115 = arith.constant 1 : i32
        %add3A_116 = arith.addi %mul3A_91, %add3A_115 : i32
        %dma_wait3A_117 = arith.constant 0 : i32
        %dma_wait3A_118 = tpu.memref_slice %arg12[%add3A_116, %dma_wait3A_117] : memref<40x128xi32, #tpu.memory_space<vmem>> -> memref<1x128xi32, #tpu.memory_space<vmem>>
        %dma_wait3A_119 = tpu.memref_squeeze %dma_wait3A_118 : memref<1x128xi32, #tpu.memory_space<vmem>> -> memref<128xi32, #tpu.memory_space<vmem>>
        %dma_wait3A_120 = arith.constant 0 : i32
        %dma_wait3A_121 = arith.constant 0 : i32
        %dma_wait3A_122 = tpu.memref_slice %arg4[%dma_wait3A_120, %dma_wait3A_121] : memref<10000x128xf32, #tpu.memory_space<hbm>> -> memref<10000x128xf32, #tpu.memory_space<hbm>>
        tpu.wait_indirect_dma semaphore(%arg18 : memref<!tpu.dma_semaphore, #tpu.memory_space<semaphore_mem>>) src(%dma_wait3A_122 : memref<10000x128xf32, #tpu.memory_space<hbm>>) dst(%arg15 : memref<128x128xf32, #tpu.memory_space<vmem>>)
        %add3A_123 = arith.constant 1 : i32
        %add3A_124 = arith.addi %mul3A_91, %add3A_123 : i32
        "tpu.region"() ({
          %run_scoped3A = tpu.sem_alloc : memref<!tpu.dma_semaphore, #tpu.memory_space<semaphore_mem>>
          %dma_start3A_125 = arith.constant 0 : i32
          %dma_start3A_126 = tpu.memref_slice %arg13[%add3A_124, %dma_start3A_125] : memref<40x128xi32, #tpu.memory_space<vmem>> -> memref<1x128xi32, #tpu.memory_space<vmem>>
          %dma_start3A_127 = tpu.memref_squeeze %dma_start3A_126 : memref<1x128xi32, #tpu.memory_space<vmem>> -> memref<128xi32, #tpu.memory_space<vmem>>
          %dma_start3A_128 = arith.constant 0 : i32
          %dma_start3A_129 = arith.constant 0 : i32
          %dma_start3A_130 = tpu.memref_slice %arg16[%dma_start3A_128, %dma_start3A_129] : memref<10112x128xf32, #tpu.memory_space<vmem_shared>> -> memref<10112x128xf32, #tpu.memory_space<vmem_shared>>
          tpu.enqueue_indirect_dma source(%arg15 : memref<128x128xf32, #tpu.memory_space<vmem>>) target(%dma_start3A_130 : memref<10112x128xf32, #tpu.memory_space<vmem_shared>>) offsets(%dma_start3A_127 : memref<128xi32, #tpu.memory_space<vmem>>) semaphore(%run_scoped3A : memref<!tpu.dma_semaphore, #tpu.memory_space<semaphore_mem>>) {add = true}
          %dma_wait3A_131 = arith.constant 0 : i32
          %dma_wait3A_132 = tpu.memref_slice %arg13[%add3A_124, %dma_wait3A_131] : memref<40x128xi32, #tpu.memory_space<vmem>> -> memref<1x128xi32, #tpu.memory_space<vmem>>
          %dma_wait3A_133 = tpu.memref_squeeze %dma_wait3A_132 : memref<1x128xi32, #tpu.memory_space<vmem>> -> memref<128xi32, #tpu.memory_space<vmem>>
          %dma_wait3A_134 = arith.constant 0 : i32
          %dma_wait3A_135 = arith.constant 0 : i32
          %dma_wait3A_136 = tpu.memref_slice %arg16[%dma_wait3A_134, %dma_wait3A_135] : memref<10112x128xf32, #tpu.memory_space<vmem_shared>> -> memref<10112x128xf32, #tpu.memory_space<vmem_shared>>
          tpu.wait_indirect_dma semaphore(%run_scoped3A : memref<!tpu.dma_semaphore, #tpu.memory_space<semaphore_mem>>) src(%arg15 : memref<128x128xf32, #tpu.memory_space<vmem>>) dst(%dma_wait3A_136 : memref<10112x128xf32, #tpu.memory_space<vmem_shared>>)
          tpu.yield
        }) : () -> ()
      }
      %scan3A_69 = arith.constant 20 : i32
      %dma_wait3A_70 = arith.constant 38 : i32
      %dma_wait3A_71 = arith.constant 0 : i32
      %dma_wait3A_72 = tpu.memref_slice %arg12[%dma_wait3A_70, %dma_wait3A_71] : memref<40x128xi32, #tpu.memory_space<vmem>> -> memref<1x128xi32, #tpu.memory_space<vmem>>
      %dma_wait3A_73 = tpu.memref_squeeze %dma_wait3A_72 : memref<1x128xi32, #tpu.memory_space<vmem>> -> memref<128xi32, #tpu.memory_space<vmem>>
      %dma_wait3A_74 = arith.constant 0 : i32
      %dma_wait3A_75 = arith.constant 0 : i32
      %dma_wait3A_76 = tpu.memref_slice %arg4[%dma_wait3A_74, %dma_wait3A_75] : memref<10000x128xf32, #tpu.memory_space<hbm>> -> memref<10000x128xf32, #tpu.memory_space<hbm>>
      tpu.wait_indirect_dma semaphore(%arg17 : memref<!tpu.dma_semaphore, #tpu.memory_space<semaphore_mem>>) src(%dma_wait3A_76 : memref<10000x128xf32, #tpu.memory_space<hbm>>) dst(%arg14 : memref<128x128xf32, #tpu.memory_space<vmem>>)
      %barrier3A_77 = arith.constant 0 : index
      tpu.barrier barrier_id(%barrier3A_77)
      %lt3A_78 = arith.constant 15 : i32
      %lt3A_79 = arith.cmpi slt, %arg1, %lt3A_78 : i32
      %convert_element_type3A_80 = arith.extui %lt3A_79 : i1 to i32
      %cond3A_81 = arith.constant 0 : i32
      %cond3A_82 = arith.cmpi ne, %convert_element_type3A_80, %cond3A_81 : i32
      scf.if %cond3A_82 {
        %mul3A_89 = arith.constant 632 : i32
        %mul3A_90 = arith.muli %arg1, %mul3A_89 : i32
        %mul3A_91 = arith.constant 632 : i32
        %mul3A_92 = arith.muli %arg1, %mul3A_91 : i32
        "tpu.region"() ({
          %run_scoped3A = tpu.sem_alloc : memref<!tpu.dma_semaphore, #tpu.memory_space<semaphore_mem>>
          %dma_start3A_93 = arith.constant 0 : i32
          %dma_start3A_94 = tpu.memref_slice %arg10[%mul3A_92, %dma_start3A_93] : memref<10000x128xf32, #tpu.memory_space<hbm>> -> memref<632x128xf32, #tpu.memory_space<hbm>>
          %dma_start3A_95 = arith.constant 0 : i32
          %dma_start3A_96 = tpu.memref_slice %arg16[%mul3A_90, %dma_start3A_95] : memref<10112x128xf32, #tpu.memory_space<vmem_shared>> -> memref<632x128xf32, #tpu.memory_space<vmem_shared>>
          tpu.enqueue_dma source(%dma_start3A_96 : memref<632x128xf32, #tpu.memory_space<vmem_shared>>) target(%dma_start3A_94 : memref<632x128xf32, #tpu.memory_space<hbm>>) target_semaphore(%run_scoped3A : memref<!tpu.dma_semaphore, #tpu.memory_space<semaphore_mem>>)
          %dma_wait3A_97 = arith.constant 0 : i32
          %dma_wait3A_98 = tpu.memref_slice %arg10[%mul3A_92, %dma_wait3A_97] : memref<10000x128xf32, #tpu.memory_space<hbm>> -> memref<632x128xf32, #tpu.memory_space<hbm>>
          %dma_wait3A_99 = arith.constant 0 : i32
          %dma_wait3A_100 = tpu.memref_slice %arg16[%mul3A_90, %dma_wait3A_99] : memref<10112x128xf32, #tpu.memory_space<vmem_shared>> -> memref<632x128xf32, #tpu.memory_space<vmem_shared>>
          tpu.wait_dma2 semaphore(%run_scoped3A : memref<!tpu.dma_semaphore, #tpu.memory_space<semaphore_mem>>) src(%dma_wait3A_100 : memref<632x128xf32, #tpu.memory_space<vmem_shared>>) dst(%dma_wait3A_98 : memref<632x128xf32, #tpu.memory_space<hbm>>)
          tpu.yield
        }) : () -> ()
      } else {
      }
      %eq3A_83 = arith.constant 15 : i32
      %eq3A_84 = arith.cmpi eq, %arg1, %eq3A_83 : i32
      %convert_element_type3A_85 = arith.extui %eq3A_84 : i1 to i32
      %cond3A_86 = arith.constant 0 : i32
      %cond3A_87 = arith.cmpi ne, %convert_element_type3A_85, %cond3A_86 : i32
      scf.if %cond3A_87 {
        "tpu.region"() ({
          %run_scoped3A = tpu.sem_alloc : memref<!tpu.dma_semaphore, #tpu.memory_space<semaphore_mem>>
          %dma_start3A_89 = arith.constant 9480 : i32
          %dma_start3A_90 = arith.constant 0 : i32
          %dma_start3A_91 = tpu.memref_slice %arg10[%dma_start3A_89, %dma_start3A_90] : memref<10000x128xf32, #tpu.memory_space<hbm>> -> memref<520x128xf32, #tpu.memory_space<hbm>>
          %dma_start3A_92 = arith.constant 9480 : i32
          %dma_start3A_93 = arith.constant 0 : i32
          %dma_start3A_94 = tpu.memref_slice %arg16[%dma_start3A_92, %dma_start3A_93] : memref<10112x128xf32, #tpu.memory_space<vmem_shared>> -> memref<520x128xf32, #tpu.memory_space<vmem_shared>>
          tpu.enqueue_dma source(%dma_start3A_94 : memref<520x128xf32, #tpu.memory_space<vmem_shared>>) target(%dma_start3A_91 : memref<520x128xf32, #tpu.memory_space<hbm>>) target_semaphore(%run_scoped3A : memref<!tpu.dma_semaphore, #tpu.memory_space<semaphore_mem>>)
          %dma_wait3A_95 = arith.constant 9480 : i32
          %dma_wait3A_96 = arith.constant 0 : i32
          %dma_wait3A_97 = tpu.memref_slice %arg10[%dma_wait3A_95, %dma_wait3A_96] : memref<10000x128xf32, #tpu.memory_space<hbm>> -> memref<520x128xf32, #tpu.memory_space<hbm>>
          %dma_wait3A_98 = arith.constant 9480 : i32
          %dma_wait3A_99 = arith.constant 0 : i32
          %dma_wait3A_100 = tpu.memref_slice %arg16[%dma_wait3A_98, %dma_wait3A_99] : memref<10112x128xf32, #tpu.memory_space<vmem_shared>> -> memref<520x128xf32, #tpu.memory_space<vmem_shared>>
          tpu.wait_dma2 semaphore(%run_scoped3A : memref<!tpu.dma_semaphore, #tpu.memory_space<semaphore_mem>>) src(%dma_wait3A_100 : memref<520x128xf32, #tpu.memory_space<vmem_shared>>) dst(%dma_wait3A_97 : memref<520x128xf32, #tpu.memory_space<hbm>>)
          tpu.yield
        }) : () -> ()
      } else {
      }
      %barrier3A_88 = arith.constant 0 : index
      tpu.barrier barrier_id(%barrier3A_88)
    } else {
    }
    %eq3A_12 = arith.constant 1 : i32
    %eq3A_13 = arith.cmpi eq, %arg0, %eq3A_12 : i32
    %convert_element_type3A_14 = arith.extui %eq3A_13 : i1 to i32
    %cond3A_15 = arith.constant 0 : i32
    %cond3A_16 = arith.cmpi ne, %convert_element_type3A_14, %cond3A_15 : i32
    scf.if %cond3A_16 {
      %lt3A = arith.constant 15 : i32
      %lt3A_17 = arith.cmpi slt, %arg1, %lt3A : i32
      %convert_element_type3A_18 = arith.extui %lt3A_17 : i1 to i32
      %cond3A_19 = arith.constant 0 : i32
      %cond3A_20 = arith.cmpi ne, %convert_element_type3A_18, %cond3A_19 : i32
      scf.if %cond3A_20 {
        %mul3A_89 = arith.constant 632 : i32
        %mul3A_90 = arith.muli %arg1, %mul3A_89 : i32
        %mul3A_91 = arith.constant 632 : i32
        %mul3A_92 = arith.muli %arg1, %mul3A_91 : i32
        "tpu.region"() ({
          %run_scoped3A = tpu.sem_alloc : memref<!tpu.dma_semaphore, #tpu.memory_space<semaphore_mem>>
          %dma_start3A_93 = arith.constant 0 : i32
          %dma_start3A_94 = tpu.memref_slice %arg16[%mul3A_92, %dma_start3A_93] : memref<10112x128xf32, #tpu.memory_space<vmem_shared>> -> memref<632x128xf32, #tpu.memory_space<vmem_shared>>
          %dma_start3A_95 = arith.constant 0 : i32
          %dma_start3A_96 = tpu.memref_slice %arg5[%mul3A_90, %dma_start3A_95] : memref<10000x128xf32, #tpu.memory_space<hbm>> -> memref<632x128xf32, #tpu.memory_space<hbm>>
          tpu.enqueue_dma source(%dma_start3A_96 : memref<632x128xf32, #tpu.memory_space<hbm>>) target(%dma_start3A_94 : memref<632x128xf32, #tpu.memory_space<vmem_shared>>) target_semaphore(%run_scoped3A : memref<!tpu.dma_semaphore, #tpu.memory_space<semaphore_mem>>)
          %dma_wait3A_97 = arith.constant 0 : i32
          %dma_wait3A_98 = tpu.memref_slice %arg16[%mul3A_92, %dma_wait3A_97] : memref<10112x128xf32, #tpu.memory_space<vmem_shared>> -> memref<632x128xf32, #tpu.memory_space<vmem_shared>>
          %dma_wait3A_99 = arith.constant 0 : i32
          %dma_wait3A_100 = tpu.memref_slice %arg5[%mul3A_90, %dma_wait3A_99] : memref<10000x128xf32, #tpu.memory_space<hbm>> -> memref<632x128xf32, #tpu.memory_space<hbm>>
          tpu.wait_dma2 semaphore(%run_scoped3A : memref<!tpu.dma_semaphore, #tpu.memory_space<semaphore_mem>>) src(%dma_wait3A_100 : memref<632x128xf32, #tpu.memory_space<hbm>>) dst(%dma_wait3A_98 : memref<632x128xf32, #tpu.memory_space<vmem_shared>>)
          tpu.yield
        }) : () -> ()
      } else {
      }
      %eq3A_21 = arith.constant 15 : i32
      %eq3A_22 = arith.cmpi eq, %arg1, %eq3A_21 : i32
      %convert_element_type3A_23 = arith.extui %eq3A_22 : i1 to i32
      %cond3A_24 = arith.constant 0 : i32
      %cond3A_25 = arith.cmpi ne, %convert_element_type3A_23, %cond3A_24 : i32
      scf.if %cond3A_25 {
        "tpu.region"() ({
          %run_scoped3A = tpu.sem_alloc : memref<!tpu.dma_semaphore, #tpu.memory_space<semaphore_mem>>
          %dma_start3A_89 = arith.constant 9480 : i32
          %dma_start3A_90 = arith.constant 0 : i32
          %dma_start3A_91 = tpu.memref_slice %arg16[%dma_start3A_89, %dma_start3A_90] : memref<10112x128xf32, #tpu.memory_space<vmem_shared>> -> memref<520x128xf32, #tpu.memory_space<vmem_shared>>
          %dma_start3A_92 = arith.constant 9480 : i32
          %dma_start3A_93 = arith.constant 0 : i32
          %dma_start3A_94 = tpu.memref_slice %arg5[%dma_start3A_92, %dma_start3A_93] : memref<10000x128xf32, #tpu.memory_space<hbm>> -> memref<520x128xf32, #tpu.memory_space<hbm>>
          tpu.enqueue_dma source(%dma_start3A_94 : memref<520x128xf32, #tpu.memory_space<hbm>>) target(%dma_start3A_91 : memref<520x128xf32, #tpu.memory_space<vmem_shared>>) target_semaphore(%run_scoped3A : memref<!tpu.dma_semaphore, #tpu.memory_space<semaphore_mem>>)
          %dma_wait3A_95 = arith.constant 9480 : i32
          %dma_wait3A_96 = arith.constant 0 : i32
          %dma_wait3A_97 = tpu.memref_slice %arg16[%dma_wait3A_95, %dma_wait3A_96] : memref<10112x128xf32, #tpu.memory_space<vmem_shared>> -> memref<520x128xf32, #tpu.memory_space<vmem_shared>>
          %dma_wait3A_98 = arith.constant 9480 : i32
          %dma_wait3A_99 = arith.constant 0 : i32
          %dma_wait3A_100 = tpu.memref_slice %arg5[%dma_wait3A_98, %dma_wait3A_99] : memref<10000x128xf32, #tpu.memory_space<hbm>> -> memref<520x128xf32, #tpu.memory_space<hbm>>
          tpu.wait_dma2 semaphore(%run_scoped3A : memref<!tpu.dma_semaphore, #tpu.memory_space<semaphore_mem>>) src(%dma_wait3A_100 : memref<520x128xf32, #tpu.memory_space<hbm>>) dst(%dma_wait3A_97 : memref<520x128xf32, #tpu.memory_space<vmem_shared>>)
          tpu.yield
        }) : () -> ()
      } else {
      }
      %barrier3A = arith.constant 0 : index
      tpu.barrier barrier_id(%barrier3A)
      %mul3A = arith.constant 80 : i32
      %mul3A_26 = arith.muli %arg1, %mul3A : i32
      %add3A = arith.constant 0 : i32
      %add3A_27 = arith.addi %mul3A_26, %add3A : i32
      "tpu.region"() ({
        %run_scoped3A = tpu.sem_alloc : memref<!tpu.dma_semaphore, #tpu.memory_space<semaphore_mem>>
        %dma_start3A_89 = arith.constant 0 : i32
        %dma_start3A_90 = tpu.memref_slice %arg6[%add3A_27, %dma_start3A_89] : memref<1280x128xi32, #tpu.memory_space<hbm>> -> memref<40x128xi32, #tpu.memory_space<hbm>>
        %dma_start3A_91 = arith.constant 0 : i32
        %dma_start3A_92 = tpu.memref_slice %arg6[%add3A_27, %dma_start3A_91] : memref<1280x128xi32, #tpu.memory_space<hbm>> -> memref<40x128xi32, #tpu.memory_space<hbm>>
        tpu.enqueue_dma source(%dma_start3A_92 : memref<40x128xi32, #tpu.memory_space<hbm>>) target(%arg12 : memref<40x128xi32, #tpu.memory_space<vmem>>) target_semaphore(%run_scoped3A : memref<!tpu.dma_semaphore, #tpu.memory_space<semaphore_mem>>)
        %dma_wait3A_93 = arith.constant 0 : i32
        %dma_wait3A_94 = tpu.memref_slice %arg6[%add3A_27, %dma_wait3A_93] : memref<1280x128xi32, #tpu.memory_space<hbm>> -> memref<40x128xi32, #tpu.memory_space<hbm>>
        %dma_wait3A_95 = arith.constant 0 : i32
        %dma_wait3A_96 = tpu.memref_slice %arg6[%add3A_27, %dma_wait3A_95] : memref<1280x128xi32, #tpu.memory_space<hbm>> -> memref<40x128xi32, #tpu.memory_space<hbm>>
        tpu.wait_dma2 semaphore(%run_scoped3A : memref<!tpu.dma_semaphore, #tpu.memory_space<semaphore_mem>>) src(%dma_wait3A_96 : memref<40x128xi32, #tpu.memory_space<hbm>>) dst(%arg12 : memref<40x128xi32, #tpu.memory_space<vmem>>)
        tpu.yield
      }) : () -> ()
      %mul3A_28 = arith.constant 80 : i32
      %mul3A_29 = arith.muli %arg1, %mul3A_28 : i32
      %add3A_30 = arith.constant 0 : i32
      %add3A_31 = arith.addi %mul3A_29, %add3A_30 : i32
      "tpu.region"() ({
        %run_scoped3A = tpu.sem_alloc : memref<!tpu.dma_semaphore, #tpu.memory_space<semaphore_mem>>
        %dma_start3A_89 = arith.constant 0 : i32
        %dma_start3A_90 = tpu.memref_slice %arg7[%add3A_31, %dma_start3A_89] : memref<1280x128xi32, #tpu.memory_space<hbm>> -> memref<40x128xi32, #tpu.memory_space<hbm>>
        %dma_start3A_91 = arith.constant 0 : i32
        %dma_start3A_92 = tpu.memref_slice %arg7[%add3A_31, %dma_start3A_91] : memref<1280x128xi32, #tpu.memory_space<hbm>> -> memref<40x128xi32, #tpu.memory_space<hbm>>
        tpu.enqueue_dma source(%dma_start3A_92 : memref<40x128xi32, #tpu.memory_space<hbm>>) target(%arg13 : memref<40x128xi32, #tpu.memory_space<vmem>>) target_semaphore(%run_scoped3A : memref<!tpu.dma_semaphore, #tpu.memory_space<semaphore_mem>>)
        %dma_wait3A_93 = arith.constant 0 : i32
        %dma_wait3A_94 = tpu.memref_slice %arg7[%add3A_31, %dma_wait3A_93] : memref<1280x128xi32, #tpu.memory_space<hbm>> -> memref<40x128xi32, #tpu.memory_space<hbm>>
        %dma_wait3A_95 = arith.constant 0 : i32
        %dma_wait3A_96 = tpu.memref_slice %arg7[%add3A_31, %dma_wait3A_95] : memref<1280x128xi32, #tpu.memory_space<hbm>> -> memref<40x128xi32, #tpu.memory_space<hbm>>
        tpu.wait_dma2 semaphore(%run_scoped3A : memref<!tpu.dma_semaphore, #tpu.memory_space<semaphore_mem>>) src(%dma_wait3A_96 : memref<40x128xi32, #tpu.memory_space<hbm>>) dst(%arg13 : memref<40x128xi32, #tpu.memory_space<vmem>>)
        tpu.yield
      }) : () -> ()
      %dma_start3A = arith.constant 0 : i32
      %dma_start3A_32 = arith.constant 0 : i32
      %dma_start3A_33 = tpu.memref_slice %arg12[%dma_start3A, %dma_start3A_32] : memref<40x128xi32, #tpu.memory_space<vmem>> -> memref<1x128xi32, #tpu.memory_space<vmem>>
      %dma_start3A_34 = tpu.memref_squeeze %dma_start3A_33 : memref<1x128xi32, #tpu.memory_space<vmem>> -> memref<128xi32, #tpu.memory_space<vmem>>
      %dma_start3A_35 = arith.constant 0 : i32
      %dma_start3A_36 = arith.constant 0 : i32
      %dma_start3A_37 = tpu.memref_slice %arg5[%dma_start3A_35, %dma_start3A_36] : memref<10000x128xf32, #tpu.memory_space<hbm>> -> memref<10000x128xf32, #tpu.memory_space<hbm>>
      tpu.enqueue_indirect_dma source(%dma_start3A_37 : memref<10000x128xf32, #tpu.memory_space<hbm>>) target(%arg14 : memref<128x128xf32, #tpu.memory_space<vmem>>) offsets(%dma_start3A_34 : memref<128xi32, #tpu.memory_space<vmem>>) semaphore(%arg17 : memref<!tpu.dma_semaphore, #tpu.memory_space<semaphore_mem>>)
      %scan3A = arith.constant 0 : i32
      %scan3A_38 = arith.constant 0 : i32
      %scan3A_39 = arith.constant 20 : i32
      %scan3A_40 = arith.addi %scan3A_38, %scan3A_39 : i32
      %scan3A_41 = arith.constant 1 : i32
      scf.for %scan3A_89 = %scan3A_38 to %scan3A_40 step %scan3A_41  : i32 {
        %mul3A_90 = arith.constant 2 : i32
        %mul3A_91 = arith.muli %mul3A_90, %scan3A_89 : i32
        %add3A_92 = arith.constant 1 : i32
        %add3A_93 = arith.addi %mul3A_91, %add3A_92 : i32
        %dma_start3A_94 = arith.constant 0 : i32
        %dma_start3A_95 = tpu.memref_slice %arg12[%add3A_93, %dma_start3A_94] : memref<40x128xi32, #tpu.memory_space<vmem>> -> memref<1x128xi32, #tpu.memory_space<vmem>>
        %dma_start3A_96 = tpu.memref_squeeze %dma_start3A_95 : memref<1x128xi32, #tpu.memory_space<vmem>> -> memref<128xi32, #tpu.memory_space<vmem>>
        %dma_start3A_97 = arith.constant 0 : i32
        %dma_start3A_98 = arith.constant 0 : i32
        %dma_start3A_99 = tpu.memref_slice %arg5[%dma_start3A_97, %dma_start3A_98] : memref<10000x128xf32, #tpu.memory_space<hbm>> -> memref<10000x128xf32, #tpu.memory_space<hbm>>
        tpu.enqueue_indirect_dma source(%dma_start3A_99 : memref<10000x128xf32, #tpu.memory_space<hbm>>) target(%arg15 : memref<128x128xf32, #tpu.memory_space<vmem>>) offsets(%dma_start3A_96 : memref<128xi32, #tpu.memory_space<vmem>>) semaphore(%arg18 : memref<!tpu.dma_semaphore, #tpu.memory_space<semaphore_mem>>)
        %dma_wait3A_100 = arith.constant 0 : i32
        %dma_wait3A_101 = tpu.memref_slice %arg12[%mul3A_91, %dma_wait3A_100] : memref<40x128xi32, #tpu.memory_space<vmem>> -> memref<1x128xi32, #tpu.memory_space<vmem>>
        %dma_wait3A_102 = tpu.memref_squeeze %dma_wait3A_101 : memref<1x128xi32, #tpu.memory_space<vmem>> -> memref<128xi32, #tpu.memory_space<vmem>>
        %dma_wait3A_103 = arith.constant 0 : i32
        %dma_wait3A_104 = arith.constant 0 : i32
        %dma_wait3A_105 = tpu.memref_slice %arg5[%dma_wait3A_103, %dma_wait3A_104] : memref<10000x128xf32, #tpu.memory_space<hbm>> -> memref<10000x128xf32, #tpu.memory_space<hbm>>
        tpu.wait_indirect_dma semaphore(%arg17 : memref<!tpu.dma_semaphore, #tpu.memory_space<semaphore_mem>>) src(%dma_wait3A_105 : memref<10000x128xf32, #tpu.memory_space<hbm>>) dst(%arg14 : memref<128x128xf32, #tpu.memory_space<vmem>>)
        "tpu.region"() ({
          %run_scoped3A = tpu.sem_alloc : memref<!tpu.dma_semaphore, #tpu.memory_space<semaphore_mem>>
          %dma_start3A_125 = arith.constant 0 : i32
          %dma_start3A_126 = tpu.memref_slice %arg13[%mul3A_91, %dma_start3A_125] : memref<40x128xi32, #tpu.memory_space<vmem>> -> memref<1x128xi32, #tpu.memory_space<vmem>>
          %dma_start3A_127 = tpu.memref_squeeze %dma_start3A_126 : memref<1x128xi32, #tpu.memory_space<vmem>> -> memref<128xi32, #tpu.memory_space<vmem>>
          %dma_start3A_128 = arith.constant 0 : i32
          %dma_start3A_129 = arith.constant 0 : i32
          %dma_start3A_130 = tpu.memref_slice %arg16[%dma_start3A_128, %dma_start3A_129] : memref<10112x128xf32, #tpu.memory_space<vmem_shared>> -> memref<10112x128xf32, #tpu.memory_space<vmem_shared>>
          tpu.enqueue_indirect_dma source(%arg14 : memref<128x128xf32, #tpu.memory_space<vmem>>) target(%dma_start3A_130 : memref<10112x128xf32, #tpu.memory_space<vmem_shared>>) offsets(%dma_start3A_127 : memref<128xi32, #tpu.memory_space<vmem>>) semaphore(%run_scoped3A : memref<!tpu.dma_semaphore, #tpu.memory_space<semaphore_mem>>) {add = true}
          %dma_wait3A_131 = arith.constant 0 : i32
          %dma_wait3A_132 = tpu.memref_slice %arg13[%mul3A_91, %dma_wait3A_131] : memref<40x128xi32, #tpu.memory_space<vmem>> -> memref<1x128xi32, #tpu.memory_space<vmem>>
          %dma_wait3A_133 = tpu.memref_squeeze %dma_wait3A_132 : memref<1x128xi32, #tpu.memory_space<vmem>> -> memref<128xi32, #tpu.memory_space<vmem>>
          %dma_wait3A_134 = arith.constant 0 : i32
          %dma_wait3A_135 = arith.constant 0 : i32
          %dma_wait3A_136 = tpu.memref_slice %arg16[%dma_wait3A_134, %dma_wait3A_135] : memref<10112x128xf32, #tpu.memory_space<vmem_shared>> -> memref<10112x128xf32, #tpu.memory_space<vmem_shared>>
          tpu.wait_indirect_dma semaphore(%run_scoped3A : memref<!tpu.dma_semaphore, #tpu.memory_space<semaphore_mem>>) src(%arg14 : memref<128x128xf32, #tpu.memory_space<vmem>>) dst(%dma_wait3A_136 : memref<10112x128xf32, #tpu.memory_space<vmem_shared>>)
          tpu.yield
        }) : () -> ()
        %add3A_106 = arith.constant 2 : i32
        %add3A_107 = arith.addi %mul3A_91, %add3A_106 : i32
        %min3A = arith.constant 38 : i32
        %min3A_108 = arith.minsi %add3A_107, %min3A : i32
        %dma_start3A_109 = arith.constant 0 : i32
        %dma_start3A_110 = tpu.memref_slice %arg12[%min3A_108, %dma_start3A_109] : memref<40x128xi32, #tpu.memory_space<vmem>> -> memref<1x128xi32, #tpu.memory_space<vmem>>
        %dma_start3A_111 = tpu.memref_squeeze %dma_start3A_110 : memref<1x128xi32, #tpu.memory_space<vmem>> -> memref<128xi32, #tpu.memory_space<vmem>>
        %dma_start3A_112 = arith.constant 0 : i32
        %dma_start3A_113 = arith.constant 0 : i32
        %dma_start3A_114 = tpu.memref_slice %arg5[%dma_start3A_112, %dma_start3A_113] : memref<10000x128xf32, #tpu.memory_space<hbm>> -> memref<10000x128xf32, #tpu.memory_space<hbm>>
        tpu.enqueue_indirect_dma source(%dma_start3A_114 : memref<10000x128xf32, #tpu.memory_space<hbm>>) target(%arg14 : memref<128x128xf32, #tpu.memory_space<vmem>>) offsets(%dma_start3A_111 : memref<128xi32, #tpu.memory_space<vmem>>) semaphore(%arg17 : memref<!tpu.dma_semaphore, #tpu.memory_space<semaphore_mem>>)
        %add3A_115 = arith.constant 1 : i32
        %add3A_116 = arith.addi %mul3A_91, %add3A_115 : i32
        %dma_wait3A_117 = arith.constant 0 : i32
        %dma_wait3A_118 = tpu.memref_slice %arg12[%add3A_116, %dma_wait3A_117] : memref<40x128xi32, #tpu.memory_space<vmem>> -> memref<1x128xi32, #tpu.memory_space<vmem>>
        %dma_wait3A_119 = tpu.memref_squeeze %dma_wait3A_118 : memref<1x128xi32, #tpu.memory_space<vmem>> -> memref<128xi32, #tpu.memory_space<vmem>>
        %dma_wait3A_120 = arith.constant 0 : i32
        %dma_wait3A_121 = arith.constant 0 : i32
        %dma_wait3A_122 = tpu.memref_slice %arg5[%dma_wait3A_120, %dma_wait3A_121] : memref<10000x128xf32, #tpu.memory_space<hbm>> -> memref<10000x128xf32, #tpu.memory_space<hbm>>
        tpu.wait_indirect_dma semaphore(%arg18 : memref<!tpu.dma_semaphore, #tpu.memory_space<semaphore_mem>>) src(%dma_wait3A_122 : memref<10000x128xf32, #tpu.memory_space<hbm>>) dst(%arg15 : memref<128x128xf32, #tpu.memory_space<vmem>>)
        %add3A_123 = arith.constant 1 : i32
        %add3A_124 = arith.addi %mul3A_91, %add3A_123 : i32
        "tpu.region"() ({
          %run_scoped3A = tpu.sem_alloc : memref<!tpu.dma_semaphore, #tpu.memory_space<semaphore_mem>>
          %dma_start3A_125 = arith.constant 0 : i32
          %dma_start3A_126 = tpu.memref_slice %arg13[%add3A_124, %dma_start3A_125] : memref<40x128xi32, #tpu.memory_space<vmem>> -> memref<1x128xi32, #tpu.memory_space<vmem>>
          %dma_start3A_127 = tpu.memref_squeeze %dma_start3A_126 : memref<1x128xi32, #tpu.memory_space<vmem>> -> memref<128xi32, #tpu.memory_space<vmem>>
          %dma_start3A_128 = arith.constant 0 : i32
          %dma_start3A_129 = arith.constant 0 : i32
          %dma_start3A_130 = tpu.memref_slice %arg16[%dma_start3A_128, %dma_start3A_129] : memref<10112x128xf32, #tpu.memory_space<vmem_shared>> -> memref<10112x128xf32, #tpu.memory_space<vmem_shared>>
          tpu.enqueue_indirect_dma source(%arg15 : memref<128x128xf32, #tpu.memory_space<vmem>>) target(%dma_start3A_130 : memref<10112x128xf32, #tpu.memory_space<vmem_shared>>) offsets(%dma_start3A_127 : memref<128xi32, #tpu.memory_space<vmem>>) semaphore(%run_scoped3A : memref<!tpu.dma_semaphore, #tpu.memory_space<semaphore_mem>>) {add = true}
          %dma_wait3A_131 = arith.constant 0 : i32
          %dma_wait3A_132 = tpu.memref_slice %arg13[%add3A_124, %dma_wait3A_131] : memref<40x128xi32, #tpu.memory_space<vmem>> -> memref<1x128xi32, #tpu.memory_space<vmem>>
          %dma_wait3A_133 = tpu.memref_squeeze %dma_wait3A_132 : memref<1x128xi32, #tpu.memory_space<vmem>> -> memref<128xi32, #tpu.memory_space<vmem>>
          %dma_wait3A_134 = arith.constant 0 : i32
          %dma_wait3A_135 = arith.constant 0 : i32
          %dma_wait3A_136 = tpu.memref_slice %arg16[%dma_wait3A_134, %dma_wait3A_135] : memref<10112x128xf32, #tpu.memory_space<vmem_shared>> -> memref<10112x128xf32, #tpu.memory_space<vmem_shared>>
          tpu.wait_indirect_dma semaphore(%run_scoped3A : memref<!tpu.dma_semaphore, #tpu.memory_space<semaphore_mem>>) src(%arg15 : memref<128x128xf32, #tpu.memory_space<vmem>>) dst(%dma_wait3A_136 : memref<10112x128xf32, #tpu.memory_space<vmem_shared>>)
          tpu.yield
        }) : () -> ()
      }
      %scan3A_42 = arith.constant 20 : i32
      %dma_wait3A = arith.constant 38 : i32
      %dma_wait3A_43 = arith.constant 0 : i32
      %dma_wait3A_44 = tpu.memref_slice %arg12[%dma_wait3A, %dma_wait3A_43] : memref<40x128xi32, #tpu.memory_space<vmem>> -> memref<1x128xi32, #tpu.memory_space<vmem>>
      %dma_wait3A_45 = tpu.memref_squeeze %dma_wait3A_44 : memref<1x128xi32, #tpu.memory_space<vmem>> -> memref<128xi32, #tpu.memory_space<vmem>>
      %dma_wait3A_46 = arith.constant 0 : i32
      %dma_wait3A_47 = arith.constant 0 : i32
      %dma_wait3A_48 = tpu.memref_slice %arg5[%dma_wait3A_46, %dma_wait3A_47] : memref<10000x128xf32, #tpu.memory_space<hbm>> -> memref<10000x128xf32, #tpu.memory_space<hbm>>
      tpu.wait_indirect_dma semaphore(%arg17 : memref<!tpu.dma_semaphore, #tpu.memory_space<semaphore_mem>>) src(%dma_wait3A_48 : memref<10000x128xf32, #tpu.memory_space<hbm>>) dst(%arg14 : memref<128x128xf32, #tpu.memory_space<vmem>>)
      %mul3A_49 = arith.constant 80 : i32
      %mul3A_50 = arith.muli %arg1, %mul3A_49 : i32
      %add3A_51 = arith.constant 40 : i32
      %add3A_52 = arith.addi %mul3A_50, %add3A_51 : i32
      "tpu.region"() ({
        %run_scoped3A = tpu.sem_alloc : memref<!tpu.dma_semaphore, #tpu.memory_space<semaphore_mem>>
        %dma_start3A_89 = arith.constant 0 : i32
        %dma_start3A_90 = tpu.memref_slice %arg6[%add3A_52, %dma_start3A_89] : memref<1280x128xi32, #tpu.memory_space<hbm>> -> memref<40x128xi32, #tpu.memory_space<hbm>>
        %dma_start3A_91 = arith.constant 0 : i32
        %dma_start3A_92 = tpu.memref_slice %arg6[%add3A_52, %dma_start3A_91] : memref<1280x128xi32, #tpu.memory_space<hbm>> -> memref<40x128xi32, #tpu.memory_space<hbm>>
        tpu.enqueue_dma source(%dma_start3A_92 : memref<40x128xi32, #tpu.memory_space<hbm>>) target(%arg12 : memref<40x128xi32, #tpu.memory_space<vmem>>) target_semaphore(%run_scoped3A : memref<!tpu.dma_semaphore, #tpu.memory_space<semaphore_mem>>)
        %dma_wait3A_93 = arith.constant 0 : i32
        %dma_wait3A_94 = tpu.memref_slice %arg6[%add3A_52, %dma_wait3A_93] : memref<1280x128xi32, #tpu.memory_space<hbm>> -> memref<40x128xi32, #tpu.memory_space<hbm>>
        %dma_wait3A_95 = arith.constant 0 : i32
        %dma_wait3A_96 = tpu.memref_slice %arg6[%add3A_52, %dma_wait3A_95] : memref<1280x128xi32, #tpu.memory_space<hbm>> -> memref<40x128xi32, #tpu.memory_space<hbm>>
        tpu.wait_dma2 semaphore(%run_scoped3A : memref<!tpu.dma_semaphore, #tpu.memory_space<semaphore_mem>>) src(%dma_wait3A_96 : memref<40x128xi32, #tpu.memory_space<hbm>>) dst(%arg12 : memref<40x128xi32, #tpu.memory_space<vmem>>)
        tpu.yield
      }) : () -> ()
      %mul3A_53 = arith.constant 80 : i32
      %mul3A_54 = arith.muli %arg1, %mul3A_53 : i32
      %add3A_55 = arith.constant 40 : i32
      %add3A_56 = arith.addi %mul3A_54, %add3A_55 : i32
      "tpu.region"() ({
        %run_scoped3A = tpu.sem_alloc : memref<!tpu.dma_semaphore, #tpu.memory_space<semaphore_mem>>
        %dma_start3A_89 = arith.constant 0 : i32
        %dma_start3A_90 = tpu.memref_slice %arg7[%add3A_56, %dma_start3A_89] : memref<1280x128xi32, #tpu.memory_space<hbm>> -> memref<40x128xi32, #tpu.memory_space<hbm>>
        %dma_start3A_91 = arith.constant 0 : i32
        %dma_start3A_92 = tpu.memref_slice %arg7[%add3A_56, %dma_start3A_91] : memref<1280x128xi32, #tpu.memory_space<hbm>> -> memref<40x128xi32, #tpu.memory_space<hbm>>
        tpu.enqueue_dma source(%dma_start3A_92 : memref<40x128xi32, #tpu.memory_space<hbm>>) target(%arg13 : memref<40x128xi32, #tpu.memory_space<vmem>>) target_semaphore(%run_scoped3A : memref<!tpu.dma_semaphore, #tpu.memory_space<semaphore_mem>>)
        %dma_wait3A_93 = arith.constant 0 : i32
        %dma_wait3A_94 = tpu.memref_slice %arg7[%add3A_56, %dma_wait3A_93] : memref<1280x128xi32, #tpu.memory_space<hbm>> -> memref<40x128xi32, #tpu.memory_space<hbm>>
        %dma_wait3A_95 = arith.constant 0 : i32
        %dma_wait3A_96 = tpu.memref_slice %arg7[%add3A_56, %dma_wait3A_95] : memref<1280x128xi32, #tpu.memory_space<hbm>> -> memref<40x128xi32, #tpu.memory_space<hbm>>
        tpu.wait_dma2 semaphore(%run_scoped3A : memref<!tpu.dma_semaphore, #tpu.memory_space<semaphore_mem>>) src(%dma_wait3A_96 : memref<40x128xi32, #tpu.memory_space<hbm>>) dst(%arg13 : memref<40x128xi32, #tpu.memory_space<vmem>>)
        tpu.yield
      }) : () -> ()
      %dma_start3A_57 = arith.constant 0 : i32
      %dma_start3A_58 = arith.constant 0 : i32
      %dma_start3A_59 = tpu.memref_slice %arg12[%dma_start3A_57, %dma_start3A_58] : memref<40x128xi32, #tpu.memory_space<vmem>> -> memref<1x128xi32, #tpu.memory_space<vmem>>
      %dma_start3A_60 = tpu.memref_squeeze %dma_start3A_59 : memref<1x128xi32, #tpu.memory_space<vmem>> -> memref<128xi32, #tpu.memory_space<vmem>>
      %dma_start3A_61 = arith.constant 0 : i32
      %dma_start3A_62 = arith.constant 0 : i32
      %dma_start3A_63 = tpu.memref_slice %arg5[%dma_start3A_61, %dma_start3A_62] : memref<10000x128xf32, #tpu.memory_space<hbm>> -> memref<10000x128xf32, #tpu.memory_space<hbm>>
      tpu.enqueue_indirect_dma source(%dma_start3A_63 : memref<10000x128xf32, #tpu.memory_space<hbm>>) target(%arg14 : memref<128x128xf32, #tpu.memory_space<vmem>>) offsets(%dma_start3A_60 : memref<128xi32, #tpu.memory_space<vmem>>) semaphore(%arg17 : memref<!tpu.dma_semaphore, #tpu.memory_space<semaphore_mem>>)
      %scan3A_64 = arith.constant 0 : i32
      %scan3A_65 = arith.constant 0 : i32
      %scan3A_66 = arith.constant 20 : i32
      %scan3A_67 = arith.addi %scan3A_65, %scan3A_66 : i32
      %scan3A_68 = arith.constant 1 : i32
      scf.for %scan3A_89 = %scan3A_65 to %scan3A_67 step %scan3A_68  : i32 {
        %mul3A_90 = arith.constant 2 : i32
        %mul3A_91 = arith.muli %mul3A_90, %scan3A_89 : i32
        %add3A_92 = arith.constant 1 : i32
        %add3A_93 = arith.addi %mul3A_91, %add3A_92 : i32
        %dma_start3A_94 = arith.constant 0 : i32
        %dma_start3A_95 = tpu.memref_slice %arg12[%add3A_93, %dma_start3A_94] : memref<40x128xi32, #tpu.memory_space<vmem>> -> memref<1x128xi32, #tpu.memory_space<vmem>>
        %dma_start3A_96 = tpu.memref_squeeze %dma_start3A_95 : memref<1x128xi32, #tpu.memory_space<vmem>> -> memref<128xi32, #tpu.memory_space<vmem>>
        %dma_start3A_97 = arith.constant 0 : i32
        %dma_start3A_98 = arith.constant 0 : i32
        %dma_start3A_99 = tpu.memref_slice %arg5[%dma_start3A_97, %dma_start3A_98] : memref<10000x128xf32, #tpu.memory_space<hbm>> -> memref<10000x128xf32, #tpu.memory_space<hbm>>
        tpu.enqueue_indirect_dma source(%dma_start3A_99 : memref<10000x128xf32, #tpu.memory_space<hbm>>) target(%arg15 : memref<128x128xf32, #tpu.memory_space<vmem>>) offsets(%dma_start3A_96 : memref<128xi32, #tpu.memory_space<vmem>>) semaphore(%arg18 : memref<!tpu.dma_semaphore, #tpu.memory_space<semaphore_mem>>)
        %dma_wait3A_100 = arith.constant 0 : i32
        %dma_wait3A_101 = tpu.memref_slice %arg12[%mul3A_91, %dma_wait3A_100] : memref<40x128xi32, #tpu.memory_space<vmem>> -> memref<1x128xi32, #tpu.memory_space<vmem>>
        %dma_wait3A_102 = tpu.memref_squeeze %dma_wait3A_101 : memref<1x128xi32, #tpu.memory_space<vmem>> -> memref<128xi32, #tpu.memory_space<vmem>>
        %dma_wait3A_103 = arith.constant 0 : i32
        %dma_wait3A_104 = arith.constant 0 : i32
        %dma_wait3A_105 = tpu.memref_slice %arg5[%dma_wait3A_103, %dma_wait3A_104] : memref<10000x128xf32, #tpu.memory_space<hbm>> -> memref<10000x128xf32, #tpu.memory_space<hbm>>
        tpu.wait_indirect_dma semaphore(%arg17 : memref<!tpu.dma_semaphore, #tpu.memory_space<semaphore_mem>>) src(%dma_wait3A_105 : memref<10000x128xf32, #tpu.memory_space<hbm>>) dst(%arg14 : memref<128x128xf32, #tpu.memory_space<vmem>>)
        "tpu.region"() ({
          %run_scoped3A = tpu.sem_alloc : memref<!tpu.dma_semaphore, #tpu.memory_space<semaphore_mem>>
          %dma_start3A_125 = arith.constant 0 : i32
          %dma_start3A_126 = tpu.memref_slice %arg13[%mul3A_91, %dma_start3A_125] : memref<40x128xi32, #tpu.memory_space<vmem>> -> memref<1x128xi32, #tpu.memory_space<vmem>>
          %dma_start3A_127 = tpu.memref_squeeze %dma_start3A_126 : memref<1x128xi32, #tpu.memory_space<vmem>> -> memref<128xi32, #tpu.memory_space<vmem>>
          %dma_start3A_128 = arith.constant 0 : i32
          %dma_start3A_129 = arith.constant 0 : i32
          %dma_start3A_130 = tpu.memref_slice %arg16[%dma_start3A_128, %dma_start3A_129] : memref<10112x128xf32, #tpu.memory_space<vmem_shared>> -> memref<10112x128xf32, #tpu.memory_space<vmem_shared>>
          tpu.enqueue_indirect_dma source(%arg14 : memref<128x128xf32, #tpu.memory_space<vmem>>) target(%dma_start3A_130 : memref<10112x128xf32, #tpu.memory_space<vmem_shared>>) offsets(%dma_start3A_127 : memref<128xi32, #tpu.memory_space<vmem>>) semaphore(%run_scoped3A : memref<!tpu.dma_semaphore, #tpu.memory_space<semaphore_mem>>) {add = true}
          %dma_wait3A_131 = arith.constant 0 : i32
          %dma_wait3A_132 = tpu.memref_slice %arg13[%mul3A_91, %dma_wait3A_131] : memref<40x128xi32, #tpu.memory_space<vmem>> -> memref<1x128xi32, #tpu.memory_space<vmem>>
          %dma_wait3A_133 = tpu.memref_squeeze %dma_wait3A_132 : memref<1x128xi32, #tpu.memory_space<vmem>> -> memref<128xi32, #tpu.memory_space<vmem>>
          %dma_wait3A_134 = arith.constant 0 : i32
          %dma_wait3A_135 = arith.constant 0 : i32
          %dma_wait3A_136 = tpu.memref_slice %arg16[%dma_wait3A_134, %dma_wait3A_135] : memref<10112x128xf32, #tpu.memory_space<vmem_shared>> -> memref<10112x128xf32, #tpu.memory_space<vmem_shared>>
          tpu.wait_indirect_dma semaphore(%run_scoped3A : memref<!tpu.dma_semaphore, #tpu.memory_space<semaphore_mem>>) src(%arg14 : memref<128x128xf32, #tpu.memory_space<vmem>>) dst(%dma_wait3A_136 : memref<10112x128xf32, #tpu.memory_space<vmem_shared>>)
          tpu.yield
        }) : () -> ()
        %add3A_106 = arith.constant 2 : i32
        %add3A_107 = arith.addi %mul3A_91, %add3A_106 : i32
        %min3A = arith.constant 38 : i32
        %min3A_108 = arith.minsi %add3A_107, %min3A : i32
        %dma_start3A_109 = arith.constant 0 : i32
        %dma_start3A_110 = tpu.memref_slice %arg12[%min3A_108, %dma_start3A_109] : memref<40x128xi32, #tpu.memory_space<vmem>> -> memref<1x128xi32, #tpu.memory_space<vmem>>
        %dma_start3A_111 = tpu.memref_squeeze %dma_start3A_110 : memref<1x128xi32, #tpu.memory_space<vmem>> -> memref<128xi32, #tpu.memory_space<vmem>>
        %dma_start3A_112 = arith.constant 0 : i32
        %dma_start3A_113 = arith.constant 0 : i32
        %dma_start3A_114 = tpu.memref_slice %arg5[%dma_start3A_112, %dma_start3A_113] : memref<10000x128xf32, #tpu.memory_space<hbm>> -> memref<10000x128xf32, #tpu.memory_space<hbm>>
        tpu.enqueue_indirect_dma source(%dma_start3A_114 : memref<10000x128xf32, #tpu.memory_space<hbm>>) target(%arg14 : memref<128x128xf32, #tpu.memory_space<vmem>>) offsets(%dma_start3A_111 : memref<128xi32, #tpu.memory_space<vmem>>) semaphore(%arg17 : memref<!tpu.dma_semaphore, #tpu.memory_space<semaphore_mem>>)
        %add3A_115 = arith.constant 1 : i32
        %add3A_116 = arith.addi %mul3A_91, %add3A_115 : i32
        %dma_wait3A_117 = arith.constant 0 : i32
        %dma_wait3A_118 = tpu.memref_slice %arg12[%add3A_116, %dma_wait3A_117] : memref<40x128xi32, #tpu.memory_space<vmem>> -> memref<1x128xi32, #tpu.memory_space<vmem>>
        %dma_wait3A_119 = tpu.memref_squeeze %dma_wait3A_118 : memref<1x128xi32, #tpu.memory_space<vmem>> -> memref<128xi32, #tpu.memory_space<vmem>>
        %dma_wait3A_120 = arith.constant 0 : i32
        %dma_wait3A_121 = arith.constant 0 : i32
        %dma_wait3A_122 = tpu.memref_slice %arg5[%dma_wait3A_120, %dma_wait3A_121] : memref<10000x128xf32, #tpu.memory_space<hbm>> -> memref<10000x128xf32, #tpu.memory_space<hbm>>
        tpu.wait_indirect_dma semaphore(%arg18 : memref<!tpu.dma_semaphore, #tpu.memory_space<semaphore_mem>>) src(%dma_wait3A_122 : memref<10000x128xf32, #tpu.memory_space<hbm>>) dst(%arg15 : memref<128x128xf32, #tpu.memory_space<vmem>>)
        %add3A_123 = arith.constant 1 : i32
        %add3A_124 = arith.addi %mul3A_91, %add3A_123 : i32
        "tpu.region"() ({
          %run_scoped3A = tpu.sem_alloc : memref<!tpu.dma_semaphore, #tpu.memory_space<semaphore_mem>>
          %dma_start3A_125 = arith.constant 0 : i32
          %dma_start3A_126 = tpu.memref_slice %arg13[%add3A_124, %dma_start3A_125] : memref<40x128xi32, #tpu.memory_space<vmem>> -> memref<1x128xi32, #tpu.memory_space<vmem>>
          %dma_start3A_127 = tpu.memref_squeeze %dma_start3A_126 : memref<1x128xi32, #tpu.memory_space<vmem>> -> memref<128xi32, #tpu.memory_space<vmem>>
          %dma_start3A_128 = arith.constant 0 : i32
          %dma_start3A_129 = arith.constant 0 : i32
          %dma_start3A_130 = tpu.memref_slice %arg16[%dma_start3A_128, %dma_start3A_129] : memref<10112x128xf32, #tpu.memory_space<vmem_shared>> -> memref<10112x128xf32, #tpu.memory_space<vmem_shared>>
          tpu.enqueue_indirect_dma source(%arg15 : memref<128x128xf32, #tpu.memory_space<vmem>>) target(%dma_start3A_130 : memref<10112x128xf32, #tpu.memory_space<vmem_shared>>) offsets(%dma_start3A_127 : memref<128xi32, #tpu.memory_space<vmem>>) semaphore(%run_scoped3A : memref<!tpu.dma_semaphore, #tpu.memory_space<semaphore_mem>>) {add = true}
          %dma_wait3A_131 = arith.constant 0 : i32
          %dma_wait3A_132 = tpu.memref_slice %arg13[%add3A_124, %dma_wait3A_131] : memref<40x128xi32, #tpu.memory_space<vmem>> -> memref<1x128xi32, #tpu.memory_space<vmem>>
          %dma_wait3A_133 = tpu.memref_squeeze %dma_wait3A_132 : memref<1x128xi32, #tpu.memory_space<vmem>> -> memref<128xi32, #tpu.memory_space<vmem>>
          %dma_wait3A_134 = arith.constant 0 : i32
          %dma_wait3A_135 = arith.constant 0 : i32
          %dma_wait3A_136 = tpu.memref_slice %arg16[%dma_wait3A_134, %dma_wait3A_135] : memref<10112x128xf32, #tpu.memory_space<vmem_shared>> -> memref<10112x128xf32, #tpu.memory_space<vmem_shared>>
          tpu.wait_indirect_dma semaphore(%run_scoped3A : memref<!tpu.dma_semaphore, #tpu.memory_space<semaphore_mem>>) src(%arg15 : memref<128x128xf32, #tpu.memory_space<vmem>>) dst(%dma_wait3A_136 : memref<10112x128xf32, #tpu.memory_space<vmem_shared>>)
          tpu.yield
        }) : () -> ()
      }
      %scan3A_69 = arith.constant 20 : i32
      %dma_wait3A_70 = arith.constant 38 : i32
      %dma_wait3A_71 = arith.constant 0 : i32
      %dma_wait3A_72 = tpu.memref_slice %arg12[%dma_wait3A_70, %dma_wait3A_71] : memref<40x128xi32, #tpu.memory_space<vmem>> -> memref<1x128xi32, #tpu.memory_space<vmem>>
      %dma_wait3A_73 = tpu.memref_squeeze %dma_wait3A_72 : memref<1x128xi32, #tpu.memory_space<vmem>> -> memref<128xi32, #tpu.memory_space<vmem>>
      %dma_wait3A_74 = arith.constant 0 : i32
      %dma_wait3A_75 = arith.constant 0 : i32
      %dma_wait3A_76 = tpu.memref_slice %arg5[%dma_wait3A_74, %dma_wait3A_75] : memref<10000x128xf32, #tpu.memory_space<hbm>> -> memref<10000x128xf32, #tpu.memory_space<hbm>>
      tpu.wait_indirect_dma semaphore(%arg17 : memref<!tpu.dma_semaphore, #tpu.memory_space<semaphore_mem>>) src(%dma_wait3A_76 : memref<10000x128xf32, #tpu.memory_space<hbm>>) dst(%arg14 : memref<128x128xf32, #tpu.memory_space<vmem>>)
      %barrier3A_77 = arith.constant 0 : index
      tpu.barrier barrier_id(%barrier3A_77)
      %lt3A_78 = arith.constant 15 : i32
      %lt3A_79 = arith.cmpi slt, %arg1, %lt3A_78 : i32
      %convert_element_type3A_80 = arith.extui %lt3A_79 : i1 to i32
      %cond3A_81 = arith.constant 0 : i32
      %cond3A_82 = arith.cmpi ne, %convert_element_type3A_80, %cond3A_81 : i32
      scf.if %cond3A_82 {
        %mul3A_89 = arith.constant 632 : i32
        %mul3A_90 = arith.muli %arg1, %mul3A_89 : i32
        %mul3A_91 = arith.constant 632 : i32
        %mul3A_92 = arith.muli %arg1, %mul3A_91 : i32
        "tpu.region"() ({
          %run_scoped3A = tpu.sem_alloc : memref<!tpu.dma_semaphore, #tpu.memory_space<semaphore_mem>>
          %dma_start3A_93 = arith.constant 0 : i32
          %dma_start3A_94 = tpu.memref_slice %arg11[%mul3A_92, %dma_start3A_93] : memref<10000x128xf32, #tpu.memory_space<hbm>> -> memref<632x128xf32, #tpu.memory_space<hbm>>
          %dma_start3A_95 = arith.constant 0 : i32
          %dma_start3A_96 = tpu.memref_slice %arg16[%mul3A_90, %dma_start3A_95] : memref<10112x128xf32, #tpu.memory_space<vmem_shared>> -> memref<632x128xf32, #tpu.memory_space<vmem_shared>>
          tpu.enqueue_dma source(%dma_start3A_96 : memref<632x128xf32, #tpu.memory_space<vmem_shared>>) target(%dma_start3A_94 : memref<632x128xf32, #tpu.memory_space<hbm>>) target_semaphore(%run_scoped3A : memref<!tpu.dma_semaphore, #tpu.memory_space<semaphore_mem>>)
          %dma_wait3A_97 = arith.constant 0 : i32
          %dma_wait3A_98 = tpu.memref_slice %arg11[%mul3A_92, %dma_wait3A_97] : memref<10000x128xf32, #tpu.memory_space<hbm>> -> memref<632x128xf32, #tpu.memory_space<hbm>>
          %dma_wait3A_99 = arith.constant 0 : i32
          %dma_wait3A_100 = tpu.memref_slice %arg16[%mul3A_90, %dma_wait3A_99] : memref<10112x128xf32, #tpu.memory_space<vmem_shared>> -> memref<632x128xf32, #tpu.memory_space<vmem_shared>>
          tpu.wait_dma2 semaphore(%run_scoped3A : memref<!tpu.dma_semaphore, #tpu.memory_space<semaphore_mem>>) src(%dma_wait3A_100 : memref<632x128xf32, #tpu.memory_space<vmem_shared>>) dst(%dma_wait3A_98 : memref<632x128xf32, #tpu.memory_space<hbm>>)
          tpu.yield
        }) : () -> ()
      } else {
      }
      %eq3A_83 = arith.constant 15 : i32
      %eq3A_84 = arith.cmpi eq, %arg1, %eq3A_83 : i32
      %convert_element_type3A_85 = arith.extui %eq3A_84 : i1 to i32
      %cond3A_86 = arith.constant 0 : i32
      %cond3A_87 = arith.cmpi ne, %convert_element_type3A_85, %cond3A_86 : i32
      scf.if %cond3A_87 {
        "tpu.region"() ({
          %run_scoped3A = tpu.sem_alloc : memref<!tpu.dma_semaphore, #tpu.memory_space<semaphore_mem>>
          %dma_start3A_89 = arith.constant 9480 : i32
          %dma_start3A_90 = arith.constant 0 : i32
          %dma_start3A_91 = tpu.memref_slice %arg11[%dma_start3A_89, %dma_start3A_90] : memref<10000x128xf32, #tpu.memory_space<hbm>> -> memref<520x128xf32, #tpu.memory_space<hbm>>
          %dma_start3A_92 = arith.constant 9480 : i32
          %dma_start3A_93 = arith.constant 0 : i32
          %dma_start3A_94 = tpu.memref_slice %arg16[%dma_start3A_92, %dma_start3A_93] : memref<10112x128xf32, #tpu.memory_space<vmem_shared>> -> memref<520x128xf32, #tpu.memory_space<vmem_shared>>
          tpu.enqueue_dma source(%dma_start3A_94 : memref<520x128xf32, #tpu.memory_space<vmem_shared>>) target(%dma_start3A_91 : memref<520x128xf32, #tpu.memory_space<hbm>>) target_semaphore(%run_scoped3A : memref<!tpu.dma_semaphore, #tpu.memory_space<semaphore_mem>>)
          %dma_wait3A_95 = arith.constant 9480 : i32
          %dma_wait3A_96 = arith.constant 0 : i32
          %dma_wait3A_97 = tpu.memref_slice %arg11[%dma_wait3A_95, %dma_wait3A_96] : memref<10000x128xf32, #tpu.memory_space<hbm>> -> memref<520x128xf32, #tpu.memory_space<hbm>>
          %dma_wait3A_98 = arith.constant 9480 : i32
          %dma_wait3A_99 = arith.constant 0 : i32
          %dma_wait3A_100 = tpu.memref_slice %arg16[%dma_wait3A_98, %dma_wait3A_99] : memref<10112x128xf32, #tpu.memory_space<vmem_shared>> -> memref<520x128xf32, #tpu.memory_space<vmem_shared>>
          tpu.wait_dma2 semaphore(%run_scoped3A : memref<!tpu.dma_semaphore, #tpu.memory_space<semaphore_mem>>) src(%dma_wait3A_100 : memref<520x128xf32, #tpu.memory_space<vmem_shared>>) dst(%dma_wait3A_97 : memref<520x128xf32, #tpu.memory_space<hbm>>)
          tpu.yield
        }) : () -> ()
      } else {
      }
      %barrier3A_88 = arith.constant 0 : index
      tpu.barrier barrier_id(%barrier3A_88)
    } else {
    }
    return
  }
}

module attributes {stable_mosaic.version = 14 : i64} {
  func.func @body(%arg0: i32, %arg1: memref<2000x256xf32, #tpu.memory_space<vmem>>, %arg2: memref<2000x16xf32, #tpu.memory_space<vmem>>, %arg3: memref<2000x16xf32, #tpu.memory_space<vmem>>, %arg4: memref<2000x128xf32, #tpu.memory_space<vmem>>, %arg5: memref<2000x128xf32, #tpu.memory_space<vmem>>) attributes {dimension_semantics = [#tpu.dimension_semantics<arbitrary>], iteration_bounds = array<i64: 5>, scalar_prefetch = 0 : i64, scratch_operands = 0 : i64, tpu.core_type = #tpu.core_type<tc>, window_params = [{transform_indices = @transform_0, window_bounds = array<i64: 2000, 256>}, {transform_indices = @transform_1, window_bounds = array<i64: 2000, 16>}, {transform_indices = @transform_2, window_bounds = array<i64: 2000, 16>}, {transform_indices = @transform_3, window_bounds = array<i64: 2000, 128>}, {transform_indices = @transform_4, window_bounds = array<i64: 2000, 128>}]} {
    %get3A = arith.constant 0 : index
    %get3A_0 = arith.constant 0 : index
    %get3A_1 = vector.load %arg2[%get3A, %get3A_0] : memref<2000x16xf32, #tpu.memory_space<vmem>>, vector<2000x16xf32>
    %slice3A = vector.extract_strided_slice %get3A_1 {offsets = [0, 0], sizes = [2000, 1], strides = [1, 1]} : vector<2000x16xf32> to vector<2000x1xf32>
    %get3A_2 = arith.constant 0 : index
    %get3A_3 = arith.constant 0 : index
    %get3A_4 = vector.load %arg3[%get3A_2, %get3A_3] : memref<2000x16xf32, #tpu.memory_space<vmem>>, vector<2000x16xf32>
    %slice3A_5 = vector.extract_strided_slice %get3A_4 {offsets = [0, 0], sizes = [2000, 1], strides = [1, 1]} : vector<2000x16xf32> to vector<2000x1xf32>
    %add3A = arith.addf %slice3A, %slice3A_5 : vector<2000x1xf32>
    %add3A_6 = arith.constant 1.000000e+00 : f32
    %add3A_7 = vector.broadcast %add3A_6 : f32 to vector<2000x1xf32>
    %add3A_8 = arith.addf %add3A, %add3A_7 : vector<2000x1xf32>
    %rsqrt3A = math.rsqrt %add3A_8 : vector<2000x1xf32>
    %get3A_9 = arith.constant 0 : index
    %get3A_10 = arith.constant 0 : index
    %get3A_11 = vector.load %arg1[%get3A_9, %get3A_10] : memref<2000x256xf32, #tpu.memory_space<vmem>>, vector<2000x256xf32>
    %slice3A_12 = vector.extract_strided_slice %get3A_11 {offsets = [0, 0], sizes = [2000, 128], strides = [1, 1]} : vector<2000x256xf32> to vector<2000x128xf32>
    %mul3A = vector.broadcast %rsqrt3A : vector<2000x1xf32> to vector<2000x128xf32>
    %mul3A_13 = arith.mulf %slice3A_12, %mul3A : vector<2000x128xf32>
    %swap3A = arith.constant 0 : index
    %swap3A_14 = arith.constant 0 : index
    %swap3A_15 = vector.load %arg4[%swap3A, %swap3A_14] : memref<2000x128xf32, #tpu.memory_space<vmem>>, vector<2000x128xf32>
    tpu.vector_store %arg4[%swap3A, %swap3A_14], %mul3A_13 {strides = array<i32>} : memref<2000x128xf32, #tpu.memory_space<vmem>>, vector<2000x128xf32>,
    %get3A_16 = arith.constant 0 : index
    %get3A_17 = arith.constant 0 : index
    %get3A_18 = vector.load %arg1[%get3A_16, %get3A_17] : memref<2000x256xf32, #tpu.memory_space<vmem>>, vector<2000x256xf32>
    %slice3A_19 = vector.extract_strided_slice %get3A_18 {offsets = [0, 128], sizes = [2000, 128], strides = [1, 1]} : vector<2000x256xf32> to vector<2000x128xf32>
    %mul3A_20 = vector.broadcast %rsqrt3A : vector<2000x1xf32> to vector<2000x128xf32>
    %mul3A_21 = arith.mulf %slice3A_19, %mul3A_20 : vector<2000x128xf32>
    %swap3A_22 = arith.constant 0 : index
    %swap3A_23 = arith.constant 0 : index
    %swap3A_24 = vector.load %arg5[%swap3A_22, %swap3A_23] : memref<2000x128xf32, #tpu.memory_space<vmem>>, vector<2000x128xf32>
    tpu.vector_store %arg5[%swap3A_22, %swap3A_23], %mul3A_21 {strides = array<i32>} : memref<2000x128xf32, #tpu.memory_space<vmem>>, vector<2000x128xf32>,
    return
  }
  func.func @transform_0(%arg0: i32) -> (i32, i32) {
    %c0_i32 = arith.constant 0 : i32
    %c0_i32_0 = arith.constant 0 : i32
    return %arg0, %c0_i32 : i32, i32
  }
  func.func @transform_1(%arg0: i32) -> (i32, i32) {
    %c0_i32 = arith.constant 0 : i32
    %c0_i32_0 = arith.constant 0 : i32
    return %arg0, %c0_i32 : i32, i32
  }
  func.func @transform_2(%arg0: i32) -> (i32, i32) {
    %c0_i32 = arith.constant 0 : i32
    %c0_i32_0 = arith.constant 0 : i32
    return %arg0, %c0_i32 : i32, i32
  }
  func.func @transform_3(%arg0: i32) -> (i32, i32) {
    %c0_i32 = arith.constant 0 : i32
    %c0_i32_0 = arith.constant 0 : i32
    return %arg0, %c0_i32 : i32, i32
  }
  func.func @transform_4(%arg0: i32) -> (i32, i32) {
    %c0_i32 = arith.constant 0 : i32
    %c0_i32_0 = arith.constant 0 : i32
    return %arg0, %c0_i32 : i32, i32
  }
}

module attributes {stable_mosaic.version = 14 : i64} {
  func.func @body(%arg0: i32, %arg1: memref<2000x128xf32, #tpu.memory_space<vmem>>, %arg2: memref<2000x128xf32, #tpu.memory_space<vmem>>, %arg3: memref<2000x16xf32, #tpu.memory_space<vmem>>, %arg4: memref<2000x16xf32, #tpu.memory_space<vmem>>, %arg5: memref<256x512xf32, #tpu.memory_space<vmem>>, %arg6: memref<1x512xf32, #tpu.memory_space<vmem>>, %arg7: memref<2000x128xf32, #tpu.memory_space<vmem>>, %arg8: memref<2000x128xf32, #tpu.memory_space<vmem>>, %arg9: memref<2000x128xf32, #tpu.memory_space<vmem>>, %arg10: memref<2000x128xf32, #tpu.memory_space<vmem>>) attributes {dimension_semantics = [#tpu.dimension_semantics<arbitrary>], iteration_bounds = array<i64: 5>, scalar_prefetch = 0 : i64, scratch_operands = 0 : i64, tpu.core_type = #tpu.core_type<tc>, window_params = [{transform_indices = @transform_0, window_bounds = array<i64: 2000, 128>}, {transform_indices = @transform_1, window_bounds = array<i64: 2000, 128>}, {transform_indices = @transform_2, window_bounds = array<i64: 2000, 16>}, {transform_indices = @transform_3, window_bounds = array<i64: 2000, 16>}, {pipeline_mode = #tpu.pipeline_mode<synchronous>, transform_indices = @transform_4, window_bounds = array<i64: 256, 512>}, {pipeline_mode = #tpu.pipeline_mode<synchronous>, transform_indices = @transform_5, window_bounds = array<i64: 1, 512>}, {transform_indices = @transform_6, window_bounds = array<i64: 2000, 128>}, {transform_indices = @transform_7, window_bounds = array<i64: 2000, 128>}, {transform_indices = @transform_8, window_bounds = array<i64: 2000, 128>}, {transform_indices = @transform_9, window_bounds = array<i64: 2000, 128>}]} {
    %get3A = arith.constant 0 : index
    %get3A_0 = arith.constant 0 : index
    %get3A_1 = vector.load %arg3[%get3A, %get3A_0] : memref<2000x16xf32, #tpu.memory_space<vmem>>, vector<2000x16xf32>
    %slice3A = vector.extract_strided_slice %get3A_1 {offsets = [0, 0], sizes = [2000, 1], strides = [1, 1]} : vector<2000x16xf32> to vector<2000x1xf32>
    %get3A_2 = arith.constant 0 : index
    %get3A_3 = arith.constant 0 : index
    %get3A_4 = vector.load %arg4[%get3A_2, %get3A_3] : memref<2000x16xf32, #tpu.memory_space<vmem>>, vector<2000x16xf32>
    %slice3A_5 = vector.extract_strided_slice %get3A_4 {offsets = [0, 0], sizes = [2000, 1], strides = [1, 1]} : vector<2000x16xf32> to vector<2000x1xf32>
    %add3A = arith.addf %slice3A, %slice3A_5 : vector<2000x1xf32>
    %add3A_6 = arith.constant 1.000000e+00 : f32
    %add3A_7 = vector.broadcast %add3A_6 : f32 to vector<2000x1xf32>
    %add3A_8 = arith.addf %add3A, %add3A_7 : vector<2000x1xf32>
    %rsqrt3A = math.rsqrt %add3A_8 : vector<2000x1xf32>
    %get3A_9 = arith.constant 0 : index
    %get3A_10 = arith.constant 0 : index
    %get3A_11 = vector.load %arg1[%get3A_9, %get3A_10] : memref<2000x128xf32, #tpu.memory_space<vmem>>, vector<2000x128xf32>
    %get3A_12 = arith.constant 0 : index
    %get3A_13 = arith.constant 0 : index
    %get3A_14 = vector.load %arg2[%get3A_12, %get3A_13] : memref<2000x128xf32, #tpu.memory_space<vmem>>, vector<2000x128xf32>
    %concatenate3A = tpu.concatenate %get3A_11, %get3A_14 in 1 : vector<2000x128xf32>, vector<2000x128xf32> -> vector<2000x256xf32>
    %mul3A = vector.broadcast %rsqrt3A : vector<2000x1xf32> to vector<2000x256xf32>
    %mul3A_15 = arith.mulf %concatenate3A, %mul3A : vector<2000x256xf32>
    %get3A_16 = arith.constant 0 : index
    %get3A_17 = arith.constant 0 : index
    %get3A_18 = vector.load %arg5[%get3A_16, %get3A_17] : memref<256x512xf32, #tpu.memory_space<vmem>>, vector<256x512xf32>
    %dot_general3A = arith.constant dense<0.000000e+00> : vector<2000x512xf32>
    %dot_general3A_19 = tpu.matmul %mul3A_15, %get3A_18, %dot_general3A {dimension_numbers = #tpu.dot_dimension_numbers<[1], [0], [0], [1], [0, 0, 1, 1], [], []>, transpose_lhs_hint = false} : vector<2000x256xf32>, vector<256x512xf32>, vector<2000x512xf32> -> vector<2000x512xf32>
    %get3A_20 = arith.constant 0 : index
    %get3A_21 = arith.constant 0 : index
    %get3A_22 = vector.load %arg6[%get3A_20, %get3A_21] : memref<1x512xf32, #tpu.memory_space<vmem>>, vector<1x512xf32>
    %add3A_23 = vector.broadcast %get3A_22 : vector<1x512xf32> to vector<2000x512xf32>
    %add3A_24 = arith.addf %dot_general3A_19, %add3A_23 : vector<2000x512xf32>
    %max3A = arith.constant 0.000000e+00 : f32
    %max3A_25 = vector.broadcast %max3A : f32 to vector<2000x512xf32>
    %max3A_26 = arith.maximumf %add3A_24, %max3A_25 : vector<2000x512xf32>
    %mul3A_27 = vector.broadcast %rsqrt3A : vector<2000x1xf32> to vector<2000x512xf32>
    %mul3A_28 = arith.mulf %max3A_26, %mul3A_27 : vector<2000x512xf32>
    %slice3A_29 = vector.extract_strided_slice %mul3A_28 {offsets = [0, 0], sizes = [2000, 128], strides = [1, 1]} : vector<2000x512xf32> to vector<2000x128xf32>
    %swap3A = arith.constant 0 : index
    %swap3A_30 = arith.constant 0 : index
    %swap3A_31 = vector.load %arg7[%swap3A, %swap3A_30] : memref<2000x128xf32, #tpu.memory_space<vmem>>, vector<2000x128xf32>
    tpu.vector_store %arg7[%swap3A, %swap3A_30], %slice3A_29 {strides = array<i32>} : memref<2000x128xf32, #tpu.memory_space<vmem>>, vector<2000x128xf32>,
    %slice3A_32 = vector.extract_strided_slice %mul3A_28 {offsets = [0, 128], sizes = [2000, 128], strides = [1, 1]} : vector<2000x512xf32> to vector<2000x128xf32>
    %swap3A_33 = arith.constant 0 : index
    %swap3A_34 = arith.constant 0 : index
    %swap3A_35 = vector.load %arg8[%swap3A_33, %swap3A_34] : memref<2000x128xf32, #tpu.memory_space<vmem>>, vector<2000x128xf32>
    tpu.vector_store %arg8[%swap3A_33, %swap3A_34], %slice3A_32 {strides = array<i32>} : memref<2000x128xf32, #tpu.memory_space<vmem>>, vector<2000x128xf32>,
    %slice3A_36 = vector.extract_strided_slice %mul3A_28 {offsets = [0, 256], sizes = [2000, 128], strides = [1, 1]} : vector<2000x512xf32> to vector<2000x128xf32>
    %swap3A_37 = arith.constant 0 : index
    %swap3A_38 = arith.constant 0 : index
    %swap3A_39 = vector.load %arg9[%swap3A_37, %swap3A_38] : memref<2000x128xf32, #tpu.memory_space<vmem>>, vector<2000x128xf32>
    tpu.vector_store %arg9[%swap3A_37, %swap3A_38], %slice3A_36 {strides = array<i32>} : memref<2000x128xf32, #tpu.memory_space<vmem>>, vector<2000x128xf32>,
    %slice3A_40 = vector.extract_strided_slice %mul3A_28 {offsets = [0, 384], sizes = [2000, 128], strides = [1, 1]} : vector<2000x512xf32> to vector<2000x128xf32>
    %swap3A_41 = arith.constant 0 : index
    %swap3A_42 = arith.constant 0 : index
    %swap3A_43 = vector.load %arg10[%swap3A_41, %swap3A_42] : memref<2000x128xf32, #tpu.memory_space<vmem>>, vector<2000x128xf32>
    tpu.vector_store %arg10[%swap3A_41, %swap3A_42], %slice3A_40 {strides = array<i32>} : memref<2000x128xf32, #tpu.memory_space<vmem>>, vector<2000x128xf32>,
    return
  }
  func.func @transform_0(%arg0: i32) -> (i32, i32) {
    %c0_i32 = arith.constant 0 : i32
    %c0_i32_0 = arith.constant 0 : i32
    return %arg0, %c0_i32 : i32, i32
  }
  func.func @transform_1(%arg0: i32) -> (i32, i32) {
    %c0_i32 = arith.constant 0 : i32
    %c0_i32_0 = arith.constant 0 : i32
    return %arg0, %c0_i32 : i32, i32
  }
  func.func @transform_2(%arg0: i32) -> (i32, i32) {
    %c0_i32 = arith.constant 0 : i32
    %c0_i32_0 = arith.constant 0 : i32
    return %arg0, %c0_i32 : i32, i32
  }
  func.func @transform_3(%arg0: i32) -> (i32, i32) {
    %c0_i32 = arith.constant 0 : i32
    %c0_i32_0 = arith.constant 0 : i32
    return %arg0, %c0_i32 : i32, i32
  }
  func.func @transform_4(%arg0: i32) -> (i32, i32) {
    %c0_i32 = arith.constant 0 : i32
    %c0_i32_0 = arith.constant 0 : i32
    %c0_i32_1 = arith.constant 0 : i32
    return %c0_i32, %c0_i32_0 : i32, i32
  }
  func.func @transform_5(%arg0: i32) -> (i32, i32) {
    %c0_i32 = arith.constant 0 : i32
    %c0_i32_0 = arith.constant 0 : i32
    %c0_i32_1 = arith.constant 0 : i32
    return %c0_i32, %c0_i32_0 : i32, i32
  }
  func.func @transform_6(%arg0: i32) -> (i32, i32) {
    %c0_i32 = arith.constant 0 : i32
    %c0_i32_0 = arith.constant 0 : i32
    return %arg0, %c0_i32 : i32, i32
  }
  func.func @transform_7(%arg0: i32) -> (i32, i32) {
    %c0_i32 = arith.constant 0 : i32
    %c0_i32_0 = arith.constant 0 : i32
    return %arg0, %c0_i32 : i32, i32
  }
  func.func @transform_8(%arg0: i32) -> (i32, i32) {
    %c0_i32 = arith.constant 0 : i32
    %c0_i32_0 = arith.constant 0 : i32
    return %arg0, %c0_i32 : i32, i32
  }
  func.func @transform_9(%arg0: i32) -> (i32, i32) {
    %c0_i32 = arith.constant 0 : i32
    %c0_i32_0 = arith.constant 0 : i32
    return %arg0, %c0_i32 : i32, i32
  }
}

module attributes {stable_mosaic.version = 14 : i64} {
  func.func @body(%arg0: i32, %arg1: memref<2000x128xf32, #tpu.memory_space<vmem>>, %arg2: memref<2000x128xf32, #tpu.memory_space<vmem>>, %arg3: memref<2000x128xf32, #tpu.memory_space<vmem>>, %arg4: memref<2000x128xf32, #tpu.memory_space<vmem>>, %arg5: memref<2000x16xf32, #tpu.memory_space<vmem>>, %arg6: memref<2000x16xf32, #tpu.memory_space<vmem>>, %arg7: memref<512x512xf32, #tpu.memory_space<vmem>>, %arg8: memref<1x512xf32, #tpu.memory_space<vmem>>, %arg9: memref<2000x256xf32, #tpu.memory_space<vmem>>, %arg10: memref<2000x256xf32, #tpu.memory_space<vmem>>) attributes {dimension_semantics = [#tpu.dimension_semantics<arbitrary>], iteration_bounds = array<i64: 5>, scalar_prefetch = 0 : i64, scratch_operands = 0 : i64, tpu.core_type = #tpu.core_type<tc>, window_params = [{transform_indices = @transform_0, window_bounds = array<i64: 2000, 128>}, {transform_indices = @transform_1, window_bounds = array<i64: 2000, 128>}, {transform_indices = @transform_2, window_bounds = array<i64: 2000, 128>}, {transform_indices = @transform_3, window_bounds = array<i64: 2000, 128>}, {transform_indices = @transform_4, window_bounds = array<i64: 2000, 16>}, {transform_indices = @transform_5, window_bounds = array<i64: 2000, 16>}, {pipeline_mode = #tpu.pipeline_mode<synchronous>, transform_indices = @transform_6, window_bounds = array<i64: 512, 512>}, {pipeline_mode = #tpu.pipeline_mode<synchronous>, transform_indices = @transform_7, window_bounds = array<i64: 1, 512>}, {transform_indices = @transform_8, window_bounds = array<i64: 2000, 256>}, {transform_indices = @transform_9, window_bounds = array<i64: 2000, 256>}]} {
    %get3A = arith.constant 0 : index
    %get3A_0 = arith.constant 0 : index
    %get3A_1 = vector.load %arg5[%get3A, %get3A_0] : memref<2000x16xf32, #tpu.memory_space<vmem>>, vector<2000x16xf32>
    %slice3A = vector.extract_strided_slice %get3A_1 {offsets = [0, 0], sizes = [2000, 1], strides = [1, 1]} : vector<2000x16xf32> to vector<2000x1xf32>
    %get3A_2 = arith.constant 0 : index
    %get3A_3 = arith.constant 0 : index
    %get3A_4 = vector.load %arg6[%get3A_2, %get3A_3] : memref<2000x16xf32, #tpu.memory_space<vmem>>, vector<2000x16xf32>
    %slice3A_5 = vector.extract_strided_slice %get3A_4 {offsets = [0, 0], sizes = [2000, 1], strides = [1, 1]} : vector<2000x16xf32> to vector<2000x1xf32>
    %add3A = arith.addf %slice3A, %slice3A_5 : vector<2000x1xf32>
    %add3A_6 = arith.constant 1.000000e+00 : f32
    %add3A_7 = vector.broadcast %add3A_6 : f32 to vector<2000x1xf32>
    %add3A_8 = arith.addf %add3A, %add3A_7 : vector<2000x1xf32>
    %rsqrt3A = math.rsqrt %add3A_8 : vector<2000x1xf32>
    %get3A_9 = arith.constant 0 : index
    %get3A_10 = arith.constant 0 : index
    %get3A_11 = vector.load %arg1[%get3A_9, %get3A_10] : memref<2000x128xf32, #tpu.memory_space<vmem>>, vector<2000x128xf32>
    %get3A_12 = arith.constant 0 : index
    %get3A_13 = arith.constant 0 : index
    %get3A_14 = vector.load %arg2[%get3A_12, %get3A_13] : memref<2000x128xf32, #tpu.memory_space<vmem>>, vector<2000x128xf32>
    %get3A_15 = arith.constant 0 : index
    %get3A_16 = arith.constant 0 : index
    %get3A_17 = vector.load %arg3[%get3A_15, %get3A_16] : memref<2000x128xf32, #tpu.memory_space<vmem>>, vector<2000x128xf32>
    %get3A_18 = arith.constant 0 : index
    %get3A_19 = arith.constant 0 : index
    %get3A_20 = vector.load %arg4[%get3A_18, %get3A_19] : memref<2000x128xf32, #tpu.memory_space<vmem>>, vector<2000x128xf32>
    %concatenate3A = tpu.concatenate %get3A_11, %get3A_14, %get3A_17, %get3A_20 in 1 : vector<2000x128xf32>, vector<2000x128xf32>, vector<2000x128xf32>, vector<2000x128xf32> -> vector<2000x512xf32>
    %mul3A = vector.broadcast %rsqrt3A : vector<2000x1xf32> to vector<2000x512xf32>
    %mul3A_21 = arith.mulf %concatenate3A, %mul3A : vector<2000x512xf32>
    %get3A_22 = arith.constant 0 : index
    %get3A_23 = arith.constant 0 : index
    %get3A_24 = vector.load %arg7[%get3A_22, %get3A_23] : memref<512x512xf32, #tpu.memory_space<vmem>>, vector<512x512xf32>
    %dot_general3A = arith.constant dense<0.000000e+00> : vector<2000x512xf32>
    %dot_general3A_25 = tpu.matmul %mul3A_21, %get3A_24, %dot_general3A {dimension_numbers = #tpu.dot_dimension_numbers<[1], [0], [0], [1], [0, 0, 1, 1], [], []>, transpose_lhs_hint = false} : vector<2000x512xf32>, vector<512x512xf32>, vector<2000x512xf32> -> vector<2000x512xf32>
    %get3A_26 = arith.constant 0 : index
    %get3A_27 = arith.constant 0 : index
    %get3A_28 = vector.load %arg8[%get3A_26, %get3A_27] : memref<1x512xf32, #tpu.memory_space<vmem>>, vector<1x512xf32>
    %add3A_29 = vector.broadcast %get3A_28 : vector<1x512xf32> to vector<2000x512xf32>
    %add3A_30 = arith.addf %dot_general3A_25, %add3A_29 : vector<2000x512xf32>
    %slice3A_31 = vector.extract_strided_slice %add3A_30 {offsets = [0, 0], sizes = [2000, 256], strides = [1, 1]} : vector<2000x512xf32> to vector<2000x256xf32>
    %swap3A = arith.constant 0 : index
    %swap3A_32 = arith.constant 0 : index
    %swap3A_33 = vector.load %arg9[%swap3A, %swap3A_32] : memref<2000x256xf32, #tpu.memory_space<vmem>>, vector<2000x256xf32>
    tpu.vector_store %arg9[%swap3A, %swap3A_32], %slice3A_31 {strides = array<i32>} : memref<2000x256xf32, #tpu.memory_space<vmem>>, vector<2000x256xf32>,
    %slice3A_34 = vector.extract_strided_slice %add3A_30 {offsets = [0, 256], sizes = [2000, 256], strides = [1, 1]} : vector<2000x512xf32> to vector<2000x256xf32>
    %swap3A_35 = arith.constant 0 : index
    %swap3A_36 = arith.constant 0 : index
    %swap3A_37 = vector.load %arg10[%swap3A_35, %swap3A_36] : memref<2000x256xf32, #tpu.memory_space<vmem>>, vector<2000x256xf32>
    tpu.vector_store %arg10[%swap3A_35, %swap3A_36], %slice3A_34 {strides = array<i32>} : memref<2000x256xf32, #tpu.memory_space<vmem>>, vector<2000x256xf32>,
    return
  }
  func.func @transform_0(%arg0: i32) -> (i32, i32) {
    %c0_i32 = arith.constant 0 : i32
    %c0_i32_0 = arith.constant 0 : i32
    return %arg0, %c0_i32 : i32, i32
  }
  func.func @transform_1(%arg0: i32) -> (i32, i32) {
    %c0_i32 = arith.constant 0 : i32
    %c0_i32_0 = arith.constant 0 : i32
    return %arg0, %c0_i32 : i32, i32
  }
  func.func @transform_2(%arg0: i32) -> (i32, i32) {
    %c0_i32 = arith.constant 0 : i32
    %c0_i32_0 = arith.constant 0 : i32
    return %arg0, %c0_i32 : i32, i32
  }
  func.func @transform_3(%arg0: i32) -> (i32, i32) {
    %c0_i32 = arith.constant 0 : i32
    %c0_i32_0 = arith.constant 0 : i32
    return %arg0, %c0_i32 : i32, i32
  }
  func.func @transform_4(%arg0: i32) -> (i32, i32) {
    %c0_i32 = arith.constant 0 : i32
    %c0_i32_0 = arith.constant 0 : i32
    return %arg0, %c0_i32 : i32, i32
  }
  func.func @transform_5(%arg0: i32) -> (i32, i32) {
    %c0_i32 = arith.constant 0 : i32
    %c0_i32_0 = arith.constant 0 : i32
    return %arg0, %c0_i32 : i32, i32
  }
  func.func @transform_6(%arg0: i32) -> (i32, i32) {
    %c0_i32 = arith.constant 0 : i32
    %c0_i32_0 = arith.constant 0 : i32
    %c0_i32_1 = arith.constant 0 : i32
    return %c0_i32, %c0_i32_0 : i32, i32
  }
  func.func @transform_7(%arg0: i32) -> (i32, i32) {
    %c0_i32 = arith.constant 0 : i32
    %c0_i32_0 = arith.constant 0 : i32
    %c0_i32_1 = arith.constant 0 : i32
    return %c0_i32, %c0_i32_0 : i32, i32
  }
  func.func @transform_8(%arg0: i32) -> (i32, i32) {
    %c0_i32 = arith.constant 0 : i32
    %c0_i32_0 = arith.constant 0 : i32
    return %arg0, %c0_i32 : i32, i32
  }
  func.func @transform_9(%arg0: i32) -> (i32, i32) {
    %c0_i32 = arith.constant 0 : i32
    %c0_i32_0 = arith.constant 0 : i32
    return %arg0, %c0_i32 : i32, i32
  }
}

</mosaic_0001>

<sc_bundles>
// kernel: kernel.11.cloned.1.call-start
scs
__scs_entry_jumppad:
0x0: {  	(pc) =	sbr.rel $0x88, $3  }
0x1: {  	(tag) =	ssettag $0x0;
	lr =	simm.s32 $0x1  }
0x2: {  	[smem:$0x3F99] =	sst lr;
	_ =	strace $0xD0000000  }
0x3: {  	_ = 	snop  }
0x4: {  	_ = 	snop  }
0x5: {  	_ = 	snop  }
0x6: {  	_ = 	snop  }
0x7: {  	_ = 	snop  }
__scs_overlays_trampoline_lowered:
0x8: {  	[smem:$0x3FA8] =	sst s0  }
0x9: {  	[smem:$0x3FA9] =	sst s1  }
0xa: {  	[smem:$0x3FAA] =	sst s2  }
0xb: {  	[smem:$0x3FAB] =	sst s3  }
0xc: {  	[smem:$0x3FAC] =	sst s4  }
0xd: {  	[smem:$0x3FAD] =	sst s5  }
0xe: {  	[smem:$0x3FAE] =	sst s6  }
0xf: {  	[smem:$0x3FAF] =	sst s7  }
0x10: {  	[smem:$0x3FB0] =	sst s8  }
0x11: {  	[smem:$0x3FB1] =	sst s9;
	s0 =	simm.s32 @!p0 $0x0  }
0x12: {  	s1 =	sld [smem:$0x3F97];
	s0 =	simm.s32 @p0 $0x1  }
0x13: {  	[smem:$0x3FB2] =	sst s0;
	s0 =	simm.s32 @!p1 $0x0  }
0x14: {  	s2 =	sld [smem:$0x3F96];
	s0 =	simm.s32 @p1 $0x1  }
0x15: {  	[smem:$0x3FB3] =	sst s0;
	s0 =	simm.s32 @!p2 $0x0  }
0x16: {  	s3 =	sld [smem:$0x3FDB];
	s0 =	simm.s32 @p2 $0x1  }
0x17: {  	s4 =	simm.s32 $0x1BF5;
	[smem:$0x3FB5] =	sst s0  }
0x18: {  	s0 =	sld [smem:$0x3F98];
	_ =	swait.ge [sflag:s4], $0x0  }
0x19: {  	s7 =	sld [smem:$0x3F99]  }
0x1a: {  	s8 =	sadd.s32 $0xFFFFE003, lr  }
0x1b: {  	s9 =	sadd.s32 $0xFFFFFEF7, lr;
	s5 =	simm.s32 $0xFFFFFFFF;
	p2 =	slt.u32 s8, $0xFFFFF086  }
0x1c: {  	p1 =	slt.u32 s9, $0xF7A;
	s5 =	simm.s32 @!p2 $0x0  }
0x1d: {  	s5 =	simm.s32 @p1 $0x1;
	p0 =	seq.s32 s7, s2  }
0x1e: {  	s7 =	smul.u32 @!p0 $0xF7A, s2;
	p2 =	seq.s32 @!p0 s5, $0x0  }
0x1f: {  	s9 =	smul.u32 $0xF7A, s1;
	s8 =	simm.s32 @!p0 $0x1BF5;
	p2 =	por !p2, p0  }
0x20: {  	[sflag:s8] =	ssyncset.s32 @!p0 $0xFFFFF086;
	s6 =	sadd.s32 @!p0 s3, s7;
	s7 =	simm.s32 @!p0 $0x108  }
0x21: {  	s3 =	sadd.s32 s3, s9;
	s6 =	sadd.s32 @!p0 $0x88, s6;
	s7 =	simm.s32 @p2 $0x1082  }
0x22: {  	[simem:s7], [sflag:s8] =	dma.local @!p0 [hbm:s6], $0xF7A  }
0x23: {  	s9 =	sor.u32 $0xD0000000, s2;
	s6 =	simm.s32 $0x108;
	_ =	swait.ge @!p0 [sflag:s8], $0x0  }
0x24: {  	s3 =	sadd.s32 $0x88, s3;
	s6 =	simm.s32 @!p1 $0x1082;
	[sflag:s4] =	ssyncset.s32 $0xFFFFF086  }
0x25: {  	[simem:s6], [sflag:s4] =	dma.local [hbm:s3], $0xF7A  }
0x26: {  	[smem:$0x3F99] =	sst s1;
	(tag) =	ssettag s2;
	_ =	strace s9  }
0x27: {  	s1 =	sld [smem:$0x3FA9]  }
0x28: {  	s2 =	sld [smem:$0x3FAA]  }
0x29: {  	s4 =	sld [smem:$0x3FAC]  }
0x2a: {  	p0 =	seq.s32 s5, $0x0;
	s5 =	sld [smem:$0x3FAD]  }
0x2b: {  	s6 =	sld [smem:$0x3FAE]  }
0x2c: {  	s7 =	sld [smem:$0x3FAF]  }
0x2d: {  	s3 =	simm.s32 $0x108;
	s8 =	sld [smem:$0x3FB0]  }
0x2e: {  	s3 =	simm.s32 @!p0 $0x1082;
	s9 =	sld [smem:$0x3FB1]  }
0x2f: {  	lr =	sadd.s32 s0, s3;
	s0 =	sld [smem:$0x3FA8]  }
0x30: {  	s3 =	sld [smem:$0x3FAB]  }
0x31: {  	[smem:$0x3FB4] =	sst s10  }
0x32: {  	s10 =	sld [smem:$0x3FB2];
	_ =	sdelay $0x3  }
0x33: {  	p0 =	seq.s32 s10, $0x1;
	s10 =	sld [smem:$0x3FB4];
	_ =	sdelay $0x3  }
0x34: {  	[smem:$0x3FB4] =	sst s10  }
0x35: {  	s10 =	sld [smem:$0x3FB3];
	_ =	sdelay $0x3  }
0x36: {  	p1 =	seq.s32 s10, $0x1;
	s10 =	sld [smem:$0x3FB4];
	_ =	sdelay $0x3  }
0x37: {  	[smem:$0x3FB4] =	sst s10  }
0x38: {  	s10 =	sld [smem:$0x3FB5]  }
0x39: {  	_ = 	snop;
	(pc) =	sbr.ind lr, $3  }
0x3a: {  	_ = 	snop  }
0x3b: {  	_ = 	snop  }
0x3c: {  	p2 =	seq.s32 s10, $0x1;
	s10 =	sld [smem:$0x3FB4]  }
0x3d: {  	_ =	shalt  }
0x3e: {  	_ =	shalt  }
0x3f: {  	_ =	shalt  }
0x40: {  	_ =	shalt  }
0x41: {  	_ =	shalt  }
0x42: {  	_ =	shalt  }
0x43: {  	_ =	shalt  }
0x44: {  	_ =	shalt  }
0x45: {  	_ =	shalt  }
0x46: {  	_ =	shalt  }
0x47: {  	_ =	shalt  }
0x48: {  	_ =	shalt  }
0x49: {  	_ =	shalt  }
0x4a: {  	_ =	shalt  }
0x4b: {  	_ =	shalt  }
0x4c: {  	_ =	shalt  }
0x4d: {  	_ =	shalt  }
0x4e: {  	_ =	shalt  }
0x4f: {  	_ =	shalt  }
0x50: {  	_ =	shalt  }
0x51: {  	_ =	shalt  }
0x52: {  	_ =	shalt  }
0x53: {  	_ =	shalt  }
0x54: {  	_ =	shalt  }
0x55: {  	_ =	shalt  }
0x56: {  	_ =	shalt  }
0x57: {  	_ =	shalt  }
0x58: {  	_ =	shalt  }
0x59: {  	_ =	shalt  }
0x5a: {  	_ =	shalt  }
0x5b: {  	_ =	shalt  }
0x5c: {  	_ =	shalt  }
0x5d: {  	_ =	shalt  }
0x5e: {  	_ =	shalt  }
0x5f: {  	_ =	shalt  }
0x60: {  	_ =	shalt  }
0x61: {  	_ =	shalt  }
0x62: {  	_ =	shalt  }
0x63: {  	_ =	shalt  }
0x64: {  	_ =	shalt  }
0x65: {  	_ =	shalt  }
0x66: {  	_ =	shalt  }
0x67: {  	_ =	shalt  }
0x68: {  	_ =	shalt  }
0x69: {  	_ =	shalt  }
0x6a: {  	_ =	shalt  }
0x6b: {  	_ =	shalt  }
0x6c: {  	_ =	shalt  }
0x6d: {  	_ =	shalt  }
0x6e: {  	_ =	shalt  }
0x6f: {  	_ =	shalt  }
0x70: {  	_ =	shalt  }
0x71: {  	_ =	shalt  }
0x72: {  	_ =	shalt  }
0x73: {  	_ =	shalt  }
0x74: {  	_ =	shalt  }
0x75: {  	_ =	shalt  }
0x76: {  	_ =	shalt  }
0x77: {  	_ =	shalt  }
0x78: {  	_ =	shalt  }
0x79: {  	_ =	shalt  }
0x7a: {  	_ =	shalt  }
0x7b: {  	_ =	shalt  }
0x7c: {  	_ =	shalt  }
0x7d: {  	_ =	shalt  }
0x7e: {  	_ =	shalt  }
0x7f: {  	_ =	shalt  }
0x80: {  	_ =	shalt  }
0x81: {  	_ =	shalt  }
0x82: {  	_ =	shalt  }
0x83: {  	_ =	shalt  }
0x84: {  	_ =	shalt  }
0x85: {  	_ =	shalt  }
0x86: {  	_ =	shalt  }
0x87: {  	_ =	shalt  }
.Lfunc_end0:
.L_simem_size_0:
called_computation.1_lowered:
.L_overlay_start_0:
0x88: {  	s2 =	sld [smem:$0x3FD9]  }
0x89: {  	s3 =	sld [smem:$0x3FFE];
	_ =	sdelay $0x1  }
0x8a: {  	s1 =	srdreg.scid  }
0x8b: {  	s0 =	sand.u32 $0x1, s1  }
0x8c: {  	s14 =	sshll.u32 s0, $0xA;
	s2 =	sadd.s32 s3, s2  }
0x8d: {  	s2 =	sadd.s32 s2, s14  }
0x8e: {  	[smem:$0x3FC0] =	sst s2  }
0x8f: {  	_ = 	snop  }
0x90: {  	s2 =	sld [smem:$0x3FD0];
	_ =	sdelay $0x2  }
0x91: {  	s15 =	simm.s32 $0xA;
	s4 =	simm.s32 $0x10  }
0x92: {  	[smem:s4], [sflag:s15] =	dma.local [hbm:s2], $0x1  }
0x93: {  	_ =	swait.eq [sflag:s15], $0x1  }
0x94: {  	[sflag:s15] =	ssyncset.done $0x0  }
0x95: {  	s16 =	sld [smem:$0x10];
	[sflag:s15] =	ssyncadd.s32 $0xFFFFFFFF  }
0x96: {  	s17 =	sld [smem:$0x11];
	(tm) =	ssettm $0x1  }
0x97: {  	s18 =	sld [smem:$0x3FFB];
	_ =	sdelay $0x3  }
0x98: {  	_ =	strace s18  }
0x99: {  	s4 =	sld [smem:$0x3FFC];
	_ =	sdelay $0x3  }
0x9a: {  	_ =	strace s4  }
0x9b: {  	s4 =	sld [smem:$0x3FFD];
	_ =	sdelay $0x3  }
0x9c: {  	_ =	strace s4  }
0x9d: {  	_ =	strace $0x8FFFFFFF  }
0x9e: {  	s19 =	sld [smem:$0x3FDB];
	_ =	sdelay $0x1  }
0x9f: {  	s5 =	simm.s32 $_scs_section_size  }
0xa0: {  	s6 =	simm.s32 $_size__tile_overlayer_lowered;
	s7 =	simm.s32 $_tile_overlayer_lowered  }
0xa1: {  	s22 =	simm.s32 $0x1BFF;
	s21 =	sshll.u32 s7, $0x1;
	s4 =	sadd.s32 s5, s19  }
0xa2: {  	s8 =	simm.s32 $0x0;
	s20 =	sshll.u32 s6, $0x1;
	s6 =	sadd.s32 s21, s4  }
0xa3: {  	[timem:s8], [sflag:s22] =	dma.local [hbm:s6], s20  }
0xa4: {  	_ =	swait.ge [sflag:s22], s20  }
0xa5: {  	s5 =	ssub.s32 $0x0, s20;
	[sflag:s22] =	ssyncset.done $0x0  }
0xa6: {  	[sflag:s22] =	ssyncadd.s32 s5;
	_ =	sdelay $0x1  }
0xa7: {  	s23 =	simm.s32 $0x1B8B  }
0xa8: {  	_ =	swait.ge [sflag:s23], $0x1  }
0xa9: {  	[sflag:s23] =	ssyncset.done $0x0  }
0xaa: {  	s25 =	simm.s32 $0x1B8E;
	s24 =	sld [smem:$0x3FFE];
	[sflag:s23] =	ssyncadd.s32 $0xFFFFFFFF  }
0xab: {  	s26 =	simm.s32 $execute0_lowered;
	[smem:$0x3FD2] =	sst s25  }
0xac: {  	s6 =	sshll.u32 s26, $0x1;
	_ =	strace $0x80000049;
	[dreg:$0x1] =	wrdreg $0xFFFFFFFF  }
0xad: {  	s28 =	simm.s32 $_size_execute0_lowered;
	s4 =	sadd.s32 s4, s6;
	[dreg:$0x0] =	wrdreg $0x0  }
0xae: {  	s6 =	sshll.u32 s28, $0x1;
	[dreg:$0x2] =	wrdreg s4  }
0xaf: {  	[dreg:$0x3] =	wrdreg s6  }
0xb0: {  	[dreg:$0x4] =	wrdreg $0xC0  }
0xb1: {  	_ =	task [dreg:s8], $0x5FFFF  }
0xb2: {  	[dreg:$0x1] =	wrdreg $0xFFFFFFFF  }
0xb3: {  	[dreg:$0x0] =	wrdreg $0x60  }
0xb4: {  	[dreg:$0x2] =	wrdreg s17  }
0xb5: {  	[dreg:$0x3] =	wrdreg s16  }
0xb6: {  	[dreg:$0x4] =	wrdreg s24  }
0xb7: {  	[dreg:$0x5] =	wrdreg $0xA8000  }
0xb8: {  	[dreg:$0x6] =	wrdreg $0x9  }
0xb9: {  	_ =	task.clear_ibuf [dreg:s8], $0x7FFFF;
	_ =	strace $0x90000049  }
0xba: {  	s29 =	simm.s32 $0x9;
	_ =	strace $0x8000004B  }
0xbb: {  	_ =	swait.ge [sflag:s29], $0x1  }
0xbc: {  	[sflag:s29] =	ssyncadd.s32 $0xFFFFFFFF  }
0xbd: {  	_ =	strace $0x9000004B  }
0xbe: {  	_ =	sfence  }
0xbf: {  	s30 =	sld [smem:$0x0];
	_ =	sdelay $0x2  }
0xc0: {  	s31 =	sshll.u32 s1, $0xD;
	s1 =	sshrl.u32 s1, $0x2  }
0xc1: {  	s3 =	sand.u32 $0x4000, s31;
	s1 =	sadd.s32 s1, s30  }
0xc2: {  	s0 =	sor.u32 s3, s0;
	s1 =	sshll.u32 s1, $0x11  }
0xc3: {  	s0 =	sor.u32 s1, s0  }
0xc4: {  	s0 =	sadd.s32 $0x8F2B, s0  }
0xc5: {  	[sflag:s0] =	ssyncadd.remote.s32 $0x1  }
0xc6: {  	_ =	sfence.sel $0xFFFF  }
0xc7: {  	[dreg:$0x0] =	wrdreg $0xFFFFFFFF;
	(pc) =	sbr.abs _section_cstart, $3  }
0xc8: {  	[dreg:$0x1] =	wrdreg $0xFFFFFFFF  }
0xc9: {  	_ =	task.clear_ibuf [dreg:s8], $0x2FFFF;
	_ =	strace $0x9FFFFFFF  }
0xca: {  	(tm) =	ssettm $0x7FFFFFFF  }
0xcb: {  	_ =	shalt  }
tec
execute0_lowered:
.L_overlay_start_1:
0x0: {  	(tag) =	ssettag $0x1  }
0x1: {  	s1 =	rddreg [dreg:$0x0]  }
0x2: {  	s2 =	rddreg [dreg:$0x1]  }
0x3: {  	s0 =	rddreg [dreg:$0x2]  }
0x4: {  	s4 =	rddreg [dreg:$0x3]  }
0x5: {  	s5 =	simm.s32 $0x0;
	s3 =	stileid.u32;
	s6 =	srdreg.scid  }
0x6: {  	s21 =	simm.s32 $0x3;
	s22 =	simm.s32 $0x2800;
	s23 =	simm.s32 $0x80  }
0x7: {  	s24 =	simm.s32 $0x6800;
	s25 =	simm.s32 $0x1;
	s7 =	smul.u32 $0x2780, s3  }
0x8: {  	s26 =	simm.s32 $0x2;
	[smem:$0x7FF] =	sst s5;
	s8 =	smul.u32 $0x4F000, s3  }
0x9: {  	s12 =	sadd.s32 $0x8800, s0;
	s6 =	sand.u32 $0x1, s6;
	s11 =	smul.u32 $0x2800, s3  }
0xa: {  	s13 =	sadd.s32 $0x3800, s0;
	s14 =	smul.u32 $0x500, s3;
	s31 =	sadd.s32 $0x25080, s1  }
0xb: {  	s17 =	sadd.s32 $0x25080, s2;
	s19 =	sadd.s32 $0xA7E80, s0;
	p1 =	seq.s32 s3, $0xF  }
0xc: {  	_ =	strace $0x8000004A;
	s9 =	ssub.s32 $0x2, s6;
	p0 =	seq.s32 s6, $0x1  }
0xd: {  	[dreg:$0x6] =	wrdreg s31;
	s18 =	sadd.s32 s7, s0;
	s10 =	sshrl.u32 s9, $0x1  }
0xe: {  	s8 =	sshrl.u32 s8, $0x2;
	s29 =	sadd.s32 s1, s7;
	s30 =	sshrl.u32 s11, $0x3  }
.Ltmp0:
0xf: {  	s11 =	sadd.s32 s13, s14;
	s16 =	sadd.s32 s2, s7;
	(pc) =	sbr.rel .LBB2_1-.Ltmp0, $4  }
0x10: {  	s20 =	ssub.s32 s9, s10;
	s6 =	sadd.s32 s8, s4;
	[dreg:$0x5] =	wrdreg s29  }
0x11: {  	s8 =	sadd.s32 $0x128400, s4;
	s15 =	sadd.s32 $0x280, s30;
	s10 =	sadd.s32 s12, s14  }
0x12: {  	s14 =	sadd.s32 $0x5BC00, s18;
	s18 =	sadd.s32 $0x82E00, s18;
	s12 =	sadd.s32 s12, s15  }
0x13: {  	s13 =	sadd.s32 s13, s15;
	s15 =	sadd.s32 $0x80C80, s0;
	s20 =	smax.u32 s20, $0x1  }
.LBB2_11:
0x14: {  	[sflag:s21] =	ssyncadd.s32 $0xFFFFC000  }
0x15: {  	_ =	swait.ge [sflag:s25], $0x4000  }
0x16: {  	[sflag:s25] =	ssyncset.done $0x0  }
0x17: {  	[sflag:s25] =	ssyncadd.s32 $0xFFFFC000  }
0x18: {  	s0 =	simm.s32 @p1 $0x1FC3;
	[bflag:$0x0] =	sbarrier.arrive $0xFFFF  }
0x19: {  	[hbm:s19], [sflag:s0] =	dma.local @p1 [spmem:s30], $0x2080  }
0x1a: {  	s0 =	simm.s32 @p1 $0x3  }
0x1b: {  	_ =	swait.ge @p1 [sflag:s0], $0x2080  }
0x1c: {  	[sflag:s0] =	ssyncset.done @p1 $0x0  }
0x1d: {  	[sflag:s0] =	ssyncadd.s32 @p1 $0xFFFFDF80;
	s0 =	simm.s32 @!p1 $0x3  }
0x1e: {  	[hbm:s18], [sflag:s29] =	dma.local @!p1 [spmem:s28], $0x2780  }
0x1f: {  	_ =	swait.ge @!p1 [sflag:s0], $0x2780  }
0x20: {  	[sflag:s0] =	ssyncset.done @!p1 $0x0  }
0x21: {  	[sflag:s0] =	ssyncadd.s32 @!p1 $0xFFFFD880  }
.LBB2_12:
0x22: {  	s5 =	sadd.s32 $0x1, s5  }
0x23: {  	p2 =	sne.s32 s5, s20  }
.Ltmp1:
0x24: {  	_ = 	snop;
	(pc) =	sbr.rel @!p2 .LBB2_13-.Ltmp1, $2  }
0x25: {  	_ =	sdelay $0x1  }
0x26: {  	[bflag:$0x0] =	sbarrier.arrive $0xFFFF;
	_ =	sdelay $0x1  }
.LBB2_1:
.Ltmp2:
0x27: {  	(pc) =	sbr.rel @!p0 .LBB2_2-.Ltmp2, $3  }
0x28: {  	_ =	sdelay $0x1  }
0x29: {  	s0 =	sshll.u32 @!p1 s3, $0x6  }
0x2a: {  	s30 =	sshrl.u32 @p1 s8, $0x3;
	s28 =	sshrl.u32 @!p1 s6, $0x3;
	s29 =	sor.u32 @!p1 $0x1C03, s0  }
0x2b: {  	s0 =	simm.s32 @p1 $0x1FC3  }
0x2c: {  	[spmem:s30], [sflag:s0] =	dma.local @p1 [hbm:s17], $0x2080  }
0x2d: {  	s0 =	simm.s32 @p1 $0x3  }
0x2e: {  	_ =	swait.ge @p1 [sflag:s0], $0x2080  }
0x2f: {  	[sflag:s0] =	ssyncset.done @p1 $0x0  }
0x30: {  	[sflag:s0] =	ssyncadd.s32 @p1 $0xFFFFDF80;
	s0 =	simm.s32 @!p1 $0x3  }
0x31: {  	[spmem:s28], [sflag:s29] =	dma.local @!p1 [hbm:s16], $0x2780  }
0x32: {  	_ =	swait.ge @!p1 [sflag:s0], $0x2780  }
0x33: {  	[sflag:s0] =	ssyncset.done @!p1 $0x0  }
0x34: {  	[sflag:s0] =	ssyncadd.s32 @!p1 $0xFFFFD880  }
0x35: {  	s7 =	simm.s32 $0x0;
	[bflag:$0x0] =	sbarrier.arrive $0xFFFF  }
0x36: {  	[tilespmem:s7], [sflag:$0x3] =	stream.linear.gather [hbm4b:s10+s7], $0x1400, $0x38;
	[tilespmem:$0x1E400] =	vst v63  }
0x37: {  	_ =	swait.ge [sflag:s21], $0x1400  }
0x38: {  	[sflag:s21] =	ssyncset.done $0x0  }
0x39: {  	s31 =	simm.s32 $0x1400;
	[sflag:s21] =	ssyncadd.s32 $0xFFFFEC00  }
0x3a: {  	[tilespmem:s31], [sflag:$0x3] =	stream.linear.gather [hbm4b:s11+s7], $0x1400, $0x38;
	[tilespmem:$0x1E400] =	vst v63  }
0x3b: {  	_ =	swait.ge [sflag:s21], $0x1400  }
0x3c: {  	[sflag:s21] =	ssyncset.done $0x0  }
0x3d: {  	s0 =	simm.s32 $0x80;
	[sflag:s21] =	ssyncadd.s32 $0xFFFFEC00  }
0x3e: {  	[tilespmem:s22], [sflag:$0x1] =	stream.indirect.gather [hbm4b:s2+s0], $0x80, s7, s0, $0xb8;
	[tilespmem:$0x1E400] =	vst v63  }
0x3f: {  	_ = 	snop  }
0x40: {  	[tilespmem:s24], [sflag:$0x2] =	stream.indirect.gather [hbm4b:s2+s23], $0x80, s0, s23, $0xb8;
	[tilespmem:$0x1E400] =	vst v63  }
0x41: {  	_ =	swait.ge [sflag:s25], $0x4000  }
0x42: {  	[sflag:s25] =	ssyncset.done $0x0  }
0x43: {  	[sflag:s25] =	ssyncadd.s32 $0xFFFFC000  }
0x44: {  	[spmem:s4] =	stream.indirect.scatter.add.f32 [tilespmem:s22], [sflag:$0x3], $0x80, s31, s23, $0xb8;
	[tilespmem:$0x1E400] =	vst v63  }
0x45: {  	s7 =	smin.u32 s7, $0x24;
	_ =	swait.ge [sflag:s21], $0x4000  }
0x46: {  	s7 =	sshll.u32 s7, $0x7;
	[sflag:s21] =	ssyncset.done $0x0  }
0x47: {  	s7 =	sadd.s32 $0x100, s7;
	[sflag:s21] =	ssyncadd.s32 $0xFFFFC000  }
0x48: {  	[tilespmem:s22], [sflag:$0x1] =	stream.indirect.gather [hbm4b:s2+s23], $0x80, s7, s23, $0xb8;
	[tilespmem:$0x1E400] =	vst v63  }
0x49: {  	_ =	swait.ge [sflag:s26], $0x4000  }
0x4a: {  	[sflag:s26] =	ssyncset.done $0x0  }
0x4b: {  	s9 =	simm.s32 $0x1480;
	[sflag:s26] =	ssyncadd.s32 $0xFFFFC000  }
0x4c: {  	[spmem:s4] =	stream.indirect.scatter.add.f32 [tilespmem:s24], [sflag:$0x3], $0x80, s9, s23, $0xb8;
	[tilespmem:$0x1E400] =	vst v63  }
0x4d: {  	_ =	swait.ge [sflag:s21], $0x4000  }
0x4e: {  	s7 =	simm.s32 $0x2;
	[sflag:s21] =	ssyncset.done $0x0  }
.LBB2_8:
0x4f: {  	[sflag:s21] =	ssyncadd.s32 $0xFFFFC000  }
0x50: {  	s31 =	sadd.s32 $0x100, s31;
	s0 =	sadd.s32 $0x100, s0;
	s9 =	smov.u32 s7  }
0x51: {  	[tilespmem:s24], [sflag:$0x2] =	stream.indirect.gather [hbm4b:s2+s23], $0x80, s0, s23, $0xb8;
	[tilespmem:$0x1E400] =	vst v63  }
0x52: {  	p2 =	sne.s32 s7, $0x26;
	s7 =	sadd.s32 $0x2, s7;
	_ =	swait.ge [sflag:s25], $0x4000  }
0x53: {  	[sflag:s25] =	ssyncset.done $0x0  }
0x54: {  	[sflag:s25] =	ssyncadd.s32 $0xFFFFC000  }
0x55: {  	[spmem:s4] =	stream.indirect.scatter.add.f32 [tilespmem:s22], [sflag:$0x3], $0x80, s31, s23, $0xb8;
	[tilespmem:$0x1E400] =	vst v63  }
0x56: {  	s9 =	smin.u32 s9, $0x24;
	_ =	swait.ge [sflag:s21], $0x4000  }
0x57: {  	s9 =	sshll.u32 s9, $0x7;
	[sflag:s21] =	ssyncset.done $0x0  }
0x58: {  	s9 =	sadd.s32 $0x100, s9;
	[sflag:s21] =	ssyncadd.s32 $0xFFFFC000  }
0x59: {  	[tilespmem:s22], [sflag:$0x1] =	stream.indirect.gather [hbm4b:s2+s23], $0x80, s9, s23, $0xb8;
	[tilespmem:$0x1E400] =	vst v63  }
0x5a: {  	_ =	swait.ge [sflag:s26], $0x4000  }
.Ltmp3:
0x5b: {  	[sflag:s26] =	ssyncset.done $0x0;
	(pc) =	sbr.rel @p2 .LBB2_8-.Ltmp3, $4  }
0x5c: {  	s9 =	sadd.s32 $0x80, s31;
	[sflag:s26] =	ssyncadd.s32 $0xFFFFC000  }
0x5d: {  	[spmem:s4] =	stream.indirect.scatter.add.f32 [tilespmem:s24], [sflag:$0x3], $0x80, s9, s23, $0xb8;
	[tilespmem:$0x1E400] =	vst v63  }
0x5e: {  	_ =	swait.ge [sflag:s21], $0x4000  }
0x5f: {  	[sflag:s21] =	ssyncset.done $0x0  }
0x60: {  	[sflag:s21] =	ssyncadd.s32 $0xFFFFC000  }
0x61: {  	_ =	swait.ge [sflag:s25], $0x4000  }
0x62: {  	[sflag:s25] =	ssyncset.done $0x0  }
0x63: {  	s7 =	simm.s32 $0x0;
	[sflag:s25] =	ssyncadd.s32 $0xFFFFC000  }
0x64: {  	[tilespmem:s7], [sflag:$0x3] =	stream.linear.gather [hbm4b:s12+s7], $0x1400, $0x38;
	[tilespmem:$0x1E400] =	vst v63  }
0x65: {  	_ =	swait.ge [sflag:s21], $0x1400  }
0x66: {  	[sflag:s21] =	ssyncset.done $0x0  }
0x67: {  	s31 =	simm.s32 $0x1400;
	[sflag:s21] =	ssyncadd.s32 $0xFFFFEC00  }
0x68: {  	[tilespmem:s31], [sflag:$0x3] =	stream.linear.gather [hbm4b:s13+s7], $0x1400, $0x38;
	[tilespmem:$0x1E400] =	vst v63  }
0x69: {  	_ =	swait.ge [sflag:s21], $0x1400  }
0x6a: {  	[sflag:s21] =	ssyncset.done $0x0  }
0x6b: {  	s0 =	simm.s32 $0x80;
	[sflag:s21] =	ssyncadd.s32 $0xFFFFEC00  }
0x6c: {  	[tilespmem:s22], [sflag:$0x1] =	stream.indirect.gather [hbm4b:s2+s0], $0x80, s7, s0, $0xb8;
	[tilespmem:$0x1E400] =	vst v63  }
0x6d: {  	_ = 	snop  }
0x6e: {  	[tilespmem:s24], [sflag:$0x2] =	stream.indirect.gather [hbm4b:s2+s23], $0x80, s0, s23, $0xb8;
	[tilespmem:$0x1E400] =	vst v63  }
0x6f: {  	_ =	swait.ge [sflag:s25], $0x4000  }
0x70: {  	[sflag:s25] =	ssyncset.done $0x0  }
0x71: {  	[sflag:s25] =	ssyncadd.s32 $0xFFFFC000  }
0x72: {  	[spmem:s4] =	stream.indirect.scatter.add.f32 [tilespmem:s22], [sflag:$0x3], $0x80, s31, s23, $0xb8;
	[tilespmem:$0x1E400] =	vst v63  }
0x73: {  	s7 =	smin.u32 s7, $0x24;
	_ =	swait.ge [sflag:s21], $0x4000  }
0x74: {  	s7 =	sshll.u32 s7, $0x7;
	[sflag:s21] =	ssyncset.done $0x0  }
0x75: {  	s7 =	sadd.s32 $0x100, s7;
	[sflag:s21] =	ssyncadd.s32 $0xFFFFC000  }
0x76: {  	[tilespmem:s22], [sflag:$0x1] =	stream.indirect.gather [hbm4b:s2+s23], $0x80, s7, s23, $0xb8;
	[tilespmem:$0x1E400] =	vst v63  }
0x77: {  	_ =	swait.ge [sflag:s26], $0x4000  }
0x78: {  	[sflag:s26] =	ssyncset.done $0x0  }
0x79: {  	s9 =	simm.s32 $0x1480;
	[sflag:s26] =	ssyncadd.s32 $0xFFFFC000  }
0x7a: {  	[spmem:s4] =	stream.indirect.scatter.add.f32 [tilespmem:s24], [sflag:$0x3], $0x80, s9, s23, $0xb8;
	[tilespmem:$0x1E400] =	vst v63  }
0x7b: {  	_ =	swait.ge [sflag:s21], $0x4000  }
0x7c: {  	s7 =	simm.s32 $0x2;
	[sflag:s21] =	ssyncset.done $0x0  }
.LBB2_10:
0x7d: {  	[sflag:s21] =	ssyncadd.s32 $0xFFFFC000  }
0x7e: {  	s31 =	sadd.s32 $0x100, s31;
	s0 =	sadd.s32 $0x100, s0;
	s9 =	smov.u32 s7  }
0x7f: {  	[tilespmem:s24], [sflag:$0x2] =	stream.indirect.gather [hbm4b:s2+s23], $0x80, s0, s23, $0xb8;
	[tilespmem:$0x1E400] =	vst v63  }
0x80: {  	p2 =	sne.s32 s7, $0x26;
	s7 =	sadd.s32 $0x2, s7;
	_ =	swait.ge [sflag:s25], $0x4000  }
0x81: {  	[sflag:s25] =	ssyncset.done $0x0  }
0x82: {  	[sflag:s25] =	ssyncadd.s32 $0xFFFFC000  }
0x83: {  	[spmem:s4] =	stream.indirect.scatter.add.f32 [tilespmem:s22], [sflag:$0x3], $0x80, s31, s23, $0xb8;
	[tilespmem:$0x1E400] =	vst v63  }
0x84: {  	s9 =	smin.u32 s9, $0x24;
	_ =	swait.ge [sflag:s21], $0x4000  }
0x85: {  	s9 =	sshll.u32 s9, $0x7;
	[sflag:s21] =	ssyncset.done $0x0  }
0x86: {  	s9 =	sadd.s32 $0x100, s9;
	[sflag:s21] =	ssyncadd.s32 $0xFFFFC000  }
0x87: {  	[tilespmem:s22], [sflag:$0x1] =	stream.indirect.gather [hbm4b:s2+s23], $0x80, s9, s23, $0xb8;
	[tilespmem:$0x1E400] =	vst v63  }
0x88: {  	_ =	swait.ge [sflag:s26], $0x4000  }
.Ltmp4:
0x89: {  	[sflag:s26] =	ssyncset.done $0x0;
	(pc) =	sbr.rel @p2 .LBB2_10-.Ltmp4, $4  }
0x8a: {  	s9 =	sadd.s32 $0x80, s31;
	[sflag:s26] =	ssyncadd.s32 $0xFFFFC000  }
0x8b: {  	[spmem:s4] =	stream.indirect.scatter.add.f32 [tilespmem:s24], [sflag:$0x3], $0x80, s9, s23, $0xb8;
	[tilespmem:$0x1E400] =	vst v63  }
0x8c: {  	_ =	swait.ge [sflag:s21], $0x4000  }
0x8d: {  	[sflag:s21] =	ssyncset.done $0x0  }
.Ltmp5:
0x8e: {  	_ = 	snop;
	(pc) =	sbr.rel .LBB2_11-.Ltmp5, $1  }
0x8f: {  	_ =	sdelay $0x3  }
.LBB2_2:
0x90: {  	s0 =	simm.s32 @p1 $0x1FC3;
	s7 =	rddreg [dreg:$0x6]  }
0x91: {  	[spmem:s30], [sflag:s0] =	dma.local @p1 [hbm:s7], $0x2080  }
0x92: {  	s0 =	simm.s32 @p1 $0x3  }
0x93: {  	_ =	swait.ge @p1 [sflag:s0], $0x2080  }
0x94: {  	[sflag:s0] =	ssyncset.done @p1 $0x0  }
0x95: {  	[sflag:s0] =	ssyncadd.s32 @p1 $0xFFFFDF80;
	s0 =	rddreg [dreg:$0x5]  }
0x96: {  	[spmem:s28], [sflag:s29] =	dma.local @!p1 [hbm:s0], $0x2780  }
0x97: {  	s0 =	simm.s32 @!p1 $0x3  }
0x98: {  	_ =	swait.ge @!p1 [sflag:s0], $0x2780  }
0x99: {  	[sflag:s0] =	ssyncset.done @!p1 $0x0  }
0x9a: {  	[sflag:s0] =	ssyncadd.s32 @!p1 $0xFFFFD880  }
0x9b: {  	s9 =	simm.s32 $0x0;
	[bflag:$0x0] =	sbarrier.arrive $0xFFFF  }
0x9c: {  	[tilespmem:s9], [sflag:$0x3] =	stream.linear.gather [hbm4b:s10+s9], $0x1400, $0x38;
	[tilespmem:$0x1E400] =	vst v63  }
0x9d: {  	_ =	swait.ge [sflag:s21], $0x1400  }
0x9e: {  	[sflag:s21] =	ssyncset.done $0x0  }
0x9f: {  	s31 =	simm.s32 $0x1400;
	[sflag:s21] =	ssyncadd.s32 $0xFFFFEC00  }
0xa0: {  	[tilespmem:s31], [sflag:$0x3] =	stream.linear.gather [hbm4b:s11+s9], $0x1400, $0x38;
	[tilespmem:$0x1E400] =	vst v63  }
0xa1: {  	_ =	swait.ge [sflag:s21], $0x1400  }
0xa2: {  	[sflag:s21] =	ssyncset.done $0x0  }
0xa3: {  	s0 =	simm.s32 $0x80;
	[sflag:s21] =	ssyncadd.s32 $0xFFFFEC00  }
0xa4: {  	[tilespmem:s22], [sflag:$0x1] =	stream.indirect.gather [hbm4b:s1+s0], $0x80, s9, s0, $0xb8;
	[tilespmem:$0x1E400] =	vst v63  }
0xa5: {  	_ = 	snop  }
0xa6: {  	[tilespmem:s24], [sflag:$0x2] =	stream.indirect.gather [hbm4b:s1+s23], $0x80, s0, s23, $0xb8;
	[tilespmem:$0x1E400] =	vst v63  }
0xa7: {  	_ =	swait.ge [sflag:s25], $0x4000  }
0xa8: {  	[sflag:s25] =	ssyncset.done $0x0  }
0xa9: {  	[sflag:s25] =	ssyncadd.s32 $0xFFFFC000  }
0xaa: {  	[spmem:s4] =	stream.indirect.scatter.add.f32 [tilespmem:s22], [sflag:$0x3], $0x80, s31, s23, $0xb8;
	[tilespmem:$0x1E400] =	vst v63  }
0xab: {  	s7 =	smin.u32 s9, $0x24;
	_ =	swait.ge [sflag:s21], $0x4000  }
0xac: {  	s7 =	sshll.u32 s7, $0x7;
	[sflag:s21] =	ssyncset.done $0x0  }
0xad: {  	s7 =	sadd.s32 $0x100, s7;
	[sflag:s21] =	ssyncadd.s32 $0xFFFFC000  }
0xae: {  	[tilespmem:s22], [sflag:$0x1] =	stream.indirect.gather [hbm4b:s1+s23], $0x80, s7, s23, $0xb8;
	[tilespmem:$0x1E400] =	vst v63  }
0xaf: {  	_ =	swait.ge [sflag:s26], $0x4000  }
0xb0: {  	[sflag:s26] =	ssyncset.done $0x0  }
0xb1: {  	s9 =	simm.s32 $0x1480;
	[sflag:s26] =	ssyncadd.s32 $0xFFFFC000  }
0xb2: {  	[spmem:s4] =	stream.indirect.scatter.add.f32 [tilespmem:s24], [sflag:$0x3], $0x80, s9, s23, $0xb8;
	[tilespmem:$0x1E400] =	vst v63  }
0xb3: {  	_ =	swait.ge [sflag:s21], $0x4000  }
0xb4: {  	s7 =	simm.s32 $0x2;
	[sflag:s21] =	ssyncset.done $0x0  }
.LBB2_3:
0xb5: {  	[sflag:s21] =	ssyncadd.s32 $0xFFFFC000  }
0xb6: {  	s31 =	sadd.s32 $0x100, s31;
	s0 =	sadd.s32 $0x100, s0;
	s9 =	smov.u32 s7  }
0xb7: {  	[tilespmem:s24], [sflag:$0x2] =	stream.indirect.gather [hbm4b:s1+s23], $0x80, s0, s23, $0xb8;
	[tilespmem:$0x1E400] =	vst v63  }
0xb8: {  	p2 =	sne.s32 s7, $0x26;
	s7 =	sadd.s32 $0x2, s7;
	_ =	swait.ge [sflag:s25], $0x4000  }
0xb9: {  	[sflag:s25] =	ssyncset.done $0x0  }
0xba: {  	[sflag:s25] =	ssyncadd.s32 $0xFFFFC000  }
0xbb: {  	[spmem:s4] =	stream.indirect.scatter.add.f32 [tilespmem:s22], [sflag:$0x3], $0x80, s31, s23, $0xb8;
	[tilespmem:$0x1E400] =	vst v63  }
0xbc: {  	s9 =	smin.u32 s9, $0x24;
	_ =	swait.ge [sflag:s21], $0x4000  }
0xbd: {  	s9 =	sshll.u32 s9, $0x7;
	[sflag:s21] =	ssyncset.done $0x0  }
0xbe: {  	s9 =	sadd.s32 $0x100, s9;
	[sflag:s21] =	ssyncadd.s32 $0xFFFFC000  }
0xbf: {  	[tilespmem:s22], [sflag:$0x1] =	stream.indirect.gather [hbm4b:s1+s23], $0x80, s9, s23, $0xb8;
	[tilespmem:$0x1E400] =	vst v63  }
0xc0: {  	_ =	swait.ge [sflag:s26], $0x4000  }
.Ltmp6:
0xc1: {  	[sflag:s26] =	ssyncset.done $0x0;
	(pc) =	sbr.rel @p2 .LBB2_3-.Ltmp6, $4  }
0xc2: {  	s9 =	sadd.s32 $0x80, s31;
	[sflag:s26] =	ssyncadd.s32 $0xFFFFC000  }
0xc3: {  	[spmem:s4] =	stream.indirect.scatter.add.f32 [tilespmem:s24], [sflag:$0x3], $0x80, s9, s23, $0xb8;
	[tilespmem:$0x1E400] =	vst v63  }
0xc4: {  	_ =	swait.ge [sflag:s21], $0x4000  }
0xc5: {  	[sflag:s21] =	ssyncset.done $0x0  }
0xc6: {  	[sflag:s21] =	ssyncadd.s32 $0xFFFFC000  }
0xc7: {  	_ =	swait.ge [sflag:s25], $0x4000  }
0xc8: {  	[sflag:s25] =	ssyncset.done $0x0  }
0xc9: {  	s7 =	simm.s32 $0x0;
	[sflag:s25] =	ssyncadd.s32 $0xFFFFC000  }
0xca: {  	[tilespmem:s7], [sflag:$0x3] =	stream.linear.gather [hbm4b:s12+s7], $0x1400, $0x38;
	[tilespmem:$0x1E400] =	vst v63  }
0xcb: {  	_ =	swait.ge [sflag:s21], $0x1400  }
0xcc: {  	[sflag:s21] =	ssyncset.done $0x0  }
0xcd: {  	s31 =	simm.s32 $0x1400;
	[sflag:s21] =	ssyncadd.s32 $0xFFFFEC00  }
0xce: {  	[tilespmem:s31], [sflag:$0x3] =	stream.linear.gather [hbm4b:s13+s7], $0x1400, $0x38;
	[tilespmem:$0x1E400] =	vst v63  }
0xcf: {  	_ =	swait.ge [sflag:s21], $0x1400  }
0xd0: {  	[sflag:s21] =	ssyncset.done $0x0  }
0xd1: {  	s0 =	simm.s32 $0x80;
	[sflag:s21] =	ssyncadd.s32 $0xFFFFEC00  }
0xd2: {  	[tilespmem:s22], [sflag:$0x1] =	stream.indirect.gather [hbm4b:s1+s0], $0x80, s7, s0, $0xb8;
	[tilespmem:$0x1E400] =	vst v63  }
0xd3: {  	_ = 	snop  }
0xd4: {  	[tilespmem:s24], [sflag:$0x2] =	stream.indirect.gather [hbm4b:s1+s23], $0x80, s0, s23, $0xb8;
	[tilespmem:$0x1E400] =	vst v63  }
0xd5: {  	_ =	swait.ge [sflag:s25], $0x4000  }
0xd6: {  	[sflag:s25] =	ssyncset.done $0x0  }
0xd7: {  	[sflag:s25] =	ssyncadd.s32 $0xFFFFC000  }
0xd8: {  	[spmem:s4] =	stream.indirect.scatter.add.f32 [tilespmem:s22], [sflag:$0x3], $0x80, s31, s23, $0xb8;
	[tilespmem:$0x1E400] =	vst v63  }
0xd9: {  	s7 =	smin.u32 s7, $0x24;
	_ =	swait.ge [sflag:s21], $0x4000  }
0xda: {  	s7 =	sshll.u32 s7, $0x7;
	[sflag:s21] =	ssyncset.done $0x0  }
0xdb: {  	s7 =	sadd.s32 $0x100, s7;
	[sflag:s21] =	ssyncadd.s32 $0xFFFFC000  }
0xdc: {  	[tilespmem:s22], [sflag:$0x1] =	stream.indirect.gather [hbm4b:s1+s23], $0x80, s7, s23, $0xb8;
	[tilespmem:$0x1E400] =	vst v63  }
0xdd: {  	_ =	swait.ge [sflag:s26], $0x4000  }
0xde: {  	[sflag:s26] =	ssyncset.done $0x0  }
0xdf: {  	s9 =	simm.s32 $0x1480;
	[sflag:s26] =	ssyncadd.s32 $0xFFFFC000  }
0xe0: {  	[spmem:s4] =	stream.indirect.scatter.add.f32 [tilespmem:s24], [sflag:$0x3], $0x80, s9, s23, $0xb8;
	[tilespmem:$0x1E400] =	vst v63  }
0xe1: {  	_ =	swait.ge [sflag:s21], $0x4000  }
0xe2: {  	s7 =	simm.s32 $0x2;
	[sflag:s21] =	ssyncset.done $0x0  }
.LBB2_5:
0xe3: {  	[sflag:s21] =	ssyncadd.s32 $0xFFFFC000  }
0xe4: {  	s31 =	sadd.s32 $0x100, s31;
	s0 =	sadd.s32 $0x100, s0;
	s9 =	smov.u32 s7  }
0xe5: {  	[tilespmem:s24], [sflag:$0x2] =	stream.indirect.gather [hbm4b:s1+s23], $0x80, s0, s23, $0xb8;
	[tilespmem:$0x1E400] =	vst v63  }
0xe6: {  	p2 =	sne.s32 s7, $0x26;
	s7 =	sadd.s32 $0x2, s7;
	_ =	swait.ge [sflag:s25], $0x4000  }
0xe7: {  	[sflag:s25] =	ssyncset.done $0x0  }
0xe8: {  	[sflag:s25] =	ssyncadd.s32 $0xFFFFC000  }
0xe9: {  	[spmem:s4] =	stream.indirect.scatter.add.f32 [tilespmem:s22], [sflag:$0x3], $0x80, s31, s23, $0xb8;
	[tilespmem:$0x1E400] =	vst v63  }
0xea: {  	s9 =	smin.u32 s9, $0x24;
	_ =	swait.ge [sflag:s21], $0x4000  }
0xeb: {  	s9 =	sshll.u32 s9, $0x7;
	[sflag:s21] =	ssyncset.done $0x0  }
0xec: {  	s9 =	sadd.s32 $0x100, s9;
	[sflag:s21] =	ssyncadd.s32 $0xFFFFC000  }
0xed: {  	[tilespmem:s22], [sflag:$0x1] =	stream.indirect.gather [hbm4b:s1+s23], $0x80, s9, s23, $0xb8;
	[tilespmem:$0x1E400] =	vst v63  }
0xee: {  	_ =	swait.ge [sflag:s26], $0x4000  }
.Ltmp7:
0xef: {  	[sflag:s26] =	ssyncset.done $0x0;
	(pc) =	sbr.rel @p2 .LBB2_5-.Ltmp7, $4  }
0xf0: {  	s9 =	sadd.s32 $0x80, s31;
	[sflag:s26] =	ssyncadd.s32 $0xFFFFC000  }
0xf1: {  	[spmem:s4] =	stream.indirect.scatter.add.f32 [tilespmem:s24], [sflag:$0x3], $0x80, s9, s23, $0xb8;
	[tilespmem:$0x1E400] =	vst v63  }
0xf2: {  	_ =	swait.ge [sflag:s21], $0x4000  }
0xf3: {  	[sflag:s21] =	ssyncset.done $0x0  }
0xf4: {  	[sflag:s21] =	ssyncadd.s32 $0xFFFFC000  }
0xf5: {  	_ =	swait.ge [sflag:s25], $0x4000  }
0xf6: {  	[sflag:s25] =	ssyncset.done $0x0  }
0xf7: {  	[sflag:s25] =	ssyncadd.s32 $0xFFFFC000  }
0xf8: {  	s0 =	simm.s32 @p1 $0x1FC3;
	[bflag:$0x0] =	sbarrier.arrive $0xFFFF  }
0xf9: {  	[hbm:s15], [sflag:s0] =	dma.local @p1 [spmem:s30], $0x2080  }
0xfa: {  	s0 =	simm.s32 @p1 $0x3  }
0xfb: {  	_ =	swait.ge @p1 [sflag:s0], $0x2080  }
0xfc: {  	[sflag:s0] =	ssyncset.done @p1 $0x0  }
.Ltmp8:
0xfd: {  	[sflag:s0] =	ssyncadd.s32 @p1 $0xFFFFDF80;
	s0 =	simm.s32 @!p1 $0x3;
	(pc) =	sbr.rel .LBB2_12-.Ltmp8, $4  }
0xfe: {  	[hbm:s14], [sflag:s29] =	dma.local @!p1 [spmem:s28], $0x2780  }
0xff: {  	_ =	swait.ge @!p1 [sflag:s0], $0x2780  }
0x100: {  	[sflag:s0] =	ssyncset.done @!p1 $0x0  }
0x101: {  	[sflag:s0] =	ssyncadd.s32 @!p1 $0xFFFFD880  }
.LBB2_13:
0x102: {  	_ =	sfence.sel $0x180000  }
0x103: {  	[bflag:$0x0] =	sbarrier.arrive $0xFFFF  }
0x104: {  	_ =	strace $0x9000004A  }
0x105: {  	[bflag:$0x2] =	sbarrier.arrive $0xFFFF  }
0x106: {  	p0 =	sne.s32 s3, $0x0;
	s0 =	rddreg [dreg:$0x4]  }
0x107: {  	s0 =	sadd.s32 @!p0 $0x100000, s0  }
0x108: {  	[sflag:s0] =	ssyncadd.tile.s32 @!p0 $0x1;
	_ =	shalt  }
.Lfunc_end2:
_tile_overlayer_lowered:
.L_overlay_start_2:
0x109: {  	(tag) =	ssettag $0x2  }
0x10a: {  	s0 =	rddreg [dreg:$0x0];
	s2 =	stileid.u32  }
0x10b: {  	s1 =	rddreg [dreg:$0x1];
	p0 =	sne.s32 s2, $0x0  }
0x10c: {  	s3 =	rddreg [dreg:$0x2];
	[bflag:$0x3] =	sbarrier.arrive $0xFFFF;
	s2 =	simm.s32 @!p0 $0x1C03  }
0x10d: {  	[timem:s3], [sflag:s2] =	dma.local @!p0 [hbm:s0], s1  }
0x10e: {  	s0 =	simm.s32 @!p0 $0x3  }
0x10f: {  	_ =	swait.ge @!p0 [sflag:s0], s1  }
0x110: {  	s1 =	ssub.s32 @!p0 $0x0, s1;
	[sflag:s0] =	ssyncset.done @!p0 $0x0  }
0x111: {  	[sflag:s0] =	ssyncadd.s32 @!p0 s1  }
0x112: {  	[bflag:$0x3] =	sbarrier.arrive $0xFFFF  }
0x113: {  	_ =	shalt  }

// kernel: kernel.14.cloned.1.call-start
scs
__scs_entry_jumppad:
0x0: {  	(pc) =	sbr.rel $0x88, $3  }
0x1: {  	(tag) =	ssettag $0x0;
	lr =	simm.s32 $0x1  }
0x2: {  	[smem:$0x3F99] =	sst lr;
	_ =	strace $0xD0000000  }
0x3: {  	_ = 	snop  }
0x4: {  	_ = 	snop  }
0x5: {  	_ = 	snop  }
0x6: {  	_ = 	snop  }
0x7: {  	_ = 	snop  }
__scs_overlays_trampoline_lowered:
0x8: {  	[smem:$0x3FA8] =	sst s0  }
0x9: {  	[smem:$0x3FA9] =	sst s1  }
0xa: {  	[smem:$0x3FAA] =	sst s2  }
0xb: {  	[smem:$0x3FAB] =	sst s3  }
0xc: {  	[smem:$0x3FAC] =	sst s4  }
0xd: {  	[smem:$0x3FAD] =	sst s5  }
0xe: {  	[smem:$0x3FAE] =	sst s6  }
0xf: {  	[smem:$0x3FAF] =	sst s7  }
0x10: {  	[smem:$0x3FB0] =	sst s8  }
0x11: {  	[smem:$0x3FB1] =	sst s9;
	s0 =	simm.s32 @!p0 $0x0  }
0x12: {  	s1 =	sld [smem:$0x3F97];
	s0 =	simm.s32 @p0 $0x1  }
0x13: {  	[smem:$0x3FB2] =	sst s0;
	s0 =	simm.s32 @!p1 $0x0  }
0x14: {  	s2 =	sld [smem:$0x3F96];
	s0 =	simm.s32 @p1 $0x1  }
0x15: {  	[smem:$0x3FB3] =	sst s0;
	s0 =	simm.s32 @!p2 $0x0  }
0x16: {  	s3 =	sld [smem:$0x3FDB];
	s0 =	simm.s32 @p2 $0x1  }
0x17: {  	s4 =	simm.s32 $0x1BF5;
	[smem:$0x3FB5] =	sst s0  }
0x18: {  	s0 =	sld [smem:$0x3F98];
	_ =	swait.ge [sflag:s4], $0x0  }
0x19: {  	s7 =	sld [smem:$0x3F99]  }
0x1a: {  	s8 =	sadd.s32 $0xFFFFE003, lr  }
0x1b: {  	s9 =	sadd.s32 $0xFFFFFEF7, lr;
	s5 =	simm.s32 $0xFFFFFFFF;
	p2 =	slt.u32 s8, $0xFFFFF086  }
0x1c: {  	p1 =	slt.u32 s9, $0xF7A;
	s5 =	simm.s32 @!p2 $0x0  }
0x1d: {  	s5 =	simm.s32 @p1 $0x1;
	p0 =	seq.s32 s7, s2  }
0x1e: {  	s7 =	smul.u32 @!p0 $0xF7A, s2;
	p2 =	seq.s32 @!p0 s5, $0x0  }
0x1f: {  	s9 =	smul.u32 $0xF7A, s1;
	s8 =	simm.s32 @!p0 $0x1BF5;
	p2 =	por !p2, p0  }
0x20: {  	[sflag:s8] =	ssyncset.s32 @!p0 $0xFFFFF086;
	s6 =	sadd.s32 @!p0 s3, s7;
	s7 =	simm.s32 @!p0 $0x108  }
0x21: {  	s3 =	sadd.s32 s3, s9;
	s6 =	sadd.s32 @!p0 $0x88, s6;
	s7 =	simm.s32 @p2 $0x1082  }
0x22: {  	[simem:s7], [sflag:s8] =	dma.local @!p0 [hbm:s6], $0xF7A  }
0x23: {  	s9 =	sor.u32 $0xD0000000, s2;
	s6 =	simm.s32 $0x108;
	_ =	swait.ge @!p0 [sflag:s8], $0x0  }
0x24: {  	s3 =	sadd.s32 $0x88, s3;
	s6 =	simm.s32 @!p1 $0x1082;
	[sflag:s4] =	ssyncset.s32 $0xFFFFF086  }
0x25: {  	[simem:s6], [sflag:s4] =	dma.local [hbm:s3], $0xF7A  }
0x26: {  	[smem:$0x3F99] =	sst s1;
	(tag) =	ssettag s2;
	_ =	strace s9  }
0x27: {  	s1 =	sld [smem:$0x3FA9]  }
0x28: {  	s2 =	sld [smem:$0x3FAA]  }
0x29: {  	s4 =	sld [smem:$0x3FAC]  }
0x2a: {  	p0 =	seq.s32 s5, $0x0;
	s5 =	sld [smem:$0x3FAD]  }
0x2b: {  	s6 =	sld [smem:$0x3FAE]  }
0x2c: {  	s7 =	sld [smem:$0x3FAF]  }
0x2d: {  	s3 =	simm.s32 $0x108;
	s8 =	sld [smem:$0x3FB0]  }
0x2e: {  	s3 =	simm.s32 @!p0 $0x1082;
	s9 =	sld [smem:$0x3FB1]  }
0x2f: {  	lr =	sadd.s32 s0, s3;
	s0 =	sld [smem:$0x3FA8]  }
0x30: {  	s3 =	sld [smem:$0x3FAB]  }
0x31: {  	[smem:$0x3FB4] =	sst s10  }
0x32: {  	s10 =	sld [smem:$0x3FB2];
	_ =	sdelay $0x3  }
0x33: {  	p0 =	seq.s32 s10, $0x1;
	s10 =	sld [smem:$0x3FB4];
	_ =	sdelay $0x3  }
0x34: {  	[smem:$0x3FB4] =	sst s10  }
0x35: {  	s10 =	sld [smem:$0x3FB3];
	_ =	sdelay $0x3  }
0x36: {  	p1 =	seq.s32 s10, $0x1;
	s10 =	sld [smem:$0x3FB4];
	_ =	sdelay $0x3  }
0x37: {  	[smem:$0x3FB4] =	sst s10  }
0x38: {  	s10 =	sld [smem:$0x3FB5]  }
0x39: {  	_ = 	snop;
	(pc) =	sbr.ind lr, $3  }
0x3a: {  	_ = 	snop  }
0x3b: {  	_ = 	snop  }
0x3c: {  	p2 =	seq.s32 s10, $0x1;
	s10 =	sld [smem:$0x3FB4]  }
0x3d: {  	_ =	shalt  }
0x3e: {  	_ =	shalt  }
0x3f: {  	_ =	shalt  }
0x40: {  	_ =	shalt  }
0x41: {  	_ =	shalt  }
0x42: {  	_ =	shalt  }
0x43: {  	_ =	shalt  }
0x44: {  	_ =	shalt  }
0x45: {  	_ =	shalt  }
0x46: {  	_ =	shalt  }
0x47: {  	_ =	shalt  }
0x48: {  	_ =	shalt  }
0x49: {  	_ =	shalt  }
0x4a: {  	_ =	shalt  }
0x4b: {  	_ =	shalt  }
0x4c: {  	_ =	shalt  }
0x4d: {  	_ =	shalt  }
0x4e: {  	_ =	shalt  }
0x4f: {  	_ =	shalt  }
0x50: {  	_ =	shalt  }
0x51: {  	_ =	shalt  }
0x52: {  	_ =	shalt  }
0x53: {  	_ =	shalt  }
0x54: {  	_ =	shalt  }
0x55: {  	_ =	shalt  }
0x56: {  	_ =	shalt  }
0x57: {  	_ =	shalt  }
0x58: {  	_ =	shalt  }
0x59: {  	_ =	shalt  }
0x5a: {  	_ =	shalt  }
0x5b: {  	_ =	shalt  }
0x5c: {  	_ =	shalt  }
0x5d: {  	_ =	shalt  }
0x5e: {  	_ =	shalt  }
0x5f: {  	_ =	shalt  }
0x60: {  	_ =	shalt  }
0x61: {  	_ =	shalt  }
0x62: {  	_ =	shalt  }
0x63: {  	_ =	shalt  }
0x64: {  	_ =	shalt  }
0x65: {  	_ =	shalt  }
0x66: {  	_ =	shalt  }
0x67: {  	_ =	shalt  }
0x68: {  	_ =	shalt  }
0x69: {  	_ =	shalt  }
0x6a: {  	_ =	shalt  }
0x6b: {  	_ =	shalt  }
0x6c: {  	_ =	shalt  }
0x6d: {  	_ =	shalt  }
0x6e: {  	_ =	shalt  }
0x6f: {  	_ =	shalt  }
0x70: {  	_ =	shalt  }
0x71: {  	_ =	shalt  }
0x72: {  	_ =	shalt  }
0x73: {  	_ =	shalt  }
0x74: {  	_ =	shalt  }
0x75: {  	_ =	shalt  }
0x76: {  	_ =	shalt  }
0x77: {  	_ =	shalt  }
0x78: {  	_ =	shalt  }
0x79: {  	_ =	shalt  }
0x7a: {  	_ =	shalt  }
0x7b: {  	_ =	shalt  }
0x7c: {  	_ =	shalt  }
0x7d: {  	_ =	shalt  }
0x7e: {  	_ =	shalt  }
0x7f: {  	_ =	shalt  }
0x80: {  	_ =	shalt  }
0x81: {  	_ =	shalt  }
0x82: {  	_ =	shalt  }
0x83: {  	_ =	shalt  }
0x84: {  	_ =	shalt  }
0x85: {  	_ =	shalt  }
0x86: {  	_ =	shalt  }
0x87: {  	_ =	shalt  }
.Lfunc_end0:
.L_simem_size_0:
called_computation.2_lowered:
.L_overlay_start_0:
0x88: {  	s2 =	sld [smem:$0x3FD9]  }
0x89: {  	s3 =	sld [smem:$0x3FFE];
	_ =	sdelay $0x1  }
0x8a: {  	s1 =	srdreg.scid  }
0x8b: {  	s0 =	sand.u32 $0x1, s1  }
0x8c: {  	s14 =	sshll.u32 s0, $0xA;
	s2 =	sadd.s32 s3, s2  }
0x8d: {  	s2 =	sadd.s32 s2, s14  }
0x8e: {  	[smem:$0x3FC0] =	sst s2  }
0x8f: {  	_ = 	snop  }
0x90: {  	s2 =	sld [smem:$0x3FD0];
	_ =	sdelay $0x2  }
0x91: {  	s15 =	simm.s32 $0xA;
	s4 =	simm.s32 $0x10  }
0x92: {  	[smem:s4], [sflag:s15] =	dma.local [hbm:s2], $0x1  }
0x93: {  	_ =	swait.eq [sflag:s15], $0x1  }
0x94: {  	[sflag:s15] =	ssyncset.done $0x0  }
0x95: {  	s16 =	sld [smem:$0x10];
	[sflag:s15] =	ssyncadd.s32 $0xFFFFFFFF  }
0x96: {  	s17 =	sld [smem:$0x11];
	(tm) =	ssettm $0x1  }
0x97: {  	s18 =	sld [smem:$0x3FFB];
	_ =	sdelay $0x3  }
0x98: {  	_ =	strace s18  }
0x99: {  	s4 =	sld [smem:$0x3FFC];
	_ =	sdelay $0x3  }
0x9a: {  	_ =	strace s4  }
0x9b: {  	s4 =	sld [smem:$0x3FFD];
	_ =	sdelay $0x3  }
0x9c: {  	_ =	strace s4  }
0x9d: {  	_ =	strace $0x8FFFFFFF  }
0x9e: {  	s19 =	sld [smem:$0x3FDB];
	_ =	sdelay $0x1  }
0x9f: {  	s5 =	simm.s32 $_scs_section_size  }
0xa0: {  	s6 =	simm.s32 $_size__tile_overlayer_lowered;
	s7 =	simm.s32 $_tile_overlayer_lowered  }
0xa1: {  	s22 =	simm.s32 $0x1BFF;
	s21 =	sshll.u32 s7, $0x1;
	s4 =	sadd.s32 s5, s19  }
0xa2: {  	s8 =	simm.s32 $0x0;
	s20 =	sshll.u32 s6, $0x1;
	s6 =	sadd.s32 s21, s4  }
0xa3: {  	[timem:s8], [sflag:s22] =	dma.local [hbm:s6], s20  }
0xa4: {  	_ =	swait.ge [sflag:s22], s20  }
0xa5: {  	s5 =	ssub.s32 $0x0, s20;
	[sflag:s22] =	ssyncset.done $0x0  }
0xa6: {  	[sflag:s22] =	ssyncadd.s32 s5;
	_ =	sdelay $0x1  }
0xa7: {  	s23 =	simm.s32 $0x1B8B  }
0xa8: {  	_ =	swait.ge [sflag:s23], $0x1  }
0xa9: {  	[sflag:s23] =	ssyncset.done $0x0  }
0xaa: {  	s25 =	simm.s32 $0x1B8E;
	s24 =	sld [smem:$0x3FFE];
	[sflag:s23] =	ssyncadd.s32 $0xFFFFFFFF  }
0xab: {  	s26 =	simm.s32 $execute0_lowered;
	[smem:$0x3FD2] =	sst s25  }
0xac: {  	s6 =	sshll.u32 s26, $0x1;
	_ =	strace $0x8000004C;
	[dreg:$0x1] =	wrdreg $0xFFFFFFFF  }
0xad: {  	s28 =	simm.s32 $_size_execute0_lowered;
	s4 =	sadd.s32 s4, s6;
	[dreg:$0x0] =	wrdreg $0x0  }
0xae: {  	s6 =	sshll.u32 s28, $0x1;
	[dreg:$0x2] =	wrdreg s4  }
0xaf: {  	[dreg:$0x3] =	wrdreg s6  }
0xb0: {  	[dreg:$0x4] =	wrdreg $0xC0  }
0xb1: {  	_ =	task [dreg:s8], $0x5FFFF  }
0xb2: {  	[dreg:$0x1] =	wrdreg $0xFFFFFFFF  }
0xb3: {  	[dreg:$0x0] =	wrdreg $0x60  }
0xb4: {  	[dreg:$0x2] =	wrdreg s17  }
0xb5: {  	[dreg:$0x3] =	wrdreg s16  }
0xb6: {  	[dreg:$0x4] =	wrdreg s24  }
0xb7: {  	[dreg:$0x5] =	wrdreg $0xA8000  }
0xb8: {  	[dreg:$0x6] =	wrdreg $0x9  }
0xb9: {  	_ =	task.clear_ibuf [dreg:s8], $0x7FFFF;
	_ =	strace $0x9000004C  }
0xba: {  	s29 =	simm.s32 $0x9;
	_ =	strace $0x8000004E  }
0xbb: {  	_ =	swait.ge [sflag:s29], $0x1  }
0xbc: {  	[sflag:s29] =	ssyncadd.s32 $0xFFFFFFFF  }
0xbd: {  	_ =	strace $0x9000004E  }
0xbe: {  	_ =	sfence  }
0xbf: {  	s30 =	sld [smem:$0x0];
	_ =	sdelay $0x2  }
0xc0: {  	s31 =	sshll.u32 s1, $0xD;
	s1 =	sshrl.u32 s1, $0x2  }
0xc1: {  	s3 =	sand.u32 $0x4000, s31;
	s1 =	sadd.s32 s1, s30  }
0xc2: {  	s0 =	sor.u32 s3, s0;
	s1 =	sshll.u32 s1, $0x11  }
0xc3: {  	s0 =	sor.u32 s1, s0  }
0xc4: {  	s0 =	sadd.s32 $0x8F2B, s0  }
0xc5: {  	[sflag:s0] =	ssyncadd.remote.s32 $0x1  }
0xc6: {  	_ =	sfence.sel $0xFFFF  }
0xc7: {  	[dreg:$0x0] =	wrdreg $0xFFFFFFFF;
	(pc) =	sbr.abs _section_cstart, $3  }
0xc8: {  	[dreg:$0x1] =	wrdreg $0xFFFFFFFF  }
0xc9: {  	_ =	task.clear_ibuf [dreg:s8], $0x2FFFF;
	_ =	strace $0x9FFFFFFF  }
0xca: {  	(tm) =	ssettm $0x7FFFFFFF  }
0xcb: {  	_ =	shalt  }
tec
execute0_lowered:
.L_overlay_start_1:
0x0: {  	(tag) =	ssettag $0x1  }
0x1: {  	s1 =	rddreg [dreg:$0x0]  }
0x2: {  	s2 =	rddreg [dreg:$0x1]  }
0x3: {  	s0 =	rddreg [dreg:$0x2]  }
0x4: {  	s3 =	rddreg [dreg:$0x3]  }
0x5: {  	s4 =	simm.s32 $0x0;
	s5 =	stileid.u32;
	s8 =	srdreg.scid  }
0x6: {  	[smem:$0x7FF] =	sst s4;
	s14 =	smul.u32 $0x2780, s5  }
0x7: {  	s6 =	sadd.s32 $0x5BC00, s0;
	s7 =	sadd.s32 $0x82E00, s0;
	s10 =	smul.u32 $0x4F000, s5  }
0x8: {  	s9 =	sadd.s32 $0x8800, s0;
	s15 =	sand.u32 $0x1, s8;
	s12 =	smul.u32 $0x2800, s5  }
0x9: {  	s13 =	sadd.s32 $0x3800, s0;
	s23 =	smul.u32 $0x500, s5;
	s26 =	sadd.s32 $0xF6280, s0  }
0xa: {  	s20 =	sadd.s32 $0xCF080, s0;
	p1 =	seq.s32 s5, $0xF;
	s29 =	sadd.s32 $0x128400, s3  }
0xb: {  	s30 =	sadd.s32 $0x25080, s2;
	_ =	strace $0x8000004D;
	[dreg:$0x7] =	wrdreg s26  }
0xc: {  	s31 =	sadd.s32 $0x25080, s1;
	s8 =	ssub.s32 $0x2, s15;
	[dreg:$0xa] =	wrdreg s20  }
0xd: {  	p0 =	sne.s32 s15, $0x0;
	s26 =	sadd.s32 $0x11D480, s0;
	s15 =	simm.s32 $0x6800  }
0xe: {  	s16 =	sadd.s32 s14, s0;
	s11 =	sshrl.u32 s8, $0x1;
	s22 =	sshrl.u32 s10, $0x2  }
0xf: {  	s24 =	sadd.s32 s2, s14;
	s12 =	sshrl.u32 s12, $0x3;
	s10 =	sadd.s32 s9, s23  }
0x10: {  	s21 =	sadd.s32 s6, s14;
	[dreg:$0x10] =	wrdreg s26;
	s26 =	sadd.s32 $0x144680, s0  }
0x11: {  	s17 =	ssub.s32 s8, s11;
	s8 =	sadd.s32 s22, s3;
	[dreg:$0x5] =	wrdreg s24  }
0x12: {  	s11 =	sadd.s32 s13, s23;
	s25 =	sadd.s32 $0xD1200, s16;
	[dreg:$0xb] =	wrdreg s21  }
0x13: {  	s18 =	sadd.s32 $0x280, s12;
	s19 =	sadd.s32 $0xAA000, s16;
	[dreg:$0x6] =	wrdreg s25  }
0x14: {  	s22 =	sadd.s32 $0x80C80, s0;
	s23 =	sadd.s32 $0xF8400, s16;
	[dreg:$0x9] =	wrdreg s19  }
0x15: {  	s24 =	sadd.s32 $0x11F600, s16;
	s16 =	simm.s32 $0x1;
	[dreg:$0xc] =	wrdreg s22  }
.Ltmp0:
0x16: {  	s12 =	sadd.s32 s9, s18;
	[dreg:$0xd] =	wrdreg s23;
	(pc) =	sbr.rel .LBB2_1-.Ltmp0, $4  }
0x17: {  	s13 =	sadd.s32 s13, s18;
	s18 =	sadd.s32 s1, s14;
	[dreg:$0xe] =	wrdreg s24  }
0x18: {  	s25 =	sadd.s32 s7, s14;
	s28 =	smax.u32 s17, $0x1;
	s9 =	simm.s32 $0x2800  }
0x19: {  	s14 =	simm.s32 $0x80;
	s17 =	simm.s32 $0x2;
	[dreg:$0x8] =	wrdreg s18  }
0x1a: {  	[dreg:$0xf] =	wrdreg s25;
	s25 =	sadd.s32 $0xA7E80, s0;
	s0 =	simm.s32 $0x3  }
.LBB2_19:
0x1b: {  	[sflag:s0] =	ssyncadd.s32 $0xFFFFC000  }
0x1c: {  	_ =	swait.ge [sflag:s16], $0x4000  }
0x1d: {  	[sflag:s16] =	ssyncset.done $0x0  }
0x1e: {  	[sflag:s16] =	ssyncadd.s32 $0xFFFFC000  }
0x1f: {  	s21 =	simm.s32 @p1 $0x1FC3;
	[bflag:$0x0] =	sbarrier.arrive $0xFFFF  }
0x20: {  	[hbm:s26], [sflag:s21] =	dma.local @p1 [spmem:s20], $0x2080  }
0x21: {  	s20 =	simm.s32 @p1 $0x3  }
0x22: {  	_ =	swait.ge @p1 [sflag:s20], $0x2080  }
0x23: {  	[sflag:s20] =	ssyncset.done @p1 $0x0  }
0x24: {  	[sflag:s20] =	ssyncadd.s32 @p1 $0xFFFFDF80;
	s20 =	rddreg [dreg:$0xe]  }
0x25: {  	[hbm:s20], [sflag:s19] =	dma.local @!p1 [spmem:s18], $0x2780  }
0x26: {  	s18 =	simm.s32 @!p1 $0x3  }
0x27: {  	_ =	swait.ge @!p1 [sflag:s18], $0x2780  }
0x28: {  	[sflag:s18] =	ssyncset.done @!p1 $0x0  }
0x29: {  	[sflag:s18] =	ssyncadd.s32 @!p1 $0xFFFFD880  }
.LBB2_20:
0x2a: {  	s4 =	sadd.s32 $0x1, s4  }
0x2b: {  	p2 =	sne.s32 s4, s28  }
.Ltmp1:
0x2c: {  	_ = 	snop;
	(pc) =	sbr.rel @!p2 .LBB2_21-.Ltmp1, $2  }
0x2d: {  	_ =	sdelay $0x1  }
0x2e: {  	[bflag:$0x0] =	sbarrier.arrive $0xFFFF;
	_ =	sdelay $0x1  }
.LBB2_1:
.Ltmp2:
0x2f: {  	(pc) =	sbr.rel @p0 .LBB2_11-.Ltmp2, $3  }
0x30: {  	_ =	sdelay $0x1  }
0x31: {  	s19 =	sshll.u32 @!p1 s5, $0x6  }
0x32: {  	s20 =	sshrl.u32 @p1 s29, $0x3;
	s18 =	sshrl.u32 @!p1 s8, $0x3;
	s19 =	sor.u32 @!p1 $0x1C03, s19  }
0x33: {  	s21 =	simm.s32 @p1 $0x1FC3  }
0x34: {  	[spmem:s20], [sflag:s21] =	dma.local @p1 [hbm:s31], $0x2080  }
0x35: {  	s21 =	simm.s32 @p1 $0x3  }
0x36: {  	_ =	swait.ge @p1 [sflag:s21], $0x2080  }
0x37: {  	[sflag:s21] =	ssyncset.done @p1 $0x0  }
0x38: {  	[sflag:s21] =	ssyncadd.s32 @p1 $0xFFFFDF80;
	s21 =	rddreg [dreg:$0x8]  }
0x39: {  	[spmem:s18], [sflag:s19] =	dma.local @!p1 [hbm:s21], $0x2780  }
0x3a: {  	s21 =	simm.s32 @!p1 $0x3  }
0x3b: {  	_ =	swait.ge @!p1 [sflag:s21], $0x2780  }
0x3c: {  	[sflag:s21] =	ssyncset.done @!p1 $0x0  }
0x3d: {  	[sflag:s21] =	ssyncadd.s32 @!p1 $0xFFFFD880  }
0x3e: {  	s23 =	simm.s32 $0x0;
	[bflag:$0x0] =	sbarrier.arrive $0xFFFF  }
0x3f: {  	[tilespmem:s23], [sflag:$0x3] =	stream.linear.gather [hbm4b:s10+s23], $0x1400, $0x38;
	[tilespmem:$0x1E400] =	vst v63  }
0x40: {  	_ =	swait.ge [sflag:s0], $0x1400  }
0x41: {  	[sflag:s0] =	ssyncset.done $0x0  }
0x42: {  	s21 =	simm.s32 $0x1400;
	[sflag:s0] =	ssyncadd.s32 $0xFFFFEC00  }
0x43: {  	[tilespmem:s21], [sflag:$0x3] =	stream.linear.gather [hbm4b:s11+s23], $0x1400, $0x38;
	[tilespmem:$0x1E400] =	vst v63  }
0x44: {  	_ =	swait.ge [sflag:s0], $0x1400  }
0x45: {  	[sflag:s0] =	ssyncset.done $0x0  }
0x46: {  	s22 =	simm.s32 $0x80;
	[sflag:s0] =	ssyncadd.s32 $0xFFFFEC00  }
0x47: {  	[tilespmem:s9], [sflag:$0x1] =	stream.indirect.gather [hbm4b:s1+s22], $0x80, s23, s22, $0xb8;
	[tilespmem:$0x1E400] =	vst v63  }
0x48: {  	_ = 	snop  }
0x49: {  	[tilespmem:s15], [sflag:$0x2] =	stream.indirect.gather [hbm4b:s1+s14], $0x80, s22, s14, $0xb8;
	[tilespmem:$0x1E400] =	vst v63  }
0x4a: {  	_ =	swait.ge [sflag:s16], $0x4000  }
0x4b: {  	[sflag:s16] =	ssyncset.done $0x0  }
0x4c: {  	[sflag:s16] =	ssyncadd.s32 $0xFFFFC000  }
0x4d: {  	[spmem:s3] =	stream.indirect.scatter.add.f32 [tilespmem:s9], [sflag:$0x3], $0x80, s21, s14, $0xb8;
	[tilespmem:$0x1E400] =	vst v63  }
0x4e: {  	s23 =	smin.u32 s23, $0x24;
	_ =	swait.ge [sflag:s0], $0x4000  }
0x4f: {  	s23 =	sshll.u32 s23, $0x7;
	[sflag:s0] =	ssyncset.done $0x0  }
0x50: {  	s23 =	sadd.s32 $0x100, s23;
	[sflag:s0] =	ssyncadd.s32 $0xFFFFC000  }
0x51: {  	[tilespmem:s9], [sflag:$0x1] =	stream.indirect.gather [hbm4b:s1+s14], $0x80, s23, s14, $0xb8;
	[tilespmem:$0x1E400] =	vst v63  }
0x52: {  	_ =	swait.ge [sflag:s17], $0x4000  }
0x53: {  	[sflag:s17] =	ssyncset.done $0x0  }
0x54: {  	s24 =	simm.s32 $0x1480;
	[sflag:s17] =	ssyncadd.s32 $0xFFFFC000  }
0x55: {  	[spmem:s3] =	stream.indirect.scatter.add.f32 [tilespmem:s15], [sflag:$0x3], $0x80, s24, s14, $0xb8;
	[tilespmem:$0x1E400] =	vst v63  }
0x56: {  	_ =	swait.ge [sflag:s0], $0x4000  }
0x57: {  	s23 =	simm.s32 $0x2;
	[sflag:s0] =	ssyncset.done $0x0  }
.LBB2_3:
0x58: {  	[sflag:s0] =	ssyncadd.s32 $0xFFFFC000  }
0x59: {  	s21 =	sadd.s32 $0x100, s21;
	s22 =	sadd.s32 $0x100, s22;
	s24 =	smov.u32 s23  }
0x5a: {  	[tilespmem:s15], [sflag:$0x2] =	stream.indirect.gather [hbm4b:s1+s14], $0x80, s22, s14, $0xb8;
	[tilespmem:$0x1E400] =	vst v63  }
0x5b: {  	p2 =	sne.s32 s23, $0x26;
	s23 =	sadd.s32 $0x2, s23;
	_ =	swait.ge [sflag:s16], $0x4000  }
0x5c: {  	[sflag:s16] =	ssyncset.done $0x0  }
0x5d: {  	[sflag:s16] =	ssyncadd.s32 $0xFFFFC000  }
0x5e: {  	[spmem:s3] =	stream.indirect.scatter.add.f32 [tilespmem:s9], [sflag:$0x3], $0x80, s21, s14, $0xb8;
	[tilespmem:$0x1E400] =	vst v63  }
0x5f: {  	s24 =	smin.u32 s24, $0x24;
	_ =	swait.ge [sflag:s0], $0x4000  }
0x60: {  	s24 =	sshll.u32 s24, $0x7;
	[sflag:s0] =	ssyncset.done $0x0  }
0x61: {  	s24 =	sadd.s32 $0x100, s24;
	[sflag:s0] =	ssyncadd.s32 $0xFFFFC000  }
0x62: {  	[tilespmem:s9], [sflag:$0x1] =	stream.indirect.gather [hbm4b:s1+s14], $0x80, s24, s14, $0xb8;
	[tilespmem:$0x1E400] =	vst v63  }
0x63: {  	_ =	swait.ge [sflag:s17], $0x4000  }
.Ltmp3:
0x64: {  	[sflag:s17] =	ssyncset.done $0x0;
	(pc) =	sbr.rel @p2 .LBB2_3-.Ltmp3, $4  }
0x65: {  	s24 =	sadd.s32 $0x80, s21;
	[sflag:s17] =	ssyncadd.s32 $0xFFFFC000  }
0x66: {  	[spmem:s3] =	stream.indirect.scatter.add.f32 [tilespmem:s15], [sflag:$0x3], $0x80, s24, s14, $0xb8;
	[tilespmem:$0x1E400] =	vst v63  }
0x67: {  	_ =	swait.ge [sflag:s0], $0x4000  }
0x68: {  	[sflag:s0] =	ssyncset.done $0x0  }
0x69: {  	[sflag:s0] =	ssyncadd.s32 $0xFFFFC000  }
0x6a: {  	_ =	swait.ge [sflag:s16], $0x4000  }
0x6b: {  	[sflag:s16] =	ssyncset.done $0x0  }
0x6c: {  	s23 =	simm.s32 $0x0;
	[sflag:s16] =	ssyncadd.s32 $0xFFFFC000  }
0x6d: {  	[tilespmem:s23], [sflag:$0x3] =	stream.linear.gather [hbm4b:s12+s23], $0x1400, $0x38;
	[tilespmem:$0x1E400] =	vst v63  }
0x6e: {  	_ =	swait.ge [sflag:s0], $0x1400  }
0x6f: {  	[sflag:s0] =	ssyncset.done $0x0  }
0x70: {  	s21 =	simm.s32 $0x1400;
	[sflag:s0] =	ssyncadd.s32 $0xFFFFEC00  }
0x71: {  	[tilespmem:s21], [sflag:$0x3] =	stream.linear.gather [hbm4b:s13+s23], $0x1400, $0x38;
	[tilespmem:$0x1E400] =	vst v63  }
0x72: {  	_ =	swait.ge [sflag:s0], $0x1400  }
0x73: {  	[sflag:s0] =	ssyncset.done $0x0  }
0x74: {  	s22 =	simm.s32 $0x80;
	[sflag:s0] =	ssyncadd.s32 $0xFFFFEC00  }
0x75: {  	[tilespmem:s9], [sflag:$0x1] =	stream.indirect.gather [hbm4b:s1+s22], $0x80, s23, s22, $0xb8;
	[tilespmem:$0x1E400] =	vst v63  }
0x76: {  	_ = 	snop  }
0x77: {  	[tilespmem:s15], [sflag:$0x2] =	stream.indirect.gather [hbm4b:s1+s14], $0x80, s22, s14, $0xb8;
	[tilespmem:$0x1E400] =	vst v63  }
0x78: {  	_ =	swait.ge [sflag:s16], $0x4000  }
0x79: {  	[sflag:s16] =	ssyncset.done $0x0  }
0x7a: {  	[sflag:s16] =	ssyncadd.s32 $0xFFFFC000  }
0x7b: {  	[spmem:s3] =	stream.indirect.scatter.add.f32 [tilespmem:s9], [sflag:$0x3], $0x80, s21, s14, $0xb8;
	[tilespmem:$0x1E400] =	vst v63  }
0x7c: {  	s23 =	smin.u32 s23, $0x24;
	_ =	swait.ge [sflag:s0], $0x4000  }
0x7d: {  	s23 =	sshll.u32 s23, $0x7;
	[sflag:s0] =	ssyncset.done $0x0  }
0x7e: {  	s23 =	sadd.s32 $0x100, s23;
	[sflag:s0] =	ssyncadd.s32 $0xFFFFC000  }
0x7f: {  	[tilespmem:s9], [sflag:$0x1] =	stream.indirect.gather [hbm4b:s1+s14], $0x80, s23, s14, $0xb8;
	[tilespmem:$0x1E400] =	vst v63  }
0x80: {  	_ =	swait.ge [sflag:s17], $0x4000  }
0x81: {  	[sflag:s17] =	ssyncset.done $0x0  }
0x82: {  	s24 =	simm.s32 $0x1480;
	[sflag:s17] =	ssyncadd.s32 $0xFFFFC000  }
0x83: {  	[spmem:s3] =	stream.indirect.scatter.add.f32 [tilespmem:s15], [sflag:$0x3], $0x80, s24, s14, $0xb8;
	[tilespmem:$0x1E400] =	vst v63  }
0x84: {  	_ =	swait.ge [sflag:s0], $0x4000  }
0x85: {  	s23 =	simm.s32 $0x2;
	[sflag:s0] =	ssyncset.done $0x0  }
.LBB2_5:
0x86: {  	[sflag:s0] =	ssyncadd.s32 $0xFFFFC000  }
0x87: {  	s21 =	sadd.s32 $0x100, s21;
	s22 =	sadd.s32 $0x100, s22;
	s24 =	smov.u32 s23  }
0x88: {  	[tilespmem:s15], [sflag:$0x2] =	stream.indirect.gather [hbm4b:s1+s14], $0x80, s22, s14, $0xb8;
	[tilespmem:$0x1E400] =	vst v63  }
0x89: {  	p2 =	sne.s32 s23, $0x26;
	s23 =	sadd.s32 $0x2, s23;
	_ =	swait.ge [sflag:s16], $0x4000  }
0x8a: {  	[sflag:s16] =	ssyncset.done $0x0  }
0x8b: {  	[sflag:s16] =	ssyncadd.s32 $0xFFFFC000  }
0x8c: {  	[spmem:s3] =	stream.indirect.scatter.add.f32 [tilespmem:s9], [sflag:$0x3], $0x80, s21, s14, $0xb8;
	[tilespmem:$0x1E400] =	vst v63  }
0x8d: {  	s24 =	smin.u32 s24, $0x24;
	_ =	swait.ge [sflag:s0], $0x4000  }
0x8e: {  	s24 =	sshll.u32 s24, $0x7;
	[sflag:s0] =	ssyncset.done $0x0  }
0x8f: {  	s24 =	sadd.s32 $0x100, s24;
	[sflag:s0] =	ssyncadd.s32 $0xFFFFC000  }
0x90: {  	[tilespmem:s9], [sflag:$0x1] =	stream.indirect.gather [hbm4b:s1+s14], $0x80, s24, s14, $0xb8;
	[tilespmem:$0x1E400] =	vst v63  }
0x91: {  	_ =	swait.ge [sflag:s17], $0x4000  }
.Ltmp4:
0x92: {  	[sflag:s17] =	ssyncset.done $0x0;
	(pc) =	sbr.rel @p2 .LBB2_5-.Ltmp4, $4  }
0x93: {  	s24 =	sadd.s32 $0x80, s21;
	[sflag:s17] =	ssyncadd.s32 $0xFFFFC000  }
0x94: {  	[spmem:s3] =	stream.indirect.scatter.add.f32 [tilespmem:s15], [sflag:$0x3], $0x80, s24, s14, $0xb8;
	[tilespmem:$0x1E400] =	vst v63  }
0x95: {  	_ =	swait.ge [sflag:s0], $0x4000  }
0x96: {  	[sflag:s0] =	ssyncset.done $0x0  }
0x97: {  	[sflag:s0] =	ssyncadd.s32 $0xFFFFC000  }
0x98: {  	_ =	swait.ge [sflag:s16], $0x4000  }
0x99: {  	[sflag:s16] =	ssyncset.done $0x0  }
0x9a: {  	[sflag:s16] =	ssyncadd.s32 $0xFFFFC000  }
0x9b: {  	[bflag:$0x0] =	sbarrier.arrive $0xFFFF  }
0x9c: {  	s21 =	simm.s32 @p1 $0x1FC3;
	s22 =	rddreg [dreg:$0xa]  }
0x9d: {  	[hbm:s22], [sflag:s21] =	dma.local @p1 [spmem:s20], $0x2080  }
0x9e: {  	s22 =	simm.s32 @p1 $0x3  }
0x9f: {  	_ =	swait.ge @p1 [sflag:s22], $0x2080  }
0xa0: {  	[sflag:s22] =	ssyncset.done @p1 $0x0  }
0xa1: {  	[sflag:s22] =	ssyncadd.s32 @p1 $0xFFFFDF80  }
0xa2: {  	[bflag:$0x0] =	sbarrier.arrive @p1 $0xFFFF  }
0xa3: {  	s23 =	rddreg [dreg:$0xc]  }
0xa4: {  	[spmem:s20], [sflag:s21] =	dma.local @p1 [hbm:s23], $0x2080  }
0xa5: {  	_ =	swait.ge @p1 [sflag:s22], $0x2080  }
0xa6: {  	[sflag:s22] =	ssyncset.done @p1 $0x0  }
0xa7: {  	s21 =	rddreg [dreg:$0x9];
	[sflag:s22] =	ssyncadd.s32 @p1 $0xFFFFDF80  }
0xa8: {  	[hbm:s21], [sflag:s19] =	dma.local @!p1 [spmem:s18], $0x2780  }
0xa9: {  	s21 =	simm.s32 @!p1 $0x3  }
0xaa: {  	_ =	swait.ge @!p1 [sflag:s21], $0x2780  }
0xab: {  	[sflag:s21] =	ssyncset.done @!p1 $0x0  }
0xac: {  	[sflag:s21] =	ssyncadd.s32 @!p1 $0xFFFFD880  }
0xad: {  	[bflag:$0x0] =	sbarrier.arrive @!p1 $0xFFFF  }
0xae: {  	s22 =	rddreg [dreg:$0xb]  }
0xaf: {  	[spmem:s18], [sflag:s19] =	dma.local @!p1 [hbm:s22], $0x2780  }
0xb0: {  	_ =	swait.ge @!p1 [sflag:s21], $0x2780  }
0xb1: {  	[sflag:s21] =	ssyncset.done @!p1 $0x0  }
0xb2: {  	[sflag:s21] =	ssyncadd.s32 @!p1 $0xFFFFD880  }
0xb3: {  	s24 =	simm.s32 $0x0;
	[bflag:$0x0] =	sbarrier.arrive $0xFFFF  }
0xb4: {  	[tilespmem:s24], [sflag:$0x3] =	stream.linear.gather [hbm4b:s10+s24], $0x1400, $0x38;
	[tilespmem:$0x1E400] =	vst v63  }
0xb5: {  	_ =	swait.ge [sflag:s0], $0x1400  }
0xb6: {  	[sflag:s0] =	ssyncset.done $0x0  }
0xb7: {  	s21 =	simm.s32 $0x1400;
	[sflag:s0] =	ssyncadd.s32 $0xFFFFEC00  }
0xb8: {  	[tilespmem:s21], [sflag:$0x3] =	stream.linear.gather [hbm4b:s11+s24], $0x1400, $0x38;
	[tilespmem:$0x1E400] =	vst v63  }
0xb9: {  	_ =	swait.ge [sflag:s0], $0x1400  }
0xba: {  	[sflag:s0] =	ssyncset.done $0x0  }
0xbb: {  	s22 =	simm.s32 $0x80;
	[sflag:s0] =	ssyncadd.s32 $0xFFFFEC00  }
0xbc: {  	[tilespmem:s9], [sflag:$0x1] =	stream.indirect.gather [hbm4b:s6+s22], $0x80, s24, s22, $0xb8;
	[tilespmem:$0x1E400] =	vst v63  }
0xbd: {  	_ = 	snop  }
0xbe: {  	[tilespmem:s15], [sflag:$0x2] =	stream.indirect.gather [hbm4b:s6+s14], $0x80, s22, s14, $0xb8;
	[tilespmem:$0x1E400] =	vst v63  }
0xbf: {  	_ =	swait.ge [sflag:s16], $0x4000  }
0xc0: {  	[sflag:s16] =	ssyncset.done $0x0  }
0xc1: {  	[sflag:s16] =	ssyncadd.s32 $0xFFFFC000  }
0xc2: {  	[spmem:s3] =	stream.indirect.scatter.add.f32 [tilespmem:s9], [sflag:$0x3], $0x80, s21, s14, $0xb8;
	[tilespmem:$0x1E400] =	vst v63  }
0xc3: {  	s23 =	smin.u32 s24, $0x24;
	_ =	swait.ge [sflag:s0], $0x4000  }
0xc4: {  	s23 =	sshll.u32 s23, $0x7;
	[sflag:s0] =	ssyncset.done $0x0  }
0xc5: {  	s23 =	sadd.s32 $0x100, s23;
	[sflag:s0] =	ssyncadd.s32 $0xFFFFC000  }
0xc6: {  	[tilespmem:s9], [sflag:$0x1] =	stream.indirect.gather [hbm4b:s6+s14], $0x80, s23, s14, $0xb8;
	[tilespmem:$0x1E400] =	vst v63  }
0xc7: {  	_ =	swait.ge [sflag:s17], $0x4000  }
0xc8: {  	[sflag:s17] =	ssyncset.done $0x0  }
0xc9: {  	s24 =	simm.s32 $0x1480;
	[sflag:s17] =	ssyncadd.s32 $0xFFFFC000  }
0xca: {  	[spmem:s3] =	stream.indirect.scatter.add.f32 [tilespmem:s15], [sflag:$0x3], $0x80, s24, s14, $0xb8;
	[tilespmem:$0x1E400] =	vst v63  }
0xcb: {  	_ =	swait.ge [sflag:s0], $0x4000  }
0xcc: {  	s23 =	simm.s32 $0x2;
	[sflag:s0] =	ssyncset.done $0x0  }
.LBB2_7:
0xcd: {  	[sflag:s0] =	ssyncadd.s32 $0xFFFFC000  }
0xce: {  	s21 =	sadd.s32 $0x100, s21;
	s22 =	sadd.s32 $0x100, s22;
	s24 =	smov.u32 s23  }
0xcf: {  	[tilespmem:s15], [sflag:$0x2] =	stream.indirect.gather [hbm4b:s6+s14], $0x80, s22, s14, $0xb8;
	[tilespmem:$0x1E400] =	vst v63  }
0xd0: {  	p2 =	sne.s32 s23, $0x26;
	s23 =	sadd.s32 $0x2, s23;
	_ =	swait.ge [sflag:s16], $0x4000  }
0xd1: {  	[sflag:s16] =	ssyncset.done $0x0  }
0xd2: {  	[sflag:s16] =	ssyncadd.s32 $0xFFFFC000  }
0xd3: {  	[spmem:s3] =	stream.indirect.scatter.add.f32 [tilespmem:s9], [sflag:$0x3], $0x80, s21, s14, $0xb8;
	[tilespmem:$0x1E400] =	vst v63  }
0xd4: {  	s24 =	smin.u32 s24, $0x24;
	_ =	swait.ge [sflag:s0], $0x4000  }
0xd5: {  	s24 =	sshll.u32 s24, $0x7;
	[sflag:s0] =	ssyncset.done $0x0  }
0xd6: {  	s24 =	sadd.s32 $0x100, s24;
	[sflag:s0] =	ssyncadd.s32 $0xFFFFC000  }
0xd7: {  	[tilespmem:s9], [sflag:$0x1] =	stream.indirect.gather [hbm4b:s6+s14], $0x80, s24, s14, $0xb8;
	[tilespmem:$0x1E400] =	vst v63  }
0xd8: {  	_ =	swait.ge [sflag:s17], $0x4000  }
.Ltmp5:
0xd9: {  	[sflag:s17] =	ssyncset.done $0x0;
	(pc) =	sbr.rel @p2 .LBB2_7-.Ltmp5, $4  }
0xda: {  	s24 =	sadd.s32 $0x80, s21;
	[sflag:s17] =	ssyncadd.s32 $0xFFFFC000  }
0xdb: {  	[spmem:s3] =	stream.indirect.scatter.add.f32 [tilespmem:s15], [sflag:$0x3], $0x80, s24, s14, $0xb8;
	[tilespmem:$0x1E400] =	vst v63  }
0xdc: {  	_ =	swait.ge [sflag:s0], $0x4000  }
0xdd: {  	[sflag:s0] =	ssyncset.done $0x0  }
0xde: {  	[sflag:s0] =	ssyncadd.s32 $0xFFFFC000  }
0xdf: {  	_ =	swait.ge [sflag:s16], $0x4000  }
0xe0: {  	[sflag:s16] =	ssyncset.done $0x0  }
0xe1: {  	s23 =	simm.s32 $0x0;
	[sflag:s16] =	ssyncadd.s32 $0xFFFFC000  }
0xe2: {  	[tilespmem:s23], [sflag:$0x3] =	stream.linear.gather [hbm4b:s12+s23], $0x1400, $0x38;
	[tilespmem:$0x1E400] =	vst v63  }
0xe3: {  	_ =	swait.ge [sflag:s0], $0x1400  }
0xe4: {  	[sflag:s0] =	ssyncset.done $0x0  }
0xe5: {  	s21 =	simm.s32 $0x1400;
	[sflag:s0] =	ssyncadd.s32 $0xFFFFEC00  }
0xe6: {  	[tilespmem:s21], [sflag:$0x3] =	stream.linear.gather [hbm4b:s13+s23], $0x1400, $0x38;
	[tilespmem:$0x1E400] =	vst v63  }
0xe7: {  	_ =	swait.ge [sflag:s0], $0x1400  }
0xe8: {  	[sflag:s0] =	ssyncset.done $0x0  }
0xe9: {  	s22 =	simm.s32 $0x80;
	[sflag:s0] =	ssyncadd.s32 $0xFFFFEC00  }
0xea: {  	[tilespmem:s9], [sflag:$0x1] =	stream.indirect.gather [hbm4b:s6+s22], $0x80, s23, s22, $0xb8;
	[tilespmem:$0x1E400] =	vst v63  }
0xeb: {  	_ = 	snop  }
0xec: {  	[tilespmem:s15], [sflag:$0x2] =	stream.indirect.gather [hbm4b:s6+s14], $0x80, s22, s14, $0xb8;
	[tilespmem:$0x1E400] =	vst v63  }
0xed: {  	_ =	swait.ge [sflag:s16], $0x4000  }
0xee: {  	[sflag:s16] =	ssyncset.done $0x0  }
0xef: {  	[sflag:s16] =	ssyncadd.s32 $0xFFFFC000  }
0xf0: {  	[spmem:s3] =	stream.indirect.scatter.add.f32 [tilespmem:s9], [sflag:$0x3], $0x80, s21, s14, $0xb8;
	[tilespmem:$0x1E400] =	vst v63  }
0xf1: {  	s23 =	smin.u32 s23, $0x24;
	_ =	swait.ge [sflag:s0], $0x4000  }
0xf2: {  	s23 =	sshll.u32 s23, $0x7;
	[sflag:s0] =	ssyncset.done $0x0  }
0xf3: {  	s23 =	sadd.s32 $0x100, s23;
	[sflag:s0] =	ssyncadd.s32 $0xFFFFC000  }
0xf4: {  	[tilespmem:s9], [sflag:$0x1] =	stream.indirect.gather [hbm4b:s6+s14], $0x80, s23, s14, $0xb8;
	[tilespmem:$0x1E400] =	vst v63  }
0xf5: {  	_ =	swait.ge [sflag:s17], $0x4000  }
0xf6: {  	[sflag:s17] =	ssyncset.done $0x0  }
0xf7: {  	s24 =	simm.s32 $0x1480;
	[sflag:s17] =	ssyncadd.s32 $0xFFFFC000  }
0xf8: {  	[spmem:s3] =	stream.indirect.scatter.add.f32 [tilespmem:s15], [sflag:$0x3], $0x80, s24, s14, $0xb8;
	[tilespmem:$0x1E400] =	vst v63  }
0xf9: {  	_ =	swait.ge [sflag:s0], $0x4000  }
0xfa: {  	s23 =	simm.s32 $0x2;
	[sflag:s0] =	ssyncset.done $0x0  }
.LBB2_9:
0xfb: {  	[sflag:s0] =	ssyncadd.s32 $0xFFFFC000  }
0xfc: {  	s21 =	sadd.s32 $0x100, s21;
	s22 =	sadd.s32 $0x100, s22;
	s24 =	smov.u32 s23  }
0xfd: {  	[tilespmem:s15], [sflag:$0x2] =	stream.indirect.gather [hbm4b:s6+s14], $0x80, s22, s14, $0xb8;
	[tilespmem:$0x1E400] =	vst v63  }
0xfe: {  	p2 =	sne.s32 s23, $0x26;
	s23 =	sadd.s32 $0x2, s23;
	_ =	swait.ge [sflag:s16], $0x4000  }
0xff: {  	[sflag:s16] =	ssyncset.done $0x0  }
0x100: {  	[sflag:s16] =	ssyncadd.s32 $0xFFFFC000  }
0x101: {  	[spmem:s3] =	stream.indirect.scatter.add.f32 [tilespmem:s9], [sflag:$0x3], $0x80, s21, s14, $0xb8;
	[tilespmem:$0x1E400] =	vst v63  }
0x102: {  	s24 =	smin.u32 s24, $0x24;
	_ =	swait.ge [sflag:s0], $0x4000  }
0x103: {  	s24 =	sshll.u32 s24, $0x7;
	[sflag:s0] =	ssyncset.done $0x0  }
0x104: {  	s24 =	sadd.s32 $0x100, s24;
	[sflag:s0] =	ssyncadd.s32 $0xFFFFC000  }
0x105: {  	[tilespmem:s9], [sflag:$0x1] =	stream.indirect.gather [hbm4b:s6+s14], $0x80, s24, s14, $0xb8;
	[tilespmem:$0x1E400] =	vst v63  }
0x106: {  	_ =	swait.ge [sflag:s17], $0x4000  }
.Ltmp6:
0x107: {  	[sflag:s17] =	ssyncset.done $0x0;
	(pc) =	sbr.rel @p2 .LBB2_9-.Ltmp6, $4  }
0x108: {  	s24 =	sadd.s32 $0x80, s21;
	[sflag:s17] =	ssyncadd.s32 $0xFFFFC000  }
0x109: {  	[spmem:s3] =	stream.indirect.scatter.add.f32 [tilespmem:s15], [sflag:$0x3], $0x80, s24, s14, $0xb8;
	[tilespmem:$0x1E400] =	vst v63  }
0x10a: {  	_ =	swait.ge [sflag:s0], $0x4000  }
0x10b: {  	[sflag:s0] =	ssyncset.done $0x0  }
0x10c: {  	[sflag:s0] =	ssyncadd.s32 $0xFFFFC000  }
0x10d: {  	_ =	swait.ge [sflag:s16], $0x4000  }
0x10e: {  	[sflag:s16] =	ssyncset.done $0x0  }
0x10f: {  	[sflag:s16] =	ssyncadd.s32 $0xFFFFC000  }
0x110: {  	[bflag:$0x0] =	sbarrier.arrive $0xFFFF  }
0x111: {  	s21 =	simm.s32 @p1 $0x1FC3;
	s22 =	rddreg [dreg:$0x10]  }
0x112: {  	[hbm:s22], [sflag:s21] =	dma.local @p1 [spmem:s20], $0x2080  }
0x113: {  	s20 =	simm.s32 @p1 $0x3  }
0x114: {  	_ =	swait.ge @p1 [sflag:s20], $0x2080  }
0x115: {  	[sflag:s20] =	ssyncset.done @p1 $0x0  }
0x116: {  	[sflag:s20] =	ssyncadd.s32 @p1 $0xFFFFDF80;
	s20 =	rddreg [dreg:$0xd]  }
0x117: {  	[hbm:s20], [sflag:s19] =	dma.local @!p1 [spmem:s18], $0x2780  }
.Ltmp7:
0x118: {  	_ = 	snop;
	(pc) =	sbr.rel .LBB2_20-.Ltmp7, $4  }
0x119: {  	s18 =	simm.s32 @!p1 $0x3  }
0x11a: {  	_ =	swait.ge @!p1 [sflag:s18], $0x2780  }
0x11b: {  	[sflag:s18] =	ssyncset.done @!p1 $0x0  }
0x11c: {  	[sflag:s18] =	ssyncadd.s32 @!p1 $0xFFFFD880  }
.LBB2_11:
0x11d: {  	s21 =	simm.s32 @p1 $0x1FC3  }
0x11e: {  	[spmem:s20], [sflag:s21] =	dma.local @p1 [hbm:s30], $0x2080  }
0x11f: {  	s21 =	simm.s32 @p1 $0x3  }
0x120: {  	_ =	swait.ge @p1 [sflag:s21], $0x2080  }
0x121: {  	[sflag:s21] =	ssyncset.done @p1 $0x0  }
0x122: {  	[sflag:s21] =	ssyncadd.s32 @p1 $0xFFFFDF80;
	s21 =	rddreg [dreg:$0x5]  }
0x123: {  	[spmem:s18], [sflag:s19] =	dma.local @!p1 [hbm:s21], $0x2780  }
0x124: {  	s21 =	simm.s32 @!p1 $0x3  }
0x125: {  	_ =	swait.ge @!p1 [sflag:s21], $0x2780  }
0x126: {  	[sflag:s21] =	ssyncset.done @!p1 $0x0  }
0x127: {  	[sflag:s21] =	ssyncadd.s32 @!p1 $0xFFFFD880  }
0x128: {  	s23 =	simm.s32 $0x0;
	[bflag:$0x0] =	sbarrier.arrive $0xFFFF  }
0x129: {  	[tilespmem:s23], [sflag:$0x3] =	stream.linear.gather [hbm4b:s10+s23], $0x1400, $0x38;
	[tilespmem:$0x1E400] =	vst v63  }
0x12a: {  	_ =	swait.ge [sflag:s0], $0x1400  }
0x12b: {  	[sflag:s0] =	ssyncset.done $0x0  }
0x12c: {  	s21 =	simm.s32 $0x1400;
	[sflag:s0] =	ssyncadd.s32 $0xFFFFEC00  }
0x12d: {  	[tilespmem:s21], [sflag:$0x3] =	stream.linear.gather [hbm4b:s11+s23], $0x1400, $0x38;
	[tilespmem:$0x1E400] =	vst v63  }
0x12e: {  	_ =	swait.ge [sflag:s0], $0x1400  }
0x12f: {  	[sflag:s0] =	ssyncset.done $0x0  }
0x130: {  	s22 =	simm.s32 $0x80;
	[sflag:s0] =	ssyncadd.s32 $0xFFFFEC00  }
0x131: {  	[tilespmem:s9], [sflag:$0x1] =	stream.indirect.gather [hbm4b:s2+s22], $0x80, s23, s22, $0xb8;
	[tilespmem:$0x1E400] =	vst v63  }
0x132: {  	_ = 	snop  }
0x133: {  	[tilespmem:s15], [sflag:$0x2] =	stream.indirect.gather [hbm4b:s2+s14], $0x80, s22, s14, $0xb8;
	[tilespmem:$0x1E400] =	vst v63  }
0x134: {  	_ =	swait.ge [sflag:s16], $0x4000  }
0x135: {  	[sflag:s16] =	ssyncset.done $0x0  }
0x136: {  	[sflag:s16] =	ssyncadd.s32 $0xFFFFC000  }
0x137: {  	[spmem:s3] =	stream.indirect.scatter.add.f32 [tilespmem:s9], [sflag:$0x3], $0x80, s21, s14, $0xb8;
	[tilespmem:$0x1E400] =	vst v63  }
0x138: {  	s23 =	smin.u32 s23, $0x24;
	_ =	swait.ge [sflag:s0], $0x4000  }
0x139: {  	s23 =	sshll.u32 s23, $0x7;
	[sflag:s0] =	ssyncset.done $0x0  }
0x13a: {  	s23 =	sadd.s32 $0x100, s23;
	[sflag:s0] =	ssyncadd.s32 $0xFFFFC000  }
0x13b: {  	[tilespmem:s9], [sflag:$0x1] =	stream.indirect.gather [hbm4b:s2+s14], $0x80, s23, s14, $0xb8;
	[tilespmem:$0x1E400] =	vst v63  }
0x13c: {  	_ =	swait.ge [sflag:s17], $0x4000  }
0x13d: {  	[sflag:s17] =	ssyncset.done $0x0  }
0x13e: {  	s24 =	simm.s32 $0x1480;
	[sflag:s17] =	ssyncadd.s32 $0xFFFFC000  }
0x13f: {  	[spmem:s3] =	stream.indirect.scatter.add.f32 [tilespmem:s15], [sflag:$0x3], $0x80, s24, s14, $0xb8;
	[tilespmem:$0x1E400] =	vst v63  }
0x140: {  	_ =	swait.ge [sflag:s0], $0x4000  }
0x141: {  	s23 =	simm.s32 $0x2;
	[sflag:s0] =	ssyncset.done $0x0  }
.LBB2_12:
0x142: {  	[sflag:s0] =	ssyncadd.s32 $0xFFFFC000  }
0x143: {  	s21 =	sadd.s32 $0x100, s21;
	s22 =	sadd.s32 $0x100, s22;
	s24 =	smov.u32 s23  }
0x144: {  	[tilespmem:s15], [sflag:$0x2] =	stream.indirect.gather [hbm4b:s2+s14], $0x80, s22, s14, $0xb8;
	[tilespmem:$0x1E400] =	vst v63  }
0x145: {  	p2 =	sne.s32 s23, $0x26;
	s23 =	sadd.s32 $0x2, s23;
	_ =	swait.ge [sflag:s16], $0x4000  }
0x146: {  	[sflag:s16] =	ssyncset.done $0x0  }
0x147: {  	[sflag:s16] =	ssyncadd.s32 $0xFFFFC000  }
0x148: {  	[spmem:s3] =	stream.indirect.scatter.add.f32 [tilespmem:s9], [sflag:$0x3], $0x80, s21, s14, $0xb8;
	[tilespmem:$0x1E400] =	vst v63  }
0x149: {  	s24 =	smin.u32 s24, $0x24;
	_ =	swait.ge [sflag:s0], $0x4000  }
0x14a: {  	s24 =	sshll.u32 s24, $0x7;
	[sflag:s0] =	ssyncset.done $0x0  }
0x14b: {  	s24 =	sadd.s32 $0x100, s24;
	[sflag:s0] =	ssyncadd.s32 $0xFFFFC000  }
0x14c: {  	[tilespmem:s9], [sflag:$0x1] =	stream.indirect.gather [hbm4b:s2+s14], $0x80, s24, s14, $0xb8;
	[tilespmem:$0x1E400] =	vst v63  }
0x14d: {  	_ =	swait.ge [sflag:s17], $0x4000  }
.Ltmp8:
0x14e: {  	[sflag:s17] =	ssyncset.done $0x0;
	(pc) =	sbr.rel @p2 .LBB2_12-.Ltmp8, $4  }
0x14f: {  	s24 =	sadd.s32 $0x80, s21;
	[sflag:s17] =	ssyncadd.s32 $0xFFFFC000  }
0x150: {  	[spmem:s3] =	stream.indirect.scatter.add.f32 [tilespmem:s15], [sflag:$0x3], $0x80, s24, s14, $0xb8;
	[tilespmem:$0x1E400] =	vst v63  }
0x151: {  	_ =	swait.ge [sflag:s0], $0x4000  }
0x152: {  	[sflag:s0] =	ssyncset.done $0x0  }
0x153: {  	[sflag:s0] =	ssyncadd.s32 $0xFFFFC000  }
0x154: {  	_ =	swait.ge [sflag:s16], $0x4000  }
0x155: {  	[sflag:s16] =	ssyncset.done $0x0  }
0x156: {  	s23 =	simm.s32 $0x0;
	[sflag:s16] =	ssyncadd.s32 $0xFFFFC000  }
0x157: {  	[tilespmem:s23], [sflag:$0x3] =	stream.linear.gather [hbm4b:s12+s23], $0x1400, $0x38;
	[tilespmem:$0x1E400] =	vst v63  }
0x158: {  	_ =	swait.ge [sflag:s0], $0x1400  }
0x159: {  	[sflag:s0] =	ssyncset.done $0x0  }
0x15a: {  	s21 =	simm.s32 $0x1400;
	[sflag:s0] =	ssyncadd.s32 $0xFFFFEC00  }
0x15b: {  	[tilespmem:s21], [sflag:$0x3] =	stream.linear.gather [hbm4b:s13+s23], $0x1400, $0x38;
	[tilespmem:$0x1E400] =	vst v63  }
0x15c: {  	_ =	swait.ge [sflag:s0], $0x1400  }
0x15d: {  	[sflag:s0] =	ssyncset.done $0x0  }
0x15e: {  	s22 =	simm.s32 $0x80;
	[sflag:s0] =	ssyncadd.s32 $0xFFFFEC00  }
0x15f: {  	[tilespmem:s9], [sflag:$0x1] =	stream.indirect.gather [hbm4b:s2+s22], $0x80, s23, s22, $0xb8;
	[tilespmem:$0x1E400] =	vst v63  }
0x160: {  	_ = 	snop  }
0x161: {  	[tilespmem:s15], [sflag:$0x2] =	stream.indirect.gather [hbm4b:s2+s14], $0x80, s22, s14, $0xb8;
	[tilespmem:$0x1E400] =	vst v63  }
0x162: {  	_ =	swait.ge [sflag:s16], $0x4000  }
0x163: {  	[sflag:s16] =	ssyncset.done $0x0  }
0x164: {  	[sflag:s16] =	ssyncadd.s32 $0xFFFFC000  }
0x165: {  	[spmem:s3] =	stream.indirect.scatter.add.f32 [tilespmem:s9], [sflag:$0x3], $0x80, s21, s14, $0xb8;
	[tilespmem:$0x1E400] =	vst v63  }
0x166: {  	s23 =	smin.u32 s23, $0x24;
	_ =	swait.ge [sflag:s0], $0x4000  }
0x167: {  	s23 =	sshll.u32 s23, $0x7;
	[sflag:s0] =	ssyncset.done $0x0  }
0x168: {  	s23 =	sadd.s32 $0x100, s23;
	[sflag:s0] =	ssyncadd.s32 $0xFFFFC000  }
0x169: {  	[tilespmem:s9], [sflag:$0x1] =	stream.indirect.gather [hbm4b:s2+s14], $0x80, s23, s14, $0xb8;
	[tilespmem:$0x1E400] =	vst v63  }
0x16a: {  	_ =	swait.ge [sflag:s17], $0x4000  }
0x16b: {  	[sflag:s17] =	ssyncset.done $0x0  }
0x16c: {  	s24 =	simm.s32 $0x1480;
	[sflag:s17] =	ssyncadd.s32 $0xFFFFC000  }
0x16d: {  	[spmem:s3] =	stream.indirect.scatter.add.f32 [tilespmem:s15], [sflag:$0x3], $0x80, s24, s14, $0xb8;
	[tilespmem:$0x1E400] =	vst v63  }
0x16e: {  	_ =	swait.ge [sflag:s0], $0x4000  }
0x16f: {  	s23 =	simm.s32 $0x2;
	[sflag:s0] =	ssyncset.done $0x0  }
.LBB2_14:
0x170: {  	[sflag:s0] =	ssyncadd.s32 $0xFFFFC000  }
0x171: {  	s21 =	sadd.s32 $0x100, s21;
	s22 =	sadd.s32 $0x100, s22;
	s24 =	smov.u32 s23  }
0x172: {  	[tilespmem:s15], [sflag:$0x2] =	stream.indirect.gather [hbm4b:s2+s14], $0x80, s22, s14, $0xb8;
	[tilespmem:$0x1E400] =	vst v63  }
0x173: {  	p2 =	sne.s32 s23, $0x26;
	s23 =	sadd.s32 $0x2, s23;
	_ =	swait.ge [sflag:s16], $0x4000  }
0x174: {  	[sflag:s16] =	ssyncset.done $0x0  }
0x175: {  	[sflag:s16] =	ssyncadd.s32 $0xFFFFC000  }
0x176: {  	[spmem:s3] =	stream.indirect.scatter.add.f32 [tilespmem:s9], [sflag:$0x3], $0x80, s21, s14, $0xb8;
	[tilespmem:$0x1E400] =	vst v63  }
0x177: {  	s24 =	smin.u32 s24, $0x24;
	_ =	swait.ge [sflag:s0], $0x4000  }
0x178: {  	s24 =	sshll.u32 s24, $0x7;
	[sflag:s0] =	ssyncset.done $0x0  }
0x179: {  	s24 =	sadd.s32 $0x100, s24;
	[sflag:s0] =	ssyncadd.s32 $0xFFFFC000  }
0x17a: {  	[tilespmem:s9], [sflag:$0x1] =	stream.indirect.gather [hbm4b:s2+s14], $0x80, s24, s14, $0xb8;
	[tilespmem:$0x1E400] =	vst v63  }
0x17b: {  	_ =	swait.ge [sflag:s17], $0x4000  }
.Ltmp9:
0x17c: {  	[sflag:s17] =	ssyncset.done $0x0;
	(pc) =	sbr.rel @p2 .LBB2_14-.Ltmp9, $4  }
0x17d: {  	s24 =	sadd.s32 $0x80, s21;
	[sflag:s17] =	ssyncadd.s32 $0xFFFFC000  }
0x17e: {  	[spmem:s3] =	stream.indirect.scatter.add.f32 [tilespmem:s15], [sflag:$0x3], $0x80, s24, s14, $0xb8;
	[tilespmem:$0x1E400] =	vst v63  }
0x17f: {  	_ =	swait.ge [sflag:s0], $0x4000  }
0x180: {  	[sflag:s0] =	ssyncset.done $0x0  }
0x181: {  	[sflag:s0] =	ssyncadd.s32 $0xFFFFC000  }
0x182: {  	_ =	swait.ge [sflag:s16], $0x4000  }
0x183: {  	[sflag:s16] =	ssyncset.done $0x0  }
0x184: {  	[sflag:s16] =	ssyncadd.s32 $0xFFFFC000  }
0x185: {  	[bflag:$0x0] =	sbarrier.arrive $0xFFFF  }
0x186: {  	s21 =	simm.s32 @p1 $0x1FC3;
	s22 =	rddreg [dreg:$0x7]  }
0x187: {  	[hbm:s22], [sflag:s21] =	dma.local @p1 [spmem:s20], $0x2080  }
0x188: {  	s22 =	simm.s32 @p1 $0x3  }
0x189: {  	_ =	swait.ge @p1 [sflag:s22], $0x2080  }
0x18a: {  	[sflag:s22] =	ssyncset.done @p1 $0x0  }
0x18b: {  	[sflag:s22] =	ssyncadd.s32 @p1 $0xFFFFDF80  }
0x18c: {  	[bflag:$0x0] =	sbarrier.arrive @p1 $0xFFFF  }
0x18d: {  	[spmem:s20], [sflag:s21] =	dma.local @p1 [hbm:s25], $0x2080  }
0x18e: {  	_ =	swait.ge @p1 [sflag:s22], $0x2080  }
0x18f: {  	[sflag:s22] =	ssyncset.done @p1 $0x0  }
0x190: {  	s21 =	rddreg [dreg:$0x6];
	[sflag:s22] =	ssyncadd.s32 @p1 $0xFFFFDF80  }
0x191: {  	[hbm:s21], [sflag:s19] =	dma.local @!p1 [spmem:s18], $0x2780  }
0x192: {  	s21 =	simm.s32 @!p1 $0x3  }
0x193: {  	_ =	swait.ge @!p1 [sflag:s21], $0x2780  }
0x194: {  	[sflag:s21] =	ssyncset.done @!p1 $0x0  }
0x195: {  	[sflag:s21] =	ssyncadd.s32 @!p1 $0xFFFFD880  }
0x196: {  	[bflag:$0x0] =	sbarrier.arrive @!p1 $0xFFFF  }
0x197: {  	s22 =	rddreg [dreg:$0xf]  }
0x198: {  	[spmem:s18], [sflag:s19] =	dma.local @!p1 [hbm:s22], $0x2780  }
0x199: {  	_ =	swait.ge @!p1 [sflag:s21], $0x2780  }
0x19a: {  	[sflag:s21] =	ssyncset.done @!p1 $0x0  }
0x19b: {  	[sflag:s21] =	ssyncadd.s32 @!p1 $0xFFFFD880  }
0x19c: {  	s23 =	simm.s32 $0x0;
	[bflag:$0x0] =	sbarrier.arrive $0xFFFF  }
0x19d: {  	[tilespmem:s23], [sflag:$0x3] =	stream.linear.gather [hbm4b:s10+s23], $0x1400, $0x38;
	[tilespmem:$0x1E400] =	vst v63  }
0x19e: {  	_ =	swait.ge [sflag:s0], $0x1400  }
0x19f: {  	[sflag:s0] =	ssyncset.done $0x0  }
0x1a0: {  	s21 =	simm.s32 $0x1400;
	[sflag:s0] =	ssyncadd.s32 $0xFFFFEC00  }
0x1a1: {  	[tilespmem:s21], [sflag:$0x3] =	stream.linear.gather [hbm4b:s11+s23], $0x1400, $0x38;
	[tilespmem:$0x1E400] =	vst v63  }
0x1a2: {  	_ =	swait.ge [sflag:s0], $0x1400  }
0x1a3: {  	[sflag:s0] =	ssyncset.done $0x0  }
0x1a4: {  	s22 =	simm.s32 $0x80;
	[sflag:s0] =	ssyncadd.s32 $0xFFFFEC00  }
0x1a5: {  	[tilespmem:s9], [sflag:$0x1] =	stream.indirect.gather [hbm4b:s7+s22], $0x80, s23, s22, $0xb8;
	[tilespmem:$0x1E400] =	vst v63  }
0x1a6: {  	_ = 	snop  }
0x1a7: {  	[tilespmem:s15], [sflag:$0x2] =	stream.indirect.gather [hbm4b:s7+s14], $0x80, s22, s14, $0xb8;
	[tilespmem:$0x1E400] =	vst v63  }
0x1a8: {  	_ =	swait.ge [sflag:s16], $0x4000  }
0x1a9: {  	[sflag:s16] =	ssyncset.done $0x0  }
0x1aa: {  	[sflag:s16] =	ssyncadd.s32 $0xFFFFC000  }
0x1ab: {  	[spmem:s3] =	stream.indirect.scatter.add.f32 [tilespmem:s9], [sflag:$0x3], $0x80, s21, s14, $0xb8;
	[tilespmem:$0x1E400] =	vst v63  }
0x1ac: {  	s23 =	smin.u32 s23, $0x24;
	_ =	swait.ge [sflag:s0], $0x4000  }
0x1ad: {  	s23 =	sshll.u32 s23, $0x7;
	[sflag:s0] =	ssyncset.done $0x0  }
0x1ae: {  	s23 =	sadd.s32 $0x100, s23;
	[sflag:s0] =	ssyncadd.s32 $0xFFFFC000  }
0x1af: {  	[tilespmem:s9], [sflag:$0x1] =	stream.indirect.gather [hbm4b:s7+s14], $0x80, s23, s14, $0xb8;
	[tilespmem:$0x1E400] =	vst v63  }
0x1b0: {  	_ =	swait.ge [sflag:s17], $0x4000  }
0x1b1: {  	[sflag:s17] =	ssyncset.done $0x0  }
0x1b2: {  	s24 =	simm.s32 $0x1480;
	[sflag:s17] =	ssyncadd.s32 $0xFFFFC000  }
0x1b3: {  	[spmem:s3] =	stream.indirect.scatter.add.f32 [tilespmem:s15], [sflag:$0x3], $0x80, s24, s14, $0xb8;
	[tilespmem:$0x1E400] =	vst v63  }
0x1b4: {  	_ =	swait.ge [sflag:s0], $0x4000  }
0x1b5: {  	s23 =	simm.s32 $0x2;
	[sflag:s0] =	ssyncset.done $0x0  }
.LBB2_16:
0x1b6: {  	[sflag:s0] =	ssyncadd.s32 $0xFFFFC000  }
0x1b7: {  	s21 =	sadd.s32 $0x100, s21;
	s22 =	sadd.s32 $0x100, s22;
	s24 =	smov.u32 s23  }
0x1b8: {  	[tilespmem:s15], [sflag:$0x2] =	stream.indirect.gather [hbm4b:s7+s14], $0x80, s22, s14, $0xb8;
	[tilespmem:$0x1E400] =	vst v63  }
0x1b9: {  	p2 =	sne.s32 s23, $0x26;
	s23 =	sadd.s32 $0x2, s23;
	_ =	swait.ge [sflag:s16], $0x4000  }
0x1ba: {  	[sflag:s16] =	ssyncset.done $0x0  }
0x1bb: {  	[sflag:s16] =	ssyncadd.s32 $0xFFFFC000  }
0x1bc: {  	[spmem:s3] =	stream.indirect.scatter.add.f32 [tilespmem:s9], [sflag:$0x3], $0x80, s21, s14, $0xb8;
	[tilespmem:$0x1E400] =	vst v63  }
0x1bd: {  	s24 =	smin.u32 s24, $0x24;
	_ =	swait.ge [sflag:s0], $0x4000  }
0x1be: {  	s24 =	sshll.u32 s24, $0x7;
	[sflag:s0] =	ssyncset.done $0x0  }
0x1bf: {  	s24 =	sadd.s32 $0x100, s24;
	[sflag:s0] =	ssyncadd.s32 $0xFFFFC000  }
0x1c0: {  	[tilespmem:s9], [sflag:$0x1] =	stream.indirect.gather [hbm4b:s7+s14], $0x80, s24, s14, $0xb8;
	[tilespmem:$0x1E400] =	vst v63  }
0x1c1: {  	_ =	swait.ge [sflag:s17], $0x4000  }
.Ltmp10:
0x1c2: {  	[sflag:s17] =	ssyncset.done $0x0;
	(pc) =	sbr.rel @p2 .LBB2_16-.Ltmp10, $4  }
0x1c3: {  	s24 =	sadd.s32 $0x80, s21;
	[sflag:s17] =	ssyncadd.s32 $0xFFFFC000  }
0x1c4: {  	[spmem:s3] =	stream.indirect.scatter.add.f32 [tilespmem:s15], [sflag:$0x3], $0x80, s24, s14, $0xb8;
	[tilespmem:$0x1E400] =	vst v63  }
0x1c5: {  	_ =	swait.ge [sflag:s0], $0x4000  }
0x1c6: {  	[sflag:s0] =	ssyncset.done $0x0  }
0x1c7: {  	[sflag:s0] =	ssyncadd.s32 $0xFFFFC000  }
0x1c8: {  	_ =	swait.ge [sflag:s16], $0x4000  }
0x1c9: {  	[sflag:s16] =	ssyncset.done $0x0  }
0x1ca: {  	s23 =	simm.s32 $0x0;
	[sflag:s16] =	ssyncadd.s32 $0xFFFFC000  }
0x1cb: {  	[tilespmem:s23], [sflag:$0x3] =	stream.linear.gather [hbm4b:s12+s23], $0x1400, $0x38;
	[tilespmem:$0x1E400] =	vst v63  }
0x1cc: {  	_ =	swait.ge [sflag:s0], $0x1400  }
0x1cd: {  	[sflag:s0] =	ssyncset.done $0x0  }
0x1ce: {  	s21 =	simm.s32 $0x1400;
	[sflag:s0] =	ssyncadd.s32 $0xFFFFEC00  }
0x1cf: {  	[tilespmem:s21], [sflag:$0x3] =	stream.linear.gather [hbm4b:s13+s23], $0x1400, $0x38;
	[tilespmem:$0x1E400] =	vst v63  }
0x1d0: {  	_ =	swait.ge [sflag:s0], $0x1400  }
0x1d1: {  	[sflag:s0] =	ssyncset.done $0x0  }
0x1d2: {  	s22 =	simm.s32 $0x80;
	[sflag:s0] =	ssyncadd.s32 $0xFFFFEC00  }
0x1d3: {  	[tilespmem:s9], [sflag:$0x1] =	stream.indirect.gather [hbm4b:s7+s22], $0x80, s23, s22, $0xb8;
	[tilespmem:$0x1E400] =	vst v63  }
0x1d4: {  	_ = 	snop  }
0x1d5: {  	[tilespmem:s15], [sflag:$0x2] =	stream.indirect.gather [hbm4b:s7+s14], $0x80, s22, s14, $0xb8;
	[tilespmem:$0x1E400] =	vst v63  }
0x1d6: {  	_ =	swait.ge [sflag:s16], $0x4000  }
0x1d7: {  	[sflag:s16] =	ssyncset.done $0x0  }
0x1d8: {  	[sflag:s16] =	ssyncadd.s32 $0xFFFFC000  }
0x1d9: {  	[spmem:s3] =	stream.indirect.scatter.add.f32 [tilespmem:s9], [sflag:$0x3], $0x80, s21, s14, $0xb8;
	[tilespmem:$0x1E400] =	vst v63  }
0x1da: {  	s23 =	smin.u32 s23, $0x24;
	_ =	swait.ge [sflag:s0], $0x4000  }
0x1db: {  	s23 =	sshll.u32 s23, $0x7;
	[sflag:s0] =	ssyncset.done $0x0  }
0x1dc: {  	s23 =	sadd.s32 $0x100, s23;
	[sflag:s0] =	ssyncadd.s32 $0xFFFFC000  }
0x1dd: {  	[tilespmem:s9], [sflag:$0x1] =	stream.indirect.gather [hbm4b:s7+s14], $0x80, s23, s14, $0xb8;
	[tilespmem:$0x1E400] =	vst v63  }
0x1de: {  	_ =	swait.ge [sflag:s17], $0x4000  }
0x1df: {  	[sflag:s17] =	ssyncset.done $0x0  }
0x1e0: {  	s24 =	simm.s32 $0x1480;
	[sflag:s17] =	ssyncadd.s32 $0xFFFFC000  }
0x1e1: {  	[spmem:s3] =	stream.indirect.scatter.add.f32 [tilespmem:s15], [sflag:$0x3], $0x80, s24, s14, $0xb8;
	[tilespmem:$0x1E400] =	vst v63  }
0x1e2: {  	_ =	swait.ge [sflag:s0], $0x4000  }
0x1e3: {  	s23 =	simm.s32 $0x2;
	[sflag:s0] =	ssyncset.done $0x0  }
.LBB2_18:
0x1e4: {  	[sflag:s0] =	ssyncadd.s32 $0xFFFFC000  }
0x1e5: {  	s21 =	sadd.s32 $0x100, s21;
	s22 =	sadd.s32 $0x100, s22;
	s24 =	smov.u32 s23  }
0x1e6: {  	[tilespmem:s15], [sflag:$0x2] =	stream.indirect.gather [hbm4b:s7+s14], $0x80, s22, s14, $0xb8;
	[tilespmem:$0x1E400] =	vst v63  }
0x1e7: {  	p2 =	sne.s32 s23, $0x26;
	s23 =	sadd.s32 $0x2, s23;
	_ =	swait.ge [sflag:s16], $0x4000  }
0x1e8: {  	[sflag:s16] =	ssyncset.done $0x0  }
0x1e9: {  	[sflag:s16] =	ssyncadd.s32 $0xFFFFC000  }
0x1ea: {  	[spmem:s3] =	stream.indirect.scatter.add.f32 [tilespmem:s9], [sflag:$0x3], $0x80, s21, s14, $0xb8;
	[tilespmem:$0x1E400] =	vst v63  }
0x1eb: {  	s24 =	smin.u32 s24, $0x24;
	_ =	swait.ge [sflag:s0], $0x4000  }
0x1ec: {  	s24 =	sshll.u32 s24, $0x7;
	[sflag:s0] =	ssyncset.done $0x0  }
0x1ed: {  	s24 =	sadd.s32 $0x100, s24;
	[sflag:s0] =	ssyncadd.s32 $0xFFFFC000  }
0x1ee: {  	[tilespmem:s9], [sflag:$0x1] =	stream.indirect.gather [hbm4b:s7+s14], $0x80, s24, s14, $0xb8;
	[tilespmem:$0x1E400] =	vst v63  }
0x1ef: {  	_ =	swait.ge [sflag:s17], $0x4000  }
.Ltmp11:
0x1f0: {  	[sflag:s17] =	ssyncset.done $0x0;
	(pc) =	sbr.rel @p2 .LBB2_18-.Ltmp11, $4  }
0x1f1: {  	s24 =	sadd.s32 $0x80, s21;
	[sflag:s17] =	ssyncadd.s32 $0xFFFFC000  }
0x1f2: {  	[spmem:s3] =	stream.indirect.scatter.add.f32 [tilespmem:s15], [sflag:$0x3], $0x80, s24, s14, $0xb8;
	[tilespmem:$0x1E400] =	vst v63  }
0x1f3: {  	_ =	swait.ge [sflag:s0], $0x4000  }
0x1f4: {  	[sflag:s0] =	ssyncset.done $0x0  }
.Ltmp12:
0x1f5: {  	_ = 	snop;
	(pc) =	sbr.rel .LBB2_19-.Ltmp12, $1  }
0x1f6: {  	_ =	sdelay $0x3  }
.LBB2_21:
0x1f7: {  	_ =	sfence.sel $0x180000  }
0x1f8: {  	[bflag:$0x0] =	sbarrier.arrive $0xFFFF  }
0x1f9: {  	_ =	strace $0x9000004D  }
0x1fa: {  	[bflag:$0x2] =	sbarrier.arrive $0xFFFF  }
0x1fb: {  	p0 =	sne.s32 s5, $0x0;
	s0 =	rddreg [dreg:$0x4]  }
0x1fc: {  	s0 =	sadd.s32 @!p0 $0x100000, s0  }
0x1fd: {  	[sflag:s0] =	ssyncadd.tile.s32 @!p0 $0x1;
	_ =	shalt  }
.Lfunc_end2:
_tile_overlayer_lowered:
.L_overlay_start_2:
0x1fe: {  	(tag) =	ssettag $0x2  }
0x1ff: {  	s0 =	rddreg [dreg:$0x0];
	s2 =	stileid.u32  }
0x200: {  	s1 =	rddreg [dreg:$0x1];
	p0 =	sne.s32 s2, $0x0  }
0x201: {  	s3 =	rddreg [dreg:$0x2];
	[bflag:$0x3] =	sbarrier.arrive $0xFFFF;
	s2 =	simm.s32 @!p0 $0x1C03  }
0x202: {  	[timem:s3], [sflag:s2] =	dma.local @!p0 [hbm:s0], s1  }
0x203: {  	s0 =	simm.s32 @!p0 $0x3  }
0x204: {  	_ =	swait.ge @!p0 [sflag:s0], s1  }
0x205: {  	s1 =	ssub.s32 @!p0 $0x0, s1;
	[sflag:s0] =	ssyncset.done @!p0 $0x0  }
0x206: {  	[sflag:s0] =	ssyncadd.s32 @!p0 s1  }
0x207: {  	[bflag:$0x3] =	sbarrier.arrive $0xFFFF  }
0x208: {  	_ =	shalt  }

// kernel: kernel.8.cloned.1.call-start
scs
__scs_entry_jumppad:
0x0: {  	(pc) =	sbr.rel $0x88, $3  }
0x1: {  	(tag) =	ssettag $0x0;
	lr =	simm.s32 $0x1  }
0x2: {  	[smem:$0x3F99] =	sst lr;
	_ =	strace $0xD0000000  }
0x3: {  	_ = 	snop  }
0x4: {  	_ = 	snop  }
0x5: {  	_ = 	snop  }
0x6: {  	_ = 	snop  }
0x7: {  	_ = 	snop  }
__scs_overlays_trampoline_lowered:
0x8: {  	[smem:$0x3FA8] =	sst s0  }
0x9: {  	[smem:$0x3FA9] =	sst s1  }
0xa: {  	[smem:$0x3FAA] =	sst s2  }
0xb: {  	[smem:$0x3FAB] =	sst s3  }
0xc: {  	[smem:$0x3FAC] =	sst s4  }
0xd: {  	[smem:$0x3FAD] =	sst s5  }
0xe: {  	[smem:$0x3FAE] =	sst s6  }
0xf: {  	[smem:$0x3FAF] =	sst s7  }
0x10: {  	[smem:$0x3FB0] =	sst s8  }
0x11: {  	[smem:$0x3FB1] =	sst s9;
	s0 =	simm.s32 @!p0 $0x0  }
0x12: {  	s1 =	sld [smem:$0x3F97];
	s0 =	simm.s32 @p0 $0x1  }
0x13: {  	[smem:$0x3FB2] =	sst s0;
	s0 =	simm.s32 @!p1 $0x0  }
0x14: {  	s2 =	sld [smem:$0x3F96];
	s0 =	simm.s32 @p1 $0x1  }
0x15: {  	[smem:$0x3FB3] =	sst s0;
	s0 =	simm.s32 @!p2 $0x0  }
0x16: {  	s3 =	sld [smem:$0x3FDB];
	s0 =	simm.s32 @p2 $0x1  }
0x17: {  	s4 =	simm.s32 $0x1BF5;
	[smem:$0x3FB5] =	sst s0  }
0x18: {  	s0 =	sld [smem:$0x3F98];
	_ =	swait.ge [sflag:s4], $0x0  }
0x19: {  	s7 =	sld [smem:$0x3F99]  }
0x1a: {  	s8 =	sadd.s32 $0xFFFFE003, lr  }
0x1b: {  	s9 =	sadd.s32 $0xFFFFFEF7, lr;
	s5 =	simm.s32 $0xFFFFFFFF;
	p2 =	slt.u32 s8, $0xFFFFF086  }
0x1c: {  	p1 =	slt.u32 s9, $0xF7A;
	s5 =	simm.s32 @!p2 $0x0  }
0x1d: {  	s5 =	simm.s32 @p1 $0x1;
	p0 =	seq.s32 s7, s2  }
0x1e: {  	s7 =	smul.u32 @!p0 $0xF7A, s2;
	p2 =	seq.s32 @!p0 s5, $0x0  }
0x1f: {  	s9 =	smul.u32 $0xF7A, s1;
	s8 =	simm.s32 @!p0 $0x1BF5;
	p2 =	por !p2, p0  }
0x20: {  	[sflag:s8] =	ssyncset.s32 @!p0 $0xFFFFF086;
	s6 =	sadd.s32 @!p0 s3, s7;
	s7 =	simm.s32 @!p0 $0x108  }
0x21: {  	s3 =	sadd.s32 s3, s9;
	s6 =	sadd.s32 @!p0 $0x88, s6;
	s7 =	simm.s32 @p2 $0x1082  }
0x22: {  	[simem:s7], [sflag:s8] =	dma.local @!p0 [hbm:s6], $0xF7A  }
0x23: {  	s9 =	sor.u32 $0xD0000000, s2;
	s6 =	simm.s32 $0x108;
	_ =	swait.ge @!p0 [sflag:s8], $0x0  }
0x24: {  	s3 =	sadd.s32 $0x88, s3;
	s6 =	simm.s32 @!p1 $0x1082;
	[sflag:s4] =	ssyncset.s32 $0xFFFFF086  }
0x25: {  	[simem:s6], [sflag:s4] =	dma.local [hbm:s3], $0xF7A  }
0x26: {  	[smem:$0x3F99] =	sst s1;
	(tag) =	ssettag s2;
	_ =	strace s9  }
0x27: {  	s1 =	sld [smem:$0x3FA9]  }
0x28: {  	s2 =	sld [smem:$0x3FAA]  }
0x29: {  	s4 =	sld [smem:$0x3FAC]  }
0x2a: {  	p0 =	seq.s32 s5, $0x0;
	s5 =	sld [smem:$0x3FAD]  }
0x2b: {  	s6 =	sld [smem:$0x3FAE]  }
0x2c: {  	s7 =	sld [smem:$0x3FAF]  }
0x2d: {  	s3 =	simm.s32 $0x108;
	s8 =	sld [smem:$0x3FB0]  }
0x2e: {  	s3 =	simm.s32 @!p0 $0x1082;
	s9 =	sld [smem:$0x3FB1]  }
0x2f: {  	lr =	sadd.s32 s0, s3;
	s0 =	sld [smem:$0x3FA8]  }
0x30: {  	s3 =	sld [smem:$0x3FAB]  }
0x31: {  	[smem:$0x3FB4] =	sst s10  }
0x32: {  	s10 =	sld [smem:$0x3FB2];
	_ =	sdelay $0x3  }
0x33: {  	p0 =	seq.s32 s10, $0x1;
	s10 =	sld [smem:$0x3FB4];
	_ =	sdelay $0x3  }
0x34: {  	[smem:$0x3FB4] =	sst s10  }
0x35: {  	s10 =	sld [smem:$0x3FB3];
	_ =	sdelay $0x3  }
0x36: {  	p1 =	seq.s32 s10, $0x1;
	s10 =	sld [smem:$0x3FB4];
	_ =	sdelay $0x3  }
0x37: {  	[smem:$0x3FB4] =	sst s10  }
0x38: {  	s10 =	sld [smem:$0x3FB5]  }
0x39: {  	_ = 	snop;
	(pc) =	sbr.ind lr, $3  }
0x3a: {  	_ = 	snop  }
0x3b: {  	_ = 	snop  }
0x3c: {  	p2 =	seq.s32 s10, $0x1;
	s10 =	sld [smem:$0x3FB4]  }
0x3d: {  	_ =	shalt  }
0x3e: {  	_ =	shalt  }
0x3f: {  	_ =	shalt  }
0x40: {  	_ =	shalt  }
0x41: {  	_ =	shalt  }
0x42: {  	_ =	shalt  }
0x43: {  	_ =	shalt  }
0x44: {  	_ =	shalt  }
0x45: {  	_ =	shalt  }
0x46: {  	_ =	shalt  }
0x47: {  	_ =	shalt  }
0x48: {  	_ =	shalt  }
0x49: {  	_ =	shalt  }
0x4a: {  	_ =	shalt  }
0x4b: {  	_ =	shalt  }
0x4c: {  	_ =	shalt  }
0x4d: {  	_ =	shalt  }
0x4e: {  	_ =	shalt  }
0x4f: {  	_ =	shalt  }
0x50: {  	_ =	shalt  }
0x51: {  	_ =	shalt  }
0x52: {  	_ =	shalt  }
0x53: {  	_ =	shalt  }
0x54: {  	_ =	shalt  }
0x55: {  	_ =	shalt  }
0x56: {  	_ =	shalt  }
0x57: {  	_ =	shalt  }
0x58: {  	_ =	shalt  }
0x59: {  	_ =	shalt  }
0x5a: {  	_ =	shalt  }
0x5b: {  	_ =	shalt  }
0x5c: {  	_ =	shalt  }
0x5d: {  	_ =	shalt  }
0x5e: {  	_ =	shalt  }
0x5f: {  	_ =	shalt  }
0x60: {  	_ =	shalt  }
0x61: {  	_ =	shalt  }
0x62: {  	_ =	shalt  }
0x63: {  	_ =	shalt  }
0x64: {  	_ =	shalt  }
0x65: {  	_ =	shalt  }
0x66: {  	_ =	shalt  }
0x67: {  	_ =	shalt  }
0x68: {  	_ =	shalt  }
0x69: {  	_ =	shalt  }
0x6a: {  	_ =	shalt  }
0x6b: {  	_ =	shalt  }
0x6c: {  	_ =	shalt  }
0x6d: {  	_ =	shalt  }
0x6e: {  	_ =	shalt  }
0x6f: {  	_ =	shalt  }
0x70: {  	_ =	shalt  }
0x71: {  	_ =	shalt  }
0x72: {  	_ =	shalt  }
0x73: {  	_ =	shalt  }
0x74: {  	_ =	shalt  }
0x75: {  	_ =	shalt  }
0x76: {  	_ =	shalt  }
0x77: {  	_ =	shalt  }
0x78: {  	_ =	shalt  }
0x79: {  	_ =	shalt  }
0x7a: {  	_ =	shalt  }
0x7b: {  	_ =	shalt  }
0x7c: {  	_ =	shalt  }
0x7d: {  	_ =	shalt  }
0x7e: {  	_ =	shalt  }
0x7f: {  	_ =	shalt  }
0x80: {  	_ =	shalt  }
0x81: {  	_ =	shalt  }
0x82: {  	_ =	shalt  }
0x83: {  	_ =	shalt  }
0x84: {  	_ =	shalt  }
0x85: {  	_ =	shalt  }
0x86: {  	_ =	shalt  }
0x87: {  	_ =	shalt  }
.Lfunc_end0:
.L_simem_size_0:
called_computation_lowered:
.L_overlay_start_0:
0x88: {  	s2 =	sld [smem:$0x3FD9]  }
0x89: {  	s3 =	sld [smem:$0x3FFE];
	_ =	sdelay $0x1  }
0x8a: {  	s1 =	srdreg.scid  }
0x8b: {  	s0 =	sand.u32 $0x1, s1  }
0x8c: {  	s14 =	sshll.u32 s0, $0xA;
	s2 =	sadd.s32 s3, s2  }
0x8d: {  	s2 =	sadd.s32 s2, s14  }
0x8e: {  	[smem:$0x3FC0] =	sst s2  }
0x8f: {  	_ = 	snop  }
0x90: {  	s2 =	sld [smem:$0x3FD0];
	_ =	sdelay $0x2  }
0x91: {  	s15 =	simm.s32 $0xA;
	s4 =	simm.s32 $0x10  }
0x92: {  	[smem:s4], [sflag:s15] =	dma.local [hbm:s2], $0x1  }
0x93: {  	_ =	swait.eq [sflag:s15], $0x1  }
0x94: {  	[sflag:s15] =	ssyncset.done $0x0  }
0x95: {  	s16 =	sld [smem:$0x10];
	[sflag:s15] =	ssyncadd.s32 $0xFFFFFFFF  }
0x96: {  	s17 =	sld [smem:$0x11];
	(tm) =	ssettm $0x1  }
0x97: {  	s18 =	sld [smem:$0x3FFB];
	_ =	sdelay $0x3  }
0x98: {  	_ =	strace s18  }
0x99: {  	s4 =	sld [smem:$0x3FFC];
	_ =	sdelay $0x3  }
0x9a: {  	_ =	strace s4  }
0x9b: {  	s4 =	sld [smem:$0x3FFD];
	_ =	sdelay $0x3  }
0x9c: {  	_ =	strace s4  }
0x9d: {  	_ =	strace $0x8FFFFFFF  }
0x9e: {  	s19 =	sld [smem:$0x3FDB];
	_ =	sdelay $0x1  }
0x9f: {  	s5 =	simm.s32 $_scs_section_size  }
0xa0: {  	s6 =	simm.s32 $_size__tile_overlayer_lowered;
	s7 =	simm.s32 $_tile_overlayer_lowered  }
0xa1: {  	s22 =	simm.s32 $0x1BFF;
	s21 =	sshll.u32 s7, $0x1;
	s4 =	sadd.s32 s5, s19  }
0xa2: {  	s8 =	simm.s32 $0x0;
	s20 =	sshll.u32 s6, $0x1;
	s6 =	sadd.s32 s21, s4  }
0xa3: {  	[timem:s8], [sflag:s22] =	dma.local [hbm:s6], s20  }
0xa4: {  	_ =	swait.ge [sflag:s22], s20  }
0xa5: {  	s5 =	ssub.s32 $0x0, s20;
	[sflag:s22] =	ssyncset.done $0x0  }
0xa6: {  	[sflag:s22] =	ssyncadd.s32 s5;
	_ =	sdelay $0x1  }
0xa7: {  	s23 =	simm.s32 $0x1B8B  }
0xa8: {  	_ =	swait.ge [sflag:s23], $0x1  }
0xa9: {  	[sflag:s23] =	ssyncset.done $0x0  }
0xaa: {  	s25 =	simm.s32 $0x1B8E;
	s24 =	sld [smem:$0x3FFE];
	[sflag:s23] =	ssyncadd.s32 $0xFFFFFFFF  }
0xab: {  	s26 =	simm.s32 $execute0_lowered;
	[smem:$0x3FD2] =	sst s25  }
0xac: {  	s6 =	sshll.u32 s26, $0x1;
	_ =	strace $0x80000046;
	[dreg:$0x1] =	wrdreg $0xFFFFFFFF  }
0xad: {  	s28 =	simm.s32 $_size_execute0_lowered;
	s4 =	sadd.s32 s4, s6;
	[dreg:$0x0] =	wrdreg $0x0  }
0xae: {  	s6 =	sshll.u32 s28, $0x1;
	[dreg:$0x2] =	wrdreg s4  }
0xaf: {  	[dreg:$0x3] =	wrdreg s6  }
0xb0: {  	[dreg:$0x4] =	wrdreg $0xC0  }
0xb1: {  	_ =	task [dreg:s8], $0x5FFFF  }
0xb2: {  	[dreg:$0x1] =	wrdreg $0xFFFFFFFF  }
0xb3: {  	[dreg:$0x0] =	wrdreg $0x60  }
0xb4: {  	[dreg:$0x2] =	wrdreg s24  }
0xb5: {  	[dreg:$0x3] =	wrdreg s16  }
0xb6: {  	[dreg:$0x4] =	wrdreg s17  }
0xb7: {  	[dreg:$0x5] =	wrdreg $0x54000  }
0xb8: {  	[dreg:$0x6] =	wrdreg $0x9  }
0xb9: {  	_ =	task.clear_ibuf [dreg:s8], $0x7FFFF;
	_ =	strace $0x90000046  }
0xba: {  	s29 =	simm.s32 $0x9;
	_ =	strace $0x80000048  }
0xbb: {  	_ =	swait.ge [sflag:s29], $0x1  }
0xbc: {  	[sflag:s29] =	ssyncadd.s32 $0xFFFFFFFF  }
0xbd: {  	_ =	strace $0x90000048  }
0xbe: {  	_ =	sfence  }
0xbf: {  	s30 =	sld [smem:$0x0];
	_ =	sdelay $0x2  }
0xc0: {  	s31 =	sshll.u32 s1, $0xD;
	s1 =	sshrl.u32 s1, $0x2  }
0xc1: {  	s3 =	sand.u32 $0x4000, s31;
	s1 =	sadd.s32 s1, s30  }
0xc2: {  	s0 =	sor.u32 s3, s0;
	s1 =	sshll.u32 s1, $0x11  }
0xc3: {  	s0 =	sor.u32 s1, s0  }
0xc4: {  	s0 =	sadd.s32 $0x8F2B, s0  }
0xc5: {  	[sflag:s0] =	ssyncadd.remote.s32 $0x1  }
0xc6: {  	_ =	sfence.sel $0xFFFF  }
0xc7: {  	[dreg:$0x0] =	wrdreg $0xFFFFFFFF;
	(pc) =	sbr.abs _section_cstart, $3  }
0xc8: {  	[dreg:$0x1] =	wrdreg $0xFFFFFFFF  }
0xc9: {  	_ =	task.clear_ibuf [dreg:s8], $0x2FFFF;
	_ =	strace $0x9FFFFFFF  }
0xca: {  	(tm) =	ssettm $0x7FFFFFFF  }
0xcb: {  	_ =	shalt  }
tec
execute0_lowered:
.L_overlay_start_1:
0x0: {  	(tag) =	ssettag $0x1  }
0x1: {  	s0 =	rddreg [dreg:$0x0];
	s1 =	srdreg.scid  }
0x2: {  	s10 =	stileid.u32;
	s6 =	rddreg [dreg:$0x2]  }
0x3: {  	s3 =	rddreg [dreg:$0x3];
	s4 =	simm.s32 $0x0;
	s13 =	simm.s32 $0x80  }
0x4: {  	s15 =	simm.s32 $0xB80;
	s16 =	simm.s32 $0xC00;
	s17 =	simm.s32 $0xC80  }
0x5: {  	s18 =	simm.s32 $0xD00;
	s19 =	simm.s32 $0xD80;
	s20 =	simm.s32 $0xE00  }
0x6: {  	s21 =	simm.s32 $0xE80;
	s22 =	simm.s32 $0xF00;
	s23 =	simm.s32 $0xF80  }
0x7: {  	s24 =	simm.s32 $0x1000;
	s28 =	simm.s32 $0x1180;
	s29 =	simm.s32 $0x1200  }
0x8: {  	s30 =	simm.s32 $0x1280;
	s31 =	simm.s32 $0x1300;
	s1 =	sand.u32 $0x1, s1  }
0x9: {  	s2 =	sshll.u32 s10, $0x1;
	s7 =	smul.u32 $0x2780, s10;
	[smem:$0x7FF] =	sst s4  }
0xa: {  	s8 =	smul.u32 $0x4F000, s10;
	s26 =	sshll.u32 s10, $0x6;
	s10 =	simm.s32 $0x1400  }
0xb: {  	s2 =	sor.u32 s1, s2;
	s5 =	smul.u32 $0x27800, s1;
	_ =	strace $0x80000047  }
0xc: {  	s1 =	ssub.s32 $0x2, s1;
	s11 =	sor.u32 $0x1C02, s26;
	s26 =	simm.s32 $0x1100  }
0xd: {  	s2 =	smul.u32 $0x280, s2;
	s9 =	sshrl.u32 s1, $0x1;
	s8 =	sshrl.u32 s8, $0x2  }
0xe: {  	s6 =	sadd.s32 s6, s7;
	s5 =	sadd.s32 s7, s5;
	s1 =	ssub.s32 s1, s9  }
0xf: {  	s25 =	sadd.s32 s8, s3;
	s9 =	simm.s32 $0x2;
	s2 =	sadd.s32 s2, s0  }
0x10: {  	s0 =	sadd.s32 s5, s0;
	s8 =	smax.u32 s1, $0x1;
	s12 =	sshrl.u32 s25, $0x3  }
0x11: {  	s25 =	simm.s32 $0x1080;
	s1 =	simm.s32 $0x0;
	s5 =	sadd.s32 $0x3800, s2  }
0x12: {  	s7 =	sadd.s32 $0xD800, s0;
	s2 =	simm.s32 $0x1380;
	s0 =	simm.s32 $0x1  }
.LBB2_1:
0x13: {  	[tilespmem:s4], [sflag:$0x2] =	stream.linear.gather [hbm4b:s5+s4], $0x1400, $0x38;
	[tilespmem:$0x19000] =	vst v63  }
0x14: {  	_ =	swait.ge [sflag:s9], $0x1400  }
0x15: {  	[sflag:s9] =	ssyncset.done $0x0  }
0x16: {  	[sflag:s9] =	ssyncadd.s32 $0xFFFFEC00  }
0x17: {  	s14 =	rddreg [dreg:$0x1]  }
0x18: {  	[tilespmem:s10], [sflag:$0x2] =	stream.linear.gather [hbm4b:s14+s4], $0x4000, $0x38;
	[tilespmem:$0x19000] =	vst v63  }
0x19: {  	_ =	swait.ge [sflag:s9], $0x4000  }
0x1a: {  	[sflag:s9] =	ssyncset.done $0x0  }
0x1b: {  	[sflag:s9] =	ssyncadd.s32 $0xFFFFC000  }
0x1c: {  	[spmem:s12], [sflag:s11] =	dma.local [hbm:s6], $0x2780  }
0x1d: {  	_ =	swait.ge [sflag:s9], $0x2780  }
0x1e: {  	[sflag:s9] =	ssyncset.done $0x0  }
0x1f: {  	[sflag:s9] =	ssyncadd.s32 $0xFFFFD880  }
0x20: {  	[bflag:$0x0] =	sbarrier.arrive $0xFFFF  }
0x21: {  	[spmem:s3] =	stream.indirect.scatter.add.f32 [tilespmem:s10], [sflag:$0x1], $0x80, s4, s13, $0xb8;
	[tilespmem:$0x19000] =	vst v63  }
0x22: {  	_ = 	snop  }
0x23: {  	[spmem:s3] =	stream.indirect.scatter.add.f32 [tilespmem:s10], [sflag:$0x1], $0x80, s13, s13, $0xb8;
	[tilespmem:$0x19000] =	vst v63  }
0x24: {  	s14 =	simm.s32 $0x100  }
0x25: {  	[spmem:s3] =	stream.indirect.scatter.add.f32 [tilespmem:s10], [sflag:$0x1], $0x80, s14, s13, $0xb8;
	[tilespmem:$0x19000] =	vst v63  }
0x26: {  	s14 =	simm.s32 $0x180  }
0x27: {  	[spmem:s3] =	stream.indirect.scatter.add.f32 [tilespmem:s10], [sflag:$0x1], $0x80, s14, s13, $0xb8;
	[tilespmem:$0x19000] =	vst v63  }
0x28: {  	s14 =	simm.s32 $0x200  }
0x29: {  	[spmem:s3] =	stream.indirect.scatter.add.f32 [tilespmem:s10], [sflag:$0x1], $0x80, s14, s13, $0xb8;
	[tilespmem:$0x19000] =	vst v63  }
0x2a: {  	s14 =	simm.s32 $0x280  }
0x2b: {  	[spmem:s3] =	stream.indirect.scatter.add.f32 [tilespmem:s10], [sflag:$0x1], $0x80, s14, s13, $0xb8;
	[tilespmem:$0x19000] =	vst v63  }
0x2c: {  	s14 =	simm.s32 $0x300  }
0x2d: {  	[spmem:s3] =	stream.indirect.scatter.add.f32 [tilespmem:s10], [sflag:$0x1], $0x80, s14, s13, $0xb8;
	[tilespmem:$0x19000] =	vst v63  }
0x2e: {  	s14 =	simm.s32 $0x380  }
0x2f: {  	[spmem:s3] =	stream.indirect.scatter.add.f32 [tilespmem:s10], [sflag:$0x1], $0x80, s14, s13, $0xb8;
	[tilespmem:$0x19000] =	vst v63  }
0x30: {  	s14 =	simm.s32 $0x400  }
0x31: {  	[spmem:s3] =	stream.indirect.scatter.add.f32 [tilespmem:s10], [sflag:$0x1], $0x80, s14, s13, $0xb8;
	[tilespmem:$0x19000] =	vst v63  }
0x32: {  	s14 =	simm.s32 $0x480  }
0x33: {  	[spmem:s3] =	stream.indirect.scatter.add.f32 [tilespmem:s10], [sflag:$0x1], $0x80, s14, s13, $0xb8;
	[tilespmem:$0x19000] =	vst v63  }
0x34: {  	s14 =	simm.s32 $0x500  }
0x35: {  	[spmem:s3] =	stream.indirect.scatter.add.f32 [tilespmem:s10], [sflag:$0x1], $0x80, s14, s13, $0xb8;
	[tilespmem:$0x19000] =	vst v63  }
0x36: {  	s14 =	simm.s32 $0x580  }
0x37: {  	[spmem:s3] =	stream.indirect.scatter.add.f32 [tilespmem:s10], [sflag:$0x1], $0x80, s14, s13, $0xb8;
	[tilespmem:$0x19000] =	vst v63  }
0x38: {  	s14 =	simm.s32 $0x600  }
0x39: {  	[spmem:s3] =	stream.indirect.scatter.add.f32 [tilespmem:s10], [sflag:$0x1], $0x80, s14, s13, $0xb8;
	[tilespmem:$0x19000] =	vst v63  }
0x3a: {  	s14 =	simm.s32 $0x680  }
0x3b: {  	[spmem:s3] =	stream.indirect.scatter.add.f32 [tilespmem:s10], [sflag:$0x1], $0x80, s14, s13, $0xb8;
	[tilespmem:$0x19000] =	vst v63  }
0x3c: {  	s14 =	simm.s32 $0x700  }
0x3d: {  	[spmem:s3] =	stream.indirect.scatter.add.f32 [tilespmem:s10], [sflag:$0x1], $0x80, s14, s13, $0xb8;
	[tilespmem:$0x19000] =	vst v63  }
0x3e: {  	s14 =	simm.s32 $0x780  }
0x3f: {  	[spmem:s3] =	stream.indirect.scatter.add.f32 [tilespmem:s10], [sflag:$0x1], $0x80, s14, s13, $0xb8;
	[tilespmem:$0x19000] =	vst v63  }
0x40: {  	s14 =	simm.s32 $0x800  }
0x41: {  	[spmem:s3] =	stream.indirect.scatter.add.f32 [tilespmem:s10], [sflag:$0x1], $0x80, s14, s13, $0xb8;
	[tilespmem:$0x19000] =	vst v63  }
0x42: {  	s14 =	simm.s32 $0x880  }
0x43: {  	[spmem:s3] =	stream.indirect.scatter.add.f32 [tilespmem:s10], [sflag:$0x1], $0x80, s14, s13, $0xb8;
	[tilespmem:$0x19000] =	vst v63  }
0x44: {  	s14 =	simm.s32 $0x900  }
0x45: {  	[spmem:s3] =	stream.indirect.scatter.add.f32 [tilespmem:s10], [sflag:$0x1], $0x80, s14, s13, $0xb8;
	[tilespmem:$0x19000] =	vst v63  }
0x46: {  	s14 =	simm.s32 $0x980  }
0x47: {  	[spmem:s3] =	stream.indirect.scatter.add.f32 [tilespmem:s10], [sflag:$0x1], $0x80, s14, s13, $0xb8;
	[tilespmem:$0x19000] =	vst v63  }
0x48: {  	s14 =	simm.s32 $0xA00  }
0x49: {  	[spmem:s3] =	stream.indirect.scatter.add.f32 [tilespmem:s10], [sflag:$0x1], $0x80, s14, s13, $0xb8;
	[tilespmem:$0x19000] =	vst v63  }
0x4a: {  	s14 =	simm.s32 $0xA80  }
0x4b: {  	[spmem:s3] =	stream.indirect.scatter.add.f32 [tilespmem:s10], [sflag:$0x1], $0x80, s14, s13, $0xb8;
	[tilespmem:$0x19000] =	vst v63  }
0x4c: {  	s14 =	simm.s32 $0xB00  }
0x4d: {  	[spmem:s3] =	stream.indirect.scatter.add.f32 [tilespmem:s10], [sflag:$0x1], $0x80, s14, s13, $0xb8;
	[tilespmem:$0x19000] =	vst v63  }
0x4e: {  	_ = 	snop  }
0x4f: {  	[spmem:s3] =	stream.indirect.scatter.add.f32 [tilespmem:s10], [sflag:$0x1], $0x80, s15, s13, $0xb8;
	[tilespmem:$0x19000] =	vst v63  }
0x50: {  	_ = 	snop  }
0x51: {  	[spmem:s3] =	stream.indirect.scatter.add.f32 [tilespmem:s10], [sflag:$0x1], $0x80, s16, s13, $0xb8;
	[tilespmem:$0x19000] =	vst v63  }
0x52: {  	_ = 	snop  }
0x53: {  	[spmem:s3] =	stream.indirect.scatter.add.f32 [tilespmem:s10], [sflag:$0x1], $0x80, s17, s13, $0xb8;
	[tilespmem:$0x19000] =	vst v63  }
0x54: {  	_ = 	snop  }
0x55: {  	[spmem:s3] =	stream.indirect.scatter.add.f32 [tilespmem:s10], [sflag:$0x1], $0x80, s18, s13, $0xb8;
	[tilespmem:$0x19000] =	vst v63  }
0x56: {  	_ = 	snop  }
0x57: {  	[spmem:s3] =	stream.indirect.scatter.add.f32 [tilespmem:s10], [sflag:$0x1], $0x80, s19, s13, $0xb8;
	[tilespmem:$0x19000] =	vst v63  }
0x58: {  	_ = 	snop  }
0x59: {  	[spmem:s3] =	stream.indirect.scatter.add.f32 [tilespmem:s10], [sflag:$0x1], $0x80, s20, s13, $0xb8;
	[tilespmem:$0x19000] =	vst v63  }
0x5a: {  	_ = 	snop  }
0x5b: {  	[spmem:s3] =	stream.indirect.scatter.add.f32 [tilespmem:s10], [sflag:$0x1], $0x80, s21, s13, $0xb8;
	[tilespmem:$0x19000] =	vst v63  }
0x5c: {  	_ = 	snop  }
0x5d: {  	[spmem:s3] =	stream.indirect.scatter.add.f32 [tilespmem:s10], [sflag:$0x1], $0x80, s22, s13, $0xb8;
	[tilespmem:$0x19000] =	vst v63  }
0x5e: {  	_ = 	snop  }
0x5f: {  	[spmem:s3] =	stream.indirect.scatter.add.f32 [tilespmem:s10], [sflag:$0x1], $0x80, s23, s13, $0xb8;
	[tilespmem:$0x19000] =	vst v63  }
0x60: {  	_ = 	snop  }
0x61: {  	[spmem:s3] =	stream.indirect.scatter.add.f32 [tilespmem:s10], [sflag:$0x1], $0x80, s24, s13, $0xb8;
	[tilespmem:$0x19000] =	vst v63  }
0x62: {  	_ = 	snop  }
0x63: {  	[spmem:s3] =	stream.indirect.scatter.add.f32 [tilespmem:s10], [sflag:$0x1], $0x80, s25, s13, $0xb8;
	[tilespmem:$0x19000] =	vst v63  }
0x64: {  	_ = 	snop  }
0x65: {  	[spmem:s3] =	stream.indirect.scatter.add.f32 [tilespmem:s10], [sflag:$0x1], $0x80, s26, s13, $0xb8;
	[tilespmem:$0x19000] =	vst v63  }
0x66: {  	_ = 	snop  }
0x67: {  	[spmem:s3] =	stream.indirect.scatter.add.f32 [tilespmem:s10], [sflag:$0x1], $0x80, s28, s13, $0xb8;
	[tilespmem:$0x19000] =	vst v63  }
0x68: {  	_ = 	snop  }
0x69: {  	[spmem:s3] =	stream.indirect.scatter.add.f32 [tilespmem:s10], [sflag:$0x1], $0x80, s29, s13, $0xb8;
	[tilespmem:$0x19000] =	vst v63  }
0x6a: {  	_ = 	snop  }
0x6b: {  	[spmem:s3] =	stream.indirect.scatter.add.f32 [tilespmem:s10], [sflag:$0x1], $0x80, s30, s13, $0xb8;
	[tilespmem:$0x19000] =	vst v63  }
0x6c: {  	_ = 	snop  }
0x6d: {  	[spmem:s3] =	stream.indirect.scatter.add.f32 [tilespmem:s10], [sflag:$0x1], $0x80, s31, s13, $0xb8;
	[tilespmem:$0x19000] =	vst v63  }
0x6e: {  	_ = 	snop  }
0x6f: {  	[spmem:s3] =	stream.indirect.scatter.add.f32 [tilespmem:s10], [sflag:$0x1], $0x80, s2, s13, $0xb8;
	[tilespmem:$0x19000] =	vst v63  }
0x70: {  	_ =	swait.ge [sflag:s0], $0x4000  }
0x71: {  	s14 =	simm.s32 $0x27;
	[sflag:s0] =	ssyncset.done $0x0  }
.LBB2_2:
0x72: {  	p0 =	sne.s32 s14, $0x1;
	s14 =	sadd.s32 $0xFFFFFFFF, s14;
	[sflag:s0] =	ssyncadd.s32 $0xFFFFC000  }
.Ltmp0:
0x73: {  	(pc) =	sbr.rel @p0 .LBB2_2-.Ltmp0, $3  }
0x74: {  	_ =	sdelay $0x1  }
0x75: {  	_ =	swait.ge [sflag:s0], $0x4000  }
0x76: {  	[sflag:s0] =	ssyncset.done $0x0  }
0x77: {  	s1 =	sadd.s32 $0x1, s1  }
0x78: {  	[sflag:s0] =	ssyncadd.s32 $0xFFFFC000;
	p0 =	sne.s32 s1, s8  }
.Ltmp1:
0x79: {  	[bflag:$0x0] =	sbarrier.arrive $0xFFFF;
	(pc) =	sbr.rel @p0 .LBB2_1-.Ltmp1, $4  }
0x7a: {  	[hbm:s7], [sflag:s11] =	dma.local [spmem:s12], $0x2780  }
0x7b: {  	_ =	swait.ge [sflag:s9], $0x2780  }
0x7c: {  	[sflag:s9] =	ssyncset.done $0x0  }
0x7d: {  	[sflag:s9] =	ssyncadd.s32 $0xFFFFD880  }
0x7e: {  	_ =	sfence.sel $0x180000  }
0x7f: {  	[bflag:$0x0] =	sbarrier.arrive $0xFFFF  }
0x80: {  	_ =	strace $0x90000047  }
0x81: {  	s0 =	stileid.u32;
	[bflag:$0x2] =	sbarrier.arrive $0xFFFF  }
0x82: {  	p0 =	sne.s32 s0, $0x0;
	s0 =	rddreg [dreg:$0x4]  }
0x83: {  	s0 =	sadd.s32 @!p0 $0x100000, s0  }
0x84: {  	[sflag:s0] =	ssyncadd.tile.s32 @!p0 $0x1;
	_ =	shalt  }
.Lfunc_end2:
_tile_overlayer_lowered:
.L_overlay_start_2:
0x85: {  	(tag) =	ssettag $0x2  }
0x86: {  	s0 =	rddreg [dreg:$0x0];
	s2 =	stileid.u32  }
0x87: {  	s1 =	rddreg [dreg:$0x1];
	p0 =	sne.s32 s2, $0x0  }
0x88: {  	s3 =	rddreg [dreg:$0x2];
	[bflag:$0x3] =	sbarrier.arrive $0xFFFF;
	s2 =	simm.s32 @!p0 $0x1C02  }
0x89: {  	[timem:s3], [sflag:s2] =	dma.local @!p0 [hbm:s0], s1  }
0x8a: {  	s0 =	simm.s32 @!p0 $0x2  }
0x8b: {  	_ =	swait.ge @!p0 [sflag:s0], s1  }
0x8c: {  	s1 =	ssub.s32 @!p0 $0x0, s1;
	[sflag:s0] =	ssyncset.done @!p0 $0x0  }
0x8d: {  	[sflag:s0] =	ssyncadd.s32 @!p0 s1  }
0x8e: {  	[bflag:$0x3] =	sbarrier.arrive $0xFFFF  }
0x8f: {  	_ =	shalt  }

</sc_bundles>
